<compile_context>
chip_gen: v7x
topology: tpu7x:2x2x1
jax: 0.10.2.dev20260603
libtpu: 0.0.44.dev20260713+nightly
codegen_flags: <defaults>
</compile_context>

<pallas_src>
import functools

import jax
import jax.numpy as jnp
from jax import lax
from jax.experimental import pallas as pl
from jax.experimental.pallas import tpu as pltpu
from jax.experimental.pallas import tpu_sc as plsc

W = 1280
H = 720
WH = W * H
TWO = 2 * WH
N = 2_000_000
C = 640
R = C // 128
NCHUNK = N // C
NW = 32
SLICE = TWO // 16
ZC = 7200


EV_PER_TILE = N // NW
NT = -(-EV_PER_TILE // C)
LAST_BASE = N - C


def _scatter_body(ex, ey, ep, masks, shared,
                  xa, ya, pa, xbb, yb, pb, ia, ib, ones_v, zbuf,
                  lsa, lsb, ssa, ssb):
    c = lax.axis_index("c")
    s = lax.axis_index("s")
    wid = s * 2 + c

    a = (wid * EV_PER_TILE) // 8 * 8

    def fire_loads(j, xr, yr, pr, ls):
        base = jnp.minimum(a + j * C, LAST_BASE)
        pltpu.async_copy(ex.at[pl.ds(base, C)], xr, ls)
        pltpu.async_copy(ey.at[pl.ds(base, C)], yr, ls)
        pltpu.async_copy(ep.at[pl.ds(base, C)], pr, ls)

    fire_loads(0, xa, ya, pa, lsa)
    fire_loads(1, xbb, yb, pb, lsb)

    one16 = jnp.ones((16,), jnp.int32)
    zero16 = jnp.zeros((16,), jnp.int32)
    for i in range(C // 16):
        ones_v[pl.ds(i * 16, 16)] = one16

    def zfill(i, carry):
        zbuf[pl.ds(i * 16, 16)] = zero16
        return carry

    lax.fori_loop(0, ZC // 16, zfill, 0)

    def zcopy(k, carry):
        pltpu.async_copy(zbuf, shared.at[pl.ds(s * SLICE + k * ZC, ZC)], ssa)
        return carry

    lax.fori_loop(0, SLICE // ZC, zcopy, 0)

    def zdrain(k, carry):
        pltpu.make_async_copy(ex.at[pl.ds(0, ZC)], zbuf, ssa).wait()
        return carry

    lax.fori_loop(0, SLICE // ZC, zdrain, 0)
    plsc.subcore_barrier()

    def step(j, xr, yr, pr, idxr, ls, ss, first, prefetch):
        pltpu.make_async_copy(ex.at[pl.ds(0, C)], xr, ls).wait()
        pltpu.make_async_copy(ex.at[pl.ds(0, C)], yr, ls).wait()
        pltpu.make_async_copy(ex.at[pl.ds(0, C)], pr, ls).wait()

        @pl.when(jnp.logical_not(first))
        def _():
            pltpu.make_async_copy(ex.at[pl.ds(0, C)], xr, ss).wait()

        for r in range(R):
            for i8 in range(8):
                off = r * 128 + i8 * 16
                xv = xr[pl.ds(off, 16)]
                yv = yr[pl.ds(off, 16)]
                pv = pr[pl.ds(off, 16)]
                idx = pv * WH + xv * H + yv
                idxr[pl.ds(off, 16)] = idx
        pltpu.async_copy(ones_v, shared.at[idxr], ss)

        if prefetch:
            fire_loads(j + 2, xr, yr, pr, ls)

    def pair_body(t2, carry):
        j = 2 * t2
        step(j, xa, ya, pa, ia, lsa, ssa, t2 == 0, True)
        step(j + 1, xbb, yb, pb, ib, lsb, ssb, t2 == 0, True)
        return carry

    lax.fori_loop(0, NT // 2 - 1, pair_body, 0)
    step(NT - 2, xa, ya, pa, ia, lsa, ssa, jnp.bool_(False), False)
    step(NT - 1, xbb, yb, pb, ib, lsb, ssb, jnp.bool_(False), False)

    pltpu.make_async_copy(ex.at[pl.ds(0, C)], xa, ssa).wait()
    pltpu.make_async_copy(ex.at[pl.ds(0, C)], xbb, ssb).wait()
    plsc.subcore_barrier()

    pltpu.sync_copy(shared.at[pl.ds(s * SLICE, SLICE)],
                    masks.at[pl.ds(c * TWO + s * SLICE, SLICE)])


@functools.partial(
    pl.kernel,
    out_type=jax.ShapeDtypeStruct((2 * TWO,), jnp.int32),
    mesh=plsc.VectorSubcoreMesh(core_axis_name="c", subcore_axis_name="s"),
    scratch_types=[
        pltpu.VMEM_SHARED((TWO,), jnp.int32),
        pltpu.VMEM((C,), jnp.int32),
        pltpu.VMEM((C,), jnp.int32),
        pltpu.VMEM((C,), jnp.int32),
        pltpu.VMEM((C,), jnp.int32),
        pltpu.VMEM((C,), jnp.int32),
        pltpu.VMEM((C,), jnp.int32),
        pltpu.VMEM((C,), jnp.int32),
        pltpu.VMEM((C,), jnp.int32),
        pltpu.VMEM((C,), jnp.int32),
        pltpu.VMEM((ZC,), jnp.int32),
        pltpu.SemaphoreType.DMA,
        pltpu.SemaphoreType.DMA,
        pltpu.SemaphoreType.DMA,
        pltpu.SemaphoreType.DMA,
    ],
)
def _scatter_masks(ex, ey, ep, masks, shared,
                   xa, ya, pa, xbb, yb, pb, ia, ib, ones_v, zbuf,
                   lsa, lsb, ssa, ssb):
    _scatter_body(ex, ey, ep, masks, shared,
                  xa, ya, pa, xbb, yb, pb, ia, ib, ones_v, zbuf,
                  lsa, lsb, ssa, ssb)


def _combine_body(m00_ref, m01_ref, m10_ref, m11_ref, pic_ref, o_ref):
    t0 = jnp.maximum(m00_ref[...], m10_ref[...]).astype(jnp.float32)
    t1 = jnp.maximum(m01_ref[...], m11_ref[...]).astype(jnp.float32)
    o_ref[...] = pic_ref[...] + 15.0 * t1 - 15.0 * t0


def kernel(events_x, events_y, events_polarity, pic_tensor):
    masks = _scatter_masks(events_x, events_y, events_polarity)
    pic_flat = pic_tensor.reshape(WH)
    nb = 5
    BLK = WH // nb
    mask_spec = lambda c, p: pl.BlockSpec(
        (BLK,), lambda i, c=c, p=p: (c * 2 * nb + p * nb + i,))
    out = pl.pallas_call(
        _combine_body,
        grid=(nb,),
        in_specs=[
            mask_spec(0, 0),
            mask_spec(0, 1),
            mask_spec(1, 0),
            mask_spec(1, 1),
            pl.BlockSpec((BLK,), lambda i: (i,)),
        ],
        out_specs=pl.BlockSpec((BLK,), lambda i: (i,)),
        out_shape=jax.ShapeDtypeStruct((WH,), jnp.float32),
        input_output_aliases={4: 0},
    )(masks, masks, masks, masks, pic_flat)
    return out.reshape(W, H)

# --- scband reference (transcript-rebuilt; emitter-appended) ---
"""Pipeline reference for scband-img-only-onnx-relative-13322988552663 (READ-ONLY COPY).

The authoritative reference and input builder live on the scoring server;
editing this copy changes nothing except your own understanding.
"""

import jax, jax.numpy as jnp
import numpy as np

N_EVENTS = 2000000
W, H = 1280, 720

def setup_inputs(seed: int = 0) -> dict:
    key = jax.random.key(seed)
    k1, k2, k3, k4 = jax.random.split(key, 4)
    events_x = jax.random.randint(k1, (N_EVENTS,), 0, W).astype(jnp.int32)
    events_y = jax.random.randint(k2, (N_EVENTS,), 0, H).astype(jnp.int32)
    events_polarity = jax.random.randint(k3, (N_EVENTS,), 0, 2).astype(jnp.int32)
    pic_tensor = jax.random.uniform(k4, (W, H), dtype=jnp.float32)
    return {
        "events_x": events_x,
        "events_y": events_y,
        "events_polarity": events_polarity,
        "pic_tensor": pic_tensor,
    }

def reference(events_x, events_y, events_polarity, pic_tensor):
    ex = events_x.astype(jnp.int32)
    ey = events_y.astype(jnp.int32)
    m0 = events_polarity == 0
    m1 = events_polarity == 1
    # polarity 0: gather then scatter-overwrite (pic[x,y] - 15)
    touched0 = jnp.zeros(pic_tensor.shape, dtype=bool).at[ex, ey].max(m0)
    pic = jnp.where(touched0, pic_tensor - 15.0 * 1, pic_tensor)
    # polarity 1: gather from UPDATED tensor then scatter-overwrite (pic[x,y] + 15)
    touched1 = jnp.zeros(pic_tensor.shape, dtype=bool).at[ex, ey].max(m1)
    pic = jnp.where(touched1, pic + 15.0 * 1, pic)
    return pic

if __name__ == "__main__":
    import jax
    _d = setup_inputs()
    print(jax.jit(kernel)(*tuple(_d.values())))

</pallas_src>

<mosaic_0001>
#map = affine_map<(d0, d1) -> (0)>
module attributes {stable_mosaic.version = 14 : i64} {
  func.func @_scatter_masks(%arg0: i32, %arg1: i32, %arg2: memref<2000000xi32, #tpu.memory_space<hbm>>, %arg3: memref<2000000xi32, #tpu.memory_space<hbm>>, %arg4: memref<2000000xi32, #tpu.memory_space<hbm>>, %arg5: memref<3686400xi32, #tpu.memory_space<hbm>>, %arg6: memref<1843200xi32, #tpu.memory_space<vmem_shared>>, %arg7: memref<640xi32, #tpu.memory_space<vmem>>, %arg8: memref<640xi32, #tpu.memory_space<vmem>>, %arg9: memref<640xi32, #tpu.memory_space<vmem>>, %arg10: memref<640xi32, #tpu.memory_space<vmem>>, %arg11: memref<640xi32, #tpu.memory_space<vmem>>, %arg12: memref<640xi32, #tpu.memory_space<vmem>>, %arg13: memref<640xi32, #tpu.memory_space<vmem>>, %arg14: memref<640xi32, #tpu.memory_space<vmem>>, %arg15: memref<640xi32, #tpu.memory_space<vmem>>, %arg16: memref<7200xi32, #tpu.memory_space<vmem>>, %arg17: memref<!tpu.dma_semaphore, #tpu.memory_space<semaphore_mem>>, %arg18: memref<!tpu.dma_semaphore, #tpu.memory_space<semaphore_mem>>, %arg19: memref<!tpu.dma_semaphore, #tpu.memory_space<semaphore_mem>>, %arg20: memref<!tpu.dma_semaphore, #tpu.memory_space<semaphore_mem>>) attributes {dimension_semantics = [#tpu.dimension_semantics<core_parallel>, #tpu.dimension_semantics<subcore_parallel>], iteration_bounds = array<i64: 2, 16>, scalar_prefetch = 0 : i64, scratch_operands = 15 : i64, tpu.core_type = #tpu.core_type<sc_vector_subcore>, window_params = [{transform_indices = #map}, {transform_indices = #map}, {transform_indices = #map}, {transform_indices = #map}]} {
    %mul3A = arith.constant 2 : i32
    %mul3A_0 = arith.muli %arg1, %mul3A : i32
    %add3A = arith.addi %mul3A_0, %arg0 : i32
    %mul3A_1 = arith.constant 62500 : i32
    %mul3A_2 = arith.muli %add3A, %mul3A_1 : i32
    %jit3A = arith.constant 8 : i32
    %div3A = arith.divsi %mul3A_2, %jit3A : i32
    %sign3A = arith.constant 0 : i32
    %sign3A_3 = arith.cmpi sgt, %mul3A_2, %sign3A : i32
    %sign3A_4 = arith.extui %sign3A_3 : i1 to i32
    %sign3A_5 = arith.constant 0 : i32
    %sign3A_6 = arith.cmpi slt, %mul3A_2, %sign3A_5 : i32
    %sign3A_7 = arith.extui %sign3A_6 : i1 to i32
    %sign3A_8 = arith.subi %sign3A_4, %sign3A_7 : i32
    %sign3A_9 = arith.constant 0 : i32
    %sign3A_10 = arith.cmpi sgt, %jit3A, %sign3A_9 : i32
    %sign3A_11 = arith.extui %sign3A_10 : i1 to i32
    %sign3A_12 = arith.constant 0 : i32
    %sign3A_13 = arith.cmpi slt, %jit3A, %sign3A_12 : i32
    %sign3A_14 = arith.extui %sign3A_13 : i1 to i32
    %sign3A_15 = arith.subi %sign3A_11, %sign3A_14 : i32
    %ne3A = arith.cmpi ne, %sign3A_8, %sign3A_15 : i32
    %rem3A = arith.remsi %mul3A_2, %jit3A : i32
    %ne3A_16 = arith.constant 0 : i32
    %ne3A_17 = arith.cmpi ne, %rem3A, %ne3A_16 : i32
    %and3A = arith.andi %ne3A, %ne3A_17 : i1
    %sub3A = arith.constant 1 : i32
    %sub3A_18 = arith.subi %div3A, %sub3A : i32
    %select_n3A = arith.select %and3A, %sub3A_18, %div3A : i32
    %mul3A_19 = arith.constant 8 : i32
    %mul3A_20 = arith.muli %select_n3A, %mul3A_19 : i32
    %add3A_21 = arith.constant 0 : i32
    %add3A_22 = arith.addi %mul3A_20, %add3A_21 : i32
    %min3A = arith.constant 1999360 : i32
    %min3A_23 = arith.minsi %add3A_22, %min3A : i32
    %dma_start3A = tpu.memref_slice %arg2[%min3A_23] : memref<2000000xi32, #tpu.memory_space<hbm>> -> memref<640xi32, #tpu.memory_space<hbm>>
    %dma_start3A_24 = tpu.memref_slice %arg2[%min3A_23] : memref<2000000xi32, #tpu.memory_space<hbm>> -> memref<640xi32, #tpu.memory_space<hbm>>
    tpu.enqueue_dma source(%dma_start3A_24 : memref<640xi32, #tpu.memory_space<hbm>>) target(%arg7 : memref<640xi32, #tpu.memory_space<vmem>>) target_semaphore(%arg17 : memref<!tpu.dma_semaphore, #tpu.memory_space<semaphore_mem>>)
    %dma_start3A_25 = tpu.memref_slice %arg3[%min3A_23] : memref<2000000xi32, #tpu.memory_space<hbm>> -> memref<640xi32, #tpu.memory_space<hbm>>
    %dma_start3A_26 = tpu.memref_slice %arg3[%min3A_23] : memref<2000000xi32, #tpu.memory_space<hbm>> -> memref<640xi32, #tpu.memory_space<hbm>>
    tpu.enqueue_dma source(%dma_start3A_26 : memref<640xi32, #tpu.memory_space<hbm>>) target(%arg8 : memref<640xi32, #tpu.memory_space<vmem>>) target_semaphore(%arg17 : memref<!tpu.dma_semaphore, #tpu.memory_space<semaphore_mem>>)
    %dma_start3A_27 = tpu.memref_slice %arg4[%min3A_23] : memref<2000000xi32, #tpu.memory_space<hbm>> -> memref<640xi32, #tpu.memory_space<hbm>>
    %dma_start3A_28 = tpu.memref_slice %arg4[%min3A_23] : memref<2000000xi32, #tpu.memory_space<hbm>> -> memref<640xi32, #tpu.memory_space<hbm>>
    tpu.enqueue_dma source(%dma_start3A_28 : memref<640xi32, #tpu.memory_space<hbm>>) target(%arg9 : memref<640xi32, #tpu.memory_space<vmem>>) target_semaphore(%arg17 : memref<!tpu.dma_semaphore, #tpu.memory_space<semaphore_mem>>)
    %add3A_29 = arith.constant 640 : i32
    %add3A_30 = arith.addi %mul3A_20, %add3A_29 : i32
    %min3A_31 = arith.constant 1999360 : i32
    %min3A_32 = arith.minsi %add3A_30, %min3A_31 : i32
    %dma_start3A_33 = tpu.memref_slice %arg2[%min3A_32] : memref<2000000xi32, #tpu.memory_space<hbm>> -> memref<640xi32, #tpu.memory_space<hbm>>
    %dma_start3A_34 = tpu.memref_slice %arg2[%min3A_32] : memref<2000000xi32, #tpu.memory_space<hbm>> -> memref<640xi32, #tpu.memory_space<hbm>>
    tpu.enqueue_dma source(%dma_start3A_34 : memref<640xi32, #tpu.memory_space<hbm>>) target(%arg10 : memref<640xi32, #tpu.memory_space<vmem>>) target_semaphore(%arg18 : memref<!tpu.dma_semaphore, #tpu.memory_space<semaphore_mem>>)
    %dma_start3A_35 = tpu.memref_slice %arg3[%min3A_32] : memref<2000000xi32, #tpu.memory_space<hbm>> -> memref<640xi32, #tpu.memory_space<hbm>>
    %dma_start3A_36 = tpu.memref_slice %arg3[%min3A_32] : memref<2000000xi32, #tpu.memory_space<hbm>> -> memref<640xi32, #tpu.memory_space<hbm>>
    tpu.enqueue_dma source(%dma_start3A_36 : memref<640xi32, #tpu.memory_space<hbm>>) target(%arg11 : memref<640xi32, #tpu.memory_space<vmem>>) target_semaphore(%arg18 : memref<!tpu.dma_semaphore, #tpu.memory_space<semaphore_mem>>)
    %dma_start3A_37 = tpu.memref_slice %arg4[%min3A_32] : memref<2000000xi32, #tpu.memory_space<hbm>> -> memref<640xi32, #tpu.memory_space<hbm>>
    %dma_start3A_38 = tpu.memref_slice %arg4[%min3A_32] : memref<2000000xi32, #tpu.memory_space<hbm>> -> memref<640xi32, #tpu.memory_space<hbm>>
    tpu.enqueue_dma source(%dma_start3A_38 : memref<640xi32, #tpu.memory_space<hbm>>) target(%arg12 : memref<640xi32, #tpu.memory_space<vmem>>) target_semaphore(%arg18 : memref<!tpu.dma_semaphore, #tpu.memory_space<semaphore_mem>>)
    %broadcast_in_dim3A = arith.constant 1 : i32
    %broadcast_in_dim3A_39 = vector.broadcast %broadcast_in_dim3A : i32 to vector<16xi32>
    %broadcast_in_dim3A_40 = arith.constant 0 : i32
    %broadcast_in_dim3A_41 = vector.broadcast %broadcast_in_dim3A_40 : i32 to vector<16xi32>
    %swap3A = arith.constant 0 : index
    %swap3A_42 = tpu.vector_load %arg15[%swap3A] {strides = array<i32>} : memref<640xi32, #tpu.memory_space<vmem>>, vector<16xi32>,
    %swap3A_43 = vector.shape_cast %swap3A_42 : vector<16xi32> to vector<16xi32>
    %swap3A_44 = vector.shape_cast %broadcast_in_dim3A_39 : vector<16xi32> to vector<16xi32>
    tpu.vector_store %arg15[%swap3A], %swap3A_44 {strides = array<i32>} : memref<640xi32, #tpu.memory_space<vmem>>, vector<16xi32>,
    %swap3A_45 = arith.constant 16 : index
    %swap3A_46 = tpu.vector_load %arg15[%swap3A_45] {strides = array<i32>} : memref<640xi32, #tpu.memory_space<vmem>>, vector<16xi32>,
    %swap3A_47 = vector.shape_cast %swap3A_46 : vector<16xi32> to vector<16xi32>
    %swap3A_48 = vector.shape_cast %broadcast_in_dim3A_39 : vector<16xi32> to vector<16xi32>
    tpu.vector_store %arg15[%swap3A_45], %swap3A_48 {strides = array<i32>} : memref<640xi32, #tpu.memory_space<vmem>>, vector<16xi32>,
    %swap3A_49 = arith.constant 32 : index
    %swap3A_50 = tpu.vector_load %arg15[%swap3A_49] {strides = array<i32>} : memref<640xi32, #tpu.memory_space<vmem>>, vector<16xi32>,
    %swap3A_51 = vector.shape_cast %swap3A_50 : vector<16xi32> to vector<16xi32>
    %swap3A_52 = vector.shape_cast %broadcast_in_dim3A_39 : vector<16xi32> to vector<16xi32>
    tpu.vector_store %arg15[%swap3A_49], %swap3A_52 {strides = array<i32>} : memref<640xi32, #tpu.memory_space<vmem>>, vector<16xi32>,
    %swap3A_53 = arith.constant 48 : index
    %swap3A_54 = tpu.vector_load %arg15[%swap3A_53] {strides = array<i32>} : memref<640xi32, #tpu.memory_space<vmem>>, vector<16xi32>,
    %swap3A_55 = vector.shape_cast %swap3A_54 : vector<16xi32> to vector<16xi32>
    %swap3A_56 = vector.shape_cast %broadcast_in_dim3A_39 : vector<16xi32> to vector<16xi32>
    tpu.vector_store %arg15[%swap3A_53], %swap3A_56 {strides = array<i32>} : memref<640xi32, #tpu.memory_space<vmem>>, vector<16xi32>,
    %swap3A_57 = arith.constant 64 : index
    %swap3A_58 = tpu.vector_load %arg15[%swap3A_57] {strides = array<i32>} : memref<640xi32, #tpu.memory_space<vmem>>, vector<16xi32>,
    %swap3A_59 = vector.shape_cast %swap3A_58 : vector<16xi32> to vector<16xi32>
    %swap3A_60 = vector.shape_cast %broadcast_in_dim3A_39 : vector<16xi32> to vector<16xi32>
    tpu.vector_store %arg15[%swap3A_57], %swap3A_60 {strides = array<i32>} : memref<640xi32, #tpu.memory_space<vmem>>, vector<16xi32>,
    %swap3A_61 = arith.constant 80 : index
    %swap3A_62 = tpu.vector_load %arg15[%swap3A_61] {strides = array<i32>} : memref<640xi32, #tpu.memory_space<vmem>>, vector<16xi32>,
    %swap3A_63 = vector.shape_cast %swap3A_62 : vector<16xi32> to vector<16xi32>
    %swap3A_64 = vector.shape_cast %broadcast_in_dim3A_39 : vector<16xi32> to vector<16xi32>
    tpu.vector_store %arg15[%swap3A_61], %swap3A_64 {strides = array<i32>} : memref<640xi32, #tpu.memory_space<vmem>>, vector<16xi32>,
    %swap3A_65 = arith.constant 96 : index
    %swap3A_66 = tpu.vector_load %arg15[%swap3A_65] {strides = array<i32>} : memref<640xi32, #tpu.memory_space<vmem>>, vector<16xi32>,
    %swap3A_67 = vector.shape_cast %swap3A_66 : vector<16xi32> to vector<16xi32>
    %swap3A_68 = vector.shape_cast %broadcast_in_dim3A_39 : vector<16xi32> to vector<16xi32>
    tpu.vector_store %arg15[%swap3A_65], %swap3A_68 {strides = array<i32>} : memref<640xi32, #tpu.memory_space<vmem>>, vector<16xi32>,
    %swap3A_69 = arith.constant 112 : index
    %swap3A_70 = tpu.vector_load %arg15[%swap3A_69] {strides = array<i32>} : memref<640xi32, #tpu.memory_space<vmem>>, vector<16xi32>,
    %swap3A_71 = vector.shape_cast %swap3A_70 : vector<16xi32> to vector<16xi32>
    %swap3A_72 = vector.shape_cast %broadcast_in_dim3A_39 : vector<16xi32> to vector<16xi32>
    tpu.vector_store %arg15[%swap3A_69], %swap3A_72 {strides = array<i32>} : memref<640xi32, #tpu.memory_space<vmem>>, vector<16xi32>,
    %swap3A_73 = arith.constant 128 : index
    %swap3A_74 = tpu.vector_load %arg15[%swap3A_73] {strides = array<i32>} : memref<640xi32, #tpu.memory_space<vmem>>, vector<16xi32>,
    %swap3A_75 = vector.shape_cast %swap3A_74 : vector<16xi32> to vector<16xi32>
    %swap3A_76 = vector.shape_cast %broadcast_in_dim3A_39 : vector<16xi32> to vector<16xi32>
    tpu.vector_store %arg15[%swap3A_73], %swap3A_76 {strides = array<i32>} : memref<640xi32, #tpu.memory_space<vmem>>, vector<16xi32>,
    %swap3A_77 = arith.constant 144 : index
    %swap3A_78 = tpu.vector_load %arg15[%swap3A_77] {strides = array<i32>} : memref<640xi32, #tpu.memory_space<vmem>>, vector<16xi32>,
    %swap3A_79 = vector.shape_cast %swap3A_78 : vector<16xi32> to vector<16xi32>
    %swap3A_80 = vector.shape_cast %broadcast_in_dim3A_39 : vector<16xi32> to vector<16xi32>
    tpu.vector_store %arg15[%swap3A_77], %swap3A_80 {strides = array<i32>} : memref<640xi32, #tpu.memory_space<vmem>>, vector<16xi32>,
    %swap3A_81 = arith.constant 160 : index
    %swap3A_82 = tpu.vector_load %arg15[%swap3A_81] {strides = array<i32>} : memref<640xi32, #tpu.memory_space<vmem>>, vector<16xi32>,
    %swap3A_83 = vector.shape_cast %swap3A_82 : vector<16xi32> to vector<16xi32>
    %swap3A_84 = vector.shape_cast %broadcast_in_dim3A_39 : vector<16xi32> to vector<16xi32>
    tpu.vector_store %arg15[%swap3A_81], %swap3A_84 {strides = array<i32>} : memref<640xi32, #tpu.memory_space<vmem>>, vector<16xi32>,
    %swap3A_85 = arith.constant 176 : index
    %swap3A_86 = tpu.vector_load %arg15[%swap3A_85] {strides = array<i32>} : memref<640xi32, #tpu.memory_space<vmem>>, vector<16xi32>,
    %swap3A_87 = vector.shape_cast %swap3A_86 : vector<16xi32> to vector<16xi32>
    %swap3A_88 = vector.shape_cast %broadcast_in_dim3A_39 : vector<16xi32> to vector<16xi32>
    tpu.vector_store %arg15[%swap3A_85], %swap3A_88 {strides = array<i32>} : memref<640xi32, #tpu.memory_space<vmem>>, vector<16xi32>,
    %swap3A_89 = arith.constant 192 : index
    %swap3A_90 = tpu.vector_load %arg15[%swap3A_89] {strides = array<i32>} : memref<640xi32, #tpu.memory_space<vmem>>, vector<16xi32>,
    %swap3A_91 = vector.shape_cast %swap3A_90 : vector<16xi32> to vector<16xi32>
    %swap3A_92 = vector.shape_cast %broadcast_in_dim3A_39 : vector<16xi32> to vector<16xi32>
    tpu.vector_store %arg15[%swap3A_89], %swap3A_92 {strides = array<i32>} : memref<640xi32, #tpu.memory_space<vmem>>, vector<16xi32>,
    %swap3A_93 = arith.constant 208 : index
    %swap3A_94 = tpu.vector_load %arg15[%swap3A_93] {strides = array<i32>} : memref<640xi32, #tpu.memory_space<vmem>>, vector<16xi32>,
    %swap3A_95 = vector.shape_cast %swap3A_94 : vector<16xi32> to vector<16xi32>
    %swap3A_96 = vector.shape_cast %broadcast_in_dim3A_39 : vector<16xi32> to vector<16xi32>
    tpu.vector_store %arg15[%swap3A_93], %swap3A_96 {strides = array<i32>} : memref<640xi32, #tpu.memory_space<vmem>>, vector<16xi32>,
    %swap3A_97 = arith.constant 224 : index
    %swap3A_98 = tpu.vector_load %arg15[%swap3A_97] {strides = array<i32>} : memref<640xi32, #tpu.memory_space<vmem>>, vector<16xi32>,
    %swap3A_99 = vector.shape_cast %swap3A_98 : vector<16xi32> to vector<16xi32>
    %swap3A_100 = vector.shape_cast %broadcast_in_dim3A_39 : vector<16xi32> to vector<16xi32>
    tpu.vector_store %arg15[%swap3A_97], %swap3A_100 {strides = array<i32>} : memref<640xi32, #tpu.memory_space<vmem>>, vector<16xi32>,
    %swap3A_101 = arith.constant 240 : index
    %swap3A_102 = tpu.vector_load %arg15[%swap3A_101] {strides = array<i32>} : memref<640xi32, #tpu.memory_space<vmem>>, vector<16xi32>,
    %swap3A_103 = vector.shape_cast %swap3A_102 : vector<16xi32> to vector<16xi32>
    %swap3A_104 = vector.shape_cast %broadcast_in_dim3A_39 : vector<16xi32> to vector<16xi32>
    tpu.vector_store %arg15[%swap3A_101], %swap3A_104 {strides = array<i32>} : memref<640xi32, #tpu.memory_space<vmem>>, vector<16xi32>,
    %swap3A_105 = arith.constant 256 : index
    %swap3A_106 = tpu.vector_load %arg15[%swap3A_105] {strides = array<i32>} : memref<640xi32, #tpu.memory_space<vmem>>, vector<16xi32>,
    %swap3A_107 = vector.shape_cast %swap3A_106 : vector<16xi32> to vector<16xi32>
    %swap3A_108 = vector.shape_cast %broadcast_in_dim3A_39 : vector<16xi32> to vector<16xi32>
    tpu.vector_store %arg15[%swap3A_105], %swap3A_108 {strides = array<i32>} : memref<640xi32, #tpu.memory_space<vmem>>, vector<16xi32>,
    %swap3A_109 = arith.constant 272 : index
    %swap3A_110 = tpu.vector_load %arg15[%swap3A_109] {strides = array<i32>} : memref<640xi32, #tpu.memory_space<vmem>>, vector<16xi32>,
    %swap3A_111 = vector.shape_cast %swap3A_110 : vector<16xi32> to vector<16xi32>
    %swap3A_112 = vector.shape_cast %broadcast_in_dim3A_39 : vector<16xi32> to vector<16xi32>
    tpu.vector_store %arg15[%swap3A_109], %swap3A_112 {strides = array<i32>} : memref<640xi32, #tpu.memory_space<vmem>>, vector<16xi32>,
    %swap3A_113 = arith.constant 288 : index
    %swap3A_114 = tpu.vector_load %arg15[%swap3A_113] {strides = array<i32>} : memref<640xi32, #tpu.memory_space<vmem>>, vector<16xi32>,
    %swap3A_115 = vector.shape_cast %swap3A_114 : vector<16xi32> to vector<16xi32>
    %swap3A_116 = vector.shape_cast %broadcast_in_dim3A_39 : vector<16xi32> to vector<16xi32>
    tpu.vector_store %arg15[%swap3A_113], %swap3A_116 {strides = array<i32>} : memref<640xi32, #tpu.memory_space<vmem>>, vector<16xi32>,
    %swap3A_117 = arith.constant 304 : index
    %swap3A_118 = tpu.vector_load %arg15[%swap3A_117] {strides = array<i32>} : memref<640xi32, #tpu.memory_space<vmem>>, vector<16xi32>,
    %swap3A_119 = vector.shape_cast %swap3A_118 : vector<16xi32> to vector<16xi32>
    %swap3A_120 = vector.shape_cast %broadcast_in_dim3A_39 : vector<16xi32> to vector<16xi32>
    tpu.vector_store %arg15[%swap3A_117], %swap3A_120 {strides = array<i32>} : memref<640xi32, #tpu.memory_space<vmem>>, vector<16xi32>,
    %swap3A_121 = arith.constant 320 : index
    %swap3A_122 = tpu.vector_load %arg15[%swap3A_121] {strides = array<i32>} : memref<640xi32, #tpu.memory_space<vmem>>, vector<16xi32>,
    %swap3A_123 = vector.shape_cast %swap3A_122 : vector<16xi32> to vector<16xi32>
    %swap3A_124 = vector.shape_cast %broadcast_in_dim3A_39 : vector<16xi32> to vector<16xi32>
    tpu.vector_store %arg15[%swap3A_121], %swap3A_124 {strides = array<i32>} : memref<640xi32, #tpu.memory_space<vmem>>, vector<16xi32>,
    %swap3A_125 = arith.constant 336 : index
    %swap3A_126 = tpu.vector_load %arg15[%swap3A_125] {strides = array<i32>} : memref<640xi32, #tpu.memory_space<vmem>>, vector<16xi32>,
    %swap3A_127 = vector.shape_cast %swap3A_126 : vector<16xi32> to vector<16xi32>
    %swap3A_128 = vector.shape_cast %broadcast_in_dim3A_39 : vector<16xi32> to vector<16xi32>
    tpu.vector_store %arg15[%swap3A_125], %swap3A_128 {strides = array<i32>} : memref<640xi32, #tpu.memory_space<vmem>>, vector<16xi32>,
    %swap3A_129 = arith.constant 352 : index
    %swap3A_130 = tpu.vector_load %arg15[%swap3A_129] {strides = array<i32>} : memref<640xi32, #tpu.memory_space<vmem>>, vector<16xi32>,
    %swap3A_131 = vector.shape_cast %swap3A_130 : vector<16xi32> to vector<16xi32>
    %swap3A_132 = vector.shape_cast %broadcast_in_dim3A_39 : vector<16xi32> to vector<16xi32>
    tpu.vector_store %arg15[%swap3A_129], %swap3A_132 {strides = array<i32>} : memref<640xi32, #tpu.memory_space<vmem>>, vector<16xi32>,
    %swap3A_133 = arith.constant 368 : index
    %swap3A_134 = tpu.vector_load %arg15[%swap3A_133] {strides = array<i32>} : memref<640xi32, #tpu.memory_space<vmem>>, vector<16xi32>,
    %swap3A_135 = vector.shape_cast %swap3A_134 : vector<16xi32> to vector<16xi32>
    %swap3A_136 = vector.shape_cast %broadcast_in_dim3A_39 : vector<16xi32> to vector<16xi32>
    tpu.vector_store %arg15[%swap3A_133], %swap3A_136 {strides = array<i32>} : memref<640xi32, #tpu.memory_space<vmem>>, vector<16xi32>,
    %swap3A_137 = arith.constant 384 : index
    %swap3A_138 = tpu.vector_load %arg15[%swap3A_137] {strides = array<i32>} : memref<640xi32, #tpu.memory_space<vmem>>, vector<16xi32>,
    %swap3A_139 = vector.shape_cast %swap3A_138 : vector<16xi32> to vector<16xi32>
    %swap3A_140 = vector.shape_cast %broadcast_in_dim3A_39 : vector<16xi32> to vector<16xi32>
    tpu.vector_store %arg15[%swap3A_137], %swap3A_140 {strides = array<i32>} : memref<640xi32, #tpu.memory_space<vmem>>, vector<16xi32>,
    %swap3A_141 = arith.constant 400 : index
    %swap3A_142 = tpu.vector_load %arg15[%swap3A_141] {strides = array<i32>} : memref<640xi32, #tpu.memory_space<vmem>>, vector<16xi32>,
    %swap3A_143 = vector.shape_cast %swap3A_142 : vector<16xi32> to vector<16xi32>
    %swap3A_144 = vector.shape_cast %broadcast_in_dim3A_39 : vector<16xi32> to vector<16xi32>
    tpu.vector_store %arg15[%swap3A_141], %swap3A_144 {strides = array<i32>} : memref<640xi32, #tpu.memory_space<vmem>>, vector<16xi32>,
    %swap3A_145 = arith.constant 416 : index
    %swap3A_146 = tpu.vector_load %arg15[%swap3A_145] {strides = array<i32>} : memref<640xi32, #tpu.memory_space<vmem>>, vector<16xi32>,
    %swap3A_147 = vector.shape_cast %swap3A_146 : vector<16xi32> to vector<16xi32>
    %swap3A_148 = vector.shape_cast %broadcast_in_dim3A_39 : vector<16xi32> to vector<16xi32>
    tpu.vector_store %arg15[%swap3A_145], %swap3A_148 {strides = array<i32>} : memref<640xi32, #tpu.memory_space<vmem>>, vector<16xi32>,
    %swap3A_149 = arith.constant 432 : index
    %swap3A_150 = tpu.vector_load %arg15[%swap3A_149] {strides = array<i32>} : memref<640xi32, #tpu.memory_space<vmem>>, vector<16xi32>,
    %swap3A_151 = vector.shape_cast %swap3A_150 : vector<16xi32> to vector<16xi32>
    %swap3A_152 = vector.shape_cast %broadcast_in_dim3A_39 : vector<16xi32> to vector<16xi32>
    tpu.vector_store %arg15[%swap3A_149], %swap3A_152 {strides = array<i32>} : memref<640xi32, #tpu.memory_space<vmem>>, vector<16xi32>,
    %swap3A_153 = arith.constant 448 : index
    %swap3A_154 = tpu.vector_load %arg15[%swap3A_153] {strides = array<i32>} : memref<640xi32, #tpu.memory_space<vmem>>, vector<16xi32>,
    %swap3A_155 = vector.shape_cast %swap3A_154 : vector<16xi32> to vector<16xi32>
    %swap3A_156 = vector.shape_cast %broadcast_in_dim3A_39 : vector<16xi32> to vector<16xi32>
    tpu.vector_store %arg15[%swap3A_153], %swap3A_156 {strides = array<i32>} : memref<640xi32, #tpu.memory_space<vmem>>, vector<16xi32>,
    %swap3A_157 = arith.constant 464 : index
    %swap3A_158 = tpu.vector_load %arg15[%swap3A_157] {strides = array<i32>} : memref<640xi32, #tpu.memory_space<vmem>>, vector<16xi32>,
    %swap3A_159 = vector.shape_cast %swap3A_158 : vector<16xi32> to vector<16xi32>
    %swap3A_160 = vector.shape_cast %broadcast_in_dim3A_39 : vector<16xi32> to vector<16xi32>
    tpu.vector_store %arg15[%swap3A_157], %swap3A_160 {strides = array<i32>} : memref<640xi32, #tpu.memory_space<vmem>>, vector<16xi32>,
    %swap3A_161 = arith.constant 480 : index
    %swap3A_162 = tpu.vector_load %arg15[%swap3A_161] {strides = array<i32>} : memref<640xi32, #tpu.memory_space<vmem>>, vector<16xi32>,
    %swap3A_163 = vector.shape_cast %swap3A_162 : vector<16xi32> to vector<16xi32>
    %swap3A_164 = vector.shape_cast %broadcast_in_dim3A_39 : vector<16xi32> to vector<16xi32>
    tpu.vector_store %arg15[%swap3A_161], %swap3A_164 {strides = array<i32>} : memref<640xi32, #tpu.memory_space<vmem>>, vector<16xi32>,
    %swap3A_165 = arith.constant 496 : index
    %swap3A_166 = tpu.vector_load %arg15[%swap3A_165] {strides = array<i32>} : memref<640xi32, #tpu.memory_space<vmem>>, vector<16xi32>,
    %swap3A_167 = vector.shape_cast %swap3A_166 : vector<16xi32> to vector<16xi32>
    %swap3A_168 = vector.shape_cast %broadcast_in_dim3A_39 : vector<16xi32> to vector<16xi32>
    tpu.vector_store %arg15[%swap3A_165], %swap3A_168 {strides = array<i32>} : memref<640xi32, #tpu.memory_space<vmem>>, vector<16xi32>,
    %swap3A_169 = arith.constant 512 : index
    %swap3A_170 = tpu.vector_load %arg15[%swap3A_169] {strides = array<i32>} : memref<640xi32, #tpu.memory_space<vmem>>, vector<16xi32>,
    %swap3A_171 = vector.shape_cast %swap3A_170 : vector<16xi32> to vector<16xi32>
    %swap3A_172 = vector.shape_cast %broadcast_in_dim3A_39 : vector<16xi32> to vector<16xi32>
    tpu.vector_store %arg15[%swap3A_169], %swap3A_172 {strides = array<i32>} : memref<640xi32, #tpu.memory_space<vmem>>, vector<16xi32>,
    %swap3A_173 = arith.constant 528 : index
    %swap3A_174 = tpu.vector_load %arg15[%swap3A_173] {strides = array<i32>} : memref<640xi32, #tpu.memory_space<vmem>>, vector<16xi32>,
    %swap3A_175 = vector.shape_cast %swap3A_174 : vector<16xi32> to vector<16xi32>
    %swap3A_176 = vector.shape_cast %broadcast_in_dim3A_39 : vector<16xi32> to vector<16xi32>
    tpu.vector_store %arg15[%swap3A_173], %swap3A_176 {strides = array<i32>} : memref<640xi32, #tpu.memory_space<vmem>>, vector<16xi32>,
    %swap3A_177 = arith.constant 544 : index
    %swap3A_178 = tpu.vector_load %arg15[%swap3A_177] {strides = array<i32>} : memref<640xi32, #tpu.memory_space<vmem>>, vector<16xi32>,
    %swap3A_179 = vector.shape_cast %swap3A_178 : vector<16xi32> to vector<16xi32>
    %swap3A_180 = vector.shape_cast %broadcast_in_dim3A_39 : vector<16xi32> to vector<16xi32>
    tpu.vector_store %arg15[%swap3A_177], %swap3A_180 {strides = array<i32>} : memref<640xi32, #tpu.memory_space<vmem>>, vector<16xi32>,
    %swap3A_181 = arith.constant 560 : index
    %swap3A_182 = tpu.vector_load %arg15[%swap3A_181] {strides = array<i32>} : memref<640xi32, #tpu.memory_space<vmem>>, vector<16xi32>,
    %swap3A_183 = vector.shape_cast %swap3A_182 : vector<16xi32> to vector<16xi32>
    %swap3A_184 = vector.shape_cast %broadcast_in_dim3A_39 : vector<16xi32> to vector<16xi32>
    tpu.vector_store %arg15[%swap3A_181], %swap3A_184 {strides = array<i32>} : memref<640xi32, #tpu.memory_space<vmem>>, vector<16xi32>,
    %swap3A_185 = arith.constant 576 : index
    %swap3A_186 = tpu.vector_load %arg15[%swap3A_185] {strides = array<i32>} : memref<640xi32, #tpu.memory_space<vmem>>, vector<16xi32>,
    %swap3A_187 = vector.shape_cast %swap3A_186 : vector<16xi32> to vector<16xi32>
    %swap3A_188 = vector.shape_cast %broadcast_in_dim3A_39 : vector<16xi32> to vector<16xi32>
    tpu.vector_store %arg15[%swap3A_185], %swap3A_188 {strides = array<i32>} : memref<640xi32, #tpu.memory_space<vmem>>, vector<16xi32>,
    %swap3A_189 = arith.constant 592 : index
    %swap3A_190 = tpu.vector_load %arg15[%swap3A_189] {strides = array<i32>} : memref<640xi32, #tpu.memory_space<vmem>>, vector<16xi32>,
    %swap3A_191 = vector.shape_cast %swap3A_190 : vector<16xi32> to vector<16xi32>
    %swap3A_192 = vector.shape_cast %broadcast_in_dim3A_39 : vector<16xi32> to vector<16xi32>
    tpu.vector_store %arg15[%swap3A_189], %swap3A_192 {strides = array<i32>} : memref<640xi32, #tpu.memory_space<vmem>>, vector<16xi32>,
    %swap3A_193 = arith.constant 608 : index
    %swap3A_194 = tpu.vector_load %arg15[%swap3A_193] {strides = array<i32>} : memref<640xi32, #tpu.memory_space<vmem>>, vector<16xi32>,
    %swap3A_195 = vector.shape_cast %swap3A_194 : vector<16xi32> to vector<16xi32>
    %swap3A_196 = vector.shape_cast %broadcast_in_dim3A_39 : vector<16xi32> to vector<16xi32>
    tpu.vector_store %arg15[%swap3A_193], %swap3A_196 {strides = array<i32>} : memref<640xi32, #tpu.memory_space<vmem>>, vector<16xi32>,
    %swap3A_197 = arith.constant 624 : index
    %swap3A_198 = tpu.vector_load %arg15[%swap3A_197] {strides = array<i32>} : memref<640xi32, #tpu.memory_space<vmem>>, vector<16xi32>,
    %swap3A_199 = vector.shape_cast %swap3A_198 : vector<16xi32> to vector<16xi32>
    %swap3A_200 = vector.shape_cast %broadcast_in_dim3A_39 : vector<16xi32> to vector<16xi32>
    tpu.vector_store %arg15[%swap3A_197], %swap3A_200 {strides = array<i32>} : memref<640xi32, #tpu.memory_space<vmem>>, vector<16xi32>,
    %scan3A = arith.constant 0 : i32
    %scan3A_201 = arith.constant 0 : i32
    %scan3A_202 = arith.constant 450 : i32
    %scan3A_203 = arith.addi %scan3A_201, %scan3A_202 : i32
    %scan3A_204 = arith.constant 1 : i32
    scf.for %scan3A_1955 = %scan3A_201 to %scan3A_203 step %scan3A_204  : i32 {
      %mul3A_1956 = arith.constant 16 : i32
      %mul3A_1957 = arith.muli %scan3A_1955, %mul3A_1956 : i32
      %swap3A_1958 = arith.index_cast %mul3A_1957 : i32 to index
      %swap3A_1959 = tpu.vector_load %arg16[%swap3A_1958] {strides = array<i32>} : memref<7200xi32, #tpu.memory_space<vmem>>, vector<16xi32>,
      %swap3A_1960 = vector.shape_cast %swap3A_1959 : vector<16xi32> to vector<16xi32>
      %swap3A_1961 = vector.shape_cast %broadcast_in_dim3A_41 : vector<16xi32> to vector<16xi32>
      tpu.vector_store %arg16[%swap3A_1958], %swap3A_1961 {strides = array<i32>} : memref<7200xi32, #tpu.memory_space<vmem>>, vector<16xi32>,
    }
    %scan3A_205 = arith.constant 450 : i32
    %scan3A_206 = arith.constant 0 : i32
    %scan3A_207 = arith.constant 0 : i32
    %scan3A_208 = arith.constant 16 : i32
    %scan3A_209 = arith.addi %scan3A_207, %scan3A_208 : i32
    %scan3A_210 = arith.constant 1 : i32
    scf.for %scan3A_1955 = %scan3A_207 to %scan3A_209 step %scan3A_210  : i32 {
      %mul3A_1956 = arith.constant 115200 : i32
      %mul3A_1957 = arith.muli %arg1, %mul3A_1956 : i32
      %mul3A_1958 = arith.constant 7200 : i32
      %mul3A_1959 = arith.muli %scan3A_1955, %mul3A_1958 : i32
      %add3A_1960 = arith.addi %mul3A_1957, %mul3A_1959 : i32
      %dma_start3A_1961 = tpu.memref_slice %arg6[%add3A_1960] : memref<1843200xi32, #tpu.memory_space<vmem_shared>> -> memref<7200xi32, #tpu.memory_space<vmem_shared>>
      %dma_start3A_1962 = tpu.memref_slice %arg6[%add3A_1960] : memref<1843200xi32, #tpu.memory_space<vmem_shared>> -> memref<7200xi32, #tpu.memory_space<vmem_shared>>
      tpu.enqueue_dma source(%arg16 : memref<7200xi32, #tpu.memory_space<vmem>>) target(%dma_start3A_1962 : memref<7200xi32, #tpu.memory_space<vmem_shared>>) target_semaphore(%arg19 : memref<!tpu.dma_semaphore, #tpu.memory_space<semaphore_mem>>)
    }
    %scan3A_211 = arith.constant 16 : i32
    %scan3A_212 = arith.constant 0 : i32
    %scan3A_213 = arith.constant 0 : i32
    %scan3A_214 = arith.constant 16 : i32
    %scan3A_215 = arith.addi %scan3A_213, %scan3A_214 : i32
    %scan3A_216 = arith.constant 1 : i32
    scf.for %scan3A_1955 = %scan3A_213 to %scan3A_215 step %scan3A_216  : i32 {
      %dma_wait3A_1956 = arith.constant 0 : i32
      %dma_wait3A_1957 = tpu.memref_slice %arg2[%dma_wait3A_1956] : memref<2000000xi32, #tpu.memory_space<hbm>> -> memref<7200xi32, #tpu.memory_space<hbm>>
      %dma_wait3A_1958 = arith.constant 0 : i32
      %dma_wait3A_1959 = tpu.memref_slice %arg2[%dma_wait3A_1958] : memref<2000000xi32, #tpu.memory_space<hbm>> -> memref<7200xi32, #tpu.memory_space<hbm>>
      tpu.wait_dma2 semaphore(%arg19 : memref<!tpu.dma_semaphore, #tpu.memory_space<semaphore_mem>>) src(%dma_wait3A_1959 : memref<7200xi32, #tpu.memory_space<hbm>>) dst(%arg16 : memref<7200xi32, #tpu.memory_space<vmem>>)
    }
    %scan3A_217 = arith.constant 16 : i32
    %barrier3A = arith.constant 0 : index
    tpu.barrier barrier_id(%barrier3A)
    %scan3A_218 = arith.constant 0 : i32
    %scan3A_219 = arith.constant 0 : i32
    %scan3A_220 = arith.constant 48 : i32
    %scan3A_221 = arith.addi %scan3A_219, %scan3A_220 : i32
    %scan3A_222 = arith.constant 1 : i32
    scf.for %scan3A_1955 = %scan3A_219 to %scan3A_221 step %scan3A_222  : i32 {
      %mul3A_1956 = arith.constant 2 : i32
      %mul3A_1957 = arith.muli %mul3A_1956, %scan3A_1955 : i32
      %eq3A = arith.constant 0 : i32
      %eq3A_1958 = arith.cmpi eq, %scan3A_1955, %eq3A : i32
      %dma_wait3A_1959 = arith.constant 0 : i32
      %dma_wait3A_1960 = tpu.memref_slice %arg2[%dma_wait3A_1959] : memref<2000000xi32, #tpu.memory_space<hbm>> -> memref<640xi32, #tpu.memory_space<hbm>>
      %dma_wait3A_1961 = arith.constant 0 : i32
      %dma_wait3A_1962 = tpu.memref_slice %arg2[%dma_wait3A_1961] : memref<2000000xi32, #tpu.memory_space<hbm>> -> memref<640xi32, #tpu.memory_space<hbm>>
      tpu.wait_dma2 semaphore(%arg17 : memref<!tpu.dma_semaphore, #tpu.memory_space<semaphore_mem>>) src(%dma_wait3A_1962 : memref<640xi32, #tpu.memory_space<hbm>>) dst(%arg7 : memref<640xi32, #tpu.memory_space<vmem>>)
      %dma_wait3A_1963 = arith.constant 0 : i32
      %dma_wait3A_1964 = tpu.memref_slice %arg2[%dma_wait3A_1963] : memref<2000000xi32, #tpu.memory_space<hbm>> -> memref<640xi32, #tpu.memory_space<hbm>>
      %dma_wait3A_1965 = arith.constant 0 : i32
      %dma_wait3A_1966 = tpu.memref_slice %arg2[%dma_wait3A_1965] : memref<2000000xi32, #tpu.memory_space<hbm>> -> memref<640xi32, #tpu.memory_space<hbm>>
      tpu.wait_dma2 semaphore(%arg17 : memref<!tpu.dma_semaphore, #tpu.memory_space<semaphore_mem>>) src(%dma_wait3A_1966 : memref<640xi32, #tpu.memory_space<hbm>>) dst(%arg8 : memref<640xi32, #tpu.memory_space<vmem>>)
      %dma_wait3A_1967 = arith.constant 0 : i32
      %dma_wait3A_1968 = tpu.memref_slice %arg2[%dma_wait3A_1967] : memref<2000000xi32, #tpu.memory_space<hbm>> -> memref<640xi32, #tpu.memory_space<hbm>>
      %dma_wait3A_1969 = arith.constant 0 : i32
      %dma_wait3A_1970 = tpu.memref_slice %arg2[%dma_wait3A_1969] : memref<2000000xi32, #tpu.memory_space<hbm>> -> memref<640xi32, #tpu.memory_space<hbm>>
      tpu.wait_dma2 semaphore(%arg17 : memref<!tpu.dma_semaphore, #tpu.memory_space<semaphore_mem>>) src(%dma_wait3A_1970 : memref<640xi32, #tpu.memory_space<hbm>>) dst(%arg9 : memref<640xi32, #tpu.memory_space<vmem>>)
      %not3A_1971 = arith.constant true
      %not3A_1972 = arith.xori %eq3A_1958, %not3A_1971 : i1
      %convert_element_type3A_1973 = arith.extui %not3A_1972 : i1 to i32
      %cond3A_1974 = arith.constant 0 : i32
      %cond3A_1975 = arith.cmpi ne, %convert_element_type3A_1973, %cond3A_1974 : i32
      scf.if %cond3A_1975 {
        %dma_wait3A_3707 = arith.constant 0 : i32
        %dma_wait3A_3708 = tpu.memref_slice %arg2[%dma_wait3A_3707] : memref<2000000xi32, #tpu.memory_space<hbm>> -> memref<640xi32, #tpu.memory_space<hbm>>
        %dma_wait3A_3709 = arith.constant 0 : i32
        %dma_wait3A_3710 = tpu.memref_slice %arg2[%dma_wait3A_3709] : memref<2000000xi32, #tpu.memory_space<hbm>> -> memref<640xi32, #tpu.memory_space<hbm>>
        tpu.wait_dma2 semaphore(%arg19 : memref<!tpu.dma_semaphore, #tpu.memory_space<semaphore_mem>>) src(%dma_wait3A_3710 : memref<640xi32, #tpu.memory_space<hbm>>) dst(%arg7 : memref<640xi32, #tpu.memory_space<vmem>>)
      } else {
      }
      %get3A_1976 = arith.constant 0 : index
      %get3A_1977 = tpu.vector_load %arg7[%get3A_1976] {strides = array<i32>} : memref<640xi32, #tpu.memory_space<vmem>>, vector<16xi32>,
      %get3A_1978 = vector.shape_cast %get3A_1977 : vector<16xi32> to vector<16xi32>
      %get3A_1979 = arith.constant 0 : index
      %get3A_1980 = tpu.vector_load %arg8[%get3A_1979] {strides = array<i32>} : memref<640xi32, #tpu.memory_space<vmem>>, vector<16xi32>,
      %get3A_1981 = vector.shape_cast %get3A_1980 : vector<16xi32> to vector<16xi32>
      %get3A_1982 = arith.constant 0 : index
      %get3A_1983 = tpu.vector_load %arg9[%get3A_1982] {strides = array<i32>} : memref<640xi32, #tpu.memory_space<vmem>>, vector<16xi32>,
      %get3A_1984 = vector.shape_cast %get3A_1983 : vector<16xi32> to vector<16xi32>
      %mul3A_1985 = arith.constant 921600 : i32
      %mul3A_1986 = vector.broadcast %mul3A_1985 : i32 to vector<16xi32>
      %mul3A_1987 = arith.muli %get3A_1984, %mul3A_1986 : vector<16xi32>
      %mul3A_1988 = arith.constant 720 : i32
      %mul3A_1989 = vector.broadcast %mul3A_1988 : i32 to vector<16xi32>
      %mul3A_1990 = arith.muli %get3A_1978, %mul3A_1989 : vector<16xi32>
      %add3A_1991 = arith.addi %mul3A_1987, %mul3A_1990 : vector<16xi32>
      %add3A_1992 = arith.addi %add3A_1991, %get3A_1981 : vector<16xi32>
      %swap3A_1993 = arith.constant 0 : index
      %swap3A_1994 = tpu.vector_load %arg13[%swap3A_1993] {strides = array<i32>} : memref<640xi32, #tpu.memory_space<vmem>>, vector<16xi32>,
      %swap3A_1995 = vector.shape_cast %swap3A_1994 : vector<16xi32> to vector<16xi32>
      %swap3A_1996 = vector.shape_cast %add3A_1992 : vector<16xi32> to vector<16xi32>
      tpu.vector_store %arg13[%swap3A_1993], %swap3A_1996 {strides = array<i32>} : memref<640xi32, #tpu.memory_space<vmem>>, vector<16xi32>,
      %get3A_1997 = arith.constant 16 : index
      %get3A_1998 = tpu.vector_load %arg7[%get3A_1997] {strides = array<i32>} : memref<640xi32, #tpu.memory_space<vmem>>, vector<16xi32>,
      %get3A_1999 = vector.shape_cast %get3A_1998 : vector<16xi32> to vector<16xi32>
      %get3A_2000 = arith.constant 16 : index
      %get3A_2001 = tpu.vector_load %arg8[%get3A_2000] {strides = array<i32>} : memref<640xi32, #tpu.memory_space<vmem>>, vector<16xi32>,
      %get3A_2002 = vector.shape_cast %get3A_2001 : vector<16xi32> to vector<16xi32>
      %get3A_2003 = arith.constant 16 : index
      %get3A_2004 = tpu.vector_load %arg9[%get3A_2003] {strides = array<i32>} : memref<640xi32, #tpu.memory_space<vmem>>, vector<16xi32>,
      %get3A_2005 = vector.shape_cast %get3A_2004 : vector<16xi32> to vector<16xi32>
      %mul3A_2006 = arith.constant 921600 : i32
      %mul3A_2007 = vector.broadcast %mul3A_2006 : i32 to vector<16xi32>
      %mul3A_2008 = arith.muli %get3A_2005, %mul3A_2007 : vector<16xi32>
      %mul3A_2009 = arith.constant 720 : i32
      %mul3A_2010 = vector.broadcast %mul3A_2009 : i32 to vector<16xi32>
      %mul3A_2011 = arith.muli %get3A_1999, %mul3A_2010 : vector<16xi32>
      %add3A_2012 = arith.addi %mul3A_2008, %mul3A_2011 : vector<16xi32>
      %add3A_2013 = arith.addi %add3A_2012, %get3A_2002 : vector<16xi32>
      %swap3A_2014 = arith.constant 16 : index
      %swap3A_2015 = tpu.vector_load %arg13[%swap3A_2014] {strides = array<i32>} : memref<640xi32, #tpu.memory_space<vmem>>, vector<16xi32>,
      %swap3A_2016 = vector.shape_cast %swap3A_2015 : vector<16xi32> to vector<16xi32>
      %swap3A_2017 = vector.shape_cast %add3A_2013 : vector<16xi32> to vector<16xi32>
      tpu.vector_store %arg13[%swap3A_2014], %swap3A_2017 {strides = array<i32>} : memref<640xi32, #tpu.memory_space<vmem>>, vector<16xi32>,
      %get3A_2018 = arith.constant 32 : index
      %get3A_2019 = tpu.vector_load %arg7[%get3A_2018] {strides = array<i32>} : memref<640xi32, #tpu.memory_space<vmem>>, vector<16xi32>,
      %get3A_2020 = vector.shape_cast %get3A_2019 : vector<16xi32> to vector<16xi32>
      %get3A_2021 = arith.constant 32 : index
      %get3A_2022 = tpu.vector_load %arg8[%get3A_2021] {strides = array<i32>} : memref<640xi32, #tpu.memory_space<vmem>>, vector<16xi32>,
      %get3A_2023 = vector.shape_cast %get3A_2022 : vector<16xi32> to vector<16xi32>
      %get3A_2024 = arith.constant 32 : index
      %get3A_2025 = tpu.vector_load %arg9[%get3A_2024] {strides = array<i32>} : memref<640xi32, #tpu.memory_space<vmem>>, vector<16xi32>,
      %get3A_2026 = vector.shape_cast %get3A_2025 : vector<16xi32> to vector<16xi32>
      %mul3A_2027 = arith.constant 921600 : i32
      %mul3A_2028 = vector.broadcast %mul3A_2027 : i32 to vector<16xi32>
      %mul3A_2029 = arith.muli %get3A_2026, %mul3A_2028 : vector<16xi32>
      %mul3A_2030 = arith.constant 720 : i32
      %mul3A_2031 = vector.broadcast %mul3A_2030 : i32 to vector<16xi32>
      %mul3A_2032 = arith.muli %get3A_2020, %mul3A_2031 : vector<16xi32>
      %add3A_2033 = arith.addi %mul3A_2029, %mul3A_2032 : vector<16xi32>
      %add3A_2034 = arith.addi %add3A_2033, %get3A_2023 : vector<16xi32>
      %swap3A_2035 = arith.constant 32 : index
      %swap3A_2036 = tpu.vector_load %arg13[%swap3A_2035] {strides = array<i32>} : memref<640xi32, #tpu.memory_space<vmem>>, vector<16xi32>,
      %swap3A_2037 = vector.shape_cast %swap3A_2036 : vector<16xi32> to vector<16xi32>
      %swap3A_2038 = vector.shape_cast %add3A_2034 : vector<16xi32> to vector<16xi32>
      tpu.vector_store %arg13[%swap3A_2035], %swap3A_2038 {strides = array<i32>} : memref<640xi32, #tpu.memory_space<vmem>>, vector<16xi32>,
      %get3A_2039 = arith.constant 48 : index
      %get3A_2040 = tpu.vector_load %arg7[%get3A_2039] {strides = array<i32>} : memref<640xi32, #tpu.memory_space<vmem>>, vector<16xi32>,
      %get3A_2041 = vector.shape_cast %get3A_2040 : vector<16xi32> to vector<16xi32>
      %get3A_2042 = arith.constant 48 : index
      %get3A_2043 = tpu.vector_load %arg8[%get3A_2042] {strides = array<i32>} : memref<640xi32, #tpu.memory_space<vmem>>, vector<16xi32>,
      %get3A_2044 = vector.shape_cast %get3A_2043 : vector<16xi32> to vector<16xi32>
      %get3A_2045 = arith.constant 48 : index
      %get3A_2046 = tpu.vector_load %arg9[%get3A_2045] {strides = array<i32>} : memref<640xi32, #tpu.memory_space<vmem>>, vector<16xi32>,
      %get3A_2047 = vector.shape_cast %get3A_2046 : vector<16xi32> to vector<16xi32>
      %mul3A_2048 = arith.constant 921600 : i32
      %mul3A_2049 = vector.broadcast %mul3A_2048 : i32 to vector<16xi32>
      %mul3A_2050 = arith.muli %get3A_2047, %mul3A_2049 : vector<16xi32>
      %mul3A_2051 = arith.constant 720 : i32
      %mul3A_2052 = vector.broadcast %mul3A_2051 : i32 to vector<16xi32>
      %mul3A_2053 = arith.muli %get3A_2041, %mul3A_2052 : vector<16xi32>
      %add3A_2054 = arith.addi %mul3A_2050, %mul3A_2053 : vector<16xi32>
      %add3A_2055 = arith.addi %add3A_2054, %get3A_2044 : vector<16xi32>
      %swap3A_2056 = arith.constant 48 : index
      %swap3A_2057 = tpu.vector_load %arg13[%swap3A_2056] {strides = array<i32>} : memref<640xi32, #tpu.memory_space<vmem>>, vector<16xi32>,
      %swap3A_2058 = vector.shape_cast %swap3A_2057 : vector<16xi32> to vector<16xi32>
      %swap3A_2059 = vector.shape_cast %add3A_2055 : vector<16xi32> to vector<16xi32>
      tpu.vector_store %arg13[%swap3A_2056], %swap3A_2059 {strides = array<i32>} : memref<640xi32, #tpu.memory_space<vmem>>, vector<16xi32>,
      %get3A_2060 = arith.constant 64 : index
      %get3A_2061 = tpu.vector_load %arg7[%get3A_2060] {strides = array<i32>} : memref<640xi32, #tpu.memory_space<vmem>>, vector<16xi32>,
      %get3A_2062 = vector.shape_cast %get3A_2061 : vector<16xi32> to vector<16xi32>
      %get3A_2063 = arith.constant 64 : index
      %get3A_2064 = tpu.vector_load %arg8[%get3A_2063] {strides = array<i32>} : memref<640xi32, #tpu.memory_space<vmem>>, vector<16xi32>,
      %get3A_2065 = vector.shape_cast %get3A_2064 : vector<16xi32> to vector<16xi32>
      %get3A_2066 = arith.constant 64 : index
      %get3A_2067 = tpu.vector_load %arg9[%get3A_2066] {strides = array<i32>} : memref<640xi32, #tpu.memory_space<vmem>>, vector<16xi32>,
      %get3A_2068 = vector.shape_cast %get3A_2067 : vector<16xi32> to vector<16xi32>
      %mul3A_2069 = arith.constant 921600 : i32
      %mul3A_2070 = vector.broadcast %mul3A_2069 : i32 to vector<16xi32>
      %mul3A_2071 = arith.muli %get3A_2068, %mul3A_2070 : vector<16xi32>
      %mul3A_2072 = arith.constant 720 : i32
      %mul3A_2073 = vector.broadcast %mul3A_2072 : i32 to vector<16xi32>
      %mul3A_2074 = arith.muli %get3A_2062, %mul3A_2073 : vector<16xi32>
      %add3A_2075 = arith.addi %mul3A_2071, %mul3A_2074 : vector<16xi32>
      %add3A_2076 = arith.addi %add3A_2075, %get3A_2065 : vector<16xi32>
      %swap3A_2077 = arith.constant 64 : index
      %swap3A_2078 = tpu.vector_load %arg13[%swap3A_2077] {strides = array<i32>} : memref<640xi32, #tpu.memory_space<vmem>>, vector<16xi32>,
      %swap3A_2079 = vector.shape_cast %swap3A_2078 : vector<16xi32> to vector<16xi32>
      %swap3A_2080 = vector.shape_cast %add3A_2076 : vector<16xi32> to vector<16xi32>
      tpu.vector_store %arg13[%swap3A_2077], %swap3A_2080 {strides = array<i32>} : memref<640xi32, #tpu.memory_space<vmem>>, vector<16xi32>,
      %get3A_2081 = arith.constant 80 : index
      %get3A_2082 = tpu.vector_load %arg7[%get3A_2081] {strides = array<i32>} : memref<640xi32, #tpu.memory_space<vmem>>, vector<16xi32>,
      %get3A_2083 = vector.shape_cast %get3A_2082 : vector<16xi32> to vector<16xi32>
      %get3A_2084 = arith.constant 80 : index
      %get3A_2085 = tpu.vector_load %arg8[%get3A_2084] {strides = array<i32>} : memref<640xi32, #tpu.memory_space<vmem>>, vector<16xi32>,
      %get3A_2086 = vector.shape_cast %get3A_2085 : vector<16xi32> to vector<16xi32>
      %get3A_2087 = arith.constant 80 : index
      %get3A_2088 = tpu.vector_load %arg9[%get3A_2087] {strides = array<i32>} : memref<640xi32, #tpu.memory_space<vmem>>, vector<16xi32>,
      %get3A_2089 = vector.shape_cast %get3A_2088 : vector<16xi32> to vector<16xi32>
      %mul3A_2090 = arith.constant 921600 : i32
      %mul3A_2091 = vector.broadcast %mul3A_2090 : i32 to vector<16xi32>
      %mul3A_2092 = arith.muli %get3A_2089, %mul3A_2091 : vector<16xi32>
      %mul3A_2093 = arith.constant 720 : i32
      %mul3A_2094 = vector.broadcast %mul3A_2093 : i32 to vector<16xi32>
      %mul3A_2095 = arith.muli %get3A_2083, %mul3A_2094 : vector<16xi32>
      %add3A_2096 = arith.addi %mul3A_2092, %mul3A_2095 : vector<16xi32>
      %add3A_2097 = arith.addi %add3A_2096, %get3A_2086 : vector<16xi32>
      %swap3A_2098 = arith.constant 80 : index
      %swap3A_2099 = tpu.vector_load %arg13[%swap3A_2098] {strides = array<i32>} : memref<640xi32, #tpu.memory_space<vmem>>, vector<16xi32>,
      %swap3A_2100 = vector.shape_cast %swap3A_2099 : vector<16xi32> to vector<16xi32>
      %swap3A_2101 = vector.shape_cast %add3A_2097 : vector<16xi32> to vector<16xi32>
      tpu.vector_store %arg13[%swap3A_2098], %swap3A_2101 {strides = array<i32>} : memref<640xi32, #tpu.memory_space<vmem>>, vector<16xi32>,
      %get3A_2102 = arith.constant 96 : index
      %get3A_2103 = tpu.vector_load %arg7[%get3A_2102] {strides = array<i32>} : memref<640xi32, #tpu.memory_space<vmem>>, vector<16xi32>,
      %get3A_2104 = vector.shape_cast %get3A_2103 : vector<16xi32> to vector<16xi32>
      %get3A_2105 = arith.constant 96 : index
      %get3A_2106 = tpu.vector_load %arg8[%get3A_2105] {strides = array<i32>} : memref<640xi32, #tpu.memory_space<vmem>>, vector<16xi32>,
      %get3A_2107 = vector.shape_cast %get3A_2106 : vector<16xi32> to vector<16xi32>
      %get3A_2108 = arith.constant 96 : index
      %get3A_2109 = tpu.vector_load %arg9[%get3A_2108] {strides = array<i32>} : memref<640xi32, #tpu.memory_space<vmem>>, vector<16xi32>,
      %get3A_2110 = vector.shape_cast %get3A_2109 : vector<16xi32> to vector<16xi32>
      %mul3A_2111 = arith.constant 921600 : i32
      %mul3A_2112 = vector.broadcast %mul3A_2111 : i32 to vector<16xi32>
      %mul3A_2113 = arith.muli %get3A_2110, %mul3A_2112 : vector<16xi32>
      %mul3A_2114 = arith.constant 720 : i32
      %mul3A_2115 = vector.broadcast %mul3A_2114 : i32 to vector<16xi32>
      %mul3A_2116 = arith.muli %get3A_2104, %mul3A_2115 : vector<16xi32>
      %add3A_2117 = arith.addi %mul3A_2113, %mul3A_2116 : vector<16xi32>
      %add3A_2118 = arith.addi %add3A_2117, %get3A_2107 : vector<16xi32>
      %swap3A_2119 = arith.constant 96 : index
      %swap3A_2120 = tpu.vector_load %arg13[%swap3A_2119] {strides = array<i32>} : memref<640xi32, #tpu.memory_space<vmem>>, vector<16xi32>,
      %swap3A_2121 = vector.shape_cast %swap3A_2120 : vector<16xi32> to vector<16xi32>
      %swap3A_2122 = vector.shape_cast %add3A_2118 : vector<16xi32> to vector<16xi32>
      tpu.vector_store %arg13[%swap3A_2119], %swap3A_2122 {strides = array<i32>} : memref<640xi32, #tpu.memory_space<vmem>>, vector<16xi32>,
      %get3A_2123 = arith.constant 112 : index
      %get3A_2124 = tpu.vector_load %arg7[%get3A_2123] {strides = array<i32>} : memref<640xi32, #tpu.memory_space<vmem>>, vector<16xi32>,
      %get3A_2125 = vector.shape_cast %get3A_2124 : vector<16xi32> to vector<16xi32>
      %get3A_2126 = arith.constant 112 : index
      %get3A_2127 = tpu.vector_load %arg8[%get3A_2126] {strides = array<i32>} : memref<640xi32, #tpu.memory_space<vmem>>, vector<16xi32>,
      %get3A_2128 = vector.shape_cast %get3A_2127 : vector<16xi32> to vector<16xi32>
      %get3A_2129 = arith.constant 112 : index
      %get3A_2130 = tpu.vector_load %arg9[%get3A_2129] {strides = array<i32>} : memref<640xi32, #tpu.memory_space<vmem>>, vector<16xi32>,
      %get3A_2131 = vector.shape_cast %get3A_2130 : vector<16xi32> to vector<16xi32>
      %mul3A_2132 = arith.constant 921600 : i32
      %mul3A_2133 = vector.broadcast %mul3A_2132 : i32 to vector<16xi32>
      %mul3A_2134 = arith.muli %get3A_2131, %mul3A_2133 : vector<16xi32>
      %mul3A_2135 = arith.constant 720 : i32
      %mul3A_2136 = vector.broadcast %mul3A_2135 : i32 to vector<16xi32>
      %mul3A_2137 = arith.muli %get3A_2125, %mul3A_2136 : vector<16xi32>
      %add3A_2138 = arith.addi %mul3A_2134, %mul3A_2137 : vector<16xi32>
      %add3A_2139 = arith.addi %add3A_2138, %get3A_2128 : vector<16xi32>
      %swap3A_2140 = arith.constant 112 : index
      %swap3A_2141 = tpu.vector_load %arg13[%swap3A_2140] {strides = array<i32>} : memref<640xi32, #tpu.memory_space<vmem>>, vector<16xi32>,
      %swap3A_2142 = vector.shape_cast %swap3A_2141 : vector<16xi32> to vector<16xi32>
      %swap3A_2143 = vector.shape_cast %add3A_2139 : vector<16xi32> to vector<16xi32>
      tpu.vector_store %arg13[%swap3A_2140], %swap3A_2143 {strides = array<i32>} : memref<640xi32, #tpu.memory_space<vmem>>, vector<16xi32>,
      %get3A_2144 = arith.constant 128 : index
      %get3A_2145 = tpu.vector_load %arg7[%get3A_2144] {strides = array<i32>} : memref<640xi32, #tpu.memory_space<vmem>>, vector<16xi32>,
      %get3A_2146 = vector.shape_cast %get3A_2145 : vector<16xi32> to vector<16xi32>
      %get3A_2147 = arith.constant 128 : index
      %get3A_2148 = tpu.vector_load %arg8[%get3A_2147] {strides = array<i32>} : memref<640xi32, #tpu.memory_space<vmem>>, vector<16xi32>,
      %get3A_2149 = vector.shape_cast %get3A_2148 : vector<16xi32> to vector<16xi32>
      %get3A_2150 = arith.constant 128 : index
      %get3A_2151 = tpu.vector_load %arg9[%get3A_2150] {strides = array<i32>} : memref<640xi32, #tpu.memory_space<vmem>>, vector<16xi32>,
      %get3A_2152 = vector.shape_cast %get3A_2151 : vector<16xi32> to vector<16xi32>
      %mul3A_2153 = arith.constant 921600 : i32
      %mul3A_2154 = vector.broadcast %mul3A_2153 : i32 to vector<16xi32>
      %mul3A_2155 = arith.muli %get3A_2152, %mul3A_2154 : vector<16xi32>
      %mul3A_2156 = arith.constant 720 : i32
      %mul3A_2157 = vector.broadcast %mul3A_2156 : i32 to vector<16xi32>
      %mul3A_2158 = arith.muli %get3A_2146, %mul3A_2157 : vector<16xi32>
      %add3A_2159 = arith.addi %mul3A_2155, %mul3A_2158 : vector<16xi32>
      %add3A_2160 = arith.addi %add3A_2159, %get3A_2149 : vector<16xi32>
      %swap3A_2161 = arith.constant 128 : index
      %swap3A_2162 = tpu.vector_load %arg13[%swap3A_2161] {strides = array<i32>} : memref<640xi32, #tpu.memory_space<vmem>>, vector<16xi32>,
      %swap3A_2163 = vector.shape_cast %swap3A_2162 : vector<16xi32> to vector<16xi32>
      %swap3A_2164 = vector.shape_cast %add3A_2160 : vector<16xi32> to vector<16xi32>
      tpu.vector_store %arg13[%swap3A_2161], %swap3A_2164 {strides = array<i32>} : memref<640xi32, #tpu.memory_space<vmem>>, vector<16xi32>,
      %get3A_2165 = arith.constant 144 : index
      %get3A_2166 = tpu.vector_load %arg7[%get3A_2165] {strides = array<i32>} : memref<640xi32, #tpu.memory_space<vmem>>, vector<16xi32>,
      %get3A_2167 = vector.shape_cast %get3A_2166 : vector<16xi32> to vector<16xi32>
      %get3A_2168 = arith.constant 144 : index
      %get3A_2169 = tpu.vector_load %arg8[%get3A_2168] {strides = array<i32>} : memref<640xi32, #tpu.memory_space<vmem>>, vector<16xi32>,
      %get3A_2170 = vector.shape_cast %get3A_2169 : vector<16xi32> to vector<16xi32>
      %get3A_2171 = arith.constant 144 : index
      %get3A_2172 = tpu.vector_load %arg9[%get3A_2171] {strides = array<i32>} : memref<640xi32, #tpu.memory_space<vmem>>, vector<16xi32>,
      %get3A_2173 = vector.shape_cast %get3A_2172 : vector<16xi32> to vector<16xi32>
      %mul3A_2174 = arith.constant 921600 : i32
      %mul3A_2175 = vector.broadcast %mul3A_2174 : i32 to vector<16xi32>
      %mul3A_2176 = arith.muli %get3A_2173, %mul3A_2175 : vector<16xi32>
      %mul3A_2177 = arith.constant 720 : i32
      %mul3A_2178 = vector.broadcast %mul3A_2177 : i32 to vector<16xi32>
      %mul3A_2179 = arith.muli %get3A_2167, %mul3A_2178 : vector<16xi32>
      %add3A_2180 = arith.addi %mul3A_2176, %mul3A_2179 : vector<16xi32>
      %add3A_2181 = arith.addi %add3A_2180, %get3A_2170 : vector<16xi32>
      %swap3A_2182 = arith.constant 144 : index
      %swap3A_2183 = tpu.vector_load %arg13[%swap3A_2182] {strides = array<i32>} : memref<640xi32, #tpu.memory_space<vmem>>, vector<16xi32>,
      %swap3A_2184 = vector.shape_cast %swap3A_2183 : vector<16xi32> to vector<16xi32>
      %swap3A_2185 = vector.shape_cast %add3A_2181 : vector<16xi32> to vector<16xi32>
      tpu.vector_store %arg13[%swap3A_2182], %swap3A_2185 {strides = array<i32>} : memref<640xi32, #tpu.memory_space<vmem>>, vector<16xi32>,
      %get3A_2186 = arith.constant 160 : index
      %get3A_2187 = tpu.vector_load %arg7[%get3A_2186] {strides = array<i32>} : memref<640xi32, #tpu.memory_space<vmem>>, vector<16xi32>,
      %get3A_2188 = vector.shape_cast %get3A_2187 : vector<16xi32> to vector<16xi32>
      %get3A_2189 = arith.constant 160 : index
      %get3A_2190 = tpu.vector_load %arg8[%get3A_2189] {strides = array<i32>} : memref<640xi32, #tpu.memory_space<vmem>>, vector<16xi32>,
      %get3A_2191 = vector.shape_cast %get3A_2190 : vector<16xi32> to vector<16xi32>
      %get3A_2192 = arith.constant 160 : index
      %get3A_2193 = tpu.vector_load %arg9[%get3A_2192] {strides = array<i32>} : memref<640xi32, #tpu.memory_space<vmem>>, vector<16xi32>,
      %get3A_2194 = vector.shape_cast %get3A_2193 : vector<16xi32> to vector<16xi32>
      %mul3A_2195 = arith.constant 921600 : i32
      %mul3A_2196 = vector.broadcast %mul3A_2195 : i32 to vector<16xi32>
      %mul3A_2197 = arith.muli %get3A_2194, %mul3A_2196 : vector<16xi32>
      %mul3A_2198 = arith.constant 720 : i32
      %mul3A_2199 = vector.broadcast %mul3A_2198 : i32 to vector<16xi32>
      %mul3A_2200 = arith.muli %get3A_2188, %mul3A_2199 : vector<16xi32>
      %add3A_2201 = arith.addi %mul3A_2197, %mul3A_2200 : vector<16xi32>
      %add3A_2202 = arith.addi %add3A_2201, %get3A_2191 : vector<16xi32>
      %swap3A_2203 = arith.constant 160 : index
      %swap3A_2204 = tpu.vector_load %arg13[%swap3A_2203] {strides = array<i32>} : memref<640xi32, #tpu.memory_space<vmem>>, vector<16xi32>,
      %swap3A_2205 = vector.shape_cast %swap3A_2204 : vector<16xi32> to vector<16xi32>
      %swap3A_2206 = vector.shape_cast %add3A_2202 : vector<16xi32> to vector<16xi32>
      tpu.vector_store %arg13[%swap3A_2203], %swap3A_2206 {strides = array<i32>} : memref<640xi32, #tpu.memory_space<vmem>>, vector<16xi32>,
      %get3A_2207 = arith.constant 176 : index
      %get3A_2208 = tpu.vector_load %arg7[%get3A_2207] {strides = array<i32>} : memref<640xi32, #tpu.memory_space<vmem>>, vector<16xi32>,
      %get3A_2209 = vector.shape_cast %get3A_2208 : vector<16xi32> to vector<16xi32>
      %get3A_2210 = arith.constant 176 : index
      %get3A_2211 = tpu.vector_load %arg8[%get3A_2210] {strides = array<i32>} : memref<640xi32, #tpu.memory_space<vmem>>, vector<16xi32>,
      %get3A_2212 = vector.shape_cast %get3A_2211 : vector<16xi32> to vector<16xi32>
      %get3A_2213 = arith.constant 176 : index
      %get3A_2214 = tpu.vector_load %arg9[%get3A_2213] {strides = array<i32>} : memref<640xi32, #tpu.memory_space<vmem>>, vector<16xi32>,
      %get3A_2215 = vector.shape_cast %get3A_2214 : vector<16xi32> to vector<16xi32>
      %mul3A_2216 = arith.constant 921600 : i32
      %mul3A_2217 = vector.broadcast %mul3A_2216 : i32 to vector<16xi32>
      %mul3A_2218 = arith.muli %get3A_2215, %mul3A_2217 : vector<16xi32>
      %mul3A_2219 = arith.constant 720 : i32
      %mul3A_2220 = vector.broadcast %mul3A_2219 : i32 to vector<16xi32>
      %mul3A_2221 = arith.muli %get3A_2209, %mul3A_2220 : vector<16xi32>
      %add3A_2222 = arith.addi %mul3A_2218, %mul3A_2221 : vector<16xi32>
      %add3A_2223 = arith.addi %add3A_2222, %get3A_2212 : vector<16xi32>
      %swap3A_2224 = arith.constant 176 : index
      %swap3A_2225 = tpu.vector_load %arg13[%swap3A_2224] {strides = array<i32>} : memref<640xi32, #tpu.memory_space<vmem>>, vector<16xi32>,
      %swap3A_2226 = vector.shape_cast %swap3A_2225 : vector<16xi32> to vector<16xi32>
      %swap3A_2227 = vector.shape_cast %add3A_2223 : vector<16xi32> to vector<16xi32>
      tpu.vector_store %arg13[%swap3A_2224], %swap3A_2227 {strides = array<i32>} : memref<640xi32, #tpu.memory_space<vmem>>, vector<16xi32>,
      %get3A_2228 = arith.constant 192 : index
      %get3A_2229 = tpu.vector_load %arg7[%get3A_2228] {strides = array<i32>} : memref<640xi32, #tpu.memory_space<vmem>>, vector<16xi32>,
      %get3A_2230 = vector.shape_cast %get3A_2229 : vector<16xi32> to vector<16xi32>
      %get3A_2231 = arith.constant 192 : index
      %get3A_2232 = tpu.vector_load %arg8[%get3A_2231] {strides = array<i32>} : memref<640xi32, #tpu.memory_space<vmem>>, vector<16xi32>,
      %get3A_2233 = vector.shape_cast %get3A_2232 : vector<16xi32> to vector<16xi32>
      %get3A_2234 = arith.constant 192 : index
      %get3A_2235 = tpu.vector_load %arg9[%get3A_2234] {strides = array<i32>} : memref<640xi32, #tpu.memory_space<vmem>>, vector<16xi32>,
      %get3A_2236 = vector.shape_cast %get3A_2235 : vector<16xi32> to vector<16xi32>
      %mul3A_2237 = arith.constant 921600 : i32
      %mul3A_2238 = vector.broadcast %mul3A_2237 : i32 to vector<16xi32>
      %mul3A_2239 = arith.muli %get3A_2236, %mul3A_2238 : vector<16xi32>
      %mul3A_2240 = arith.constant 720 : i32
      %mul3A_2241 = vector.broadcast %mul3A_2240 : i32 to vector<16xi32>
      %mul3A_2242 = arith.muli %get3A_2230, %mul3A_2241 : vector<16xi32>
      %add3A_2243 = arith.addi %mul3A_2239, %mul3A_2242 : vector<16xi32>
      %add3A_2244 = arith.addi %add3A_2243, %get3A_2233 : vector<16xi32>
      %swap3A_2245 = arith.constant 192 : index
      %swap3A_2246 = tpu.vector_load %arg13[%swap3A_2245] {strides = array<i32>} : memref<640xi32, #tpu.memory_space<vmem>>, vector<16xi32>,
      %swap3A_2247 = vector.shape_cast %swap3A_2246 : vector<16xi32> to vector<16xi32>
      %swap3A_2248 = vector.shape_cast %add3A_2244 : vector<16xi32> to vector<16xi32>
      tpu.vector_store %arg13[%swap3A_2245], %swap3A_2248 {strides = array<i32>} : memref<640xi32, #tpu.memory_space<vmem>>, vector<16xi32>,
      %get3A_2249 = arith.constant 208 : index
      %get3A_2250 = tpu.vector_load %arg7[%get3A_2249] {strides = array<i32>} : memref<640xi32, #tpu.memory_space<vmem>>, vector<16xi32>,
      %get3A_2251 = vector.shape_cast %get3A_2250 : vector<16xi32> to vector<16xi32>
      %get3A_2252 = arith.constant 208 : index
      %get3A_2253 = tpu.vector_load %arg8[%get3A_2252] {strides = array<i32>} : memref<640xi32, #tpu.memory_space<vmem>>, vector<16xi32>,
      %get3A_2254 = vector.shape_cast %get3A_2253 : vector<16xi32> to vector<16xi32>
      %get3A_2255 = arith.constant 208 : index
      %get3A_2256 = tpu.vector_load %arg9[%get3A_2255] {strides = array<i32>} : memref<640xi32, #tpu.memory_space<vmem>>, vector<16xi32>,
      %get3A_2257 = vector.shape_cast %get3A_2256 : vector<16xi32> to vector<16xi32>
      %mul3A_2258 = arith.constant 921600 : i32
      %mul3A_2259 = vector.broadcast %mul3A_2258 : i32 to vector<16xi32>
      %mul3A_2260 = arith.muli %get3A_2257, %mul3A_2259 : vector<16xi32>
      %mul3A_2261 = arith.constant 720 : i32
      %mul3A_2262 = vector.broadcast %mul3A_2261 : i32 to vector<16xi32>
      %mul3A_2263 = arith.muli %get3A_2251, %mul3A_2262 : vector<16xi32>
      %add3A_2264 = arith.addi %mul3A_2260, %mul3A_2263 : vector<16xi32>
      %add3A_2265 = arith.addi %add3A_2264, %get3A_2254 : vector<16xi32>
      %swap3A_2266 = arith.constant 208 : index
      %swap3A_2267 = tpu.vector_load %arg13[%swap3A_2266] {strides = array<i32>} : memref<640xi32, #tpu.memory_space<vmem>>, vector<16xi32>,
      %swap3A_2268 = vector.shape_cast %swap3A_2267 : vector<16xi32> to vector<16xi32>
      %swap3A_2269 = vector.shape_cast %add3A_2265 : vector<16xi32> to vector<16xi32>
      tpu.vector_store %arg13[%swap3A_2266], %swap3A_2269 {strides = array<i32>} : memref<640xi32, #tpu.memory_space<vmem>>, vector<16xi32>,
      %get3A_2270 = arith.constant 224 : index
      %get3A_2271 = tpu.vector_load %arg7[%get3A_2270] {strides = array<i32>} : memref<640xi32, #tpu.memory_space<vmem>>, vector<16xi32>,
      %get3A_2272 = vector.shape_cast %get3A_2271 : vector<16xi32> to vector<16xi32>
      %get3A_2273 = arith.constant 224 : index
      %get3A_2274 = tpu.vector_load %arg8[%get3A_2273] {strides = array<i32>} : memref<640xi32, #tpu.memory_space<vmem>>, vector<16xi32>,
      %get3A_2275 = vector.shape_cast %get3A_2274 : vector<16xi32> to vector<16xi32>
      %get3A_2276 = arith.constant 224 : index
      %get3A_2277 = tpu.vector_load %arg9[%get3A_2276] {strides = array<i32>} : memref<640xi32, #tpu.memory_space<vmem>>, vector<16xi32>,
      %get3A_2278 = vector.shape_cast %get3A_2277 : vector<16xi32> to vector<16xi32>
      %mul3A_2279 = arith.constant 921600 : i32
      %mul3A_2280 = vector.broadcast %mul3A_2279 : i32 to vector<16xi32>
      %mul3A_2281 = arith.muli %get3A_2278, %mul3A_2280 : vector<16xi32>
      %mul3A_2282 = arith.constant 720 : i32
      %mul3A_2283 = vector.broadcast %mul3A_2282 : i32 to vector<16xi32>
      %mul3A_2284 = arith.muli %get3A_2272, %mul3A_2283 : vector<16xi32>
      %add3A_2285 = arith.addi %mul3A_2281, %mul3A_2284 : vector<16xi32>
      %add3A_2286 = arith.addi %add3A_2285, %get3A_2275 : vector<16xi32>
      %swap3A_2287 = arith.constant 224 : index
      %swap3A_2288 = tpu.vector_load %arg13[%swap3A_2287] {strides = array<i32>} : memref<640xi32, #tpu.memory_space<vmem>>, vector<16xi32>,
      %swap3A_2289 = vector.shape_cast %swap3A_2288 : vector<16xi32> to vector<16xi32>
      %swap3A_2290 = vector.shape_cast %add3A_2286 : vector<16xi32> to vector<16xi32>
      tpu.vector_store %arg13[%swap3A_2287], %swap3A_2290 {strides = array<i32>} : memref<640xi32, #tpu.memory_space<vmem>>, vector<16xi32>,
      %get3A_2291 = arith.constant 240 : index
      %get3A_2292 = tpu.vector_load %arg7[%get3A_2291] {strides = array<i32>} : memref<640xi32, #tpu.memory_space<vmem>>, vector<16xi32>,
      %get3A_2293 = vector.shape_cast %get3A_2292 : vector<16xi32> to vector<16xi32>
      %get3A_2294 = arith.constant 240 : index
      %get3A_2295 = tpu.vector_load %arg8[%get3A_2294] {strides = array<i32>} : memref<640xi32, #tpu.memory_space<vmem>>, vector<16xi32>,
      %get3A_2296 = vector.shape_cast %get3A_2295 : vector<16xi32> to vector<16xi32>
      %get3A_2297 = arith.constant 240 : index
      %get3A_2298 = tpu.vector_load %arg9[%get3A_2297] {strides = array<i32>} : memref<640xi32, #tpu.memory_space<vmem>>, vector<16xi32>,
      %get3A_2299 = vector.shape_cast %get3A_2298 : vector<16xi32> to vector<16xi32>
      %mul3A_2300 = arith.constant 921600 : i32
      %mul3A_2301 = vector.broadcast %mul3A_2300 : i32 to vector<16xi32>
      %mul3A_2302 = arith.muli %get3A_2299, %mul3A_2301 : vector<16xi32>
      %mul3A_2303 = arith.constant 720 : i32
      %mul3A_2304 = vector.broadcast %mul3A_2303 : i32 to vector<16xi32>
      %mul3A_2305 = arith.muli %get3A_2293, %mul3A_2304 : vector<16xi32>
      %add3A_2306 = arith.addi %mul3A_2302, %mul3A_2305 : vector<16xi32>
      %add3A_2307 = arith.addi %add3A_2306, %get3A_2296 : vector<16xi32>
      %swap3A_2308 = arith.constant 240 : index
      %swap3A_2309 = tpu.vector_load %arg13[%swap3A_2308] {strides = array<i32>} : memref<640xi32, #tpu.memory_space<vmem>>, vector<16xi32>,
      %swap3A_2310 = vector.shape_cast %swap3A_2309 : vector<16xi32> to vector<16xi32>
      %swap3A_2311 = vector.shape_cast %add3A_2307 : vector<16xi32> to vector<16xi32>
      tpu.vector_store %arg13[%swap3A_2308], %swap3A_2311 {strides = array<i32>} : memref<640xi32, #tpu.memory_space<vmem>>, vector<16xi32>,
      %get3A_2312 = arith.constant 256 : index
      %get3A_2313 = tpu.vector_load %arg7[%get3A_2312] {strides = array<i32>} : memref<640xi32, #tpu.memory_space<vmem>>, vector<16xi32>,
      %get3A_2314 = vector.shape_cast %get3A_2313 : vector<16xi32> to vector<16xi32>
      %get3A_2315 = arith.constant 256 : index
      %get3A_2316 = tpu.vector_load %arg8[%get3A_2315] {strides = array<i32>} : memref<640xi32, #tpu.memory_space<vmem>>, vector<16xi32>,
      %get3A_2317 = vector.shape_cast %get3A_2316 : vector<16xi32> to vector<16xi32>
      %get3A_2318 = arith.constant 256 : index
      %get3A_2319 = tpu.vector_load %arg9[%get3A_2318] {strides = array<i32>} : memref<640xi32, #tpu.memory_space<vmem>>, vector<16xi32>,
      %get3A_2320 = vector.shape_cast %get3A_2319 : vector<16xi32> to vector<16xi32>
      %mul3A_2321 = arith.constant 921600 : i32
      %mul3A_2322 = vector.broadcast %mul3A_2321 : i32 to vector<16xi32>
      %mul3A_2323 = arith.muli %get3A_2320, %mul3A_2322 : vector<16xi32>
      %mul3A_2324 = arith.constant 720 : i32
      %mul3A_2325 = vector.broadcast %mul3A_2324 : i32 to vector<16xi32>
      %mul3A_2326 = arith.muli %get3A_2314, %mul3A_2325 : vector<16xi32>
      %add3A_2327 = arith.addi %mul3A_2323, %mul3A_2326 : vector<16xi32>
      %add3A_2328 = arith.addi %add3A_2327, %get3A_2317 : vector<16xi32>
      %swap3A_2329 = arith.constant 256 : index
      %swap3A_2330 = tpu.vector_load %arg13[%swap3A_2329] {strides = array<i32>} : memref<640xi32, #tpu.memory_space<vmem>>, vector<16xi32>,
      %swap3A_2331 = vector.shape_cast %swap3A_2330 : vector<16xi32> to vector<16xi32>
      %swap3A_2332 = vector.shape_cast %add3A_2328 : vector<16xi32> to vector<16xi32>
      tpu.vector_store %arg13[%swap3A_2329], %swap3A_2332 {strides = array<i32>} : memref<640xi32, #tpu.memory_space<vmem>>, vector<16xi32>,
      %get3A_2333 = arith.constant 272 : index
      %get3A_2334 = tpu.vector_load %arg7[%get3A_2333] {strides = array<i32>} : memref<640xi32, #tpu.memory_space<vmem>>, vector<16xi32>,
      %get3A_2335 = vector.shape_cast %get3A_2334 : vector<16xi32> to vector<16xi32>
      %get3A_2336 = arith.constant 272 : index
      %get3A_2337 = tpu.vector_load %arg8[%get3A_2336] {strides = array<i32>} : memref<640xi32, #tpu.memory_space<vmem>>, vector<16xi32>,
      %get3A_2338 = vector.shape_cast %get3A_2337 : vector<16xi32> to vector<16xi32>
      %get3A_2339 = arith.constant 272 : index
      %get3A_2340 = tpu.vector_load %arg9[%get3A_2339] {strides = array<i32>} : memref<640xi32, #tpu.memory_space<vmem>>, vector<16xi32>,
      %get3A_2341 = vector.shape_cast %get3A_2340 : vector<16xi32> to vector<16xi32>
      %mul3A_2342 = arith.constant 921600 : i32
      %mul3A_2343 = vector.broadcast %mul3A_2342 : i32 to vector<16xi32>
      %mul3A_2344 = arith.muli %get3A_2341, %mul3A_2343 : vector<16xi32>
      %mul3A_2345 = arith.constant 720 : i32
      %mul3A_2346 = vector.broadcast %mul3A_2345 : i32 to vector<16xi32>
      %mul3A_2347 = arith.muli %get3A_2335, %mul3A_2346 : vector<16xi32>
      %add3A_2348 = arith.addi %mul3A_2344, %mul3A_2347 : vector<16xi32>
      %add3A_2349 = arith.addi %add3A_2348, %get3A_2338 : vector<16xi32>
      %swap3A_2350 = arith.constant 272 : index
      %swap3A_2351 = tpu.vector_load %arg13[%swap3A_2350] {strides = array<i32>} : memref<640xi32, #tpu.memory_space<vmem>>, vector<16xi32>,
      %swap3A_2352 = vector.shape_cast %swap3A_2351 : vector<16xi32> to vector<16xi32>
      %swap3A_2353 = vector.shape_cast %add3A_2349 : vector<16xi32> to vector<16xi32>
      tpu.vector_store %arg13[%swap3A_2350], %swap3A_2353 {strides = array<i32>} : memref<640xi32, #tpu.memory_space<vmem>>, vector<16xi32>,
      %get3A_2354 = arith.constant 288 : index
      %get3A_2355 = tpu.vector_load %arg7[%get3A_2354] {strides = array<i32>} : memref<640xi32, #tpu.memory_space<vmem>>, vector<16xi32>,
      %get3A_2356 = vector.shape_cast %get3A_2355 : vector<16xi32> to vector<16xi32>
      %get3A_2357 = arith.constant 288 : index
      %get3A_2358 = tpu.vector_load %arg8[%get3A_2357] {strides = array<i32>} : memref<640xi32, #tpu.memory_space<vmem>>, vector<16xi32>,
      %get3A_2359 = vector.shape_cast %get3A_2358 : vector<16xi32> to vector<16xi32>
      %get3A_2360 = arith.constant 288 : index
      %get3A_2361 = tpu.vector_load %arg9[%get3A_2360] {strides = array<i32>} : memref<640xi32, #tpu.memory_space<vmem>>, vector<16xi32>,
      %get3A_2362 = vector.shape_cast %get3A_2361 : vector<16xi32> to vector<16xi32>
      %mul3A_2363 = arith.constant 921600 : i32
      %mul3A_2364 = vector.broadcast %mul3A_2363 : i32 to vector<16xi32>
      %mul3A_2365 = arith.muli %get3A_2362, %mul3A_2364 : vector<16xi32>
      %mul3A_2366 = arith.constant 720 : i32
      %mul3A_2367 = vector.broadcast %mul3A_2366 : i32 to vector<16xi32>
      %mul3A_2368 = arith.muli %get3A_2356, %mul3A_2367 : vector<16xi32>
      %add3A_2369 = arith.addi %mul3A_2365, %mul3A_2368 : vector<16xi32>
      %add3A_2370 = arith.addi %add3A_2369, %get3A_2359 : vector<16xi32>
      %swap3A_2371 = arith.constant 288 : index
      %swap3A_2372 = tpu.vector_load %arg13[%swap3A_2371] {strides = array<i32>} : memref<640xi32, #tpu.memory_space<vmem>>, vector<16xi32>,
      %swap3A_2373 = vector.shape_cast %swap3A_2372 : vector<16xi32> to vector<16xi32>
      %swap3A_2374 = vector.shape_cast %add3A_2370 : vector<16xi32> to vector<16xi32>
      tpu.vector_store %arg13[%swap3A_2371], %swap3A_2374 {strides = array<i32>} : memref<640xi32, #tpu.memory_space<vmem>>, vector<16xi32>,
      %get3A_2375 = arith.constant 304 : index
      %get3A_2376 = tpu.vector_load %arg7[%get3A_2375] {strides = array<i32>} : memref<640xi32, #tpu.memory_space<vmem>>, vector<16xi32>,
      %get3A_2377 = vector.shape_cast %get3A_2376 : vector<16xi32> to vector<16xi32>
      %get3A_2378 = arith.constant 304 : index
      %get3A_2379 = tpu.vector_load %arg8[%get3A_2378] {strides = array<i32>} : memref<640xi32, #tpu.memory_space<vmem>>, vector<16xi32>,
      %get3A_2380 = vector.shape_cast %get3A_2379 : vector<16xi32> to vector<16xi32>
      %get3A_2381 = arith.constant 304 : index
      %get3A_2382 = tpu.vector_load %arg9[%get3A_2381] {strides = array<i32>} : memref<640xi32, #tpu.memory_space<vmem>>, vector<16xi32>,
      %get3A_2383 = vector.shape_cast %get3A_2382 : vector<16xi32> to vector<16xi32>
      %mul3A_2384 = arith.constant 921600 : i32
      %mul3A_2385 = vector.broadcast %mul3A_2384 : i32 to vector<16xi32>
      %mul3A_2386 = arith.muli %get3A_2383, %mul3A_2385 : vector<16xi32>
      %mul3A_2387 = arith.constant 720 : i32
      %mul3A_2388 = vector.broadcast %mul3A_2387 : i32 to vector<16xi32>
      %mul3A_2389 = arith.muli %get3A_2377, %mul3A_2388 : vector<16xi32>
      %add3A_2390 = arith.addi %mul3A_2386, %mul3A_2389 : vector<16xi32>
      %add3A_2391 = arith.addi %add3A_2390, %get3A_2380 : vector<16xi32>
      %swap3A_2392 = arith.constant 304 : index
      %swap3A_2393 = tpu.vector_load %arg13[%swap3A_2392] {strides = array<i32>} : memref<640xi32, #tpu.memory_space<vmem>>, vector<16xi32>,
      %swap3A_2394 = vector.shape_cast %swap3A_2393 : vector<16xi32> to vector<16xi32>
      %swap3A_2395 = vector.shape_cast %add3A_2391 : vector<16xi32> to vector<16xi32>
      tpu.vector_store %arg13[%swap3A_2392], %swap3A_2395 {strides = array<i32>} : memref<640xi32, #tpu.memory_space<vmem>>, vector<16xi32>,
      %get3A_2396 = arith.constant 320 : index
      %get3A_2397 = tpu.vector_load %arg7[%get3A_2396] {strides = array<i32>} : memref<640xi32, #tpu.memory_space<vmem>>, vector<16xi32>,
      %get3A_2398 = vector.shape_cast %get3A_2397 : vector<16xi32> to vector<16xi32>
      %get3A_2399 = arith.constant 320 : index
      %get3A_2400 = tpu.vector_load %arg8[%get3A_2399] {strides = array<i32>} : memref<640xi32, #tpu.memory_space<vmem>>, vector<16xi32>,
      %get3A_2401 = vector.shape_cast %get3A_2400 : vector<16xi32> to vector<16xi32>
      %get3A_2402 = arith.constant 320 : index
      %get3A_2403 = tpu.vector_load %arg9[%get3A_2402] {strides = array<i32>} : memref<640xi32, #tpu.memory_space<vmem>>, vector<16xi32>,
      %get3A_2404 = vector.shape_cast %get3A_2403 : vector<16xi32> to vector<16xi32>
      %mul3A_2405 = arith.constant 921600 : i32
      %mul3A_2406 = vector.broadcast %mul3A_2405 : i32 to vector<16xi32>
      %mul3A_2407 = arith.muli %get3A_2404, %mul3A_2406 : vector<16xi32>
      %mul3A_2408 = arith.constant 720 : i32
      %mul3A_2409 = vector.broadcast %mul3A_2408 : i32 to vector<16xi32>
      %mul3A_2410 = arith.muli %get3A_2398, %mul3A_2409 : vector<16xi32>
      %add3A_2411 = arith.addi %mul3A_2407, %mul3A_2410 : vector<16xi32>
      %add3A_2412 = arith.addi %add3A_2411, %get3A_2401 : vector<16xi32>
      %swap3A_2413 = arith.constant 320 : index
      %swap3A_2414 = tpu.vector_load %arg13[%swap3A_2413] {strides = array<i32>} : memref<640xi32, #tpu.memory_space<vmem>>, vector<16xi32>,
      %swap3A_2415 = vector.shape_cast %swap3A_2414 : vector<16xi32> to vector<16xi32>
      %swap3A_2416 = vector.shape_cast %add3A_2412 : vector<16xi32> to vector<16xi32>
      tpu.vector_store %arg13[%swap3A_2413], %swap3A_2416 {strides = array<i32>} : memref<640xi32, #tpu.memory_space<vmem>>, vector<16xi32>,
      %get3A_2417 = arith.constant 336 : index
      %get3A_2418 = tpu.vector_load %arg7[%get3A_2417] {strides = array<i32>} : memref<640xi32, #tpu.memory_space<vmem>>, vector<16xi32>,
      %get3A_2419 = vector.shape_cast %get3A_2418 : vector<16xi32> to vector<16xi32>
      %get3A_2420 = arith.constant 336 : index
      %get3A_2421 = tpu.vector_load %arg8[%get3A_2420] {strides = array<i32>} : memref<640xi32, #tpu.memory_space<vmem>>, vector<16xi32>,
      %get3A_2422 = vector.shape_cast %get3A_2421 : vector<16xi32> to vector<16xi32>
      %get3A_2423 = arith.constant 336 : index
      %get3A_2424 = tpu.vector_load %arg9[%get3A_2423] {strides = array<i32>} : memref<640xi32, #tpu.memory_space<vmem>>, vector<16xi32>,
      %get3A_2425 = vector.shape_cast %get3A_2424 : vector<16xi32> to vector<16xi32>
      %mul3A_2426 = arith.constant 921600 : i32
      %mul3A_2427 = vector.broadcast %mul3A_2426 : i32 to vector<16xi32>
      %mul3A_2428 = arith.muli %get3A_2425, %mul3A_2427 : vector<16xi32>
      %mul3A_2429 = arith.constant 720 : i32
      %mul3A_2430 = vector.broadcast %mul3A_2429 : i32 to vector<16xi32>
      %mul3A_2431 = arith.muli %get3A_2419, %mul3A_2430 : vector<16xi32>
      %add3A_2432 = arith.addi %mul3A_2428, %mul3A_2431 : vector<16xi32>
      %add3A_2433 = arith.addi %add3A_2432, %get3A_2422 : vector<16xi32>
      %swap3A_2434 = arith.constant 336 : index
      %swap3A_2435 = tpu.vector_load %arg13[%swap3A_2434] {strides = array<i32>} : memref<640xi32, #tpu.memory_space<vmem>>, vector<16xi32>,
      %swap3A_2436 = vector.shape_cast %swap3A_2435 : vector<16xi32> to vector<16xi32>
      %swap3A_2437 = vector.shape_cast %add3A_2433 : vector<16xi32> to vector<16xi32>
      tpu.vector_store %arg13[%swap3A_2434], %swap3A_2437 {strides = array<i32>} : memref<640xi32, #tpu.memory_space<vmem>>, vector<16xi32>,
      %get3A_2438 = arith.constant 352 : index
      %get3A_2439 = tpu.vector_load %arg7[%get3A_2438] {strides = array<i32>} : memref<640xi32, #tpu.memory_space<vmem>>, vector<16xi32>,
      %get3A_2440 = vector.shape_cast %get3A_2439 : vector<16xi32> to vector<16xi32>
      %get3A_2441 = arith.constant 352 : index
      %get3A_2442 = tpu.vector_load %arg8[%get3A_2441] {strides = array<i32>} : memref<640xi32, #tpu.memory_space<vmem>>, vector<16xi32>,
      %get3A_2443 = vector.shape_cast %get3A_2442 : vector<16xi32> to vector<16xi32>
      %get3A_2444 = arith.constant 352 : index
      %get3A_2445 = tpu.vector_load %arg9[%get3A_2444] {strides = array<i32>} : memref<640xi32, #tpu.memory_space<vmem>>, vector<16xi32>,
      %get3A_2446 = vector.shape_cast %get3A_2445 : vector<16xi32> to vector<16xi32>
      %mul3A_2447 = arith.constant 921600 : i32
      %mul3A_2448 = vector.broadcast %mul3A_2447 : i32 to vector<16xi32>
      %mul3A_2449 = arith.muli %get3A_2446, %mul3A_2448 : vector<16xi32>
      %mul3A_2450 = arith.constant 720 : i32
      %mul3A_2451 = vector.broadcast %mul3A_2450 : i32 to vector<16xi32>
      %mul3A_2452 = arith.muli %get3A_2440, %mul3A_2451 : vector<16xi32>
      %add3A_2453 = arith.addi %mul3A_2449, %mul3A_2452 : vector<16xi32>
      %add3A_2454 = arith.addi %add3A_2453, %get3A_2443 : vector<16xi32>
      %swap3A_2455 = arith.constant 352 : index
      %swap3A_2456 = tpu.vector_load %arg13[%swap3A_2455] {strides = array<i32>} : memref<640xi32, #tpu.memory_space<vmem>>, vector<16xi32>,
      %swap3A_2457 = vector.shape_cast %swap3A_2456 : vector<16xi32> to vector<16xi32>
      %swap3A_2458 = vector.shape_cast %add3A_2454 : vector<16xi32> to vector<16xi32>
      tpu.vector_store %arg13[%swap3A_2455], %swap3A_2458 {strides = array<i32>} : memref<640xi32, #tpu.memory_space<vmem>>, vector<16xi32>,
      %get3A_2459 = arith.constant 368 : index
      %get3A_2460 = tpu.vector_load %arg7[%get3A_2459] {strides = array<i32>} : memref<640xi32, #tpu.memory_space<vmem>>, vector<16xi32>,
      %get3A_2461 = vector.shape_cast %get3A_2460 : vector<16xi32> to vector<16xi32>
      %get3A_2462 = arith.constant 368 : index
      %get3A_2463 = tpu.vector_load %arg8[%get3A_2462] {strides = array<i32>} : memref<640xi32, #tpu.memory_space<vmem>>, vector<16xi32>,
      %get3A_2464 = vector.shape_cast %get3A_2463 : vector<16xi32> to vector<16xi32>
      %get3A_2465 = arith.constant 368 : index
      %get3A_2466 = tpu.vector_load %arg9[%get3A_2465] {strides = array<i32>} : memref<640xi32, #tpu.memory_space<vmem>>, vector<16xi32>,
      %get3A_2467 = vector.shape_cast %get3A_2466 : vector<16xi32> to vector<16xi32>
      %mul3A_2468 = arith.constant 921600 : i32
      %mul3A_2469 = vector.broadcast %mul3A_2468 : i32 to vector<16xi32>
      %mul3A_2470 = arith.muli %get3A_2467, %mul3A_2469 : vector<16xi32>
      %mul3A_2471 = arith.constant 720 : i32
      %mul3A_2472 = vector.broadcast %mul3A_2471 : i32 to vector<16xi32>
      %mul3A_2473 = arith.muli %get3A_2461, %mul3A_2472 : vector<16xi32>
      %add3A_2474 = arith.addi %mul3A_2470, %mul3A_2473 : vector<16xi32>
      %add3A_2475 = arith.addi %add3A_2474, %get3A_2464 : vector<16xi32>
      %swap3A_2476 = arith.constant 368 : index
      %swap3A_2477 = tpu.vector_load %arg13[%swap3A_2476] {strides = array<i32>} : memref<640xi32, #tpu.memory_space<vmem>>, vector<16xi32>,
      %swap3A_2478 = vector.shape_cast %swap3A_2477 : vector<16xi32> to vector<16xi32>
      %swap3A_2479 = vector.shape_cast %add3A_2475 : vector<16xi32> to vector<16xi32>
      tpu.vector_store %arg13[%swap3A_2476], %swap3A_2479 {strides = array<i32>} : memref<640xi32, #tpu.memory_space<vmem>>, vector<16xi32>,
      %get3A_2480 = arith.constant 384 : index
      %get3A_2481 = tpu.vector_load %arg7[%get3A_2480] {strides = array<i32>} : memref<640xi32, #tpu.memory_space<vmem>>, vector<16xi32>,
      %get3A_2482 = vector.shape_cast %get3A_2481 : vector<16xi32> to vector<16xi32>
      %get3A_2483 = arith.constant 384 : index
      %get3A_2484 = tpu.vector_load %arg8[%get3A_2483] {strides = array<i32>} : memref<640xi32, #tpu.memory_space<vmem>>, vector<16xi32>,
      %get3A_2485 = vector.shape_cast %get3A_2484 : vector<16xi32> to vector<16xi32>
      %get3A_2486 = arith.constant 384 : index
      %get3A_2487 = tpu.vector_load %arg9[%get3A_2486] {strides = array<i32>} : memref<640xi32, #tpu.memory_space<vmem>>, vector<16xi32>,
      %get3A_2488 = vector.shape_cast %get3A_2487 : vector<16xi32> to vector<16xi32>
      %mul3A_2489 = arith.constant 921600 : i32
      %mul3A_2490 = vector.broadcast %mul3A_2489 : i32 to vector<16xi32>
      %mul3A_2491 = arith.muli %get3A_2488, %mul3A_2490 : vector<16xi32>
      %mul3A_2492 = arith.constant 720 : i32
      %mul3A_2493 = vector.broadcast %mul3A_2492 : i32 to vector<16xi32>
      %mul3A_2494 = arith.muli %get3A_2482, %mul3A_2493 : vector<16xi32>
      %add3A_2495 = arith.addi %mul3A_2491, %mul3A_2494 : vector<16xi32>
      %add3A_2496 = arith.addi %add3A_2495, %get3A_2485 : vector<16xi32>
      %swap3A_2497 = arith.constant 384 : index
      %swap3A_2498 = tpu.vector_load %arg13[%swap3A_2497] {strides = array<i32>} : memref<640xi32, #tpu.memory_space<vmem>>, vector<16xi32>,
      %swap3A_2499 = vector.shape_cast %swap3A_2498 : vector<16xi32> to vector<16xi32>
      %swap3A_2500 = vector.shape_cast %add3A_2496 : vector<16xi32> to vector<16xi32>
      tpu.vector_store %arg13[%swap3A_2497], %swap3A_2500 {strides = array<i32>} : memref<640xi32, #tpu.memory_space<vmem>>, vector<16xi32>,
      %get3A_2501 = arith.constant 400 : index
      %get3A_2502 = tpu.vector_load %arg7[%get3A_2501] {strides = array<i32>} : memref<640xi32, #tpu.memory_space<vmem>>, vector<16xi32>,
      %get3A_2503 = vector.shape_cast %get3A_2502 : vector<16xi32> to vector<16xi32>
      %get3A_2504 = arith.constant 400 : index
      %get3A_2505 = tpu.vector_load %arg8[%get3A_2504] {strides = array<i32>} : memref<640xi32, #tpu.memory_space<vmem>>, vector<16xi32>,
      %get3A_2506 = vector.shape_cast %get3A_2505 : vector<16xi32> to vector<16xi32>
      %get3A_2507 = arith.constant 400 : index
      %get3A_2508 = tpu.vector_load %arg9[%get3A_2507] {strides = array<i32>} : memref<640xi32, #tpu.memory_space<vmem>>, vector<16xi32>,
      %get3A_2509 = vector.shape_cast %get3A_2508 : vector<16xi32> to vector<16xi32>
      %mul3A_2510 = arith.constant 921600 : i32
      %mul3A_2511 = vector.broadcast %mul3A_2510 : i32 to vector<16xi32>
      %mul3A_2512 = arith.muli %get3A_2509, %mul3A_2511 : vector<16xi32>
      %mul3A_2513 = arith.constant 720 : i32
      %mul3A_2514 = vector.broadcast %mul3A_2513 : i32 to vector<16xi32>
      %mul3A_2515 = arith.muli %get3A_2503, %mul3A_2514 : vector<16xi32>
      %add3A_2516 = arith.addi %mul3A_2512, %mul3A_2515 : vector<16xi32>
      %add3A_2517 = arith.addi %add3A_2516, %get3A_2506 : vector<16xi32>
      %swap3A_2518 = arith.constant 400 : index
      %swap3A_2519 = tpu.vector_load %arg13[%swap3A_2518] {strides = array<i32>} : memref<640xi32, #tpu.memory_space<vmem>>, vector<16xi32>,
      %swap3A_2520 = vector.shape_cast %swap3A_2519 : vector<16xi32> to vector<16xi32>
      %swap3A_2521 = vector.shape_cast %add3A_2517 : vector<16xi32> to vector<16xi32>
      tpu.vector_store %arg13[%swap3A_2518], %swap3A_2521 {strides = array<i32>} : memref<640xi32, #tpu.memory_space<vmem>>, vector<16xi32>,
      %get3A_2522 = arith.constant 416 : index
      %get3A_2523 = tpu.vector_load %arg7[%get3A_2522] {strides = array<i32>} : memref<640xi32, #tpu.memory_space<vmem>>, vector<16xi32>,
      %get3A_2524 = vector.shape_cast %get3A_2523 : vector<16xi32> to vector<16xi32>
      %get3A_2525 = arith.constant 416 : index
      %get3A_2526 = tpu.vector_load %arg8[%get3A_2525] {strides = array<i32>} : memref<640xi32, #tpu.memory_space<vmem>>, vector<16xi32>,
      %get3A_2527 = vector.shape_cast %get3A_2526 : vector<16xi32> to vector<16xi32>
      %get3A_2528 = arith.constant 416 : index
      %get3A_2529 = tpu.vector_load %arg9[%get3A_2528] {strides = array<i32>} : memref<640xi32, #tpu.memory_space<vmem>>, vector<16xi32>,
      %get3A_2530 = vector.shape_cast %get3A_2529 : vector<16xi32> to vector<16xi32>
      %mul3A_2531 = arith.constant 921600 : i32
      %mul3A_2532 = vector.broadcast %mul3A_2531 : i32 to vector<16xi32>
      %mul3A_2533 = arith.muli %get3A_2530, %mul3A_2532 : vector<16xi32>
      %mul3A_2534 = arith.constant 720 : i32
      %mul3A_2535 = vector.broadcast %mul3A_2534 : i32 to vector<16xi32>
      %mul3A_2536 = arith.muli %get3A_2524, %mul3A_2535 : vector<16xi32>
      %add3A_2537 = arith.addi %mul3A_2533, %mul3A_2536 : vector<16xi32>
      %add3A_2538 = arith.addi %add3A_2537, %get3A_2527 : vector<16xi32>
      %swap3A_2539 = arith.constant 416 : index
      %swap3A_2540 = tpu.vector_load %arg13[%swap3A_2539] {strides = array<i32>} : memref<640xi32, #tpu.memory_space<vmem>>, vector<16xi32>,
      %swap3A_2541 = vector.shape_cast %swap3A_2540 : vector<16xi32> to vector<16xi32>
      %swap3A_2542 = vector.shape_cast %add3A_2538 : vector<16xi32> to vector<16xi32>
      tpu.vector_store %arg13[%swap3A_2539], %swap3A_2542 {strides = array<i32>} : memref<640xi32, #tpu.memory_space<vmem>>, vector<16xi32>,
      %get3A_2543 = arith.constant 432 : index
      %get3A_2544 = tpu.vector_load %arg7[%get3A_2543] {strides = array<i32>} : memref<640xi32, #tpu.memory_space<vmem>>, vector<16xi32>,
      %get3A_2545 = vector.shape_cast %get3A_2544 : vector<16xi32> to vector<16xi32>
      %get3A_2546 = arith.constant 432 : index
      %get3A_2547 = tpu.vector_load %arg8[%get3A_2546] {strides = array<i32>} : memref<640xi32, #tpu.memory_space<vmem>>, vector<16xi32>,
      %get3A_2548 = vector.shape_cast %get3A_2547 : vector<16xi32> to vector<16xi32>
      %get3A_2549 = arith.constant 432 : index
      %get3A_2550 = tpu.vector_load %arg9[%get3A_2549] {strides = array<i32>} : memref<640xi32, #tpu.memory_space<vmem>>, vector<16xi32>,
      %get3A_2551 = vector.shape_cast %get3A_2550 : vector<16xi32> to vector<16xi32>
      %mul3A_2552 = arith.constant 921600 : i32
      %mul3A_2553 = vector.broadcast %mul3A_2552 : i32 to vector<16xi32>
      %mul3A_2554 = arith.muli %get3A_2551, %mul3A_2553 : vector<16xi32>
      %mul3A_2555 = arith.constant 720 : i32
      %mul3A_2556 = vector.broadcast %mul3A_2555 : i32 to vector<16xi32>
      %mul3A_2557 = arith.muli %get3A_2545, %mul3A_2556 : vector<16xi32>
      %add3A_2558 = arith.addi %mul3A_2554, %mul3A_2557 : vector<16xi32>
      %add3A_2559 = arith.addi %add3A_2558, %get3A_2548 : vector<16xi32>
      %swap3A_2560 = arith.constant 432 : index
      %swap3A_2561 = tpu.vector_load %arg13[%swap3A_2560] {strides = array<i32>} : memref<640xi32, #tpu.memory_space<vmem>>, vector<16xi32>,
      %swap3A_2562 = vector.shape_cast %swap3A_2561 : vector<16xi32> to vector<16xi32>
      %swap3A_2563 = vector.shape_cast %add3A_2559 : vector<16xi32> to vector<16xi32>
      tpu.vector_store %arg13[%swap3A_2560], %swap3A_2563 {strides = array<i32>} : memref<640xi32, #tpu.memory_space<vmem>>, vector<16xi32>,
      %get3A_2564 = arith.constant 448 : index
      %get3A_2565 = tpu.vector_load %arg7[%get3A_2564] {strides = array<i32>} : memref<640xi32, #tpu.memory_space<vmem>>, vector<16xi32>,
      %get3A_2566 = vector.shape_cast %get3A_2565 : vector<16xi32> to vector<16xi32>
      %get3A_2567 = arith.constant 448 : index
      %get3A_2568 = tpu.vector_load %arg8[%get3A_2567] {strides = array<i32>} : memref<640xi32, #tpu.memory_space<vmem>>, vector<16xi32>,
      %get3A_2569 = vector.shape_cast %get3A_2568 : vector<16xi32> to vector<16xi32>
      %get3A_2570 = arith.constant 448 : index
      %get3A_2571 = tpu.vector_load %arg9[%get3A_2570] {strides = array<i32>} : memref<640xi32, #tpu.memory_space<vmem>>, vector<16xi32>,
      %get3A_2572 = vector.shape_cast %get3A_2571 : vector<16xi32> to vector<16xi32>
      %mul3A_2573 = arith.constant 921600 : i32
      %mul3A_2574 = vector.broadcast %mul3A_2573 : i32 to vector<16xi32>
      %mul3A_2575 = arith.muli %get3A_2572, %mul3A_2574 : vector<16xi32>
      %mul3A_2576 = arith.constant 720 : i32
      %mul3A_2577 = vector.broadcast %mul3A_2576 : i32 to vector<16xi32>
      %mul3A_2578 = arith.muli %get3A_2566, %mul3A_2577 : vector<16xi32>
      %add3A_2579 = arith.addi %mul3A_2575, %mul3A_2578 : vector<16xi32>
      %add3A_2580 = arith.addi %add3A_2579, %get3A_2569 : vector<16xi32>
      %swap3A_2581 = arith.constant 448 : index
      %swap3A_2582 = tpu.vector_load %arg13[%swap3A_2581] {strides = array<i32>} : memref<640xi32, #tpu.memory_space<vmem>>, vector<16xi32>,
      %swap3A_2583 = vector.shape_cast %swap3A_2582 : vector<16xi32> to vector<16xi32>
      %swap3A_2584 = vector.shape_cast %add3A_2580 : vector<16xi32> to vector<16xi32>
      tpu.vector_store %arg13[%swap3A_2581], %swap3A_2584 {strides = array<i32>} : memref<640xi32, #tpu.memory_space<vmem>>, vector<16xi32>,
      %get3A_2585 = arith.constant 464 : index
      %get3A_2586 = tpu.vector_load %arg7[%get3A_2585] {strides = array<i32>} : memref<640xi32, #tpu.memory_space<vmem>>, vector<16xi32>,
      %get3A_2587 = vector.shape_cast %get3A_2586 : vector<16xi32> to vector<16xi32>
      %get3A_2588 = arith.constant 464 : index
      %get3A_2589 = tpu.vector_load %arg8[%get3A_2588] {strides = array<i32>} : memref<640xi32, #tpu.memory_space<vmem>>, vector<16xi32>,
      %get3A_2590 = vector.shape_cast %get3A_2589 : vector<16xi32> to vector<16xi32>
      %get3A_2591 = arith.constant 464 : index
      %get3A_2592 = tpu.vector_load %arg9[%get3A_2591] {strides = array<i32>} : memref<640xi32, #tpu.memory_space<vmem>>, vector<16xi32>,
      %get3A_2593 = vector.shape_cast %get3A_2592 : vector<16xi32> to vector<16xi32>
      %mul3A_2594 = arith.constant 921600 : i32
      %mul3A_2595 = vector.broadcast %mul3A_2594 : i32 to vector<16xi32>
      %mul3A_2596 = arith.muli %get3A_2593, %mul3A_2595 : vector<16xi32>
      %mul3A_2597 = arith.constant 720 : i32
      %mul3A_2598 = vector.broadcast %mul3A_2597 : i32 to vector<16xi32>
      %mul3A_2599 = arith.muli %get3A_2587, %mul3A_2598 : vector<16xi32>
      %add3A_2600 = arith.addi %mul3A_2596, %mul3A_2599 : vector<16xi32>
      %add3A_2601 = arith.addi %add3A_2600, %get3A_2590 : vector<16xi32>
      %swap3A_2602 = arith.constant 464 : index
      %swap3A_2603 = tpu.vector_load %arg13[%swap3A_2602] {strides = array<i32>} : memref<640xi32, #tpu.memory_space<vmem>>, vector<16xi32>,
      %swap3A_2604 = vector.shape_cast %swap3A_2603 : vector<16xi32> to vector<16xi32>
      %swap3A_2605 = vector.shape_cast %add3A_2601 : vector<16xi32> to vector<16xi32>
      tpu.vector_store %arg13[%swap3A_2602], %swap3A_2605 {strides = array<i32>} : memref<640xi32, #tpu.memory_space<vmem>>, vector<16xi32>,
      %get3A_2606 = arith.constant 480 : index
      %get3A_2607 = tpu.vector_load %arg7[%get3A_2606] {strides = array<i32>} : memref<640xi32, #tpu.memory_space<vmem>>, vector<16xi32>,
      %get3A_2608 = vector.shape_cast %get3A_2607 : vector<16xi32> to vector<16xi32>
      %get3A_2609 = arith.constant 480 : index
      %get3A_2610 = tpu.vector_load %arg8[%get3A_2609] {strides = array<i32>} : memref<640xi32, #tpu.memory_space<vmem>>, vector<16xi32>,
      %get3A_2611 = vector.shape_cast %get3A_2610 : vector<16xi32> to vector<16xi32>
      %get3A_2612 = arith.constant 480 : index
      %get3A_2613 = tpu.vector_load %arg9[%get3A_2612] {strides = array<i32>} : memref<640xi32, #tpu.memory_space<vmem>>, vector<16xi32>,
      %get3A_2614 = vector.shape_cast %get3A_2613 : vector<16xi32> to vector<16xi32>
      %mul3A_2615 = arith.constant 921600 : i32
      %mul3A_2616 = vector.broadcast %mul3A_2615 : i32 to vector<16xi32>
      %mul3A_2617 = arith.muli %get3A_2614, %mul3A_2616 : vector<16xi32>
      %mul3A_2618 = arith.constant 720 : i32
      %mul3A_2619 = vector.broadcast %mul3A_2618 : i32 to vector<16xi32>
      %mul3A_2620 = arith.muli %get3A_2608, %mul3A_2619 : vector<16xi32>
      %add3A_2621 = arith.addi %mul3A_2617, %mul3A_2620 : vector<16xi32>
      %add3A_2622 = arith.addi %add3A_2621, %get3A_2611 : vector<16xi32>
      %swap3A_2623 = arith.constant 480 : index
      %swap3A_2624 = tpu.vector_load %arg13[%swap3A_2623] {strides = array<i32>} : memref<640xi32, #tpu.memory_space<vmem>>, vector<16xi32>,
      %swap3A_2625 = vector.shape_cast %swap3A_2624 : vector<16xi32> to vector<16xi32>
      %swap3A_2626 = vector.shape_cast %add3A_2622 : vector<16xi32> to vector<16xi32>
      tpu.vector_store %arg13[%swap3A_2623], %swap3A_2626 {strides = array<i32>} : memref<640xi32, #tpu.memory_space<vmem>>, vector<16xi32>,
      %get3A_2627 = arith.constant 496 : index
      %get3A_2628 = tpu.vector_load %arg7[%get3A_2627] {strides = array<i32>} : memref<640xi32, #tpu.memory_space<vmem>>, vector<16xi32>,
      %get3A_2629 = vector.shape_cast %get3A_2628 : vector<16xi32> to vector<16xi32>
      %get3A_2630 = arith.constant 496 : index
      %get3A_2631 = tpu.vector_load %arg8[%get3A_2630] {strides = array<i32>} : memref<640xi32, #tpu.memory_space<vmem>>, vector<16xi32>,
      %get3A_2632 = vector.shape_cast %get3A_2631 : vector<16xi32> to vector<16xi32>
      %get3A_2633 = arith.constant 496 : index
      %get3A_2634 = tpu.vector_load %arg9[%get3A_2633] {strides = array<i32>} : memref<640xi32, #tpu.memory_space<vmem>>, vector<16xi32>,
      %get3A_2635 = vector.shape_cast %get3A_2634 : vector<16xi32> to vector<16xi32>
      %mul3A_2636 = arith.constant 921600 : i32
      %mul3A_2637 = vector.broadcast %mul3A_2636 : i32 to vector<16xi32>
      %mul3A_2638 = arith.muli %get3A_2635, %mul3A_2637 : vector<16xi32>
      %mul3A_2639 = arith.constant 720 : i32
      %mul3A_2640 = vector.broadcast %mul3A_2639 : i32 to vector<16xi32>
      %mul3A_2641 = arith.muli %get3A_2629, %mul3A_2640 : vector<16xi32>
      %add3A_2642 = arith.addi %mul3A_2638, %mul3A_2641 : vector<16xi32>
      %add3A_2643 = arith.addi %add3A_2642, %get3A_2632 : vector<16xi32>
      %swap3A_2644 = arith.constant 496 : index
      %swap3A_2645 = tpu.vector_load %arg13[%swap3A_2644] {strides = array<i32>} : memref<640xi32, #tpu.memory_space<vmem>>, vector<16xi32>,
      %swap3A_2646 = vector.shape_cast %swap3A_2645 : vector<16xi32> to vector<16xi32>
      %swap3A_2647 = vector.shape_cast %add3A_2643 : vector<16xi32> to vector<16xi32>
      tpu.vector_store %arg13[%swap3A_2644], %swap3A_2647 {strides = array<i32>} : memref<640xi32, #tpu.memory_space<vmem>>, vector<16xi32>,
      %get3A_2648 = arith.constant 512 : index
      %get3A_2649 = tpu.vector_load %arg7[%get3A_2648] {strides = array<i32>} : memref<640xi32, #tpu.memory_space<vmem>>, vector<16xi32>,
      %get3A_2650 = vector.shape_cast %get3A_2649 : vector<16xi32> to vector<16xi32>
      %get3A_2651 = arith.constant 512 : index
      %get3A_2652 = tpu.vector_load %arg8[%get3A_2651] {strides = array<i32>} : memref<640xi32, #tpu.memory_space<vmem>>, vector<16xi32>,
      %get3A_2653 = vector.shape_cast %get3A_2652 : vector<16xi32> to vector<16xi32>
      %get3A_2654 = arith.constant 512 : index
      %get3A_2655 = tpu.vector_load %arg9[%get3A_2654] {strides = array<i32>} : memref<640xi32, #tpu.memory_space<vmem>>, vector<16xi32>,
      %get3A_2656 = vector.shape_cast %get3A_2655 : vector<16xi32> to vector<16xi32>
      %mul3A_2657 = arith.constant 921600 : i32
      %mul3A_2658 = vector.broadcast %mul3A_2657 : i32 to vector<16xi32>
      %mul3A_2659 = arith.muli %get3A_2656, %mul3A_2658 : vector<16xi32>
      %mul3A_2660 = arith.constant 720 : i32
      %mul3A_2661 = vector.broadcast %mul3A_2660 : i32 to vector<16xi32>
      %mul3A_2662 = arith.muli %get3A_2650, %mul3A_2661 : vector<16xi32>
      %add3A_2663 = arith.addi %mul3A_2659, %mul3A_2662 : vector<16xi32>
      %add3A_2664 = arith.addi %add3A_2663, %get3A_2653 : vector<16xi32>
      %swap3A_2665 = arith.constant 512 : index
      %swap3A_2666 = tpu.vector_load %arg13[%swap3A_2665] {strides = array<i32>} : memref<640xi32, #tpu.memory_space<vmem>>, vector<16xi32>,
      %swap3A_2667 = vector.shape_cast %swap3A_2666 : vector<16xi32> to vector<16xi32>
      %swap3A_2668 = vector.shape_cast %add3A_2664 : vector<16xi32> to vector<16xi32>
      tpu.vector_store %arg13[%swap3A_2665], %swap3A_2668 {strides = array<i32>} : memref<640xi32, #tpu.memory_space<vmem>>, vector<16xi32>,
      %get3A_2669 = arith.constant 528 : index
      %get3A_2670 = tpu.vector_load %arg7[%get3A_2669] {strides = array<i32>} : memref<640xi32, #tpu.memory_space<vmem>>, vector<16xi32>,
      %get3A_2671 = vector.shape_cast %get3A_2670 : vector<16xi32> to vector<16xi32>
      %get3A_2672 = arith.constant 528 : index
      %get3A_2673 = tpu.vector_load %arg8[%get3A_2672] {strides = array<i32>} : memref<640xi32, #tpu.memory_space<vmem>>, vector<16xi32>,
      %get3A_2674 = vector.shape_cast %get3A_2673 : vector<16xi32> to vector<16xi32>
      %get3A_2675 = arith.constant 528 : index
      %get3A_2676 = tpu.vector_load %arg9[%get3A_2675] {strides = array<i32>} : memref<640xi32, #tpu.memory_space<vmem>>, vector<16xi32>,
      %get3A_2677 = vector.shape_cast %get3A_2676 : vector<16xi32> to vector<16xi32>
      %mul3A_2678 = arith.constant 921600 : i32
      %mul3A_2679 = vector.broadcast %mul3A_2678 : i32 to vector<16xi32>
      %mul3A_2680 = arith.muli %get3A_2677, %mul3A_2679 : vector<16xi32>
      %mul3A_2681 = arith.constant 720 : i32
      %mul3A_2682 = vector.broadcast %mul3A_2681 : i32 to vector<16xi32>
      %mul3A_2683 = arith.muli %get3A_2671, %mul3A_2682 : vector<16xi32>
      %add3A_2684 = arith.addi %mul3A_2680, %mul3A_2683 : vector<16xi32>
      %add3A_2685 = arith.addi %add3A_2684, %get3A_2674 : vector<16xi32>
      %swap3A_2686 = arith.constant 528 : index
      %swap3A_2687 = tpu.vector_load %arg13[%swap3A_2686] {strides = array<i32>} : memref<640xi32, #tpu.memory_space<vmem>>, vector<16xi32>,
      %swap3A_2688 = vector.shape_cast %swap3A_2687 : vector<16xi32> to vector<16xi32>
      %swap3A_2689 = vector.shape_cast %add3A_2685 : vector<16xi32> to vector<16xi32>
      tpu.vector_store %arg13[%swap3A_2686], %swap3A_2689 {strides = array<i32>} : memref<640xi32, #tpu.memory_space<vmem>>, vector<16xi32>,
      %get3A_2690 = arith.constant 544 : index
      %get3A_2691 = tpu.vector_load %arg7[%get3A_2690] {strides = array<i32>} : memref<640xi32, #tpu.memory_space<vmem>>, vector<16xi32>,
      %get3A_2692 = vector.shape_cast %get3A_2691 : vector<16xi32> to vector<16xi32>
      %get3A_2693 = arith.constant 544 : index
      %get3A_2694 = tpu.vector_load %arg8[%get3A_2693] {strides = array<i32>} : memref<640xi32, #tpu.memory_space<vmem>>, vector<16xi32>,
      %get3A_2695 = vector.shape_cast %get3A_2694 : vector<16xi32> to vector<16xi32>
      %get3A_2696 = arith.constant 544 : index
      %get3A_2697 = tpu.vector_load %arg9[%get3A_2696] {strides = array<i32>} : memref<640xi32, #tpu.memory_space<vmem>>, vector<16xi32>,
      %get3A_2698 = vector.shape_cast %get3A_2697 : vector<16xi32> to vector<16xi32>
      %mul3A_2699 = arith.constant 921600 : i32
      %mul3A_2700 = vector.broadcast %mul3A_2699 : i32 to vector<16xi32>
      %mul3A_2701 = arith.muli %get3A_2698, %mul3A_2700 : vector<16xi32>
      %mul3A_2702 = arith.constant 720 : i32
      %mul3A_2703 = vector.broadcast %mul3A_2702 : i32 to vector<16xi32>
      %mul3A_2704 = arith.muli %get3A_2692, %mul3A_2703 : vector<16xi32>
      %add3A_2705 = arith.addi %mul3A_2701, %mul3A_2704 : vector<16xi32>
      %add3A_2706 = arith.addi %add3A_2705, %get3A_2695 : vector<16xi32>
      %swap3A_2707 = arith.constant 544 : index
      %swap3A_2708 = tpu.vector_load %arg13[%swap3A_2707] {strides = array<i32>} : memref<640xi32, #tpu.memory_space<vmem>>, vector<16xi32>,
      %swap3A_2709 = vector.shape_cast %swap3A_2708 : vector<16xi32> to vector<16xi32>
      %swap3A_2710 = vector.shape_cast %add3A_2706 : vector<16xi32> to vector<16xi32>
      tpu.vector_store %arg13[%swap3A_2707], %swap3A_2710 {strides = array<i32>} : memref<640xi32, #tpu.memory_space<vmem>>, vector<16xi32>,
      %get3A_2711 = arith.constant 560 : index
      %get3A_2712 = tpu.vector_load %arg7[%get3A_2711] {strides = array<i32>} : memref<640xi32, #tpu.memory_space<vmem>>, vector<16xi32>,
      %get3A_2713 = vector.shape_cast %get3A_2712 : vector<16xi32> to vector<16xi32>
      %get3A_2714 = arith.constant 560 : index
      %get3A_2715 = tpu.vector_load %arg8[%get3A_2714] {strides = array<i32>} : memref<640xi32, #tpu.memory_space<vmem>>, vector<16xi32>,
      %get3A_2716 = vector.shape_cast %get3A_2715 : vector<16xi32> to vector<16xi32>
      %get3A_2717 = arith.constant 560 : index
      %get3A_2718 = tpu.vector_load %arg9[%get3A_2717] {strides = array<i32>} : memref<640xi32, #tpu.memory_space<vmem>>, vector<16xi32>,
      %get3A_2719 = vector.shape_cast %get3A_2718 : vector<16xi32> to vector<16xi32>
      %mul3A_2720 = arith.constant 921600 : i32
      %mul3A_2721 = vector.broadcast %mul3A_2720 : i32 to vector<16xi32>
      %mul3A_2722 = arith.muli %get3A_2719, %mul3A_2721 : vector<16xi32>
      %mul3A_2723 = arith.constant 720 : i32
      %mul3A_2724 = vector.broadcast %mul3A_2723 : i32 to vector<16xi32>
      %mul3A_2725 = arith.muli %get3A_2713, %mul3A_2724 : vector<16xi32>
      %add3A_2726 = arith.addi %mul3A_2722, %mul3A_2725 : vector<16xi32>
      %add3A_2727 = arith.addi %add3A_2726, %get3A_2716 : vector<16xi32>
      %swap3A_2728 = arith.constant 560 : index
      %swap3A_2729 = tpu.vector_load %arg13[%swap3A_2728] {strides = array<i32>} : memref<640xi32, #tpu.memory_space<vmem>>, vector<16xi32>,
      %swap3A_2730 = vector.shape_cast %swap3A_2729 : vector<16xi32> to vector<16xi32>
      %swap3A_2731 = vector.shape_cast %add3A_2727 : vector<16xi32> to vector<16xi32>
      tpu.vector_store %arg13[%swap3A_2728], %swap3A_2731 {strides = array<i32>} : memref<640xi32, #tpu.memory_space<vmem>>, vector<16xi32>,
      %get3A_2732 = arith.constant 576 : index
      %get3A_2733 = tpu.vector_load %arg7[%get3A_2732] {strides = array<i32>} : memref<640xi32, #tpu.memory_space<vmem>>, vector<16xi32>,
      %get3A_2734 = vector.shape_cast %get3A_2733 : vector<16xi32> to vector<16xi32>
      %get3A_2735 = arith.constant 576 : index
      %get3A_2736 = tpu.vector_load %arg8[%get3A_2735] {strides = array<i32>} : memref<640xi32, #tpu.memory_space<vmem>>, vector<16xi32>,
      %get3A_2737 = vector.shape_cast %get3A_2736 : vector<16xi32> to vector<16xi32>
      %get3A_2738 = arith.constant 576 : index
      %get3A_2739 = tpu.vector_load %arg9[%get3A_2738] {strides = array<i32>} : memref<640xi32, #tpu.memory_space<vmem>>, vector<16xi32>,
      %get3A_2740 = vector.shape_cast %get3A_2739 : vector<16xi32> to vector<16xi32>
      %mul3A_2741 = arith.constant 921600 : i32
      %mul3A_2742 = vector.broadcast %mul3A_2741 : i32 to vector<16xi32>
      %mul3A_2743 = arith.muli %get3A_2740, %mul3A_2742 : vector<16xi32>
      %mul3A_2744 = arith.constant 720 : i32
      %mul3A_2745 = vector.broadcast %mul3A_2744 : i32 to vector<16xi32>
      %mul3A_2746 = arith.muli %get3A_2734, %mul3A_2745 : vector<16xi32>
      %add3A_2747 = arith.addi %mul3A_2743, %mul3A_2746 : vector<16xi32>
      %add3A_2748 = arith.addi %add3A_2747, %get3A_2737 : vector<16xi32>
      %swap3A_2749 = arith.constant 576 : index
      %swap3A_2750 = tpu.vector_load %arg13[%swap3A_2749] {strides = array<i32>} : memref<640xi32, #tpu.memory_space<vmem>>, vector<16xi32>,
      %swap3A_2751 = vector.shape_cast %swap3A_2750 : vector<16xi32> to vector<16xi32>
      %swap3A_2752 = vector.shape_cast %add3A_2748 : vector<16xi32> to vector<16xi32>
      tpu.vector_store %arg13[%swap3A_2749], %swap3A_2752 {strides = array<i32>} : memref<640xi32, #tpu.memory_space<vmem>>, vector<16xi32>,
      %get3A_2753 = arith.constant 592 : index
      %get3A_2754 = tpu.vector_load %arg7[%get3A_2753] {strides = array<i32>} : memref<640xi32, #tpu.memory_space<vmem>>, vector<16xi32>,
      %get3A_2755 = vector.shape_cast %get3A_2754 : vector<16xi32> to vector<16xi32>
      %get3A_2756 = arith.constant 592 : index
      %get3A_2757 = tpu.vector_load %arg8[%get3A_2756] {strides = array<i32>} : memref<640xi32, #tpu.memory_space<vmem>>, vector<16xi32>,
      %get3A_2758 = vector.shape_cast %get3A_2757 : vector<16xi32> to vector<16xi32>
      %get3A_2759 = arith.constant 592 : index
      %get3A_2760 = tpu.vector_load %arg9[%get3A_2759] {strides = array<i32>} : memref<640xi32, #tpu.memory_space<vmem>>, vector<16xi32>,
      %get3A_2761 = vector.shape_cast %get3A_2760 : vector<16xi32> to vector<16xi32>
      %mul3A_2762 = arith.constant 921600 : i32
      %mul3A_2763 = vector.broadcast %mul3A_2762 : i32 to vector<16xi32>
      %mul3A_2764 = arith.muli %get3A_2761, %mul3A_2763 : vector<16xi32>
      %mul3A_2765 = arith.constant 720 : i32
      %mul3A_2766 = vector.broadcast %mul3A_2765 : i32 to vector<16xi32>
      %mul3A_2767 = arith.muli %get3A_2755, %mul3A_2766 : vector<16xi32>
      %add3A_2768 = arith.addi %mul3A_2764, %mul3A_2767 : vector<16xi32>
      %add3A_2769 = arith.addi %add3A_2768, %get3A_2758 : vector<16xi32>
      %swap3A_2770 = arith.constant 592 : index
      %swap3A_2771 = tpu.vector_load %arg13[%swap3A_2770] {strides = array<i32>} : memref<640xi32, #tpu.memory_space<vmem>>, vector<16xi32>,
      %swap3A_2772 = vector.shape_cast %swap3A_2771 : vector<16xi32> to vector<16xi32>
      %swap3A_2773 = vector.shape_cast %add3A_2769 : vector<16xi32> to vector<16xi32>
      tpu.vector_store %arg13[%swap3A_2770], %swap3A_2773 {strides = array<i32>} : memref<640xi32, #tpu.memory_space<vmem>>, vector<16xi32>,
      %get3A_2774 = arith.constant 608 : index
      %get3A_2775 = tpu.vector_load %arg7[%get3A_2774] {strides = array<i32>} : memref<640xi32, #tpu.memory_space<vmem>>, vector<16xi32>,
      %get3A_2776 = vector.shape_cast %get3A_2775 : vector<16xi32> to vector<16xi32>
      %get3A_2777 = arith.constant 608 : index
      %get3A_2778 = tpu.vector_load %arg8[%get3A_2777] {strides = array<i32>} : memref<640xi32, #tpu.memory_space<vmem>>, vector<16xi32>,
      %get3A_2779 = vector.shape_cast %get3A_2778 : vector<16xi32> to vector<16xi32>
      %get3A_2780 = arith.constant 608 : index
      %get3A_2781 = tpu.vector_load %arg9[%get3A_2780] {strides = array<i32>} : memref<640xi32, #tpu.memory_space<vmem>>, vector<16xi32>,
      %get3A_2782 = vector.shape_cast %get3A_2781 : vector<16xi32> to vector<16xi32>
      %mul3A_2783 = arith.constant 921600 : i32
      %mul3A_2784 = vector.broadcast %mul3A_2783 : i32 to vector<16xi32>
      %mul3A_2785 = arith.muli %get3A_2782, %mul3A_2784 : vector<16xi32>
      %mul3A_2786 = arith.constant 720 : i32
      %mul3A_2787 = vector.broadcast %mul3A_2786 : i32 to vector<16xi32>
      %mul3A_2788 = arith.muli %get3A_2776, %mul3A_2787 : vector<16xi32>
      %add3A_2789 = arith.addi %mul3A_2785, %mul3A_2788 : vector<16xi32>
      %add3A_2790 = arith.addi %add3A_2789, %get3A_2779 : vector<16xi32>
      %swap3A_2791 = arith.constant 608 : index
      %swap3A_2792 = tpu.vector_load %arg13[%swap3A_2791] {strides = array<i32>} : memref<640xi32, #tpu.memory_space<vmem>>, vector<16xi32>,
      %swap3A_2793 = vector.shape_cast %swap3A_2792 : vector<16xi32> to vector<16xi32>
      %swap3A_2794 = vector.shape_cast %add3A_2790 : vector<16xi32> to vector<16xi32>
      tpu.vector_store %arg13[%swap3A_2791], %swap3A_2794 {strides = array<i32>} : memref<640xi32, #tpu.memory_space<vmem>>, vector<16xi32>,
      %get3A_2795 = arith.constant 624 : index
      %get3A_2796 = tpu.vector_load %arg7[%get3A_2795] {strides = array<i32>} : memref<640xi32, #tpu.memory_space<vmem>>, vector<16xi32>,
      %get3A_2797 = vector.shape_cast %get3A_2796 : vector<16xi32> to vector<16xi32>
      %get3A_2798 = arith.constant 624 : index
      %get3A_2799 = tpu.vector_load %arg8[%get3A_2798] {strides = array<i32>} : memref<640xi32, #tpu.memory_space<vmem>>, vector<16xi32>,
      %get3A_2800 = vector.shape_cast %get3A_2799 : vector<16xi32> to vector<16xi32>
      %get3A_2801 = arith.constant 624 : index
      %get3A_2802 = tpu.vector_load %arg9[%get3A_2801] {strides = array<i32>} : memref<640xi32, #tpu.memory_space<vmem>>, vector<16xi32>,
      %get3A_2803 = vector.shape_cast %get3A_2802 : vector<16xi32> to vector<16xi32>
      %mul3A_2804 = arith.constant 921600 : i32
      %mul3A_2805 = vector.broadcast %mul3A_2804 : i32 to vector<16xi32>
      %mul3A_2806 = arith.muli %get3A_2803, %mul3A_2805 : vector<16xi32>
      %mul3A_2807 = arith.constant 720 : i32
      %mul3A_2808 = vector.broadcast %mul3A_2807 : i32 to vector<16xi32>
      %mul3A_2809 = arith.muli %get3A_2797, %mul3A_2808 : vector<16xi32>
      %add3A_2810 = arith.addi %mul3A_2806, %mul3A_2809 : vector<16xi32>
      %add3A_2811 = arith.addi %add3A_2810, %get3A_2800 : vector<16xi32>
      %swap3A_2812 = arith.constant 624 : index
      %swap3A_2813 = tpu.vector_load %arg13[%swap3A_2812] {strides = array<i32>} : memref<640xi32, #tpu.memory_space<vmem>>, vector<16xi32>,
      %swap3A_2814 = vector.shape_cast %swap3A_2813 : vector<16xi32> to vector<16xi32>
      %swap3A_2815 = vector.shape_cast %add3A_2811 : vector<16xi32> to vector<16xi32>
      tpu.vector_store %arg13[%swap3A_2812], %swap3A_2815 {strides = array<i32>} : memref<640xi32, #tpu.memory_space<vmem>>, vector<16xi32>,
      %dma_start3A_2816 = arith.constant 0 : i32
      %dma_start3A_2817 = tpu.memref_slice %arg6[%dma_start3A_2816] : memref<1843200xi32, #tpu.memory_space<vmem_shared>> -> memref<1843200xi32, #tpu.memory_space<vmem_shared>>
      tpu.enqueue_indirect_dma source(%arg15 : memref<640xi32, #tpu.memory_space<vmem>>) target(%dma_start3A_2817 : memref<1843200xi32, #tpu.memory_space<vmem_shared>>) offsets(%arg13 : memref<640xi32, #tpu.memory_space<vmem>>) semaphore(%arg19 : memref<!tpu.dma_semaphore, #tpu.memory_space<semaphore_mem>>)
      %add3A_2818 = arith.constant 2 : i32
      %add3A_2819 = arith.addi %mul3A_1957, %add3A_2818 : i32
      %mul3A_2820 = arith.constant 640 : i32
      %mul3A_2821 = arith.muli %add3A_2819, %mul3A_2820 : i32
      %add3A_2822 = arith.addi %mul3A_20, %mul3A_2821 : i32
      %min3A_2823 = arith.constant 1999360 : i32
      %min3A_2824 = arith.minsi %add3A_2822, %min3A_2823 : i32
      %dma_start3A_2825 = tpu.memref_slice %arg2[%min3A_2824] : memref<2000000xi32, #tpu.memory_space<hbm>> -> memref<640xi32, #tpu.memory_space<hbm>>
      %dma_start3A_2826 = tpu.memref_slice %arg2[%min3A_2824] : memref<2000000xi32, #tpu.memory_space<hbm>> -> memref<640xi32, #tpu.memory_space<hbm>>
      tpu.enqueue_dma source(%dma_start3A_2826 : memref<640xi32, #tpu.memory_space<hbm>>) target(%arg7 : memref<640xi32, #tpu.memory_space<vmem>>) target_semaphore(%arg17 : memref<!tpu.dma_semaphore, #tpu.memory_space<semaphore_mem>>)
      %dma_start3A_2827 = tpu.memref_slice %arg3[%min3A_2824] : memref<2000000xi32, #tpu.memory_space<hbm>> -> memref<640xi32, #tpu.memory_space<hbm>>
      %dma_start3A_2828 = tpu.memref_slice %arg3[%min3A_2824] : memref<2000000xi32, #tpu.memory_space<hbm>> -> memref<640xi32, #tpu.memory_space<hbm>>
      tpu.enqueue_dma source(%dma_start3A_2828 : memref<640xi32, #tpu.memory_space<hbm>>) target(%arg8 : memref<640xi32, #tpu.memory_space<vmem>>) target_semaphore(%arg17 : memref<!tpu.dma_semaphore, #tpu.memory_space<semaphore_mem>>)
      %dma_start3A_2829 = tpu.memref_slice %arg4[%min3A_2824] : memref<2000000xi32, #tpu.memory_space<hbm>> -> memref<640xi32, #tpu.memory_space<hbm>>
      %dma_start3A_2830 = tpu.memref_slice %arg4[%min3A_2824] : memref<2000000xi32, #tpu.memory_space<hbm>> -> memref<640xi32, #tpu.memory_space<hbm>>
      tpu.enqueue_dma source(%dma_start3A_2830 : memref<640xi32, #tpu.memory_space<hbm>>) target(%arg9 : memref<640xi32, #tpu.memory_space<vmem>>) target_semaphore(%arg17 : memref<!tpu.dma_semaphore, #tpu.memory_space<semaphore_mem>>)
      %add3A_2831 = arith.constant 1 : i32
      %add3A_2832 = arith.addi %mul3A_1957, %add3A_2831 : i32
      %eq3A_2833 = arith.constant 0 : i32
      %eq3A_2834 = arith.cmpi eq, %scan3A_1955, %eq3A_2833 : i32
      %dma_wait3A_2835 = arith.constant 0 : i32
      %dma_wait3A_2836 = tpu.memref_slice %arg2[%dma_wait3A_2835] : memref<2000000xi32, #tpu.memory_space<hbm>> -> memref<640xi32, #tpu.memory_space<hbm>>
      %dma_wait3A_2837 = arith.constant 0 : i32
      %dma_wait3A_2838 = tpu.memref_slice %arg2[%dma_wait3A_2837] : memref<2000000xi32, #tpu.memory_space<hbm>> -> memref<640xi32, #tpu.memory_space<hbm>>
      tpu.wait_dma2 semaphore(%arg18 : memref<!tpu.dma_semaphore, #tpu.memory_space<semaphore_mem>>) src(%dma_wait3A_2838 : memref<640xi32, #tpu.memory_space<hbm>>) dst(%arg10 : memref<640xi32, #tpu.memory_space<vmem>>)
      %dma_wait3A_2839 = arith.constant 0 : i32
      %dma_wait3A_2840 = tpu.memref_slice %arg2[%dma_wait3A_2839] : memref<2000000xi32, #tpu.memory_space<hbm>> -> memref<640xi32, #tpu.memory_space<hbm>>
      %dma_wait3A_2841 = arith.constant 0 : i32
      %dma_wait3A_2842 = tpu.memref_slice %arg2[%dma_wait3A_2841] : memref<2000000xi32, #tpu.memory_space<hbm>> -> memref<640xi32, #tpu.memory_space<hbm>>
      tpu.wait_dma2 semaphore(%arg18 : memref<!tpu.dma_semaphore, #tpu.memory_space<semaphore_mem>>) src(%dma_wait3A_2842 : memref<640xi32, #tpu.memory_space<hbm>>) dst(%arg11 : memref<640xi32, #tpu.memory_space<vmem>>)
      %dma_wait3A_2843 = arith.constant 0 : i32
      %dma_wait3A_2844 = tpu.memref_slice %arg2[%dma_wait3A_2843] : memref<2000000xi32, #tpu.memory_space<hbm>> -> memref<640xi32, #tpu.memory_space<hbm>>
      %dma_wait3A_2845 = arith.constant 0 : i32
      %dma_wait3A_2846 = tpu.memref_slice %arg2[%dma_wait3A_2845] : memref<2000000xi32, #tpu.memory_space<hbm>> -> memref<640xi32, #tpu.memory_space<hbm>>
      tpu.wait_dma2 semaphore(%arg18 : memref<!tpu.dma_semaphore, #tpu.memory_space<semaphore_mem>>) src(%dma_wait3A_2846 : memref<640xi32, #tpu.memory_space<hbm>>) dst(%arg12 : memref<640xi32, #tpu.memory_space<vmem>>)
      %not3A_2847 = arith.constant true
      %not3A_2848 = arith.xori %eq3A_2834, %not3A_2847 : i1
      %convert_element_type3A_2849 = arith.extui %not3A_2848 : i1 to i32
      %cond3A_2850 = arith.constant 0 : i32
      %cond3A_2851 = arith.cmpi ne, %convert_element_type3A_2849, %cond3A_2850 : i32
      scf.if %cond3A_2851 {
        %dma_wait3A_3707 = arith.constant 0 : i32
        %dma_wait3A_3708 = tpu.memref_slice %arg2[%dma_wait3A_3707] : memref<2000000xi32, #tpu.memory_space<hbm>> -> memref<640xi32, #tpu.memory_space<hbm>>
        %dma_wait3A_3709 = arith.constant 0 : i32
        %dma_wait3A_3710 = tpu.memref_slice %arg2[%dma_wait3A_3709] : memref<2000000xi32, #tpu.memory_space<hbm>> -> memref<640xi32, #tpu.memory_space<hbm>>
        tpu.wait_dma2 semaphore(%arg20 : memref<!tpu.dma_semaphore, #tpu.memory_space<semaphore_mem>>) src(%dma_wait3A_3710 : memref<640xi32, #tpu.memory_space<hbm>>) dst(%arg10 : memref<640xi32, #tpu.memory_space<vmem>>)
      } else {
      }
      %get3A_2852 = arith.constant 0 : index
      %get3A_2853 = tpu.vector_load %arg10[%get3A_2852] {strides = array<i32>} : memref<640xi32, #tpu.memory_space<vmem>>, vector<16xi32>,
      %get3A_2854 = vector.shape_cast %get3A_2853 : vector<16xi32> to vector<16xi32>
      %get3A_2855 = arith.constant 0 : index
      %get3A_2856 = tpu.vector_load %arg11[%get3A_2855] {strides = array<i32>} : memref<640xi32, #tpu.memory_space<vmem>>, vector<16xi32>,
      %get3A_2857 = vector.shape_cast %get3A_2856 : vector<16xi32> to vector<16xi32>
      %get3A_2858 = arith.constant 0 : index
      %get3A_2859 = tpu.vector_load %arg12[%get3A_2858] {strides = array<i32>} : memref<640xi32, #tpu.memory_space<vmem>>, vector<16xi32>,
      %get3A_2860 = vector.shape_cast %get3A_2859 : vector<16xi32> to vector<16xi32>
      %mul3A_2861 = arith.constant 921600 : i32
      %mul3A_2862 = vector.broadcast %mul3A_2861 : i32 to vector<16xi32>
      %mul3A_2863 = arith.muli %get3A_2860, %mul3A_2862 : vector<16xi32>
      %mul3A_2864 = arith.constant 720 : i32
      %mul3A_2865 = vector.broadcast %mul3A_2864 : i32 to vector<16xi32>
      %mul3A_2866 = arith.muli %get3A_2854, %mul3A_2865 : vector<16xi32>
      %add3A_2867 = arith.addi %mul3A_2863, %mul3A_2866 : vector<16xi32>
      %add3A_2868 = arith.addi %add3A_2867, %get3A_2857 : vector<16xi32>
      %swap3A_2869 = arith.constant 0 : index
      %swap3A_2870 = tpu.vector_load %arg14[%swap3A_2869] {strides = array<i32>} : memref<640xi32, #tpu.memory_space<vmem>>, vector<16xi32>,
      %swap3A_2871 = vector.shape_cast %swap3A_2870 : vector<16xi32> to vector<16xi32>
      %swap3A_2872 = vector.shape_cast %add3A_2868 : vector<16xi32> to vector<16xi32>
      tpu.vector_store %arg14[%swap3A_2869], %swap3A_2872 {strides = array<i32>} : memref<640xi32, #tpu.memory_space<vmem>>, vector<16xi32>,
      %get3A_2873 = arith.constant 16 : index
      %get3A_2874 = tpu.vector_load %arg10[%get3A_2873] {strides = array<i32>} : memref<640xi32, #tpu.memory_space<vmem>>, vector<16xi32>,
      %get3A_2875 = vector.shape_cast %get3A_2874 : vector<16xi32> to vector<16xi32>
      %get3A_2876 = arith.constant 16 : index
      %get3A_2877 = tpu.vector_load %arg11[%get3A_2876] {strides = array<i32>} : memref<640xi32, #tpu.memory_space<vmem>>, vector<16xi32>,
      %get3A_2878 = vector.shape_cast %get3A_2877 : vector<16xi32> to vector<16xi32>
      %get3A_2879 = arith.constant 16 : index
      %get3A_2880 = tpu.vector_load %arg12[%get3A_2879] {strides = array<i32>} : memref<640xi32, #tpu.memory_space<vmem>>, vector<16xi32>,
      %get3A_2881 = vector.shape_cast %get3A_2880 : vector<16xi32> to vector<16xi32>
      %mul3A_2882 = arith.constant 921600 : i32
      %mul3A_2883 = vector.broadcast %mul3A_2882 : i32 to vector<16xi32>
      %mul3A_2884 = arith.muli %get3A_2881, %mul3A_2883 : vector<16xi32>
      %mul3A_2885 = arith.constant 720 : i32
      %mul3A_2886 = vector.broadcast %mul3A_2885 : i32 to vector<16xi32>
      %mul3A_2887 = arith.muli %get3A_2875, %mul3A_2886 : vector<16xi32>
      %add3A_2888 = arith.addi %mul3A_2884, %mul3A_2887 : vector<16xi32>
      %add3A_2889 = arith.addi %add3A_2888, %get3A_2878 : vector<16xi32>
      %swap3A_2890 = arith.constant 16 : index
      %swap3A_2891 = tpu.vector_load %arg14[%swap3A_2890] {strides = array<i32>} : memref<640xi32, #tpu.memory_space<vmem>>, vector<16xi32>,
      %swap3A_2892 = vector.shape_cast %swap3A_2891 : vector<16xi32> to vector<16xi32>
      %swap3A_2893 = vector.shape_cast %add3A_2889 : vector<16xi32> to vector<16xi32>
      tpu.vector_store %arg14[%swap3A_2890], %swap3A_2893 {strides = array<i32>} : memref<640xi32, #tpu.memory_space<vmem>>, vector<16xi32>,
      %get3A_2894 = arith.constant 32 : index
      %get3A_2895 = tpu.vector_load %arg10[%get3A_2894] {strides = array<i32>} : memref<640xi32, #tpu.memory_space<vmem>>, vector<16xi32>,
      %get3A_2896 = vector.shape_cast %get3A_2895 : vector<16xi32> to vector<16xi32>
      %get3A_2897 = arith.constant 32 : index
      %get3A_2898 = tpu.vector_load %arg11[%get3A_2897] {strides = array<i32>} : memref<640xi32, #tpu.memory_space<vmem>>, vector<16xi32>,
      %get3A_2899 = vector.shape_cast %get3A_2898 : vector<16xi32> to vector<16xi32>
      %get3A_2900 = arith.constant 32 : index
      %get3A_2901 = tpu.vector_load %arg12[%get3A_2900] {strides = array<i32>} : memref<640xi32, #tpu.memory_space<vmem>>, vector<16xi32>,
      %get3A_2902 = vector.shape_cast %get3A_2901 : vector<16xi32> to vector<16xi32>
      %mul3A_2903 = arith.constant 921600 : i32
      %mul3A_2904 = vector.broadcast %mul3A_2903 : i32 to vector<16xi32>
      %mul3A_2905 = arith.muli %get3A_2902, %mul3A_2904 : vector<16xi32>
      %mul3A_2906 = arith.constant 720 : i32
      %mul3A_2907 = vector.broadcast %mul3A_2906 : i32 to vector<16xi32>
      %mul3A_2908 = arith.muli %get3A_2896, %mul3A_2907 : vector<16xi32>
      %add3A_2909 = arith.addi %mul3A_2905, %mul3A_2908 : vector<16xi32>
      %add3A_2910 = arith.addi %add3A_2909, %get3A_2899 : vector<16xi32>
      %swap3A_2911 = arith.constant 32 : index
      %swap3A_2912 = tpu.vector_load %arg14[%swap3A_2911] {strides = array<i32>} : memref<640xi32, #tpu.memory_space<vmem>>, vector<16xi32>,
      %swap3A_2913 = vector.shape_cast %swap3A_2912 : vector<16xi32> to vector<16xi32>
      %swap3A_2914 = vector.shape_cast %add3A_2910 : vector<16xi32> to vector<16xi32>
      tpu.vector_store %arg14[%swap3A_2911], %swap3A_2914 {strides = array<i32>} : memref<640xi32, #tpu.memory_space<vmem>>, vector<16xi32>,
      %get3A_2915 = arith.constant 48 : index
      %get3A_2916 = tpu.vector_load %arg10[%get3A_2915] {strides = array<i32>} : memref<640xi32, #tpu.memory_space<vmem>>, vector<16xi32>,
      %get3A_2917 = vector.shape_cast %get3A_2916 : vector<16xi32> to vector<16xi32>
      %get3A_2918 = arith.constant 48 : index
      %get3A_2919 = tpu.vector_load %arg11[%get3A_2918] {strides = array<i32>} : memref<640xi32, #tpu.memory_space<vmem>>, vector<16xi32>,
      %get3A_2920 = vector.shape_cast %get3A_2919 : vector<16xi32> to vector<16xi32>
      %get3A_2921 = arith.constant 48 : index
      %get3A_2922 = tpu.vector_load %arg12[%get3A_2921] {strides = array<i32>} : memref<640xi32, #tpu.memory_space<vmem>>, vector<16xi32>,
      %get3A_2923 = vector.shape_cast %get3A_2922 : vector<16xi32> to vector<16xi32>
      %mul3A_2924 = arith.constant 921600 : i32
      %mul3A_2925 = vector.broadcast %mul3A_2924 : i32 to vector<16xi32>
      %mul3A_2926 = arith.muli %get3A_2923, %mul3A_2925 : vector<16xi32>
      %mul3A_2927 = arith.constant 720 : i32
      %mul3A_2928 = vector.broadcast %mul3A_2927 : i32 to vector<16xi32>
      %mul3A_2929 = arith.muli %get3A_2917, %mul3A_2928 : vector<16xi32>
      %add3A_2930 = arith.addi %mul3A_2926, %mul3A_2929 : vector<16xi32>
      %add3A_2931 = arith.addi %add3A_2930, %get3A_2920 : vector<16xi32>
      %swap3A_2932 = arith.constant 48 : index
      %swap3A_2933 = tpu.vector_load %arg14[%swap3A_2932] {strides = array<i32>} : memref<640xi32, #tpu.memory_space<vmem>>, vector<16xi32>,
      %swap3A_2934 = vector.shape_cast %swap3A_2933 : vector<16xi32> to vector<16xi32>
      %swap3A_2935 = vector.shape_cast %add3A_2931 : vector<16xi32> to vector<16xi32>
      tpu.vector_store %arg14[%swap3A_2932], %swap3A_2935 {strides = array<i32>} : memref<640xi32, #tpu.memory_space<vmem>>, vector<16xi32>,
      %get3A_2936 = arith.constant 64 : index
      %get3A_2937 = tpu.vector_load %arg10[%get3A_2936] {strides = array<i32>} : memref<640xi32, #tpu.memory_space<vmem>>, vector<16xi32>,
      %get3A_2938 = vector.shape_cast %get3A_2937 : vector<16xi32> to vector<16xi32>
      %get3A_2939 = arith.constant 64 : index
      %get3A_2940 = tpu.vector_load %arg11[%get3A_2939] {strides = array<i32>} : memref<640xi32, #tpu.memory_space<vmem>>, vector<16xi32>,
      %get3A_2941 = vector.shape_cast %get3A_2940 : vector<16xi32> to vector<16xi32>
      %get3A_2942 = arith.constant 64 : index
      %get3A_2943 = tpu.vector_load %arg12[%get3A_2942] {strides = array<i32>} : memref<640xi32, #tpu.memory_space<vmem>>, vector<16xi32>,
      %get3A_2944 = vector.shape_cast %get3A_2943 : vector<16xi32> to vector<16xi32>
      %mul3A_2945 = arith.constant 921600 : i32
      %mul3A_2946 = vector.broadcast %mul3A_2945 : i32 to vector<16xi32>
      %mul3A_2947 = arith.muli %get3A_2944, %mul3A_2946 : vector<16xi32>
      %mul3A_2948 = arith.constant 720 : i32
      %mul3A_2949 = vector.broadcast %mul3A_2948 : i32 to vector<16xi32>
      %mul3A_2950 = arith.muli %get3A_2938, %mul3A_2949 : vector<16xi32>
      %add3A_2951 = arith.addi %mul3A_2947, %mul3A_2950 : vector<16xi32>
      %add3A_2952 = arith.addi %add3A_2951, %get3A_2941 : vector<16xi32>
      %swap3A_2953 = arith.constant 64 : index
      %swap3A_2954 = tpu.vector_load %arg14[%swap3A_2953] {strides = array<i32>} : memref<640xi32, #tpu.memory_space<vmem>>, vector<16xi32>,
      %swap3A_2955 = vector.shape_cast %swap3A_2954 : vector<16xi32> to vector<16xi32>
      %swap3A_2956 = vector.shape_cast %add3A_2952 : vector<16xi32> to vector<16xi32>
      tpu.vector_store %arg14[%swap3A_2953], %swap3A_2956 {strides = array<i32>} : memref<640xi32, #tpu.memory_space<vmem>>, vector<16xi32>,
      %get3A_2957 = arith.constant 80 : index
      %get3A_2958 = tpu.vector_load %arg10[%get3A_2957] {strides = array<i32>} : memref<640xi32, #tpu.memory_space<vmem>>, vector<16xi32>,
      %get3A_2959 = vector.shape_cast %get3A_2958 : vector<16xi32> to vector<16xi32>
      %get3A_2960 = arith.constant 80 : index
      %get3A_2961 = tpu.vector_load %arg11[%get3A_2960] {strides = array<i32>} : memref<640xi32, #tpu.memory_space<vmem>>, vector<16xi32>,
      %get3A_2962 = vector.shape_cast %get3A_2961 : vector<16xi32> to vector<16xi32>
      %get3A_2963 = arith.constant 80 : index
      %get3A_2964 = tpu.vector_load %arg12[%get3A_2963] {strides = array<i32>} : memref<640xi32, #tpu.memory_space<vmem>>, vector<16xi32>,
      %get3A_2965 = vector.shape_cast %get3A_2964 : vector<16xi32> to vector<16xi32>
      %mul3A_2966 = arith.constant 921600 : i32
      %mul3A_2967 = vector.broadcast %mul3A_2966 : i32 to vector<16xi32>
      %mul3A_2968 = arith.muli %get3A_2965, %mul3A_2967 : vector<16xi32>
      %mul3A_2969 = arith.constant 720 : i32
      %mul3A_2970 = vector.broadcast %mul3A_2969 : i32 to vector<16xi32>
      %mul3A_2971 = arith.muli %get3A_2959, %mul3A_2970 : vector<16xi32>
      %add3A_2972 = arith.addi %mul3A_2968, %mul3A_2971 : vector<16xi32>
      %add3A_2973 = arith.addi %add3A_2972, %get3A_2962 : vector<16xi32>
      %swap3A_2974 = arith.constant 80 : index
      %swap3A_2975 = tpu.vector_load %arg14[%swap3A_2974] {strides = array<i32>} : memref<640xi32, #tpu.memory_space<vmem>>, vector<16xi32>,
      %swap3A_2976 = vector.shape_cast %swap3A_2975 : vector<16xi32> to vector<16xi32>
      %swap3A_2977 = vector.shape_cast %add3A_2973 : vector<16xi32> to vector<16xi32>
      tpu.vector_store %arg14[%swap3A_2974], %swap3A_2977 {strides = array<i32>} : memref<640xi32, #tpu.memory_space<vmem>>, vector<16xi32>,
      %get3A_2978 = arith.constant 96 : index
      %get3A_2979 = tpu.vector_load %arg10[%get3A_2978] {strides = array<i32>} : memref<640xi32, #tpu.memory_space<vmem>>, vector<16xi32>,
      %get3A_2980 = vector.shape_cast %get3A_2979 : vector<16xi32> to vector<16xi32>
      %get3A_2981 = arith.constant 96 : index
      %get3A_2982 = tpu.vector_load %arg11[%get3A_2981] {strides = array<i32>} : memref<640xi32, #tpu.memory_space<vmem>>, vector<16xi32>,
      %get3A_2983 = vector.shape_cast %get3A_2982 : vector<16xi32> to vector<16xi32>
      %get3A_2984 = arith.constant 96 : index
      %get3A_2985 = tpu.vector_load %arg12[%get3A_2984] {strides = array<i32>} : memref<640xi32, #tpu.memory_space<vmem>>, vector<16xi32>,
      %get3A_2986 = vector.shape_cast %get3A_2985 : vector<16xi32> to vector<16xi32>
      %mul3A_2987 = arith.constant 921600 : i32
      %mul3A_2988 = vector.broadcast %mul3A_2987 : i32 to vector<16xi32>
      %mul3A_2989 = arith.muli %get3A_2986, %mul3A_2988 : vector<16xi32>
      %mul3A_2990 = arith.constant 720 : i32
      %mul3A_2991 = vector.broadcast %mul3A_2990 : i32 to vector<16xi32>
      %mul3A_2992 = arith.muli %get3A_2980, %mul3A_2991 : vector<16xi32>
      %add3A_2993 = arith.addi %mul3A_2989, %mul3A_2992 : vector<16xi32>
      %add3A_2994 = arith.addi %add3A_2993, %get3A_2983 : vector<16xi32>
      %swap3A_2995 = arith.constant 96 : index
      %swap3A_2996 = tpu.vector_load %arg14[%swap3A_2995] {strides = array<i32>} : memref<640xi32, #tpu.memory_space<vmem>>, vector<16xi32>,
      %swap3A_2997 = vector.shape_cast %swap3A_2996 : vector<16xi32> to vector<16xi32>
      %swap3A_2998 = vector.shape_cast %add3A_2994 : vector<16xi32> to vector<16xi32>
      tpu.vector_store %arg14[%swap3A_2995], %swap3A_2998 {strides = array<i32>} : memref<640xi32, #tpu.memory_space<vmem>>, vector<16xi32>,
      %get3A_2999 = arith.constant 112 : index
      %get3A_3000 = tpu.vector_load %arg10[%get3A_2999] {strides = array<i32>} : memref<640xi32, #tpu.memory_space<vmem>>, vector<16xi32>,
      %get3A_3001 = vector.shape_cast %get3A_3000 : vector<16xi32> to vector<16xi32>
      %get3A_3002 = arith.constant 112 : index
      %get3A_3003 = tpu.vector_load %arg11[%get3A_3002] {strides = array<i32>} : memref<640xi32, #tpu.memory_space<vmem>>, vector<16xi32>,
      %get3A_3004 = vector.shape_cast %get3A_3003 : vector<16xi32> to vector<16xi32>
      %get3A_3005 = arith.constant 112 : index
      %get3A_3006 = tpu.vector_load %arg12[%get3A_3005] {strides = array<i32>} : memref<640xi32, #tpu.memory_space<vmem>>, vector<16xi32>,
      %get3A_3007 = vector.shape_cast %get3A_3006 : vector<16xi32> to vector<16xi32>
      %mul3A_3008 = arith.constant 921600 : i32
      %mul3A_3009 = vector.broadcast %mul3A_3008 : i32 to vector<16xi32>
      %mul3A_3010 = arith.muli %get3A_3007, %mul3A_3009 : vector<16xi32>
      %mul3A_3011 = arith.constant 720 : i32
      %mul3A_3012 = vector.broadcast %mul3A_3011 : i32 to vector<16xi32>
      %mul3A_3013 = arith.muli %get3A_3001, %mul3A_3012 : vector<16xi32>
      %add3A_3014 = arith.addi %mul3A_3010, %mul3A_3013 : vector<16xi32>
      %add3A_3015 = arith.addi %add3A_3014, %get3A_3004 : vector<16xi32>
      %swap3A_3016 = arith.constant 112 : index
      %swap3A_3017 = tpu.vector_load %arg14[%swap3A_3016] {strides = array<i32>} : memref<640xi32, #tpu.memory_space<vmem>>, vector<16xi32>,
      %swap3A_3018 = vector.shape_cast %swap3A_3017 : vector<16xi32> to vector<16xi32>
      %swap3A_3019 = vector.shape_cast %add3A_3015 : vector<16xi32> to vector<16xi32>
      tpu.vector_store %arg14[%swap3A_3016], %swap3A_3019 {strides = array<i32>} : memref<640xi32, #tpu.memory_space<vmem>>, vector<16xi32>,
      %get3A_3020 = arith.constant 128 : index
      %get3A_3021 = tpu.vector_load %arg10[%get3A_3020] {strides = array<i32>} : memref<640xi32, #tpu.memory_space<vmem>>, vector<16xi32>,
      %get3A_3022 = vector.shape_cast %get3A_3021 : vector<16xi32> to vector<16xi32>
      %get3A_3023 = arith.constant 128 : index
      %get3A_3024 = tpu.vector_load %arg11[%get3A_3023] {strides = array<i32>} : memref<640xi32, #tpu.memory_space<vmem>>, vector<16xi32>,
      %get3A_3025 = vector.shape_cast %get3A_3024 : vector<16xi32> to vector<16xi32>
      %get3A_3026 = arith.constant 128 : index
      %get3A_3027 = tpu.vector_load %arg12[%get3A_3026] {strides = array<i32>} : memref<640xi32, #tpu.memory_space<vmem>>, vector<16xi32>,
      %get3A_3028 = vector.shape_cast %get3A_3027 : vector<16xi32> to vector<16xi32>
      %mul3A_3029 = arith.constant 921600 : i32
      %mul3A_3030 = vector.broadcast %mul3A_3029 : i32 to vector<16xi32>
      %mul3A_3031 = arith.muli %get3A_3028, %mul3A_3030 : vector<16xi32>
      %mul3A_3032 = arith.constant 720 : i32
      %mul3A_3033 = vector.broadcast %mul3A_3032 : i32 to vector<16xi32>
      %mul3A_3034 = arith.muli %get3A_3022, %mul3A_3033 : vector<16xi32>
      %add3A_3035 = arith.addi %mul3A_3031, %mul3A_3034 : vector<16xi32>
      %add3A_3036 = arith.addi %add3A_3035, %get3A_3025 : vector<16xi32>
      %swap3A_3037 = arith.constant 128 : index
      %swap3A_3038 = tpu.vector_load %arg14[%swap3A_3037] {strides = array<i32>} : memref<640xi32, #tpu.memory_space<vmem>>, vector<16xi32>,
      %swap3A_3039 = vector.shape_cast %swap3A_3038 : vector<16xi32> to vector<16xi32>
      %swap3A_3040 = vector.shape_cast %add3A_3036 : vector<16xi32> to vector<16xi32>
      tpu.vector_store %arg14[%swap3A_3037], %swap3A_3040 {strides = array<i32>} : memref<640xi32, #tpu.memory_space<vmem>>, vector<16xi32>,
      %get3A_3041 = arith.constant 144 : index
      %get3A_3042 = tpu.vector_load %arg10[%get3A_3041] {strides = array<i32>} : memref<640xi32, #tpu.memory_space<vmem>>, vector<16xi32>,
      %get3A_3043 = vector.shape_cast %get3A_3042 : vector<16xi32> to vector<16xi32>
      %get3A_3044 = arith.constant 144 : index
      %get3A_3045 = tpu.vector_load %arg11[%get3A_3044] {strides = array<i32>} : memref<640xi32, #tpu.memory_space<vmem>>, vector<16xi32>,
      %get3A_3046 = vector.shape_cast %get3A_3045 : vector<16xi32> to vector<16xi32>
      %get3A_3047 = arith.constant 144 : index
      %get3A_3048 = tpu.vector_load %arg12[%get3A_3047] {strides = array<i32>} : memref<640xi32, #tpu.memory_space<vmem>>, vector<16xi32>,
      %get3A_3049 = vector.shape_cast %get3A_3048 : vector<16xi32> to vector<16xi32>
      %mul3A_3050 = arith.constant 921600 : i32
      %mul3A_3051 = vector.broadcast %mul3A_3050 : i32 to vector<16xi32>
      %mul3A_3052 = arith.muli %get3A_3049, %mul3A_3051 : vector<16xi32>
      %mul3A_3053 = arith.constant 720 : i32
      %mul3A_3054 = vector.broadcast %mul3A_3053 : i32 to vector<16xi32>
      %mul3A_3055 = arith.muli %get3A_3043, %mul3A_3054 : vector<16xi32>
      %add3A_3056 = arith.addi %mul3A_3052, %mul3A_3055 : vector<16xi32>
      %add3A_3057 = arith.addi %add3A_3056, %get3A_3046 : vector<16xi32>
      %swap3A_3058 = arith.constant 144 : index
      %swap3A_3059 = tpu.vector_load %arg14[%swap3A_3058] {strides = array<i32>} : memref<640xi32, #tpu.memory_space<vmem>>, vector<16xi32>,
      %swap3A_3060 = vector.shape_cast %swap3A_3059 : vector<16xi32> to vector<16xi32>
      %swap3A_3061 = vector.shape_cast %add3A_3057 : vector<16xi32> to vector<16xi32>
      tpu.vector_store %arg14[%swap3A_3058], %swap3A_3061 {strides = array<i32>} : memref<640xi32, #tpu.memory_space<vmem>>, vector<16xi32>,
      %get3A_3062 = arith.constant 160 : index
      %get3A_3063 = tpu.vector_load %arg10[%get3A_3062] {strides = array<i32>} : memref<640xi32, #tpu.memory_space<vmem>>, vector<16xi32>,
      %get3A_3064 = vector.shape_cast %get3A_3063 : vector<16xi32> to vector<16xi32>
      %get3A_3065 = arith.constant 160 : index
      %get3A_3066 = tpu.vector_load %arg11[%get3A_3065] {strides = array<i32>} : memref<640xi32, #tpu.memory_space<vmem>>, vector<16xi32>,
      %get3A_3067 = vector.shape_cast %get3A_3066 : vector<16xi32> to vector<16xi32>
      %get3A_3068 = arith.constant 160 : index
      %get3A_3069 = tpu.vector_load %arg12[%get3A_3068] {strides = array<i32>} : memref<640xi32, #tpu.memory_space<vmem>>, vector<16xi32>,
      %get3A_3070 = vector.shape_cast %get3A_3069 : vector<16xi32> to vector<16xi32>
      %mul3A_3071 = arith.constant 921600 : i32
      %mul3A_3072 = vector.broadcast %mul3A_3071 : i32 to vector<16xi32>
      %mul3A_3073 = arith.muli %get3A_3070, %mul3A_3072 : vector<16xi32>
      %mul3A_3074 = arith.constant 720 : i32
      %mul3A_3075 = vector.broadcast %mul3A_3074 : i32 to vector<16xi32>
      %mul3A_3076 = arith.muli %get3A_3064, %mul3A_3075 : vector<16xi32>
      %add3A_3077 = arith.addi %mul3A_3073, %mul3A_3076 : vector<16xi32>
      %add3A_3078 = arith.addi %add3A_3077, %get3A_3067 : vector<16xi32>
      %swap3A_3079 = arith.constant 160 : index
      %swap3A_3080 = tpu.vector_load %arg14[%swap3A_3079] {strides = array<i32>} : memref<640xi32, #tpu.memory_space<vmem>>, vector<16xi32>,
      %swap3A_3081 = vector.shape_cast %swap3A_3080 : vector<16xi32> to vector<16xi32>
      %swap3A_3082 = vector.shape_cast %add3A_3078 : vector<16xi32> to vector<16xi32>
      tpu.vector_store %arg14[%swap3A_3079], %swap3A_3082 {strides = array<i32>} : memref<640xi32, #tpu.memory_space<vmem>>, vector<16xi32>,
      %get3A_3083 = arith.constant 176 : index
      %get3A_3084 = tpu.vector_load %arg10[%get3A_3083] {strides = array<i32>} : memref<640xi32, #tpu.memory_space<vmem>>, vector<16xi32>,
      %get3A_3085 = vector.shape_cast %get3A_3084 : vector<16xi32> to vector<16xi32>
      %get3A_3086 = arith.constant 176 : index
      %get3A_3087 = tpu.vector_load %arg11[%get3A_3086] {strides = array<i32>} : memref<640xi32, #tpu.memory_space<vmem>>, vector<16xi32>,
      %get3A_3088 = vector.shape_cast %get3A_3087 : vector<16xi32> to vector<16xi32>
      %get3A_3089 = arith.constant 176 : index
      %get3A_3090 = tpu.vector_load %arg12[%get3A_3089] {strides = array<i32>} : memref<640xi32, #tpu.memory_space<vmem>>, vector<16xi32>,
      %get3A_3091 = vector.shape_cast %get3A_3090 : vector<16xi32> to vector<16xi32>
      %mul3A_3092 = arith.constant 921600 : i32
      %mul3A_3093 = vector.broadcast %mul3A_3092 : i32 to vector<16xi32>
      %mul3A_3094 = arith.muli %get3A_3091, %mul3A_3093 : vector<16xi32>
      %mul3A_3095 = arith.constant 720 : i32
      %mul3A_3096 = vector.broadcast %mul3A_3095 : i32 to vector<16xi32>
      %mul3A_3097 = arith.muli %get3A_3085, %mul3A_3096 : vector<16xi32>
      %add3A_3098 = arith.addi %mul3A_3094, %mul3A_3097 : vector<16xi32>
      %add3A_3099 = arith.addi %add3A_3098, %get3A_3088 : vector<16xi32>
      %swap3A_3100 = arith.constant 176 : index
      %swap3A_3101 = tpu.vector_load %arg14[%swap3A_3100] {strides = array<i32>} : memref<640xi32, #tpu.memory_space<vmem>>, vector<16xi32>,
      %swap3A_3102 = vector.shape_cast %swap3A_3101 : vector<16xi32> to vector<16xi32>
      %swap3A_3103 = vector.shape_cast %add3A_3099 : vector<16xi32> to vector<16xi32>
      tpu.vector_store %arg14[%swap3A_3100], %swap3A_3103 {strides = array<i32>} : memref<640xi32, #tpu.memory_space<vmem>>, vector<16xi32>,
      %get3A_3104 = arith.constant 192 : index
      %get3A_3105 = tpu.vector_load %arg10[%get3A_3104] {strides = array<i32>} : memref<640xi32, #tpu.memory_space<vmem>>, vector<16xi32>,
      %get3A_3106 = vector.shape_cast %get3A_3105 : vector<16xi32> to vector<16xi32>
      %get3A_3107 = arith.constant 192 : index
      %get3A_3108 = tpu.vector_load %arg11[%get3A_3107] {strides = array<i32>} : memref<640xi32, #tpu.memory_space<vmem>>, vector<16xi32>,
      %get3A_3109 = vector.shape_cast %get3A_3108 : vector<16xi32> to vector<16xi32>
      %get3A_3110 = arith.constant 192 : index
      %get3A_3111 = tpu.vector_load %arg12[%get3A_3110] {strides = array<i32>} : memref<640xi32, #tpu.memory_space<vmem>>, vector<16xi32>,
      %get3A_3112 = vector.shape_cast %get3A_3111 : vector<16xi32> to vector<16xi32>
      %mul3A_3113 = arith.constant 921600 : i32
      %mul3A_3114 = vector.broadcast %mul3A_3113 : i32 to vector<16xi32>
      %mul3A_3115 = arith.muli %get3A_3112, %mul3A_3114 : vector<16xi32>
      %mul3A_3116 = arith.constant 720 : i32
      %mul3A_3117 = vector.broadcast %mul3A_3116 : i32 to vector<16xi32>
      %mul3A_3118 = arith.muli %get3A_3106, %mul3A_3117 : vector<16xi32>
      %add3A_3119 = arith.addi %mul3A_3115, %mul3A_3118 : vector<16xi32>
      %add3A_3120 = arith.addi %add3A_3119, %get3A_3109 : vector<16xi32>
      %swap3A_3121 = arith.constant 192 : index
      %swap3A_3122 = tpu.vector_load %arg14[%swap3A_3121] {strides = array<i32>} : memref<640xi32, #tpu.memory_space<vmem>>, vector<16xi32>,
      %swap3A_3123 = vector.shape_cast %swap3A_3122 : vector<16xi32> to vector<16xi32>
      %swap3A_3124 = vector.shape_cast %add3A_3120 : vector<16xi32> to vector<16xi32>
      tpu.vector_store %arg14[%swap3A_3121], %swap3A_3124 {strides = array<i32>} : memref<640xi32, #tpu.memory_space<vmem>>, vector<16xi32>,
      %get3A_3125 = arith.constant 208 : index
      %get3A_3126 = tpu.vector_load %arg10[%get3A_3125] {strides = array<i32>} : memref<640xi32, #tpu.memory_space<vmem>>, vector<16xi32>,
      %get3A_3127 = vector.shape_cast %get3A_3126 : vector<16xi32> to vector<16xi32>
      %get3A_3128 = arith.constant 208 : index
      %get3A_3129 = tpu.vector_load %arg11[%get3A_3128] {strides = array<i32>} : memref<640xi32, #tpu.memory_space<vmem>>, vector<16xi32>,
      %get3A_3130 = vector.shape_cast %get3A_3129 : vector<16xi32> to vector<16xi32>
      %get3A_3131 = arith.constant 208 : index
      %get3A_3132 = tpu.vector_load %arg12[%get3A_3131] {strides = array<i32>} : memref<640xi32, #tpu.memory_space<vmem>>, vector<16xi32>,
      %get3A_3133 = vector.shape_cast %get3A_3132 : vector<16xi32> to vector<16xi32>
      %mul3A_3134 = arith.constant 921600 : i32
      %mul3A_3135 = vector.broadcast %mul3A_3134 : i32 to vector<16xi32>
      %mul3A_3136 = arith.muli %get3A_3133, %mul3A_3135 : vector<16xi32>
      %mul3A_3137 = arith.constant 720 : i32
      %mul3A_3138 = vector.broadcast %mul3A_3137 : i32 to vector<16xi32>
      %mul3A_3139 = arith.muli %get3A_3127, %mul3A_3138 : vector<16xi32>
      %add3A_3140 = arith.addi %mul3A_3136, %mul3A_3139 : vector<16xi32>
      %add3A_3141 = arith.addi %add3A_3140, %get3A_3130 : vector<16xi32>
      %swap3A_3142 = arith.constant 208 : index
      %swap3A_3143 = tpu.vector_load %arg14[%swap3A_3142] {strides = array<i32>} : memref<640xi32, #tpu.memory_space<vmem>>, vector<16xi32>,
      %swap3A_3144 = vector.shape_cast %swap3A_3143 : vector<16xi32> to vector<16xi32>
      %swap3A_3145 = vector.shape_cast %add3A_3141 : vector<16xi32> to vector<16xi32>
      tpu.vector_store %arg14[%swap3A_3142], %swap3A_3145 {strides = array<i32>} : memref<640xi32, #tpu.memory_space<vmem>>, vector<16xi32>,
      %get3A_3146 = arith.constant 224 : index
      %get3A_3147 = tpu.vector_load %arg10[%get3A_3146] {strides = array<i32>} : memref<640xi32, #tpu.memory_space<vmem>>, vector<16xi32>,
      %get3A_3148 = vector.shape_cast %get3A_3147 : vector<16xi32> to vector<16xi32>
      %get3A_3149 = arith.constant 224 : index
      %get3A_3150 = tpu.vector_load %arg11[%get3A_3149] {strides = array<i32>} : memref<640xi32, #tpu.memory_space<vmem>>, vector<16xi32>,
      %get3A_3151 = vector.shape_cast %get3A_3150 : vector<16xi32> to vector<16xi32>
      %get3A_3152 = arith.constant 224 : index
      %get3A_3153 = tpu.vector_load %arg12[%get3A_3152] {strides = array<i32>} : memref<640xi32, #tpu.memory_space<vmem>>, vector<16xi32>,
      %get3A_3154 = vector.shape_cast %get3A_3153 : vector<16xi32> to vector<16xi32>
      %mul3A_3155 = arith.constant 921600 : i32
      %mul3A_3156 = vector.broadcast %mul3A_3155 : i32 to vector<16xi32>
      %mul3A_3157 = arith.muli %get3A_3154, %mul3A_3156 : vector<16xi32>
      %mul3A_3158 = arith.constant 720 : i32
      %mul3A_3159 = vector.broadcast %mul3A_3158 : i32 to vector<16xi32>
      %mul3A_3160 = arith.muli %get3A_3148, %mul3A_3159 : vector<16xi32>
      %add3A_3161 = arith.addi %mul3A_3157, %mul3A_3160 : vector<16xi32>
      %add3A_3162 = arith.addi %add3A_3161, %get3A_3151 : vector<16xi32>
      %swap3A_3163 = arith.constant 224 : index
      %swap3A_3164 = tpu.vector_load %arg14[%swap3A_3163] {strides = array<i32>} : memref<640xi32, #tpu.memory_space<vmem>>, vector<16xi32>,
      %swap3A_3165 = vector.shape_cast %swap3A_3164 : vector<16xi32> to vector<16xi32>
      %swap3A_3166 = vector.shape_cast %add3A_3162 : vector<16xi32> to vector<16xi32>
      tpu.vector_store %arg14[%swap3A_3163], %swap3A_3166 {strides = array<i32>} : memref<640xi32, #tpu.memory_space<vmem>>, vector<16xi32>,
      %get3A_3167 = arith.constant 240 : index
      %get3A_3168 = tpu.vector_load %arg10[%get3A_3167] {strides = array<i32>} : memref<640xi32, #tpu.memory_space<vmem>>, vector<16xi32>,
      %get3A_3169 = vector.shape_cast %get3A_3168 : vector<16xi32> to vector<16xi32>
      %get3A_3170 = arith.constant 240 : index
      %get3A_3171 = tpu.vector_load %arg11[%get3A_3170] {strides = array<i32>} : memref<640xi32, #tpu.memory_space<vmem>>, vector<16xi32>,
      %get3A_3172 = vector.shape_cast %get3A_3171 : vector<16xi32> to vector<16xi32>
      %get3A_3173 = arith.constant 240 : index
      %get3A_3174 = tpu.vector_load %arg12[%get3A_3173] {strides = array<i32>} : memref<640xi32, #tpu.memory_space<vmem>>, vector<16xi32>,
      %get3A_3175 = vector.shape_cast %get3A_3174 : vector<16xi32> to vector<16xi32>
      %mul3A_3176 = arith.constant 921600 : i32
      %mul3A_3177 = vector.broadcast %mul3A_3176 : i32 to vector<16xi32>
      %mul3A_3178 = arith.muli %get3A_3175, %mul3A_3177 : vector<16xi32>
      %mul3A_3179 = arith.constant 720 : i32
      %mul3A_3180 = vector.broadcast %mul3A_3179 : i32 to vector<16xi32>
      %mul3A_3181 = arith.muli %get3A_3169, %mul3A_3180 : vector<16xi32>
      %add3A_3182 = arith.addi %mul3A_3178, %mul3A_3181 : vector<16xi32>
      %add3A_3183 = arith.addi %add3A_3182, %get3A_3172 : vector<16xi32>
      %swap3A_3184 = arith.constant 240 : index
      %swap3A_3185 = tpu.vector_load %arg14[%swap3A_3184] {strides = array<i32>} : memref<640xi32, #tpu.memory_space<vmem>>, vector<16xi32>,
      %swap3A_3186 = vector.shape_cast %swap3A_3185 : vector<16xi32> to vector<16xi32>
      %swap3A_3187 = vector.shape_cast %add3A_3183 : vector<16xi32> to vector<16xi32>
      tpu.vector_store %arg14[%swap3A_3184], %swap3A_3187 {strides = array<i32>} : memref<640xi32, #tpu.memory_space<vmem>>, vector<16xi32>,
      %get3A_3188 = arith.constant 256 : index
      %get3A_3189 = tpu.vector_load %arg10[%get3A_3188] {strides = array<i32>} : memref<640xi32, #tpu.memory_space<vmem>>, vector<16xi32>,
      %get3A_3190 = vector.shape_cast %get3A_3189 : vector<16xi32> to vector<16xi32>
      %get3A_3191 = arith.constant 256 : index
      %get3A_3192 = tpu.vector_load %arg11[%get3A_3191] {strides = array<i32>} : memref<640xi32, #tpu.memory_space<vmem>>, vector<16xi32>,
      %get3A_3193 = vector.shape_cast %get3A_3192 : vector<16xi32> to vector<16xi32>
      %get3A_3194 = arith.constant 256 : index
      %get3A_3195 = tpu.vector_load %arg12[%get3A_3194] {strides = array<i32>} : memref<640xi32, #tpu.memory_space<vmem>>, vector<16xi32>,
      %get3A_3196 = vector.shape_cast %get3A_3195 : vector<16xi32> to vector<16xi32>
      %mul3A_3197 = arith.constant 921600 : i32
      %mul3A_3198 = vector.broadcast %mul3A_3197 : i32 to vector<16xi32>
      %mul3A_3199 = arith.muli %get3A_3196, %mul3A_3198 : vector<16xi32>
      %mul3A_3200 = arith.constant 720 : i32
      %mul3A_3201 = vector.broadcast %mul3A_3200 : i32 to vector<16xi32>
      %mul3A_3202 = arith.muli %get3A_3190, %mul3A_3201 : vector<16xi32>
      %add3A_3203 = arith.addi %mul3A_3199, %mul3A_3202 : vector<16xi32>
      %add3A_3204 = arith.addi %add3A_3203, %get3A_3193 : vector<16xi32>
      %swap3A_3205 = arith.constant 256 : index
      %swap3A_3206 = tpu.vector_load %arg14[%swap3A_3205] {strides = array<i32>} : memref<640xi32, #tpu.memory_space<vmem>>, vector<16xi32>,
      %swap3A_3207 = vector.shape_cast %swap3A_3206 : vector<16xi32> to vector<16xi32>
      %swap3A_3208 = vector.shape_cast %add3A_3204 : vector<16xi32> to vector<16xi32>
      tpu.vector_store %arg14[%swap3A_3205], %swap3A_3208 {strides = array<i32>} : memref<640xi32, #tpu.memory_space<vmem>>, vector<16xi32>,
      %get3A_3209 = arith.constant 272 : index
      %get3A_3210 = tpu.vector_load %arg10[%get3A_3209] {strides = array<i32>} : memref<640xi32, #tpu.memory_space<vmem>>, vector<16xi32>,
      %get3A_3211 = vector.shape_cast %get3A_3210 : vector<16xi32> to vector<16xi32>
      %get3A_3212 = arith.constant 272 : index
      %get3A_3213 = tpu.vector_load %arg11[%get3A_3212] {strides = array<i32>} : memref<640xi32, #tpu.memory_space<vmem>>, vector<16xi32>,
      %get3A_3214 = vector.shape_cast %get3A_3213 : vector<16xi32> to vector<16xi32>
      %get3A_3215 = arith.constant 272 : index
      %get3A_3216 = tpu.vector_load %arg12[%get3A_3215] {strides = array<i32>} : memref<640xi32, #tpu.memory_space<vmem>>, vector<16xi32>,
      %get3A_3217 = vector.shape_cast %get3A_3216 : vector<16xi32> to vector<16xi32>
      %mul3A_3218 = arith.constant 921600 : i32
      %mul3A_3219 = vector.broadcast %mul3A_3218 : i32 to vector<16xi32>
      %mul3A_3220 = arith.muli %get3A_3217, %mul3A_3219 : vector<16xi32>
      %mul3A_3221 = arith.constant 720 : i32
      %mul3A_3222 = vector.broadcast %mul3A_3221 : i32 to vector<16xi32>
      %mul3A_3223 = arith.muli %get3A_3211, %mul3A_3222 : vector<16xi32>
      %add3A_3224 = arith.addi %mul3A_3220, %mul3A_3223 : vector<16xi32>
      %add3A_3225 = arith.addi %add3A_3224, %get3A_3214 : vector<16xi32>
      %swap3A_3226 = arith.constant 272 : index
      %swap3A_3227 = tpu.vector_load %arg14[%swap3A_3226] {strides = array<i32>} : memref<640xi32, #tpu.memory_space<vmem>>, vector<16xi32>,
      %swap3A_3228 = vector.shape_cast %swap3A_3227 : vector<16xi32> to vector<16xi32>
      %swap3A_3229 = vector.shape_cast %add3A_3225 : vector<16xi32> to vector<16xi32>
      tpu.vector_store %arg14[%swap3A_3226], %swap3A_3229 {strides = array<i32>} : memref<640xi32, #tpu.memory_space<vmem>>, vector<16xi32>,
      %get3A_3230 = arith.constant 288 : index
      %get3A_3231 = tpu.vector_load %arg10[%get3A_3230] {strides = array<i32>} : memref<640xi32, #tpu.memory_space<vmem>>, vector<16xi32>,
      %get3A_3232 = vector.shape_cast %get3A_3231 : vector<16xi32> to vector<16xi32>
      %get3A_3233 = arith.constant 288 : index
      %get3A_3234 = tpu.vector_load %arg11[%get3A_3233] {strides = array<i32>} : memref<640xi32, #tpu.memory_space<vmem>>, vector<16xi32>,
      %get3A_3235 = vector.shape_cast %get3A_3234 : vector<16xi32> to vector<16xi32>
      %get3A_3236 = arith.constant 288 : index
      %get3A_3237 = tpu.vector_load %arg12[%get3A_3236] {strides = array<i32>} : memref<640xi32, #tpu.memory_space<vmem>>, vector<16xi32>,
      %get3A_3238 = vector.shape_cast %get3A_3237 : vector<16xi32> to vector<16xi32>
      %mul3A_3239 = arith.constant 921600 : i32
      %mul3A_3240 = vector.broadcast %mul3A_3239 : i32 to vector<16xi32>
      %mul3A_3241 = arith.muli %get3A_3238, %mul3A_3240 : vector<16xi32>
      %mul3A_3242 = arith.constant 720 : i32
      %mul3A_3243 = vector.broadcast %mul3A_3242 : i32 to vector<16xi32>
      %mul3A_3244 = arith.muli %get3A_3232, %mul3A_3243 : vector<16xi32>
      %add3A_3245 = arith.addi %mul3A_3241, %mul3A_3244 : vector<16xi32>
      %add3A_3246 = arith.addi %add3A_3245, %get3A_3235 : vector<16xi32>
      %swap3A_3247 = arith.constant 288 : index
      %swap3A_3248 = tpu.vector_load %arg14[%swap3A_3247] {strides = array<i32>} : memref<640xi32, #tpu.memory_space<vmem>>, vector<16xi32>,
      %swap3A_3249 = vector.shape_cast %swap3A_3248 : vector<16xi32> to vector<16xi32>
      %swap3A_3250 = vector.shape_cast %add3A_3246 : vector<16xi32> to vector<16xi32>
      tpu.vector_store %arg14[%swap3A_3247], %swap3A_3250 {strides = array<i32>} : memref<640xi32, #tpu.memory_space<vmem>>, vector<16xi32>,
      %get3A_3251 = arith.constant 304 : index
      %get3A_3252 = tpu.vector_load %arg10[%get3A_3251] {strides = array<i32>} : memref<640xi32, #tpu.memory_space<vmem>>, vector<16xi32>,
      %get3A_3253 = vector.shape_cast %get3A_3252 : vector<16xi32> to vector<16xi32>
      %get3A_3254 = arith.constant 304 : index
      %get3A_3255 = tpu.vector_load %arg11[%get3A_3254] {strides = array<i32>} : memref<640xi32, #tpu.memory_space<vmem>>, vector<16xi32>,
      %get3A_3256 = vector.shape_cast %get3A_3255 : vector<16xi32> to vector<16xi32>
      %get3A_3257 = arith.constant 304 : index
      %get3A_3258 = tpu.vector_load %arg12[%get3A_3257] {strides = array<i32>} : memref<640xi32, #tpu.memory_space<vmem>>, vector<16xi32>,
      %get3A_3259 = vector.shape_cast %get3A_3258 : vector<16xi32> to vector<16xi32>
      %mul3A_3260 = arith.constant 921600 : i32
      %mul3A_3261 = vector.broadcast %mul3A_3260 : i32 to vector<16xi32>
      %mul3A_3262 = arith.muli %get3A_3259, %mul3A_3261 : vector<16xi32>
      %mul3A_3263 = arith.constant 720 : i32
      %mul3A_3264 = vector.broadcast %mul3A_3263 : i32 to vector<16xi32>
      %mul3A_3265 = arith.muli %get3A_3253, %mul3A_3264 : vector<16xi32>
      %add3A_3266 = arith.addi %mul3A_3262, %mul3A_3265 : vector<16xi32>
      %add3A_3267 = arith.addi %add3A_3266, %get3A_3256 : vector<16xi32>
      %swap3A_3268 = arith.constant 304 : index
      %swap3A_3269 = tpu.vector_load %arg14[%swap3A_3268] {strides = array<i32>} : memref<640xi32, #tpu.memory_space<vmem>>, vector<16xi32>,
      %swap3A_3270 = vector.shape_cast %swap3A_3269 : vector<16xi32> to vector<16xi32>
      %swap3A_3271 = vector.shape_cast %add3A_3267 : vector<16xi32> to vector<16xi32>
      tpu.vector_store %arg14[%swap3A_3268], %swap3A_3271 {strides = array<i32>} : memref<640xi32, #tpu.memory_space<vmem>>, vector<16xi32>,
      %get3A_3272 = arith.constant 320 : index
      %get3A_3273 = tpu.vector_load %arg10[%get3A_3272] {strides = array<i32>} : memref<640xi32, #tpu.memory_space<vmem>>, vector<16xi32>,
      %get3A_3274 = vector.shape_cast %get3A_3273 : vector<16xi32> to vector<16xi32>
      %get3A_3275 = arith.constant 320 : index
      %get3A_3276 = tpu.vector_load %arg11[%get3A_3275] {strides = array<i32>} : memref<640xi32, #tpu.memory_space<vmem>>, vector<16xi32>,
      %get3A_3277 = vector.shape_cast %get3A_3276 : vector<16xi32> to vector<16xi32>
      %get3A_3278 = arith.constant 320 : index
      %get3A_3279 = tpu.vector_load %arg12[%get3A_3278] {strides = array<i32>} : memref<640xi32, #tpu.memory_space<vmem>>, vector<16xi32>,
      %get3A_3280 = vector.shape_cast %get3A_3279 : vector<16xi32> to vector<16xi32>
      %mul3A_3281 = arith.constant 921600 : i32
      %mul3A_3282 = vector.broadcast %mul3A_3281 : i32 to vector<16xi32>
      %mul3A_3283 = arith.muli %get3A_3280, %mul3A_3282 : vector<16xi32>
      %mul3A_3284 = arith.constant 720 : i32
      %mul3A_3285 = vector.broadcast %mul3A_3284 : i32 to vector<16xi32>
      %mul3A_3286 = arith.muli %get3A_3274, %mul3A_3285 : vector<16xi32>
      %add3A_3287 = arith.addi %mul3A_3283, %mul3A_3286 : vector<16xi32>
      %add3A_3288 = arith.addi %add3A_3287, %get3A_3277 : vector<16xi32>
      %swap3A_3289 = arith.constant 320 : index
      %swap3A_3290 = tpu.vector_load %arg14[%swap3A_3289] {strides = array<i32>} : memref<640xi32, #tpu.memory_space<vmem>>, vector<16xi32>,
      %swap3A_3291 = vector.shape_cast %swap3A_3290 : vector<16xi32> to vector<16xi32>
      %swap3A_3292 = vector.shape_cast %add3A_3288 : vector<16xi32> to vector<16xi32>
      tpu.vector_store %arg14[%swap3A_3289], %swap3A_3292 {strides = array<i32>} : memref<640xi32, #tpu.memory_space<vmem>>, vector<16xi32>,
      %get3A_3293 = arith.constant 336 : index
      %get3A_3294 = tpu.vector_load %arg10[%get3A_3293] {strides = array<i32>} : memref<640xi32, #tpu.memory_space<vmem>>, vector<16xi32>,
      %get3A_3295 = vector.shape_cast %get3A_3294 : vector<16xi32> to vector<16xi32>
      %get3A_3296 = arith.constant 336 : index
      %get3A_3297 = tpu.vector_load %arg11[%get3A_3296] {strides = array<i32>} : memref<640xi32, #tpu.memory_space<vmem>>, vector<16xi32>,
      %get3A_3298 = vector.shape_cast %get3A_3297 : vector<16xi32> to vector<16xi32>
      %get3A_3299 = arith.constant 336 : index
      %get3A_3300 = tpu.vector_load %arg12[%get3A_3299] {strides = array<i32>} : memref<640xi32, #tpu.memory_space<vmem>>, vector<16xi32>,
      %get3A_3301 = vector.shape_cast %get3A_3300 : vector<16xi32> to vector<16xi32>
      %mul3A_3302 = arith.constant 921600 : i32
      %mul3A_3303 = vector.broadcast %mul3A_3302 : i32 to vector<16xi32>
      %mul3A_3304 = arith.muli %get3A_3301, %mul3A_3303 : vector<16xi32>
      %mul3A_3305 = arith.constant 720 : i32
      %mul3A_3306 = vector.broadcast %mul3A_3305 : i32 to vector<16xi32>
      %mul3A_3307 = arith.muli %get3A_3295, %mul3A_3306 : vector<16xi32>
      %add3A_3308 = arith.addi %mul3A_3304, %mul3A_3307 : vector<16xi32>
      %add3A_3309 = arith.addi %add3A_3308, %get3A_3298 : vector<16xi32>
      %swap3A_3310 = arith.constant 336 : index
      %swap3A_3311 = tpu.vector_load %arg14[%swap3A_3310] {strides = array<i32>} : memref<640xi32, #tpu.memory_space<vmem>>, vector<16xi32>,
      %swap3A_3312 = vector.shape_cast %swap3A_3311 : vector<16xi32> to vector<16xi32>
      %swap3A_3313 = vector.shape_cast %add3A_3309 : vector<16xi32> to vector<16xi32>
      tpu.vector_store %arg14[%swap3A_3310], %swap3A_3313 {strides = array<i32>} : memref<640xi32, #tpu.memory_space<vmem>>, vector<16xi32>,
      %get3A_3314 = arith.constant 352 : index
      %get3A_3315 = tpu.vector_load %arg10[%get3A_3314] {strides = array<i32>} : memref<640xi32, #tpu.memory_space<vmem>>, vector<16xi32>,
      %get3A_3316 = vector.shape_cast %get3A_3315 : vector<16xi32> to vector<16xi32>
      %get3A_3317 = arith.constant 352 : index
      %get3A_3318 = tpu.vector_load %arg11[%get3A_3317] {strides = array<i32>} : memref<640xi32, #tpu.memory_space<vmem>>, vector<16xi32>,
      %get3A_3319 = vector.shape_cast %get3A_3318 : vector<16xi32> to vector<16xi32>
      %get3A_3320 = arith.constant 352 : index
      %get3A_3321 = tpu.vector_load %arg12[%get3A_3320] {strides = array<i32>} : memref<640xi32, #tpu.memory_space<vmem>>, vector<16xi32>,
      %get3A_3322 = vector.shape_cast %get3A_3321 : vector<16xi32> to vector<16xi32>
      %mul3A_3323 = arith.constant 921600 : i32
      %mul3A_3324 = vector.broadcast %mul3A_3323 : i32 to vector<16xi32>
      %mul3A_3325 = arith.muli %get3A_3322, %mul3A_3324 : vector<16xi32>
      %mul3A_3326 = arith.constant 720 : i32
      %mul3A_3327 = vector.broadcast %mul3A_3326 : i32 to vector<16xi32>
      %mul3A_3328 = arith.muli %get3A_3316, %mul3A_3327 : vector<16xi32>
      %add3A_3329 = arith.addi %mul3A_3325, %mul3A_3328 : vector<16xi32>
      %add3A_3330 = arith.addi %add3A_3329, %get3A_3319 : vector<16xi32>
      %swap3A_3331 = arith.constant 352 : index
      %swap3A_3332 = tpu.vector_load %arg14[%swap3A_3331] {strides = array<i32>} : memref<640xi32, #tpu.memory_space<vmem>>, vector<16xi32>,
      %swap3A_3333 = vector.shape_cast %swap3A_3332 : vector<16xi32> to vector<16xi32>
      %swap3A_3334 = vector.shape_cast %add3A_3330 : vector<16xi32> to vector<16xi32>
      tpu.vector_store %arg14[%swap3A_3331], %swap3A_3334 {strides = array<i32>} : memref<640xi32, #tpu.memory_space<vmem>>, vector<16xi32>,
      %get3A_3335 = arith.constant 368 : index
      %get3A_3336 = tpu.vector_load %arg10[%get3A_3335] {strides = array<i32>} : memref<640xi32, #tpu.memory_space<vmem>>, vector<16xi32>,
      %get3A_3337 = vector.shape_cast %get3A_3336 : vector<16xi32> to vector<16xi32>
      %get3A_3338 = arith.constant 368 : index
      %get3A_3339 = tpu.vector_load %arg11[%get3A_3338] {strides = array<i32>} : memref<640xi32, #tpu.memory_space<vmem>>, vector<16xi32>,
      %get3A_3340 = vector.shape_cast %get3A_3339 : vector<16xi32> to vector<16xi32>
      %get3A_3341 = arith.constant 368 : index
      %get3A_3342 = tpu.vector_load %arg12[%get3A_3341] {strides = array<i32>} : memref<640xi32, #tpu.memory_space<vmem>>, vector<16xi32>,
      %get3A_3343 = vector.shape_cast %get3A_3342 : vector<16xi32> to vector<16xi32>
      %mul3A_3344 = arith.constant 921600 : i32
      %mul3A_3345 = vector.broadcast %mul3A_3344 : i32 to vector<16xi32>
      %mul3A_3346 = arith.muli %get3A_3343, %mul3A_3345 : vector<16xi32>
      %mul3A_3347 = arith.constant 720 : i32
      %mul3A_3348 = vector.broadcast %mul3A_3347 : i32 to vector<16xi32>
      %mul3A_3349 = arith.muli %get3A_3337, %mul3A_3348 : vector<16xi32>
      %add3A_3350 = arith.addi %mul3A_3346, %mul3A_3349 : vector<16xi32>
      %add3A_3351 = arith.addi %add3A_3350, %get3A_3340 : vector<16xi32>
      %swap3A_3352 = arith.constant 368 : index
      %swap3A_3353 = tpu.vector_load %arg14[%swap3A_3352] {strides = array<i32>} : memref<640xi32, #tpu.memory_space<vmem>>, vector<16xi32>,
      %swap3A_3354 = vector.shape_cast %swap3A_3353 : vector<16xi32> to vector<16xi32>
      %swap3A_3355 = vector.shape_cast %add3A_3351 : vector<16xi32> to vector<16xi32>
      tpu.vector_store %arg14[%swap3A_3352], %swap3A_3355 {strides = array<i32>} : memref<640xi32, #tpu.memory_space<vmem>>, vector<16xi32>,
      %get3A_3356 = arith.constant 384 : index
      %get3A_3357 = tpu.vector_load %arg10[%get3A_3356] {strides = array<i32>} : memref<640xi32, #tpu.memory_space<vmem>>, vector<16xi32>,
      %get3A_3358 = vector.shape_cast %get3A_3357 : vector<16xi32> to vector<16xi32>
      %get3A_3359 = arith.constant 384 : index
      %get3A_3360 = tpu.vector_load %arg11[%get3A_3359] {strides = array<i32>} : memref<640xi32, #tpu.memory_space<vmem>>, vector<16xi32>,
      %get3A_3361 = vector.shape_cast %get3A_3360 : vector<16xi32> to vector<16xi32>
      %get3A_3362 = arith.constant 384 : index
      %get3A_3363 = tpu.vector_load %arg12[%get3A_3362] {strides = array<i32>} : memref<640xi32, #tpu.memory_space<vmem>>, vector<16xi32>,
      %get3A_3364 = vector.shape_cast %get3A_3363 : vector<16xi32> to vector<16xi32>
      %mul3A_3365 = arith.constant 921600 : i32
      %mul3A_3366 = vector.broadcast %mul3A_3365 : i32 to vector<16xi32>
      %mul3A_3367 = arith.muli %get3A_3364, %mul3A_3366 : vector<16xi32>
      %mul3A_3368 = arith.constant 720 : i32
      %mul3A_3369 = vector.broadcast %mul3A_3368 : i32 to vector<16xi32>
      %mul3A_3370 = arith.muli %get3A_3358, %mul3A_3369 : vector<16xi32>
      %add3A_3371 = arith.addi %mul3A_3367, %mul3A_3370 : vector<16xi32>
      %add3A_3372 = arith.addi %add3A_3371, %get3A_3361 : vector<16xi32>
      %swap3A_3373 = arith.constant 384 : index
      %swap3A_3374 = tpu.vector_load %arg14[%swap3A_3373] {strides = array<i32>} : memref<640xi32, #tpu.memory_space<vmem>>, vector<16xi32>,
      %swap3A_3375 = vector.shape_cast %swap3A_3374 : vector<16xi32> to vector<16xi32>
      %swap3A_3376 = vector.shape_cast %add3A_3372 : vector<16xi32> to vector<16xi32>
      tpu.vector_store %arg14[%swap3A_3373], %swap3A_3376 {strides = array<i32>} : memref<640xi32, #tpu.memory_space<vmem>>, vector<16xi32>,
      %get3A_3377 = arith.constant 400 : index
      %get3A_3378 = tpu.vector_load %arg10[%get3A_3377] {strides = array<i32>} : memref<640xi32, #tpu.memory_space<vmem>>, vector<16xi32>,
      %get3A_3379 = vector.shape_cast %get3A_3378 : vector<16xi32> to vector<16xi32>
      %get3A_3380 = arith.constant 400 : index
      %get3A_3381 = tpu.vector_load %arg11[%get3A_3380] {strides = array<i32>} : memref<640xi32, #tpu.memory_space<vmem>>, vector<16xi32>,
      %get3A_3382 = vector.shape_cast %get3A_3381 : vector<16xi32> to vector<16xi32>
      %get3A_3383 = arith.constant 400 : index
      %get3A_3384 = tpu.vector_load %arg12[%get3A_3383] {strides = array<i32>} : memref<640xi32, #tpu.memory_space<vmem>>, vector<16xi32>,
      %get3A_3385 = vector.shape_cast %get3A_3384 : vector<16xi32> to vector<16xi32>
      %mul3A_3386 = arith.constant 921600 : i32
      %mul3A_3387 = vector.broadcast %mul3A_3386 : i32 to vector<16xi32>
      %mul3A_3388 = arith.muli %get3A_3385, %mul3A_3387 : vector<16xi32>
      %mul3A_3389 = arith.constant 720 : i32
      %mul3A_3390 = vector.broadcast %mul3A_3389 : i32 to vector<16xi32>
      %mul3A_3391 = arith.muli %get3A_3379, %mul3A_3390 : vector<16xi32>
      %add3A_3392 = arith.addi %mul3A_3388, %mul3A_3391 : vector<16xi32>
      %add3A_3393 = arith.addi %add3A_3392, %get3A_3382 : vector<16xi32>
      %swap3A_3394 = arith.constant 400 : index
      %swap3A_3395 = tpu.vector_load %arg14[%swap3A_3394] {strides = array<i32>} : memref<640xi32, #tpu.memory_space<vmem>>, vector<16xi32>,
      %swap3A_3396 = vector.shape_cast %swap3A_3395 : vector<16xi32> to vector<16xi32>
      %swap3A_3397 = vector.shape_cast %add3A_3393 : vector<16xi32> to vector<16xi32>
      tpu.vector_store %arg14[%swap3A_3394], %swap3A_3397 {strides = array<i32>} : memref<640xi32, #tpu.memory_space<vmem>>, vector<16xi32>,
      %get3A_3398 = arith.constant 416 : index
      %get3A_3399 = tpu.vector_load %arg10[%get3A_3398] {strides = array<i32>} : memref<640xi32, #tpu.memory_space<vmem>>, vector<16xi32>,
      %get3A_3400 = vector.shape_cast %get3A_3399 : vector<16xi32> to vector<16xi32>
      %get3A_3401 = arith.constant 416 : index
      %get3A_3402 = tpu.vector_load %arg11[%get3A_3401] {strides = array<i32>} : memref<640xi32, #tpu.memory_space<vmem>>, vector<16xi32>,
      %get3A_3403 = vector.shape_cast %get3A_3402 : vector<16xi32> to vector<16xi32>
      %get3A_3404 = arith.constant 416 : index
      %get3A_3405 = tpu.vector_load %arg12[%get3A_3404] {strides = array<i32>} : memref<640xi32, #tpu.memory_space<vmem>>, vector<16xi32>,
      %get3A_3406 = vector.shape_cast %get3A_3405 : vector<16xi32> to vector<16xi32>
      %mul3A_3407 = arith.constant 921600 : i32
      %mul3A_3408 = vector.broadcast %mul3A_3407 : i32 to vector<16xi32>
      %mul3A_3409 = arith.muli %get3A_3406, %mul3A_3408 : vector<16xi32>
      %mul3A_3410 = arith.constant 720 : i32
      %mul3A_3411 = vector.broadcast %mul3A_3410 : i32 to vector<16xi32>
      %mul3A_3412 = arith.muli %get3A_3400, %mul3A_3411 : vector<16xi32>
      %add3A_3413 = arith.addi %mul3A_3409, %mul3A_3412 : vector<16xi32>
      %add3A_3414 = arith.addi %add3A_3413, %get3A_3403 : vector<16xi32>
      %swap3A_3415 = arith.constant 416 : index
      %swap3A_3416 = tpu.vector_load %arg14[%swap3A_3415] {strides = array<i32>} : memref<640xi32, #tpu.memory_space<vmem>>, vector<16xi32>,
      %swap3A_3417 = vector.shape_cast %swap3A_3416 : vector<16xi32> to vector<16xi32>
      %swap3A_3418 = vector.shape_cast %add3A_3414 : vector<16xi32> to vector<16xi32>
      tpu.vector_store %arg14[%swap3A_3415], %swap3A_3418 {strides = array<i32>} : memref<640xi32, #tpu.memory_space<vmem>>, vector<16xi32>,
      %get3A_3419 = arith.constant 432 : index
      %get3A_3420 = tpu.vector_load %arg10[%get3A_3419] {strides = array<i32>} : memref<640xi32, #tpu.memory_space<vmem>>, vector<16xi32>,
      %get3A_3421 = vector.shape_cast %get3A_3420 : vector<16xi32> to vector<16xi32>
      %get3A_3422 = arith.constant 432 : index
      %get3A_3423 = tpu.vector_load %arg11[%get3A_3422] {strides = array<i32>} : memref<640xi32, #tpu.memory_space<vmem>>, vector<16xi32>,
      %get3A_3424 = vector.shape_cast %get3A_3423 : vector<16xi32> to vector<16xi32>
      %get3A_3425 = arith.constant 432 : index
      %get3A_3426 = tpu.vector_load %arg12[%get3A_3425] {strides = array<i32>} : memref<640xi32, #tpu.memory_space<vmem>>, vector<16xi32>,
      %get3A_3427 = vector.shape_cast %get3A_3426 : vector<16xi32> to vector<16xi32>
      %mul3A_3428 = arith.constant 921600 : i32
      %mul3A_3429 = vector.broadcast %mul3A_3428 : i32 to vector<16xi32>
      %mul3A_3430 = arith.muli %get3A_3427, %mul3A_3429 : vector<16xi32>
      %mul3A_3431 = arith.constant 720 : i32
      %mul3A_3432 = vector.broadcast %mul3A_3431 : i32 to vector<16xi32>
      %mul3A_3433 = arith.muli %get3A_3421, %mul3A_3432 : vector<16xi32>
      %add3A_3434 = arith.addi %mul3A_3430, %mul3A_3433 : vector<16xi32>
      %add3A_3435 = arith.addi %add3A_3434, %get3A_3424 : vector<16xi32>
      %swap3A_3436 = arith.constant 432 : index
      %swap3A_3437 = tpu.vector_load %arg14[%swap3A_3436] {strides = array<i32>} : memref<640xi32, #tpu.memory_space<vmem>>, vector<16xi32>,
      %swap3A_3438 = vector.shape_cast %swap3A_3437 : vector<16xi32> to vector<16xi32>
      %swap3A_3439 = vector.shape_cast %add3A_3435 : vector<16xi32> to vector<16xi32>
      tpu.vector_store %arg14[%swap3A_3436], %swap3A_3439 {strides = array<i32>} : memref<640xi32, #tpu.memory_space<vmem>>, vector<16xi32>,
      %get3A_3440 = arith.constant 448 : index
      %get3A_3441 = tpu.vector_load %arg10[%get3A_3440] {strides = array<i32>} : memref<640xi32, #tpu.memory_space<vmem>>, vector<16xi32>,
      %get3A_3442 = vector.shape_cast %get3A_3441 : vector<16xi32> to vector<16xi32>
      %get3A_3443 = arith.constant 448 : index
      %get3A_3444 = tpu.vector_load %arg11[%get3A_3443] {strides = array<i32>} : memref<640xi32, #tpu.memory_space<vmem>>, vector<16xi32>,
      %get3A_3445 = vector.shape_cast %get3A_3444 : vector<16xi32> to vector<16xi32>
      %get3A_3446 = arith.constant 448 : index
      %get3A_3447 = tpu.vector_load %arg12[%get3A_3446] {strides = array<i32>} : memref<640xi32, #tpu.memory_space<vmem>>, vector<16xi32>,
      %get3A_3448 = vector.shape_cast %get3A_3447 : vector<16xi32> to vector<16xi32>
      %mul3A_3449 = arith.constant 921600 : i32
      %mul3A_3450 = vector.broadcast %mul3A_3449 : i32 to vector<16xi32>
      %mul3A_3451 = arith.muli %get3A_3448, %mul3A_3450 : vector<16xi32>
      %mul3A_3452 = arith.constant 720 : i32
      %mul3A_3453 = vector.broadcast %mul3A_3452 : i32 to vector<16xi32>
      %mul3A_3454 = arith.muli %get3A_3442, %mul3A_3453 : vector<16xi32>
      %add3A_3455 = arith.addi %mul3A_3451, %mul3A_3454 : vector<16xi32>
      %add3A_3456 = arith.addi %add3A_3455, %get3A_3445 : vector<16xi32>
      %swap3A_3457 = arith.constant 448 : index
      %swap3A_3458 = tpu.vector_load %arg14[%swap3A_3457] {strides = array<i32>} : memref<640xi32, #tpu.memory_space<vmem>>, vector<16xi32>,
      %swap3A_3459 = vector.shape_cast %swap3A_3458 : vector<16xi32> to vector<16xi32>
      %swap3A_3460 = vector.shape_cast %add3A_3456 : vector<16xi32> to vector<16xi32>
      tpu.vector_store %arg14[%swap3A_3457], %swap3A_3460 {strides = array<i32>} : memref<640xi32, #tpu.memory_space<vmem>>, vector<16xi32>,
      %get3A_3461 = arith.constant 464 : index
      %get3A_3462 = tpu.vector_load %arg10[%get3A_3461] {strides = array<i32>} : memref<640xi32, #tpu.memory_space<vmem>>, vector<16xi32>,
      %get3A_3463 = vector.shape_cast %get3A_3462 : vector<16xi32> to vector<16xi32>
      %get3A_3464 = arith.constant 464 : index
      %get3A_3465 = tpu.vector_load %arg11[%get3A_3464] {strides = array<i32>} : memref<640xi32, #tpu.memory_space<vmem>>, vector<16xi32>,
      %get3A_3466 = vector.shape_cast %get3A_3465 : vector<16xi32> to vector<16xi32>
      %get3A_3467 = arith.constant 464 : index
      %get3A_3468 = tpu.vector_load %arg12[%get3A_3467] {strides = array<i32>} : memref<640xi32, #tpu.memory_space<vmem>>, vector<16xi32>,
      %get3A_3469 = vector.shape_cast %get3A_3468 : vector<16xi32> to vector<16xi32>
      %mul3A_3470 = arith.constant 921600 : i32
      %mul3A_3471 = vector.broadcast %mul3A_3470 : i32 to vector<16xi32>
      %mul3A_3472 = arith.muli %get3A_3469, %mul3A_3471 : vector<16xi32>
      %mul3A_3473 = arith.constant 720 : i32
      %mul3A_3474 = vector.broadcast %mul3A_3473 : i32 to vector<16xi32>
      %mul3A_3475 = arith.muli %get3A_3463, %mul3A_3474 : vector<16xi32>
      %add3A_3476 = arith.addi %mul3A_3472, %mul3A_3475 : vector<16xi32>
      %add3A_3477 = arith.addi %add3A_3476, %get3A_3466 : vector<16xi32>
      %swap3A_3478 = arith.constant 464 : index
      %swap3A_3479 = tpu.vector_load %arg14[%swap3A_3478] {strides = array<i32>} : memref<640xi32, #tpu.memory_space<vmem>>, vector<16xi32>,
      %swap3A_3480 = vector.shape_cast %swap3A_3479 : vector<16xi32> to vector<16xi32>
      %swap3A_3481 = vector.shape_cast %add3A_3477 : vector<16xi32> to vector<16xi32>
      tpu.vector_store %arg14[%swap3A_3478], %swap3A_3481 {strides = array<i32>} : memref<640xi32, #tpu.memory_space<vmem>>, vector<16xi32>,
      %get3A_3482 = arith.constant 480 : index
      %get3A_3483 = tpu.vector_load %arg10[%get3A_3482] {strides = array<i32>} : memref<640xi32, #tpu.memory_space<vmem>>, vector<16xi32>,
      %get3A_3484 = vector.shape_cast %get3A_3483 : vector<16xi32> to vector<16xi32>
      %get3A_3485 = arith.constant 480 : index
      %get3A_3486 = tpu.vector_load %arg11[%get3A_3485] {strides = array<i32>} : memref<640xi32, #tpu.memory_space<vmem>>, vector<16xi32>,
      %get3A_3487 = vector.shape_cast %get3A_3486 : vector<16xi32> to vector<16xi32>
      %get3A_3488 = arith.constant 480 : index
      %get3A_3489 = tpu.vector_load %arg12[%get3A_3488] {strides = array<i32>} : memref<640xi32, #tpu.memory_space<vmem>>, vector<16xi32>,
      %get3A_3490 = vector.shape_cast %get3A_3489 : vector<16xi32> to vector<16xi32>
      %mul3A_3491 = arith.constant 921600 : i32
      %mul3A_3492 = vector.broadcast %mul3A_3491 : i32 to vector<16xi32>
      %mul3A_3493 = arith.muli %get3A_3490, %mul3A_3492 : vector<16xi32>
      %mul3A_3494 = arith.constant 720 : i32
      %mul3A_3495 = vector.broadcast %mul3A_3494 : i32 to vector<16xi32>
      %mul3A_3496 = arith.muli %get3A_3484, %mul3A_3495 : vector<16xi32>
      %add3A_3497 = arith.addi %mul3A_3493, %mul3A_3496 : vector<16xi32>
      %add3A_3498 = arith.addi %add3A_3497, %get3A_3487 : vector<16xi32>
      %swap3A_3499 = arith.constant 480 : index
      %swap3A_3500 = tpu.vector_load %arg14[%swap3A_3499] {strides = array<i32>} : memref<640xi32, #tpu.memory_space<vmem>>, vector<16xi32>,
      %swap3A_3501 = vector.shape_cast %swap3A_3500 : vector<16xi32> to vector<16xi32>
      %swap3A_3502 = vector.shape_cast %add3A_3498 : vector<16xi32> to vector<16xi32>
      tpu.vector_store %arg14[%swap3A_3499], %swap3A_3502 {strides = array<i32>} : memref<640xi32, #tpu.memory_space<vmem>>, vector<16xi32>,
      %get3A_3503 = arith.constant 496 : index
      %get3A_3504 = tpu.vector_load %arg10[%get3A_3503] {strides = array<i32>} : memref<640xi32, #tpu.memory_space<vmem>>, vector<16xi32>,
      %get3A_3505 = vector.shape_cast %get3A_3504 : vector<16xi32> to vector<16xi32>
      %get3A_3506 = arith.constant 496 : index
      %get3A_3507 = tpu.vector_load %arg11[%get3A_3506] {strides = array<i32>} : memref<640xi32, #tpu.memory_space<vmem>>, vector<16xi32>,
      %get3A_3508 = vector.shape_cast %get3A_3507 : vector<16xi32> to vector<16xi32>
      %get3A_3509 = arith.constant 496 : index
      %get3A_3510 = tpu.vector_load %arg12[%get3A_3509] {strides = array<i32>} : memref<640xi32, #tpu.memory_space<vmem>>, vector<16xi32>,
      %get3A_3511 = vector.shape_cast %get3A_3510 : vector<16xi32> to vector<16xi32>
      %mul3A_3512 = arith.constant 921600 : i32
      %mul3A_3513 = vector.broadcast %mul3A_3512 : i32 to vector<16xi32>
      %mul3A_3514 = arith.muli %get3A_3511, %mul3A_3513 : vector<16xi32>
      %mul3A_3515 = arith.constant 720 : i32
      %mul3A_3516 = vector.broadcast %mul3A_3515 : i32 to vector<16xi32>
      %mul3A_3517 = arith.muli %get3A_3505, %mul3A_3516 : vector<16xi32>
      %add3A_3518 = arith.addi %mul3A_3514, %mul3A_3517 : vector<16xi32>
      %add3A_3519 = arith.addi %add3A_3518, %get3A_3508 : vector<16xi32>
      %swap3A_3520 = arith.constant 496 : index
      %swap3A_3521 = tpu.vector_load %arg14[%swap3A_3520] {strides = array<i32>} : memref<640xi32, #tpu.memory_space<vmem>>, vector<16xi32>,
      %swap3A_3522 = vector.shape_cast %swap3A_3521 : vector<16xi32> to vector<16xi32>
      %swap3A_3523 = vector.shape_cast %add3A_3519 : vector<16xi32> to vector<16xi32>
      tpu.vector_store %arg14[%swap3A_3520], %swap3A_3523 {strides = array<i32>} : memref<640xi32, #tpu.memory_space<vmem>>, vector<16xi32>,
      %get3A_3524 = arith.constant 512 : index
      %get3A_3525 = tpu.vector_load %arg10[%get3A_3524] {strides = array<i32>} : memref<640xi32, #tpu.memory_space<vmem>>, vector<16xi32>,
      %get3A_3526 = vector.shape_cast %get3A_3525 : vector<16xi32> to vector<16xi32>
      %get3A_3527 = arith.constant 512 : index
      %get3A_3528 = tpu.vector_load %arg11[%get3A_3527] {strides = array<i32>} : memref<640xi32, #tpu.memory_space<vmem>>, vector<16xi32>,
      %get3A_3529 = vector.shape_cast %get3A_3528 : vector<16xi32> to vector<16xi32>
      %get3A_3530 = arith.constant 512 : index
      %get3A_3531 = tpu.vector_load %arg12[%get3A_3530] {strides = array<i32>} : memref<640xi32, #tpu.memory_space<vmem>>, vector<16xi32>,
      %get3A_3532 = vector.shape_cast %get3A_3531 : vector<16xi32> to vector<16xi32>
      %mul3A_3533 = arith.constant 921600 : i32
      %mul3A_3534 = vector.broadcast %mul3A_3533 : i32 to vector<16xi32>
      %mul3A_3535 = arith.muli %get3A_3532, %mul3A_3534 : vector<16xi32>
      %mul3A_3536 = arith.constant 720 : i32
      %mul3A_3537 = vector.broadcast %mul3A_3536 : i32 to vector<16xi32>
      %mul3A_3538 = arith.muli %get3A_3526, %mul3A_3537 : vector<16xi32>
      %add3A_3539 = arith.addi %mul3A_3535, %mul3A_3538 : vector<16xi32>
      %add3A_3540 = arith.addi %add3A_3539, %get3A_3529 : vector<16xi32>
      %swap3A_3541 = arith.constant 512 : index
      %swap3A_3542 = tpu.vector_load %arg14[%swap3A_3541] {strides = array<i32>} : memref<640xi32, #tpu.memory_space<vmem>>, vector<16xi32>,
      %swap3A_3543 = vector.shape_cast %swap3A_3542 : vector<16xi32> to vector<16xi32>
      %swap3A_3544 = vector.shape_cast %add3A_3540 : vector<16xi32> to vector<16xi32>
      tpu.vector_store %arg14[%swap3A_3541], %swap3A_3544 {strides = array<i32>} : memref<640xi32, #tpu.memory_space<vmem>>, vector<16xi32>,
      %get3A_3545 = arith.constant 528 : index
      %get3A_3546 = tpu.vector_load %arg10[%get3A_3545] {strides = array<i32>} : memref<640xi32, #tpu.memory_space<vmem>>, vector<16xi32>,
      %get3A_3547 = vector.shape_cast %get3A_3546 : vector<16xi32> to vector<16xi32>
      %get3A_3548 = arith.constant 528 : index
      %get3A_3549 = tpu.vector_load %arg11[%get3A_3548] {strides = array<i32>} : memref<640xi32, #tpu.memory_space<vmem>>, vector<16xi32>,
      %get3A_3550 = vector.shape_cast %get3A_3549 : vector<16xi32> to vector<16xi32>
      %get3A_3551 = arith.constant 528 : index
      %get3A_3552 = tpu.vector_load %arg12[%get3A_3551] {strides = array<i32>} : memref<640xi32, #tpu.memory_space<vmem>>, vector<16xi32>,
      %get3A_3553 = vector.shape_cast %get3A_3552 : vector<16xi32> to vector<16xi32>
      %mul3A_3554 = arith.constant 921600 : i32
      %mul3A_3555 = vector.broadcast %mul3A_3554 : i32 to vector<16xi32>
      %mul3A_3556 = arith.muli %get3A_3553, %mul3A_3555 : vector<16xi32>
      %mul3A_3557 = arith.constant 720 : i32
      %mul3A_3558 = vector.broadcast %mul3A_3557 : i32 to vector<16xi32>
      %mul3A_3559 = arith.muli %get3A_3547, %mul3A_3558 : vector<16xi32>
      %add3A_3560 = arith.addi %mul3A_3556, %mul3A_3559 : vector<16xi32>
      %add3A_3561 = arith.addi %add3A_3560, %get3A_3550 : vector<16xi32>
      %swap3A_3562 = arith.constant 528 : index
      %swap3A_3563 = tpu.vector_load %arg14[%swap3A_3562] {strides = array<i32>} : memref<640xi32, #tpu.memory_space<vmem>>, vector<16xi32>,
      %swap3A_3564 = vector.shape_cast %swap3A_3563 : vector<16xi32> to vector<16xi32>
      %swap3A_3565 = vector.shape_cast %add3A_3561 : vector<16xi32> to vector<16xi32>
      tpu.vector_store %arg14[%swap3A_3562], %swap3A_3565 {strides = array<i32>} : memref<640xi32, #tpu.memory_space<vmem>>, vector<16xi32>,
      %get3A_3566 = arith.constant 544 : index
      %get3A_3567 = tpu.vector_load %arg10[%get3A_3566] {strides = array<i32>} : memref<640xi32, #tpu.memory_space<vmem>>, vector<16xi32>,
      %get3A_3568 = vector.shape_cast %get3A_3567 : vector<16xi32> to vector<16xi32>
      %get3A_3569 = arith.constant 544 : index
      %get3A_3570 = tpu.vector_load %arg11[%get3A_3569] {strides = array<i32>} : memref<640xi32, #tpu.memory_space<vmem>>, vector<16xi32>,
      %get3A_3571 = vector.shape_cast %get3A_3570 : vector<16xi32> to vector<16xi32>
      %get3A_3572 = arith.constant 544 : index
      %get3A_3573 = tpu.vector_load %arg12[%get3A_3572] {strides = array<i32>} : memref<640xi32, #tpu.memory_space<vmem>>, vector<16xi32>,
      %get3A_3574 = vector.shape_cast %get3A_3573 : vector<16xi32> to vector<16xi32>
      %mul3A_3575 = arith.constant 921600 : i32
      %mul3A_3576 = vector.broadcast %mul3A_3575 : i32 to vector<16xi32>
      %mul3A_3577 = arith.muli %get3A_3574, %mul3A_3576 : vector<16xi32>
      %mul3A_3578 = arith.constant 720 : i32
      %mul3A_3579 = vector.broadcast %mul3A_3578 : i32 to vector<16xi32>
      %mul3A_3580 = arith.muli %get3A_3568, %mul3A_3579 : vector<16xi32>
      %add3A_3581 = arith.addi %mul3A_3577, %mul3A_3580 : vector<16xi32>
      %add3A_3582 = arith.addi %add3A_3581, %get3A_3571 : vector<16xi32>
      %swap3A_3583 = arith.constant 544 : index
      %swap3A_3584 = tpu.vector_load %arg14[%swap3A_3583] {strides = array<i32>} : memref<640xi32, #tpu.memory_space<vmem>>, vector<16xi32>,
      %swap3A_3585 = vector.shape_cast %swap3A_3584 : vector<16xi32> to vector<16xi32>
      %swap3A_3586 = vector.shape_cast %add3A_3582 : vector<16xi32> to vector<16xi32>
      tpu.vector_store %arg14[%swap3A_3583], %swap3A_3586 {strides = array<i32>} : memref<640xi32, #tpu.memory_space<vmem>>, vector<16xi32>,
      %get3A_3587 = arith.constant 560 : index
      %get3A_3588 = tpu.vector_load %arg10[%get3A_3587] {strides = array<i32>} : memref<640xi32, #tpu.memory_space<vmem>>, vector<16xi32>,
      %get3A_3589 = vector.shape_cast %get3A_3588 : vector<16xi32> to vector<16xi32>
      %get3A_3590 = arith.constant 560 : index
      %get3A_3591 = tpu.vector_load %arg11[%get3A_3590] {strides = array<i32>} : memref<640xi32, #tpu.memory_space<vmem>>, vector<16xi32>,
      %get3A_3592 = vector.shape_cast %get3A_3591 : vector<16xi32> to vector<16xi32>
      %get3A_3593 = arith.constant 560 : index
      %get3A_3594 = tpu.vector_load %arg12[%get3A_3593] {strides = array<i32>} : memref<640xi32, #tpu.memory_space<vmem>>, vector<16xi32>,
      %get3A_3595 = vector.shape_cast %get3A_3594 : vector<16xi32> to vector<16xi32>
      %mul3A_3596 = arith.constant 921600 : i32
      %mul3A_3597 = vector.broadcast %mul3A_3596 : i32 to vector<16xi32>
      %mul3A_3598 = arith.muli %get3A_3595, %mul3A_3597 : vector<16xi32>
      %mul3A_3599 = arith.constant 720 : i32
      %mul3A_3600 = vector.broadcast %mul3A_3599 : i32 to vector<16xi32>
      %mul3A_3601 = arith.muli %get3A_3589, %mul3A_3600 : vector<16xi32>
      %add3A_3602 = arith.addi %mul3A_3598, %mul3A_3601 : vector<16xi32>
      %add3A_3603 = arith.addi %add3A_3602, %get3A_3592 : vector<16xi32>
      %swap3A_3604 = arith.constant 560 : index
      %swap3A_3605 = tpu.vector_load %arg14[%swap3A_3604] {strides = array<i32>} : memref<640xi32, #tpu.memory_space<vmem>>, vector<16xi32>,
      %swap3A_3606 = vector.shape_cast %swap3A_3605 : vector<16xi32> to vector<16xi32>
      %swap3A_3607 = vector.shape_cast %add3A_3603 : vector<16xi32> to vector<16xi32>
      tpu.vector_store %arg14[%swap3A_3604], %swap3A_3607 {strides = array<i32>} : memref<640xi32, #tpu.memory_space<vmem>>, vector<16xi32>,
      %get3A_3608 = arith.constant 576 : index
      %get3A_3609 = tpu.vector_load %arg10[%get3A_3608] {strides = array<i32>} : memref<640xi32, #tpu.memory_space<vmem>>, vector<16xi32>,
      %get3A_3610 = vector.shape_cast %get3A_3609 : vector<16xi32> to vector<16xi32>
      %get3A_3611 = arith.constant 576 : index
      %get3A_3612 = tpu.vector_load %arg11[%get3A_3611] {strides = array<i32>} : memref<640xi32, #tpu.memory_space<vmem>>, vector<16xi32>,
      %get3A_3613 = vector.shape_cast %get3A_3612 : vector<16xi32> to vector<16xi32>
      %get3A_3614 = arith.constant 576 : index
      %get3A_3615 = tpu.vector_load %arg12[%get3A_3614] {strides = array<i32>} : memref<640xi32, #tpu.memory_space<vmem>>, vector<16xi32>,
      %get3A_3616 = vector.shape_cast %get3A_3615 : vector<16xi32> to vector<16xi32>
      %mul3A_3617 = arith.constant 921600 : i32
      %mul3A_3618 = vector.broadcast %mul3A_3617 : i32 to vector<16xi32>
      %mul3A_3619 = arith.muli %get3A_3616, %mul3A_3618 : vector<16xi32>
      %mul3A_3620 = arith.constant 720 : i32
      %mul3A_3621 = vector.broadcast %mul3A_3620 : i32 to vector<16xi32>
      %mul3A_3622 = arith.muli %get3A_3610, %mul3A_3621 : vector<16xi32>
      %add3A_3623 = arith.addi %mul3A_3619, %mul3A_3622 : vector<16xi32>
      %add3A_3624 = arith.addi %add3A_3623, %get3A_3613 : vector<16xi32>
      %swap3A_3625 = arith.constant 576 : index
      %swap3A_3626 = tpu.vector_load %arg14[%swap3A_3625] {strides = array<i32>} : memref<640xi32, #tpu.memory_space<vmem>>, vector<16xi32>,
      %swap3A_3627 = vector.shape_cast %swap3A_3626 : vector<16xi32> to vector<16xi32>
      %swap3A_3628 = vector.shape_cast %add3A_3624 : vector<16xi32> to vector<16xi32>
      tpu.vector_store %arg14[%swap3A_3625], %swap3A_3628 {strides = array<i32>} : memref<640xi32, #tpu.memory_space<vmem>>, vector<16xi32>,
      %get3A_3629 = arith.constant 592 : index
      %get3A_3630 = tpu.vector_load %arg10[%get3A_3629] {strides = array<i32>} : memref<640xi32, #tpu.memory_space<vmem>>, vector<16xi32>,
      %get3A_3631 = vector.shape_cast %get3A_3630 : vector<16xi32> to vector<16xi32>
      %get3A_3632 = arith.constant 592 : index
      %get3A_3633 = tpu.vector_load %arg11[%get3A_3632] {strides = array<i32>} : memref<640xi32, #tpu.memory_space<vmem>>, vector<16xi32>,
      %get3A_3634 = vector.shape_cast %get3A_3633 : vector<16xi32> to vector<16xi32>
      %get3A_3635 = arith.constant 592 : index
      %get3A_3636 = tpu.vector_load %arg12[%get3A_3635] {strides = array<i32>} : memref<640xi32, #tpu.memory_space<vmem>>, vector<16xi32>,
      %get3A_3637 = vector.shape_cast %get3A_3636 : vector<16xi32> to vector<16xi32>
      %mul3A_3638 = arith.constant 921600 : i32
      %mul3A_3639 = vector.broadcast %mul3A_3638 : i32 to vector<16xi32>
      %mul3A_3640 = arith.muli %get3A_3637, %mul3A_3639 : vector<16xi32>
      %mul3A_3641 = arith.constant 720 : i32
      %mul3A_3642 = vector.broadcast %mul3A_3641 : i32 to vector<16xi32>
      %mul3A_3643 = arith.muli %get3A_3631, %mul3A_3642 : vector<16xi32>
      %add3A_3644 = arith.addi %mul3A_3640, %mul3A_3643 : vector<16xi32>
      %add3A_3645 = arith.addi %add3A_3644, %get3A_3634 : vector<16xi32>
      %swap3A_3646 = arith.constant 592 : index
      %swap3A_3647 = tpu.vector_load %arg14[%swap3A_3646] {strides = array<i32>} : memref<640xi32, #tpu.memory_space<vmem>>, vector<16xi32>,
      %swap3A_3648 = vector.shape_cast %swap3A_3647 : vector<16xi32> to vector<16xi32>
      %swap3A_3649 = vector.shape_cast %add3A_3645 : vector<16xi32> to vector<16xi32>
      tpu.vector_store %arg14[%swap3A_3646], %swap3A_3649 {strides = array<i32>} : memref<640xi32, #tpu.memory_space<vmem>>, vector<16xi32>,
      %get3A_3650 = arith.constant 608 : index
      %get3A_3651 = tpu.vector_load %arg10[%get3A_3650] {strides = array<i32>} : memref<640xi32, #tpu.memory_space<vmem>>, vector<16xi32>,
      %get3A_3652 = vector.shape_cast %get3A_3651 : vector<16xi32> to vector<16xi32>
      %get3A_3653 = arith.constant 608 : index
      %get3A_3654 = tpu.vector_load %arg11[%get3A_3653] {strides = array<i32>} : memref<640xi32, #tpu.memory_space<vmem>>, vector<16xi32>,
      %get3A_3655 = vector.shape_cast %get3A_3654 : vector<16xi32> to vector<16xi32>
      %get3A_3656 = arith.constant 608 : index
      %get3A_3657 = tpu.vector_load %arg12[%get3A_3656] {strides = array<i32>} : memref<640xi32, #tpu.memory_space<vmem>>, vector<16xi32>,
      %get3A_3658 = vector.shape_cast %get3A_3657 : vector<16xi32> to vector<16xi32>
      %mul3A_3659 = arith.constant 921600 : i32
      %mul3A_3660 = vector.broadcast %mul3A_3659 : i32 to vector<16xi32>
      %mul3A_3661 = arith.muli %get3A_3658, %mul3A_3660 : vector<16xi32>
      %mul3A_3662 = arith.constant 720 : i32
      %mul3A_3663 = vector.broadcast %mul3A_3662 : i32 to vector<16xi32>
      %mul3A_3664 = arith.muli %get3A_3652, %mul3A_3663 : vector<16xi32>
      %add3A_3665 = arith.addi %mul3A_3661, %mul3A_3664 : vector<16xi32>
      %add3A_3666 = arith.addi %add3A_3665, %get3A_3655 : vector<16xi32>
      %swap3A_3667 = arith.constant 608 : index
      %swap3A_3668 = tpu.vector_load %arg14[%swap3A_3667] {strides = array<i32>} : memref<640xi32, #tpu.memory_space<vmem>>, vector<16xi32>,
      %swap3A_3669 = vector.shape_cast %swap3A_3668 : vector<16xi32> to vector<16xi32>
      %swap3A_3670 = vector.shape_cast %add3A_3666 : vector<16xi32> to vector<16xi32>
      tpu.vector_store %arg14[%swap3A_3667], %swap3A_3670 {strides = array<i32>} : memref<640xi32, #tpu.memory_space<vmem>>, vector<16xi32>,
      %get3A_3671 = arith.constant 624 : index
      %get3A_3672 = tpu.vector_load %arg10[%get3A_3671] {strides = array<i32>} : memref<640xi32, #tpu.memory_space<vmem>>, vector<16xi32>,
      %get3A_3673 = vector.shape_cast %get3A_3672 : vector<16xi32> to vector<16xi32>
      %get3A_3674 = arith.constant 624 : index
      %get3A_3675 = tpu.vector_load %arg11[%get3A_3674] {strides = array<i32>} : memref<640xi32, #tpu.memory_space<vmem>>, vector<16xi32>,
      %get3A_3676 = vector.shape_cast %get3A_3675 : vector<16xi32> to vector<16xi32>
      %get3A_3677 = arith.constant 624 : index
      %get3A_3678 = tpu.vector_load %arg12[%get3A_3677] {strides = array<i32>} : memref<640xi32, #tpu.memory_space<vmem>>, vector<16xi32>,
      %get3A_3679 = vector.shape_cast %get3A_3678 : vector<16xi32> to vector<16xi32>
      %mul3A_3680 = arith.constant 921600 : i32
      %mul3A_3681 = vector.broadcast %mul3A_3680 : i32 to vector<16xi32>
      %mul3A_3682 = arith.muli %get3A_3679, %mul3A_3681 : vector<16xi32>
      %mul3A_3683 = arith.constant 720 : i32
      %mul3A_3684 = vector.broadcast %mul3A_3683 : i32 to vector<16xi32>
      %mul3A_3685 = arith.muli %get3A_3673, %mul3A_3684 : vector<16xi32>
      %add3A_3686 = arith.addi %mul3A_3682, %mul3A_3685 : vector<16xi32>
      %add3A_3687 = arith.addi %add3A_3686, %get3A_3676 : vector<16xi32>
      %swap3A_3688 = arith.constant 624 : index
      %swap3A_3689 = tpu.vector_load %arg14[%swap3A_3688] {strides = array<i32>} : memref<640xi32, #tpu.memory_space<vmem>>, vector<16xi32>,
      %swap3A_3690 = vector.shape_cast %swap3A_3689 : vector<16xi32> to vector<16xi32>
      %swap3A_3691 = vector.shape_cast %add3A_3687 : vector<16xi32> to vector<16xi32>
      tpu.vector_store %arg14[%swap3A_3688], %swap3A_3691 {strides = array<i32>} : memref<640xi32, #tpu.memory_space<vmem>>, vector<16xi32>,
      %dma_start3A_3692 = arith.constant 0 : i32
      %dma_start3A_3693 = tpu.memref_slice %arg6[%dma_start3A_3692] : memref<1843200xi32, #tpu.memory_space<vmem_shared>> -> memref<1843200xi32, #tpu.memory_space<vmem_shared>>
      tpu.enqueue_indirect_dma source(%arg15 : memref<640xi32, #tpu.memory_space<vmem>>) target(%dma_start3A_3693 : memref<1843200xi32, #tpu.memory_space<vmem_shared>>) offsets(%arg14 : memref<640xi32, #tpu.memory_space<vmem>>) semaphore(%arg20 : memref<!tpu.dma_semaphore, #tpu.memory_space<semaphore_mem>>)
      %add3A_3694 = arith.constant 2 : i32
      %add3A_3695 = arith.addi %add3A_2832, %add3A_3694 : i32
      %mul3A_3696 = arith.constant 640 : i32
      %mul3A_3697 = arith.muli %add3A_3695, %mul3A_3696 : i32
      %add3A_3698 = arith.addi %mul3A_20, %mul3A_3697 : i32
      %min3A_3699 = arith.constant 1999360 : i32
      %min3A_3700 = arith.minsi %add3A_3698, %min3A_3699 : i32
      %dma_start3A_3701 = tpu.memref_slice %arg2[%min3A_3700] : memref<2000000xi32, #tpu.memory_space<hbm>> -> memref<640xi32, #tpu.memory_space<hbm>>
      %dma_start3A_3702 = tpu.memref_slice %arg2[%min3A_3700] : memref<2000000xi32, #tpu.memory_space<hbm>> -> memref<640xi32, #tpu.memory_space<hbm>>
      tpu.enqueue_dma source(%dma_start3A_3702 : memref<640xi32, #tpu.memory_space<hbm>>) target(%arg10 : memref<640xi32, #tpu.memory_space<vmem>>) target_semaphore(%arg18 : memref<!tpu.dma_semaphore, #tpu.memory_space<semaphore_mem>>)
      %dma_start3A_3703 = tpu.memref_slice %arg3[%min3A_3700] : memref<2000000xi32, #tpu.memory_space<hbm>> -> memref<640xi32, #tpu.memory_space<hbm>>
      %dma_start3A_3704 = tpu.memref_slice %arg3[%min3A_3700] : memref<2000000xi32, #tpu.memory_space<hbm>> -> memref<640xi32, #tpu.memory_space<hbm>>
      tpu.enqueue_dma source(%dma_start3A_3704 : memref<640xi32, #tpu.memory_space<hbm>>) target(%arg11 : memref<640xi32, #tpu.memory_space<vmem>>) target_semaphore(%arg18 : memref<!tpu.dma_semaphore, #tpu.memory_space<semaphore_mem>>)
      %dma_start3A_3705 = tpu.memref_slice %arg4[%min3A_3700] : memref<2000000xi32, #tpu.memory_space<hbm>> -> memref<640xi32, #tpu.memory_space<hbm>>
      %dma_start3A_3706 = tpu.memref_slice %arg4[%min3A_3700] : memref<2000000xi32, #tpu.memory_space<hbm>> -> memref<640xi32, #tpu.memory_space<hbm>>
      tpu.enqueue_dma source(%dma_start3A_3706 : memref<640xi32, #tpu.memory_space<hbm>>) target(%arg12 : memref<640xi32, #tpu.memory_space<vmem>>) target_semaphore(%arg18 : memref<!tpu.dma_semaphore, #tpu.memory_space<semaphore_mem>>)
    }
    %scan3A_223 = arith.constant 48 : i32
    %dma_wait3A = arith.constant 0 : i32
    %dma_wait3A_224 = tpu.memref_slice %arg2[%dma_wait3A] : memref<2000000xi32, #tpu.memory_space<hbm>> -> memref<640xi32, #tpu.memory_space<hbm>>
    %dma_wait3A_225 = arith.constant 0 : i32
    %dma_wait3A_226 = tpu.memref_slice %arg2[%dma_wait3A_225] : memref<2000000xi32, #tpu.memory_space<hbm>> -> memref<640xi32, #tpu.memory_space<hbm>>
    tpu.wait_dma2 semaphore(%arg17 : memref<!tpu.dma_semaphore, #tpu.memory_space<semaphore_mem>>) src(%dma_wait3A_226 : memref<640xi32, #tpu.memory_space<hbm>>) dst(%arg7 : memref<640xi32, #tpu.memory_space<vmem>>)
    %dma_wait3A_227 = arith.constant 0 : i32
    %dma_wait3A_228 = tpu.memref_slice %arg2[%dma_wait3A_227] : memref<2000000xi32, #tpu.memory_space<hbm>> -> memref<640xi32, #tpu.memory_space<hbm>>
    %dma_wait3A_229 = arith.constant 0 : i32
    %dma_wait3A_230 = tpu.memref_slice %arg2[%dma_wait3A_229] : memref<2000000xi32, #tpu.memory_space<hbm>> -> memref<640xi32, #tpu.memory_space<hbm>>
    tpu.wait_dma2 semaphore(%arg17 : memref<!tpu.dma_semaphore, #tpu.memory_space<semaphore_mem>>) src(%dma_wait3A_230 : memref<640xi32, #tpu.memory_space<hbm>>) dst(%arg8 : memref<640xi32, #tpu.memory_space<vmem>>)
    %dma_wait3A_231 = arith.constant 0 : i32
    %dma_wait3A_232 = tpu.memref_slice %arg2[%dma_wait3A_231] : memref<2000000xi32, #tpu.memory_space<hbm>> -> memref<640xi32, #tpu.memory_space<hbm>>
    %dma_wait3A_233 = arith.constant 0 : i32
    %dma_wait3A_234 = tpu.memref_slice %arg2[%dma_wait3A_233] : memref<2000000xi32, #tpu.memory_space<hbm>> -> memref<640xi32, #tpu.memory_space<hbm>>
    tpu.wait_dma2 semaphore(%arg17 : memref<!tpu.dma_semaphore, #tpu.memory_space<semaphore_mem>>) src(%dma_wait3A_234 : memref<640xi32, #tpu.memory_space<hbm>>) dst(%arg9 : memref<640xi32, #tpu.memory_space<vmem>>)
    %not3A = arith.constant false
    %not3A_235 = arith.constant true
    %not3A_236 = arith.xori %not3A, %not3A_235 : i1
    %convert_element_type3A = arith.extui %not3A_236 : i1 to i32
    %cond3A = arith.constant 0 : i32
    %cond3A_237 = arith.cmpi ne, %convert_element_type3A, %cond3A : i32
    scf.if %cond3A_237 {
      %dma_wait3A_1955 = arith.constant 0 : i32
      %dma_wait3A_1956 = tpu.memref_slice %arg2[%dma_wait3A_1955] : memref<2000000xi32, #tpu.memory_space<hbm>> -> memref<640xi32, #tpu.memory_space<hbm>>
      %dma_wait3A_1957 = arith.constant 0 : i32
      %dma_wait3A_1958 = tpu.memref_slice %arg2[%dma_wait3A_1957] : memref<2000000xi32, #tpu.memory_space<hbm>> -> memref<640xi32, #tpu.memory_space<hbm>>
      tpu.wait_dma2 semaphore(%arg19 : memref<!tpu.dma_semaphore, #tpu.memory_space<semaphore_mem>>) src(%dma_wait3A_1958 : memref<640xi32, #tpu.memory_space<hbm>>) dst(%arg7 : memref<640xi32, #tpu.memory_space<vmem>>)
    } else {
    }
    %get3A = arith.constant 0 : index
    %get3A_238 = tpu.vector_load %arg7[%get3A] {strides = array<i32>} : memref<640xi32, #tpu.memory_space<vmem>>, vector<16xi32>,
    %get3A_239 = vector.shape_cast %get3A_238 : vector<16xi32> to vector<16xi32>
    %get3A_240 = arith.constant 0 : index
    %get3A_241 = tpu.vector_load %arg8[%get3A_240] {strides = array<i32>} : memref<640xi32, #tpu.memory_space<vmem>>, vector<16xi32>,
    %get3A_242 = vector.shape_cast %get3A_241 : vector<16xi32> to vector<16xi32>
    %get3A_243 = arith.constant 0 : index
    %get3A_244 = tpu.vector_load %arg9[%get3A_243] {strides = array<i32>} : memref<640xi32, #tpu.memory_space<vmem>>, vector<16xi32>,
    %get3A_245 = vector.shape_cast %get3A_244 : vector<16xi32> to vector<16xi32>
    %mul3A_246 = arith.constant 921600 : i32
    %mul3A_247 = vector.broadcast %mul3A_246 : i32 to vector<16xi32>
    %mul3A_248 = arith.muli %get3A_245, %mul3A_247 : vector<16xi32>
    %mul3A_249 = arith.constant 720 : i32
    %mul3A_250 = vector.broadcast %mul3A_249 : i32 to vector<16xi32>
    %mul3A_251 = arith.muli %get3A_239, %mul3A_250 : vector<16xi32>
    %add3A_252 = arith.addi %mul3A_248, %mul3A_251 : vector<16xi32>
    %add3A_253 = arith.addi %add3A_252, %get3A_242 : vector<16xi32>
    %swap3A_254 = arith.constant 0 : index
    %swap3A_255 = tpu.vector_load %arg13[%swap3A_254] {strides = array<i32>} : memref<640xi32, #tpu.memory_space<vmem>>, vector<16xi32>,
    %swap3A_256 = vector.shape_cast %swap3A_255 : vector<16xi32> to vector<16xi32>
    %swap3A_257 = vector.shape_cast %add3A_253 : vector<16xi32> to vector<16xi32>
    tpu.vector_store %arg13[%swap3A_254], %swap3A_257 {strides = array<i32>} : memref<640xi32, #tpu.memory_space<vmem>>, vector<16xi32>,
    %get3A_258 = arith.constant 16 : index
    %get3A_259 = tpu.vector_load %arg7[%get3A_258] {strides = array<i32>} : memref<640xi32, #tpu.memory_space<vmem>>, vector<16xi32>,
    %get3A_260 = vector.shape_cast %get3A_259 : vector<16xi32> to vector<16xi32>
    %get3A_261 = arith.constant 16 : index
    %get3A_262 = tpu.vector_load %arg8[%get3A_261] {strides = array<i32>} : memref<640xi32, #tpu.memory_space<vmem>>, vector<16xi32>,
    %get3A_263 = vector.shape_cast %get3A_262 : vector<16xi32> to vector<16xi32>
    %get3A_264 = arith.constant 16 : index
    %get3A_265 = tpu.vector_load %arg9[%get3A_264] {strides = array<i32>} : memref<640xi32, #tpu.memory_space<vmem>>, vector<16xi32>,
    %get3A_266 = vector.shape_cast %get3A_265 : vector<16xi32> to vector<16xi32>
    %mul3A_267 = arith.constant 921600 : i32
    %mul3A_268 = vector.broadcast %mul3A_267 : i32 to vector<16xi32>
    %mul3A_269 = arith.muli %get3A_266, %mul3A_268 : vector<16xi32>
    %mul3A_270 = arith.constant 720 : i32
    %mul3A_271 = vector.broadcast %mul3A_270 : i32 to vector<16xi32>
    %mul3A_272 = arith.muli %get3A_260, %mul3A_271 : vector<16xi32>
    %add3A_273 = arith.addi %mul3A_269, %mul3A_272 : vector<16xi32>
    %add3A_274 = arith.addi %add3A_273, %get3A_263 : vector<16xi32>
    %swap3A_275 = arith.constant 16 : index
    %swap3A_276 = tpu.vector_load %arg13[%swap3A_275] {strides = array<i32>} : memref<640xi32, #tpu.memory_space<vmem>>, vector<16xi32>,
    %swap3A_277 = vector.shape_cast %swap3A_276 : vector<16xi32> to vector<16xi32>
    %swap3A_278 = vector.shape_cast %add3A_274 : vector<16xi32> to vector<16xi32>
    tpu.vector_store %arg13[%swap3A_275], %swap3A_278 {strides = array<i32>} : memref<640xi32, #tpu.memory_space<vmem>>, vector<16xi32>,
    %get3A_279 = arith.constant 32 : index
    %get3A_280 = tpu.vector_load %arg7[%get3A_279] {strides = array<i32>} : memref<640xi32, #tpu.memory_space<vmem>>, vector<16xi32>,
    %get3A_281 = vector.shape_cast %get3A_280 : vector<16xi32> to vector<16xi32>
    %get3A_282 = arith.constant 32 : index
    %get3A_283 = tpu.vector_load %arg8[%get3A_282] {strides = array<i32>} : memref<640xi32, #tpu.memory_space<vmem>>, vector<16xi32>,
    %get3A_284 = vector.shape_cast %get3A_283 : vector<16xi32> to vector<16xi32>
    %get3A_285 = arith.constant 32 : index
    %get3A_286 = tpu.vector_load %arg9[%get3A_285] {strides = array<i32>} : memref<640xi32, #tpu.memory_space<vmem>>, vector<16xi32>,
    %get3A_287 = vector.shape_cast %get3A_286 : vector<16xi32> to vector<16xi32>
    %mul3A_288 = arith.constant 921600 : i32
    %mul3A_289 = vector.broadcast %mul3A_288 : i32 to vector<16xi32>
    %mul3A_290 = arith.muli %get3A_287, %mul3A_289 : vector<16xi32>
    %mul3A_291 = arith.constant 720 : i32
    %mul3A_292 = vector.broadcast %mul3A_291 : i32 to vector<16xi32>
    %mul3A_293 = arith.muli %get3A_281, %mul3A_292 : vector<16xi32>
    %add3A_294 = arith.addi %mul3A_290, %mul3A_293 : vector<16xi32>
    %add3A_295 = arith.addi %add3A_294, %get3A_284 : vector<16xi32>
    %swap3A_296 = arith.constant 32 : index
    %swap3A_297 = tpu.vector_load %arg13[%swap3A_296] {strides = array<i32>} : memref<640xi32, #tpu.memory_space<vmem>>, vector<16xi32>,
    %swap3A_298 = vector.shape_cast %swap3A_297 : vector<16xi32> to vector<16xi32>
    %swap3A_299 = vector.shape_cast %add3A_295 : vector<16xi32> to vector<16xi32>
    tpu.vector_store %arg13[%swap3A_296], %swap3A_299 {strides = array<i32>} : memref<640xi32, #tpu.memory_space<vmem>>, vector<16xi32>,
    %get3A_300 = arith.constant 48 : index
    %get3A_301 = tpu.vector_load %arg7[%get3A_300] {strides = array<i32>} : memref<640xi32, #tpu.memory_space<vmem>>, vector<16xi32>,
    %get3A_302 = vector.shape_cast %get3A_301 : vector<16xi32> to vector<16xi32>
    %get3A_303 = arith.constant 48 : index
    %get3A_304 = tpu.vector_load %arg8[%get3A_303] {strides = array<i32>} : memref<640xi32, #tpu.memory_space<vmem>>, vector<16xi32>,
    %get3A_305 = vector.shape_cast %get3A_304 : vector<16xi32> to vector<16xi32>
    %get3A_306 = arith.constant 48 : index
    %get3A_307 = tpu.vector_load %arg9[%get3A_306] {strides = array<i32>} : memref<640xi32, #tpu.memory_space<vmem>>, vector<16xi32>,
    %get3A_308 = vector.shape_cast %get3A_307 : vector<16xi32> to vector<16xi32>
    %mul3A_309 = arith.constant 921600 : i32
    %mul3A_310 = vector.broadcast %mul3A_309 : i32 to vector<16xi32>
    %mul3A_311 = arith.muli %get3A_308, %mul3A_310 : vector<16xi32>
    %mul3A_312 = arith.constant 720 : i32
    %mul3A_313 = vector.broadcast %mul3A_312 : i32 to vector<16xi32>
    %mul3A_314 = arith.muli %get3A_302, %mul3A_313 : vector<16xi32>
    %add3A_315 = arith.addi %mul3A_311, %mul3A_314 : vector<16xi32>
    %add3A_316 = arith.addi %add3A_315, %get3A_305 : vector<16xi32>
    %swap3A_317 = arith.constant 48 : index
    %swap3A_318 = tpu.vector_load %arg13[%swap3A_317] {strides = array<i32>} : memref<640xi32, #tpu.memory_space<vmem>>, vector<16xi32>,
    %swap3A_319 = vector.shape_cast %swap3A_318 : vector<16xi32> to vector<16xi32>
    %swap3A_320 = vector.shape_cast %add3A_316 : vector<16xi32> to vector<16xi32>
    tpu.vector_store %arg13[%swap3A_317], %swap3A_320 {strides = array<i32>} : memref<640xi32, #tpu.memory_space<vmem>>, vector<16xi32>,
    %get3A_321 = arith.constant 64 : index
    %get3A_322 = tpu.vector_load %arg7[%get3A_321] {strides = array<i32>} : memref<640xi32, #tpu.memory_space<vmem>>, vector<16xi32>,
    %get3A_323 = vector.shape_cast %get3A_322 : vector<16xi32> to vector<16xi32>
    %get3A_324 = arith.constant 64 : index
    %get3A_325 = tpu.vector_load %arg8[%get3A_324] {strides = array<i32>} : memref<640xi32, #tpu.memory_space<vmem>>, vector<16xi32>,
    %get3A_326 = vector.shape_cast %get3A_325 : vector<16xi32> to vector<16xi32>
    %get3A_327 = arith.constant 64 : index
    %get3A_328 = tpu.vector_load %arg9[%get3A_327] {strides = array<i32>} : memref<640xi32, #tpu.memory_space<vmem>>, vector<16xi32>,
    %get3A_329 = vector.shape_cast %get3A_328 : vector<16xi32> to vector<16xi32>
    %mul3A_330 = arith.constant 921600 : i32
    %mul3A_331 = vector.broadcast %mul3A_330 : i32 to vector<16xi32>
    %mul3A_332 = arith.muli %get3A_329, %mul3A_331 : vector<16xi32>
    %mul3A_333 = arith.constant 720 : i32
    %mul3A_334 = vector.broadcast %mul3A_333 : i32 to vector<16xi32>
    %mul3A_335 = arith.muli %get3A_323, %mul3A_334 : vector<16xi32>
    %add3A_336 = arith.addi %mul3A_332, %mul3A_335 : vector<16xi32>
    %add3A_337 = arith.addi %add3A_336, %get3A_326 : vector<16xi32>
    %swap3A_338 = arith.constant 64 : index
    %swap3A_339 = tpu.vector_load %arg13[%swap3A_338] {strides = array<i32>} : memref<640xi32, #tpu.memory_space<vmem>>, vector<16xi32>,
    %swap3A_340 = vector.shape_cast %swap3A_339 : vector<16xi32> to vector<16xi32>
    %swap3A_341 = vector.shape_cast %add3A_337 : vector<16xi32> to vector<16xi32>
    tpu.vector_store %arg13[%swap3A_338], %swap3A_341 {strides = array<i32>} : memref<640xi32, #tpu.memory_space<vmem>>, vector<16xi32>,
    %get3A_342 = arith.constant 80 : index
    %get3A_343 = tpu.vector_load %arg7[%get3A_342] {strides = array<i32>} : memref<640xi32, #tpu.memory_space<vmem>>, vector<16xi32>,
    %get3A_344 = vector.shape_cast %get3A_343 : vector<16xi32> to vector<16xi32>
    %get3A_345 = arith.constant 80 : index
    %get3A_346 = tpu.vector_load %arg8[%get3A_345] {strides = array<i32>} : memref<640xi32, #tpu.memory_space<vmem>>, vector<16xi32>,
    %get3A_347 = vector.shape_cast %get3A_346 : vector<16xi32> to vector<16xi32>
    %get3A_348 = arith.constant 80 : index
    %get3A_349 = tpu.vector_load %arg9[%get3A_348] {strides = array<i32>} : memref<640xi32, #tpu.memory_space<vmem>>, vector<16xi32>,
    %get3A_350 = vector.shape_cast %get3A_349 : vector<16xi32> to vector<16xi32>
    %mul3A_351 = arith.constant 921600 : i32
    %mul3A_352 = vector.broadcast %mul3A_351 : i32 to vector<16xi32>
    %mul3A_353 = arith.muli %get3A_350, %mul3A_352 : vector<16xi32>
    %mul3A_354 = arith.constant 720 : i32
    %mul3A_355 = vector.broadcast %mul3A_354 : i32 to vector<16xi32>
    %mul3A_356 = arith.muli %get3A_344, %mul3A_355 : vector<16xi32>
    %add3A_357 = arith.addi %mul3A_353, %mul3A_356 : vector<16xi32>
    %add3A_358 = arith.addi %add3A_357, %get3A_347 : vector<16xi32>
    %swap3A_359 = arith.constant 80 : index
    %swap3A_360 = tpu.vector_load %arg13[%swap3A_359] {strides = array<i32>} : memref<640xi32, #tpu.memory_space<vmem>>, vector<16xi32>,
    %swap3A_361 = vector.shape_cast %swap3A_360 : vector<16xi32> to vector<16xi32>
    %swap3A_362 = vector.shape_cast %add3A_358 : vector<16xi32> to vector<16xi32>
    tpu.vector_store %arg13[%swap3A_359], %swap3A_362 {strides = array<i32>} : memref<640xi32, #tpu.memory_space<vmem>>, vector<16xi32>,
    %get3A_363 = arith.constant 96 : index
    %get3A_364 = tpu.vector_load %arg7[%get3A_363] {strides = array<i32>} : memref<640xi32, #tpu.memory_space<vmem>>, vector<16xi32>,
    %get3A_365 = vector.shape_cast %get3A_364 : vector<16xi32> to vector<16xi32>
    %get3A_366 = arith.constant 96 : index
    %get3A_367 = tpu.vector_load %arg8[%get3A_366] {strides = array<i32>} : memref<640xi32, #tpu.memory_space<vmem>>, vector<16xi32>,
    %get3A_368 = vector.shape_cast %get3A_367 : vector<16xi32> to vector<16xi32>
    %get3A_369 = arith.constant 96 : index
    %get3A_370 = tpu.vector_load %arg9[%get3A_369] {strides = array<i32>} : memref<640xi32, #tpu.memory_space<vmem>>, vector<16xi32>,
    %get3A_371 = vector.shape_cast %get3A_370 : vector<16xi32> to vector<16xi32>
    %mul3A_372 = arith.constant 921600 : i32
    %mul3A_373 = vector.broadcast %mul3A_372 : i32 to vector<16xi32>
    %mul3A_374 = arith.muli %get3A_371, %mul3A_373 : vector<16xi32>
    %mul3A_375 = arith.constant 720 : i32
    %mul3A_376 = vector.broadcast %mul3A_375 : i32 to vector<16xi32>
    %mul3A_377 = arith.muli %get3A_365, %mul3A_376 : vector<16xi32>
    %add3A_378 = arith.addi %mul3A_374, %mul3A_377 : vector<16xi32>
    %add3A_379 = arith.addi %add3A_378, %get3A_368 : vector<16xi32>
    %swap3A_380 = arith.constant 96 : index
    %swap3A_381 = tpu.vector_load %arg13[%swap3A_380] {strides = array<i32>} : memref<640xi32, #tpu.memory_space<vmem>>, vector<16xi32>,
    %swap3A_382 = vector.shape_cast %swap3A_381 : vector<16xi32> to vector<16xi32>
    %swap3A_383 = vector.shape_cast %add3A_379 : vector<16xi32> to vector<16xi32>
    tpu.vector_store %arg13[%swap3A_380], %swap3A_383 {strides = array<i32>} : memref<640xi32, #tpu.memory_space<vmem>>, vector<16xi32>,
    %get3A_384 = arith.constant 112 : index
    %get3A_385 = tpu.vector_load %arg7[%get3A_384] {strides = array<i32>} : memref<640xi32, #tpu.memory_space<vmem>>, vector<16xi32>,
    %get3A_386 = vector.shape_cast %get3A_385 : vector<16xi32> to vector<16xi32>
    %get3A_387 = arith.constant 112 : index
    %get3A_388 = tpu.vector_load %arg8[%get3A_387] {strides = array<i32>} : memref<640xi32, #tpu.memory_space<vmem>>, vector<16xi32>,
    %get3A_389 = vector.shape_cast %get3A_388 : vector<16xi32> to vector<16xi32>
    %get3A_390 = arith.constant 112 : index
    %get3A_391 = tpu.vector_load %arg9[%get3A_390] {strides = array<i32>} : memref<640xi32, #tpu.memory_space<vmem>>, vector<16xi32>,
    %get3A_392 = vector.shape_cast %get3A_391 : vector<16xi32> to vector<16xi32>
    %mul3A_393 = arith.constant 921600 : i32
    %mul3A_394 = vector.broadcast %mul3A_393 : i32 to vector<16xi32>
    %mul3A_395 = arith.muli %get3A_392, %mul3A_394 : vector<16xi32>
    %mul3A_396 = arith.constant 720 : i32
    %mul3A_397 = vector.broadcast %mul3A_396 : i32 to vector<16xi32>
    %mul3A_398 = arith.muli %get3A_386, %mul3A_397 : vector<16xi32>
    %add3A_399 = arith.addi %mul3A_395, %mul3A_398 : vector<16xi32>
    %add3A_400 = arith.addi %add3A_399, %get3A_389 : vector<16xi32>
    %swap3A_401 = arith.constant 112 : index
    %swap3A_402 = tpu.vector_load %arg13[%swap3A_401] {strides = array<i32>} : memref<640xi32, #tpu.memory_space<vmem>>, vector<16xi32>,
    %swap3A_403 = vector.shape_cast %swap3A_402 : vector<16xi32> to vector<16xi32>
    %swap3A_404 = vector.shape_cast %add3A_400 : vector<16xi32> to vector<16xi32>
    tpu.vector_store %arg13[%swap3A_401], %swap3A_404 {strides = array<i32>} : memref<640xi32, #tpu.memory_space<vmem>>, vector<16xi32>,
    %get3A_405 = arith.constant 128 : index
    %get3A_406 = tpu.vector_load %arg7[%get3A_405] {strides = array<i32>} : memref<640xi32, #tpu.memory_space<vmem>>, vector<16xi32>,
    %get3A_407 = vector.shape_cast %get3A_406 : vector<16xi32> to vector<16xi32>
    %get3A_408 = arith.constant 128 : index
    %get3A_409 = tpu.vector_load %arg8[%get3A_408] {strides = array<i32>} : memref<640xi32, #tpu.memory_space<vmem>>, vector<16xi32>,
    %get3A_410 = vector.shape_cast %get3A_409 : vector<16xi32> to vector<16xi32>
    %get3A_411 = arith.constant 128 : index
    %get3A_412 = tpu.vector_load %arg9[%get3A_411] {strides = array<i32>} : memref<640xi32, #tpu.memory_space<vmem>>, vector<16xi32>,
    %get3A_413 = vector.shape_cast %get3A_412 : vector<16xi32> to vector<16xi32>
    %mul3A_414 = arith.constant 921600 : i32
    %mul3A_415 = vector.broadcast %mul3A_414 : i32 to vector<16xi32>
    %mul3A_416 = arith.muli %get3A_413, %mul3A_415 : vector<16xi32>
    %mul3A_417 = arith.constant 720 : i32
    %mul3A_418 = vector.broadcast %mul3A_417 : i32 to vector<16xi32>
    %mul3A_419 = arith.muli %get3A_407, %mul3A_418 : vector<16xi32>
    %add3A_420 = arith.addi %mul3A_416, %mul3A_419 : vector<16xi32>
    %add3A_421 = arith.addi %add3A_420, %get3A_410 : vector<16xi32>
    %swap3A_422 = arith.constant 128 : index
    %swap3A_423 = tpu.vector_load %arg13[%swap3A_422] {strides = array<i32>} : memref<640xi32, #tpu.memory_space<vmem>>, vector<16xi32>,
    %swap3A_424 = vector.shape_cast %swap3A_423 : vector<16xi32> to vector<16xi32>
    %swap3A_425 = vector.shape_cast %add3A_421 : vector<16xi32> to vector<16xi32>
    tpu.vector_store %arg13[%swap3A_422], %swap3A_425 {strides = array<i32>} : memref<640xi32, #tpu.memory_space<vmem>>, vector<16xi32>,
    %get3A_426 = arith.constant 144 : index
    %get3A_427 = tpu.vector_load %arg7[%get3A_426] {strides = array<i32>} : memref<640xi32, #tpu.memory_space<vmem>>, vector<16xi32>,
    %get3A_428 = vector.shape_cast %get3A_427 : vector<16xi32> to vector<16xi32>
    %get3A_429 = arith.constant 144 : index
    %get3A_430 = tpu.vector_load %arg8[%get3A_429] {strides = array<i32>} : memref<640xi32, #tpu.memory_space<vmem>>, vector<16xi32>,
    %get3A_431 = vector.shape_cast %get3A_430 : vector<16xi32> to vector<16xi32>
    %get3A_432 = arith.constant 144 : index
    %get3A_433 = tpu.vector_load %arg9[%get3A_432] {strides = array<i32>} : memref<640xi32, #tpu.memory_space<vmem>>, vector<16xi32>,
    %get3A_434 = vector.shape_cast %get3A_433 : vector<16xi32> to vector<16xi32>
    %mul3A_435 = arith.constant 921600 : i32
    %mul3A_436 = vector.broadcast %mul3A_435 : i32 to vector<16xi32>
    %mul3A_437 = arith.muli %get3A_434, %mul3A_436 : vector<16xi32>
    %mul3A_438 = arith.constant 720 : i32
    %mul3A_439 = vector.broadcast %mul3A_438 : i32 to vector<16xi32>
    %mul3A_440 = arith.muli %get3A_428, %mul3A_439 : vector<16xi32>
    %add3A_441 = arith.addi %mul3A_437, %mul3A_440 : vector<16xi32>
    %add3A_442 = arith.addi %add3A_441, %get3A_431 : vector<16xi32>
    %swap3A_443 = arith.constant 144 : index
    %swap3A_444 = tpu.vector_load %arg13[%swap3A_443] {strides = array<i32>} : memref<640xi32, #tpu.memory_space<vmem>>, vector<16xi32>,
    %swap3A_445 = vector.shape_cast %swap3A_444 : vector<16xi32> to vector<16xi32>
    %swap3A_446 = vector.shape_cast %add3A_442 : vector<16xi32> to vector<16xi32>
    tpu.vector_store %arg13[%swap3A_443], %swap3A_446 {strides = array<i32>} : memref<640xi32, #tpu.memory_space<vmem>>, vector<16xi32>,
    %get3A_447 = arith.constant 160 : index
    %get3A_448 = tpu.vector_load %arg7[%get3A_447] {strides = array<i32>} : memref<640xi32, #tpu.memory_space<vmem>>, vector<16xi32>,
    %get3A_449 = vector.shape_cast %get3A_448 : vector<16xi32> to vector<16xi32>
    %get3A_450 = arith.constant 160 : index
    %get3A_451 = tpu.vector_load %arg8[%get3A_450] {strides = array<i32>} : memref<640xi32, #tpu.memory_space<vmem>>, vector<16xi32>,
    %get3A_452 = vector.shape_cast %get3A_451 : vector<16xi32> to vector<16xi32>
    %get3A_453 = arith.constant 160 : index
    %get3A_454 = tpu.vector_load %arg9[%get3A_453] {strides = array<i32>} : memref<640xi32, #tpu.memory_space<vmem>>, vector<16xi32>,
    %get3A_455 = vector.shape_cast %get3A_454 : vector<16xi32> to vector<16xi32>
    %mul3A_456 = arith.constant 921600 : i32
    %mul3A_457 = vector.broadcast %mul3A_456 : i32 to vector<16xi32>
    %mul3A_458 = arith.muli %get3A_455, %mul3A_457 : vector<16xi32>
    %mul3A_459 = arith.constant 720 : i32
    %mul3A_460 = vector.broadcast %mul3A_459 : i32 to vector<16xi32>
    %mul3A_461 = arith.muli %get3A_449, %mul3A_460 : vector<16xi32>
    %add3A_462 = arith.addi %mul3A_458, %mul3A_461 : vector<16xi32>
    %add3A_463 = arith.addi %add3A_462, %get3A_452 : vector<16xi32>
    %swap3A_464 = arith.constant 160 : index
    %swap3A_465 = tpu.vector_load %arg13[%swap3A_464] {strides = array<i32>} : memref<640xi32, #tpu.memory_space<vmem>>, vector<16xi32>,
    %swap3A_466 = vector.shape_cast %swap3A_465 : vector<16xi32> to vector<16xi32>
    %swap3A_467 = vector.shape_cast %add3A_463 : vector<16xi32> to vector<16xi32>
    tpu.vector_store %arg13[%swap3A_464], %swap3A_467 {strides = array<i32>} : memref<640xi32, #tpu.memory_space<vmem>>, vector<16xi32>,
    %get3A_468 = arith.constant 176 : index
    %get3A_469 = tpu.vector_load %arg7[%get3A_468] {strides = array<i32>} : memref<640xi32, #tpu.memory_space<vmem>>, vector<16xi32>,
    %get3A_470 = vector.shape_cast %get3A_469 : vector<16xi32> to vector<16xi32>
    %get3A_471 = arith.constant 176 : index
    %get3A_472 = tpu.vector_load %arg8[%get3A_471] {strides = array<i32>} : memref<640xi32, #tpu.memory_space<vmem>>, vector<16xi32>,
    %get3A_473 = vector.shape_cast %get3A_472 : vector<16xi32> to vector<16xi32>
    %get3A_474 = arith.constant 176 : index
    %get3A_475 = tpu.vector_load %arg9[%get3A_474] {strides = array<i32>} : memref<640xi32, #tpu.memory_space<vmem>>, vector<16xi32>,
    %get3A_476 = vector.shape_cast %get3A_475 : vector<16xi32> to vector<16xi32>
    %mul3A_477 = arith.constant 921600 : i32
    %mul3A_478 = vector.broadcast %mul3A_477 : i32 to vector<16xi32>
    %mul3A_479 = arith.muli %get3A_476, %mul3A_478 : vector<16xi32>
    %mul3A_480 = arith.constant 720 : i32
    %mul3A_481 = vector.broadcast %mul3A_480 : i32 to vector<16xi32>
    %mul3A_482 = arith.muli %get3A_470, %mul3A_481 : vector<16xi32>
    %add3A_483 = arith.addi %mul3A_479, %mul3A_482 : vector<16xi32>
    %add3A_484 = arith.addi %add3A_483, %get3A_473 : vector<16xi32>
    %swap3A_485 = arith.constant 176 : index
    %swap3A_486 = tpu.vector_load %arg13[%swap3A_485] {strides = array<i32>} : memref<640xi32, #tpu.memory_space<vmem>>, vector<16xi32>,
    %swap3A_487 = vector.shape_cast %swap3A_486 : vector<16xi32> to vector<16xi32>
    %swap3A_488 = vector.shape_cast %add3A_484 : vector<16xi32> to vector<16xi32>
    tpu.vector_store %arg13[%swap3A_485], %swap3A_488 {strides = array<i32>} : memref<640xi32, #tpu.memory_space<vmem>>, vector<16xi32>,
    %get3A_489 = arith.constant 192 : index
    %get3A_490 = tpu.vector_load %arg7[%get3A_489] {strides = array<i32>} : memref<640xi32, #tpu.memory_space<vmem>>, vector<16xi32>,
    %get3A_491 = vector.shape_cast %get3A_490 : vector<16xi32> to vector<16xi32>
    %get3A_492 = arith.constant 192 : index
    %get3A_493 = tpu.vector_load %arg8[%get3A_492] {strides = array<i32>} : memref<640xi32, #tpu.memory_space<vmem>>, vector<16xi32>,
    %get3A_494 = vector.shape_cast %get3A_493 : vector<16xi32> to vector<16xi32>
    %get3A_495 = arith.constant 192 : index
    %get3A_496 = tpu.vector_load %arg9[%get3A_495] {strides = array<i32>} : memref<640xi32, #tpu.memory_space<vmem>>, vector<16xi32>,
    %get3A_497 = vector.shape_cast %get3A_496 : vector<16xi32> to vector<16xi32>
    %mul3A_498 = arith.constant 921600 : i32
    %mul3A_499 = vector.broadcast %mul3A_498 : i32 to vector<16xi32>
    %mul3A_500 = arith.muli %get3A_497, %mul3A_499 : vector<16xi32>
    %mul3A_501 = arith.constant 720 : i32
    %mul3A_502 = vector.broadcast %mul3A_501 : i32 to vector<16xi32>
    %mul3A_503 = arith.muli %get3A_491, %mul3A_502 : vector<16xi32>
    %add3A_504 = arith.addi %mul3A_500, %mul3A_503 : vector<16xi32>
    %add3A_505 = arith.addi %add3A_504, %get3A_494 : vector<16xi32>
    %swap3A_506 = arith.constant 192 : index
    %swap3A_507 = tpu.vector_load %arg13[%swap3A_506] {strides = array<i32>} : memref<640xi32, #tpu.memory_space<vmem>>, vector<16xi32>,
    %swap3A_508 = vector.shape_cast %swap3A_507 : vector<16xi32> to vector<16xi32>
    %swap3A_509 = vector.shape_cast %add3A_505 : vector<16xi32> to vector<16xi32>
    tpu.vector_store %arg13[%swap3A_506], %swap3A_509 {strides = array<i32>} : memref<640xi32, #tpu.memory_space<vmem>>, vector<16xi32>,
    %get3A_510 = arith.constant 208 : index
    %get3A_511 = tpu.vector_load %arg7[%get3A_510] {strides = array<i32>} : memref<640xi32, #tpu.memory_space<vmem>>, vector<16xi32>,
    %get3A_512 = vector.shape_cast %get3A_511 : vector<16xi32> to vector<16xi32>
    %get3A_513 = arith.constant 208 : index
    %get3A_514 = tpu.vector_load %arg8[%get3A_513] {strides = array<i32>} : memref<640xi32, #tpu.memory_space<vmem>>, vector<16xi32>,
    %get3A_515 = vector.shape_cast %get3A_514 : vector<16xi32> to vector<16xi32>
    %get3A_516 = arith.constant 208 : index
    %get3A_517 = tpu.vector_load %arg9[%get3A_516] {strides = array<i32>} : memref<640xi32, #tpu.memory_space<vmem>>, vector<16xi32>,
    %get3A_518 = vector.shape_cast %get3A_517 : vector<16xi32> to vector<16xi32>
    %mul3A_519 = arith.constant 921600 : i32
    %mul3A_520 = vector.broadcast %mul3A_519 : i32 to vector<16xi32>
    %mul3A_521 = arith.muli %get3A_518, %mul3A_520 : vector<16xi32>
    %mul3A_522 = arith.constant 720 : i32
    %mul3A_523 = vector.broadcast %mul3A_522 : i32 to vector<16xi32>
    %mul3A_524 = arith.muli %get3A_512, %mul3A_523 : vector<16xi32>
    %add3A_525 = arith.addi %mul3A_521, %mul3A_524 : vector<16xi32>
    %add3A_526 = arith.addi %add3A_525, %get3A_515 : vector<16xi32>
    %swap3A_527 = arith.constant 208 : index
    %swap3A_528 = tpu.vector_load %arg13[%swap3A_527] {strides = array<i32>} : memref<640xi32, #tpu.memory_space<vmem>>, vector<16xi32>,
    %swap3A_529 = vector.shape_cast %swap3A_528 : vector<16xi32> to vector<16xi32>
    %swap3A_530 = vector.shape_cast %add3A_526 : vector<16xi32> to vector<16xi32>
    tpu.vector_store %arg13[%swap3A_527], %swap3A_530 {strides = array<i32>} : memref<640xi32, #tpu.memory_space<vmem>>, vector<16xi32>,
    %get3A_531 = arith.constant 224 : index
    %get3A_532 = tpu.vector_load %arg7[%get3A_531] {strides = array<i32>} : memref<640xi32, #tpu.memory_space<vmem>>, vector<16xi32>,
    %get3A_533 = vector.shape_cast %get3A_532 : vector<16xi32> to vector<16xi32>
    %get3A_534 = arith.constant 224 : index
    %get3A_535 = tpu.vector_load %arg8[%get3A_534] {strides = array<i32>} : memref<640xi32, #tpu.memory_space<vmem>>, vector<16xi32>,
    %get3A_536 = vector.shape_cast %get3A_535 : vector<16xi32> to vector<16xi32>
    %get3A_537 = arith.constant 224 : index
    %get3A_538 = tpu.vector_load %arg9[%get3A_537] {strides = array<i32>} : memref<640xi32, #tpu.memory_space<vmem>>, vector<16xi32>,
    %get3A_539 = vector.shape_cast %get3A_538 : vector<16xi32> to vector<16xi32>
    %mul3A_540 = arith.constant 921600 : i32
    %mul3A_541 = vector.broadcast %mul3A_540 : i32 to vector<16xi32>
    %mul3A_542 = arith.muli %get3A_539, %mul3A_541 : vector<16xi32>
    %mul3A_543 = arith.constant 720 : i32
    %mul3A_544 = vector.broadcast %mul3A_543 : i32 to vector<16xi32>
    %mul3A_545 = arith.muli %get3A_533, %mul3A_544 : vector<16xi32>
    %add3A_546 = arith.addi %mul3A_542, %mul3A_545 : vector<16xi32>
    %add3A_547 = arith.addi %add3A_546, %get3A_536 : vector<16xi32>
    %swap3A_548 = arith.constant 224 : index
    %swap3A_549 = tpu.vector_load %arg13[%swap3A_548] {strides = array<i32>} : memref<640xi32, #tpu.memory_space<vmem>>, vector<16xi32>,
    %swap3A_550 = vector.shape_cast %swap3A_549 : vector<16xi32> to vector<16xi32>
    %swap3A_551 = vector.shape_cast %add3A_547 : vector<16xi32> to vector<16xi32>
    tpu.vector_store %arg13[%swap3A_548], %swap3A_551 {strides = array<i32>} : memref<640xi32, #tpu.memory_space<vmem>>, vector<16xi32>,
    %get3A_552 = arith.constant 240 : index
    %get3A_553 = tpu.vector_load %arg7[%get3A_552] {strides = array<i32>} : memref<640xi32, #tpu.memory_space<vmem>>, vector<16xi32>,
    %get3A_554 = vector.shape_cast %get3A_553 : vector<16xi32> to vector<16xi32>
    %get3A_555 = arith.constant 240 : index
    %get3A_556 = tpu.vector_load %arg8[%get3A_555] {strides = array<i32>} : memref<640xi32, #tpu.memory_space<vmem>>, vector<16xi32>,
    %get3A_557 = vector.shape_cast %get3A_556 : vector<16xi32> to vector<16xi32>
    %get3A_558 = arith.constant 240 : index
    %get3A_559 = tpu.vector_load %arg9[%get3A_558] {strides = array<i32>} : memref<640xi32, #tpu.memory_space<vmem>>, vector<16xi32>,
    %get3A_560 = vector.shape_cast %get3A_559 : vector<16xi32> to vector<16xi32>
    %mul3A_561 = arith.constant 921600 : i32
    %mul3A_562 = vector.broadcast %mul3A_561 : i32 to vector<16xi32>
    %mul3A_563 = arith.muli %get3A_560, %mul3A_562 : vector<16xi32>
    %mul3A_564 = arith.constant 720 : i32
    %mul3A_565 = vector.broadcast %mul3A_564 : i32 to vector<16xi32>
    %mul3A_566 = arith.muli %get3A_554, %mul3A_565 : vector<16xi32>
    %add3A_567 = arith.addi %mul3A_563, %mul3A_566 : vector<16xi32>
    %add3A_568 = arith.addi %add3A_567, %get3A_557 : vector<16xi32>
    %swap3A_569 = arith.constant 240 : index
    %swap3A_570 = tpu.vector_load %arg13[%swap3A_569] {strides = array<i32>} : memref<640xi32, #tpu.memory_space<vmem>>, vector<16xi32>,
    %swap3A_571 = vector.shape_cast %swap3A_570 : vector<16xi32> to vector<16xi32>
    %swap3A_572 = vector.shape_cast %add3A_568 : vector<16xi32> to vector<16xi32>
    tpu.vector_store %arg13[%swap3A_569], %swap3A_572 {strides = array<i32>} : memref<640xi32, #tpu.memory_space<vmem>>, vector<16xi32>,
    %get3A_573 = arith.constant 256 : index
    %get3A_574 = tpu.vector_load %arg7[%get3A_573] {strides = array<i32>} : memref<640xi32, #tpu.memory_space<vmem>>, vector<16xi32>,
    %get3A_575 = vector.shape_cast %get3A_574 : vector<16xi32> to vector<16xi32>
    %get3A_576 = arith.constant 256 : index
    %get3A_577 = tpu.vector_load %arg8[%get3A_576] {strides = array<i32>} : memref<640xi32, #tpu.memory_space<vmem>>, vector<16xi32>,
    %get3A_578 = vector.shape_cast %get3A_577 : vector<16xi32> to vector<16xi32>
    %get3A_579 = arith.constant 256 : index
    %get3A_580 = tpu.vector_load %arg9[%get3A_579] {strides = array<i32>} : memref<640xi32, #tpu.memory_space<vmem>>, vector<16xi32>,
    %get3A_581 = vector.shape_cast %get3A_580 : vector<16xi32> to vector<16xi32>
    %mul3A_582 = arith.constant 921600 : i32
    %mul3A_583 = vector.broadcast %mul3A_582 : i32 to vector<16xi32>
    %mul3A_584 = arith.muli %get3A_581, %mul3A_583 : vector<16xi32>
    %mul3A_585 = arith.constant 720 : i32
    %mul3A_586 = vector.broadcast %mul3A_585 : i32 to vector<16xi32>
    %mul3A_587 = arith.muli %get3A_575, %mul3A_586 : vector<16xi32>
    %add3A_588 = arith.addi %mul3A_584, %mul3A_587 : vector<16xi32>
    %add3A_589 = arith.addi %add3A_588, %get3A_578 : vector<16xi32>
    %swap3A_590 = arith.constant 256 : index
    %swap3A_591 = tpu.vector_load %arg13[%swap3A_590] {strides = array<i32>} : memref<640xi32, #tpu.memory_space<vmem>>, vector<16xi32>,
    %swap3A_592 = vector.shape_cast %swap3A_591 : vector<16xi32> to vector<16xi32>
    %swap3A_593 = vector.shape_cast %add3A_589 : vector<16xi32> to vector<16xi32>
    tpu.vector_store %arg13[%swap3A_590], %swap3A_593 {strides = array<i32>} : memref<640xi32, #tpu.memory_space<vmem>>, vector<16xi32>,
    %get3A_594 = arith.constant 272 : index
    %get3A_595 = tpu.vector_load %arg7[%get3A_594] {strides = array<i32>} : memref<640xi32, #tpu.memory_space<vmem>>, vector<16xi32>,
    %get3A_596 = vector.shape_cast %get3A_595 : vector<16xi32> to vector<16xi32>
    %get3A_597 = arith.constant 272 : index
    %get3A_598 = tpu.vector_load %arg8[%get3A_597] {strides = array<i32>} : memref<640xi32, #tpu.memory_space<vmem>>, vector<16xi32>,
    %get3A_599 = vector.shape_cast %get3A_598 : vector<16xi32> to vector<16xi32>
    %get3A_600 = arith.constant 272 : index
    %get3A_601 = tpu.vector_load %arg9[%get3A_600] {strides = array<i32>} : memref<640xi32, #tpu.memory_space<vmem>>, vector<16xi32>,
    %get3A_602 = vector.shape_cast %get3A_601 : vector<16xi32> to vector<16xi32>
    %mul3A_603 = arith.constant 921600 : i32
    %mul3A_604 = vector.broadcast %mul3A_603 : i32 to vector<16xi32>
    %mul3A_605 = arith.muli %get3A_602, %mul3A_604 : vector<16xi32>
    %mul3A_606 = arith.constant 720 : i32
    %mul3A_607 = vector.broadcast %mul3A_606 : i32 to vector<16xi32>
    %mul3A_608 = arith.muli %get3A_596, %mul3A_607 : vector<16xi32>
    %add3A_609 = arith.addi %mul3A_605, %mul3A_608 : vector<16xi32>
    %add3A_610 = arith.addi %add3A_609, %get3A_599 : vector<16xi32>
    %swap3A_611 = arith.constant 272 : index
    %swap3A_612 = tpu.vector_load %arg13[%swap3A_611] {strides = array<i32>} : memref<640xi32, #tpu.memory_space<vmem>>, vector<16xi32>,
    %swap3A_613 = vector.shape_cast %swap3A_612 : vector<16xi32> to vector<16xi32>
    %swap3A_614 = vector.shape_cast %add3A_610 : vector<16xi32> to vector<16xi32>
    tpu.vector_store %arg13[%swap3A_611], %swap3A_614 {strides = array<i32>} : memref<640xi32, #tpu.memory_space<vmem>>, vector<16xi32>,
    %get3A_615 = arith.constant 288 : index
    %get3A_616 = tpu.vector_load %arg7[%get3A_615] {strides = array<i32>} : memref<640xi32, #tpu.memory_space<vmem>>, vector<16xi32>,
    %get3A_617 = vector.shape_cast %get3A_616 : vector<16xi32> to vector<16xi32>
    %get3A_618 = arith.constant 288 : index
    %get3A_619 = tpu.vector_load %arg8[%get3A_618] {strides = array<i32>} : memref<640xi32, #tpu.memory_space<vmem>>, vector<16xi32>,
    %get3A_620 = vector.shape_cast %get3A_619 : vector<16xi32> to vector<16xi32>
    %get3A_621 = arith.constant 288 : index
    %get3A_622 = tpu.vector_load %arg9[%get3A_621] {strides = array<i32>} : memref<640xi32, #tpu.memory_space<vmem>>, vector<16xi32>,
    %get3A_623 = vector.shape_cast %get3A_622 : vector<16xi32> to vector<16xi32>
    %mul3A_624 = arith.constant 921600 : i32
    %mul3A_625 = vector.broadcast %mul3A_624 : i32 to vector<16xi32>
    %mul3A_626 = arith.muli %get3A_623, %mul3A_625 : vector<16xi32>
    %mul3A_627 = arith.constant 720 : i32
    %mul3A_628 = vector.broadcast %mul3A_627 : i32 to vector<16xi32>
    %mul3A_629 = arith.muli %get3A_617, %mul3A_628 : vector<16xi32>
    %add3A_630 = arith.addi %mul3A_626, %mul3A_629 : vector<16xi32>
    %add3A_631 = arith.addi %add3A_630, %get3A_620 : vector<16xi32>
    %swap3A_632 = arith.constant 288 : index
    %swap3A_633 = tpu.vector_load %arg13[%swap3A_632] {strides = array<i32>} : memref<640xi32, #tpu.memory_space<vmem>>, vector<16xi32>,
    %swap3A_634 = vector.shape_cast %swap3A_633 : vector<16xi32> to vector<16xi32>
    %swap3A_635 = vector.shape_cast %add3A_631 : vector<16xi32> to vector<16xi32>
    tpu.vector_store %arg13[%swap3A_632], %swap3A_635 {strides = array<i32>} : memref<640xi32, #tpu.memory_space<vmem>>, vector<16xi32>,
    %get3A_636 = arith.constant 304 : index
    %get3A_637 = tpu.vector_load %arg7[%get3A_636] {strides = array<i32>} : memref<640xi32, #tpu.memory_space<vmem>>, vector<16xi32>,
    %get3A_638 = vector.shape_cast %get3A_637 : vector<16xi32> to vector<16xi32>
    %get3A_639 = arith.constant 304 : index
    %get3A_640 = tpu.vector_load %arg8[%get3A_639] {strides = array<i32>} : memref<640xi32, #tpu.memory_space<vmem>>, vector<16xi32>,
    %get3A_641 = vector.shape_cast %get3A_640 : vector<16xi32> to vector<16xi32>
    %get3A_642 = arith.constant 304 : index
    %get3A_643 = tpu.vector_load %arg9[%get3A_642] {strides = array<i32>} : memref<640xi32, #tpu.memory_space<vmem>>, vector<16xi32>,
    %get3A_644 = vector.shape_cast %get3A_643 : vector<16xi32> to vector<16xi32>
    %mul3A_645 = arith.constant 921600 : i32
    %mul3A_646 = vector.broadcast %mul3A_645 : i32 to vector<16xi32>
    %mul3A_647 = arith.muli %get3A_644, %mul3A_646 : vector<16xi32>
    %mul3A_648 = arith.constant 720 : i32
    %mul3A_649 = vector.broadcast %mul3A_648 : i32 to vector<16xi32>
    %mul3A_650 = arith.muli %get3A_638, %mul3A_649 : vector<16xi32>
    %add3A_651 = arith.addi %mul3A_647, %mul3A_650 : vector<16xi32>
    %add3A_652 = arith.addi %add3A_651, %get3A_641 : vector<16xi32>
    %swap3A_653 = arith.constant 304 : index
    %swap3A_654 = tpu.vector_load %arg13[%swap3A_653] {strides = array<i32>} : memref<640xi32, #tpu.memory_space<vmem>>, vector<16xi32>,
    %swap3A_655 = vector.shape_cast %swap3A_654 : vector<16xi32> to vector<16xi32>
    %swap3A_656 = vector.shape_cast %add3A_652 : vector<16xi32> to vector<16xi32>
    tpu.vector_store %arg13[%swap3A_653], %swap3A_656 {strides = array<i32>} : memref<640xi32, #tpu.memory_space<vmem>>, vector<16xi32>,
    %get3A_657 = arith.constant 320 : index
    %get3A_658 = tpu.vector_load %arg7[%get3A_657] {strides = array<i32>} : memref<640xi32, #tpu.memory_space<vmem>>, vector<16xi32>,
    %get3A_659 = vector.shape_cast %get3A_658 : vector<16xi32> to vector<16xi32>
    %get3A_660 = arith.constant 320 : index
    %get3A_661 = tpu.vector_load %arg8[%get3A_660] {strides = array<i32>} : memref<640xi32, #tpu.memory_space<vmem>>, vector<16xi32>,
    %get3A_662 = vector.shape_cast %get3A_661 : vector<16xi32> to vector<16xi32>
    %get3A_663 = arith.constant 320 : index
    %get3A_664 = tpu.vector_load %arg9[%get3A_663] {strides = array<i32>} : memref<640xi32, #tpu.memory_space<vmem>>, vector<16xi32>,
    %get3A_665 = vector.shape_cast %get3A_664 : vector<16xi32> to vector<16xi32>
    %mul3A_666 = arith.constant 921600 : i32
    %mul3A_667 = vector.broadcast %mul3A_666 : i32 to vector<16xi32>
    %mul3A_668 = arith.muli %get3A_665, %mul3A_667 : vector<16xi32>
    %mul3A_669 = arith.constant 720 : i32
    %mul3A_670 = vector.broadcast %mul3A_669 : i32 to vector<16xi32>
    %mul3A_671 = arith.muli %get3A_659, %mul3A_670 : vector<16xi32>
    %add3A_672 = arith.addi %mul3A_668, %mul3A_671 : vector<16xi32>
    %add3A_673 = arith.addi %add3A_672, %get3A_662 : vector<16xi32>
    %swap3A_674 = arith.constant 320 : index
    %swap3A_675 = tpu.vector_load %arg13[%swap3A_674] {strides = array<i32>} : memref<640xi32, #tpu.memory_space<vmem>>, vector<16xi32>,
    %swap3A_676 = vector.shape_cast %swap3A_675 : vector<16xi32> to vector<16xi32>
    %swap3A_677 = vector.shape_cast %add3A_673 : vector<16xi32> to vector<16xi32>
    tpu.vector_store %arg13[%swap3A_674], %swap3A_677 {strides = array<i32>} : memref<640xi32, #tpu.memory_space<vmem>>, vector<16xi32>,
    %get3A_678 = arith.constant 336 : index
    %get3A_679 = tpu.vector_load %arg7[%get3A_678] {strides = array<i32>} : memref<640xi32, #tpu.memory_space<vmem>>, vector<16xi32>,
    %get3A_680 = vector.shape_cast %get3A_679 : vector<16xi32> to vector<16xi32>
    %get3A_681 = arith.constant 336 : index
    %get3A_682 = tpu.vector_load %arg8[%get3A_681] {strides = array<i32>} : memref<640xi32, #tpu.memory_space<vmem>>, vector<16xi32>,
    %get3A_683 = vector.shape_cast %get3A_682 : vector<16xi32> to vector<16xi32>
    %get3A_684 = arith.constant 336 : index
    %get3A_685 = tpu.vector_load %arg9[%get3A_684] {strides = array<i32>} : memref<640xi32, #tpu.memory_space<vmem>>, vector<16xi32>,
    %get3A_686 = vector.shape_cast %get3A_685 : vector<16xi32> to vector<16xi32>
    %mul3A_687 = arith.constant 921600 : i32
    %mul3A_688 = vector.broadcast %mul3A_687 : i32 to vector<16xi32>
    %mul3A_689 = arith.muli %get3A_686, %mul3A_688 : vector<16xi32>
    %mul3A_690 = arith.constant 720 : i32
    %mul3A_691 = vector.broadcast %mul3A_690 : i32 to vector<16xi32>
    %mul3A_692 = arith.muli %get3A_680, %mul3A_691 : vector<16xi32>
    %add3A_693 = arith.addi %mul3A_689, %mul3A_692 : vector<16xi32>
    %add3A_694 = arith.addi %add3A_693, %get3A_683 : vector<16xi32>
    %swap3A_695 = arith.constant 336 : index
    %swap3A_696 = tpu.vector_load %arg13[%swap3A_695] {strides = array<i32>} : memref<640xi32, #tpu.memory_space<vmem>>, vector<16xi32>,
    %swap3A_697 = vector.shape_cast %swap3A_696 : vector<16xi32> to vector<16xi32>
    %swap3A_698 = vector.shape_cast %add3A_694 : vector<16xi32> to vector<16xi32>
    tpu.vector_store %arg13[%swap3A_695], %swap3A_698 {strides = array<i32>} : memref<640xi32, #tpu.memory_space<vmem>>, vector<16xi32>,
    %get3A_699 = arith.constant 352 : index
    %get3A_700 = tpu.vector_load %arg7[%get3A_699] {strides = array<i32>} : memref<640xi32, #tpu.memory_space<vmem>>, vector<16xi32>,
    %get3A_701 = vector.shape_cast %get3A_700 : vector<16xi32> to vector<16xi32>
    %get3A_702 = arith.constant 352 : index
    %get3A_703 = tpu.vector_load %arg8[%get3A_702] {strides = array<i32>} : memref<640xi32, #tpu.memory_space<vmem>>, vector<16xi32>,
    %get3A_704 = vector.shape_cast %get3A_703 : vector<16xi32> to vector<16xi32>
    %get3A_705 = arith.constant 352 : index
    %get3A_706 = tpu.vector_load %arg9[%get3A_705] {strides = array<i32>} : memref<640xi32, #tpu.memory_space<vmem>>, vector<16xi32>,
    %get3A_707 = vector.shape_cast %get3A_706 : vector<16xi32> to vector<16xi32>
    %mul3A_708 = arith.constant 921600 : i32
    %mul3A_709 = vector.broadcast %mul3A_708 : i32 to vector<16xi32>
    %mul3A_710 = arith.muli %get3A_707, %mul3A_709 : vector<16xi32>
    %mul3A_711 = arith.constant 720 : i32
    %mul3A_712 = vector.broadcast %mul3A_711 : i32 to vector<16xi32>
    %mul3A_713 = arith.muli %get3A_701, %mul3A_712 : vector<16xi32>
    %add3A_714 = arith.addi %mul3A_710, %mul3A_713 : vector<16xi32>
    %add3A_715 = arith.addi %add3A_714, %get3A_704 : vector<16xi32>
    %swap3A_716 = arith.constant 352 : index
    %swap3A_717 = tpu.vector_load %arg13[%swap3A_716] {strides = array<i32>} : memref<640xi32, #tpu.memory_space<vmem>>, vector<16xi32>,
    %swap3A_718 = vector.shape_cast %swap3A_717 : vector<16xi32> to vector<16xi32>
    %swap3A_719 = vector.shape_cast %add3A_715 : vector<16xi32> to vector<16xi32>
    tpu.vector_store %arg13[%swap3A_716], %swap3A_719 {strides = array<i32>} : memref<640xi32, #tpu.memory_space<vmem>>, vector<16xi32>,
    %get3A_720 = arith.constant 368 : index
    %get3A_721 = tpu.vector_load %arg7[%get3A_720] {strides = array<i32>} : memref<640xi32, #tpu.memory_space<vmem>>, vector<16xi32>,
    %get3A_722 = vector.shape_cast %get3A_721 : vector<16xi32> to vector<16xi32>
    %get3A_723 = arith.constant 368 : index
    %get3A_724 = tpu.vector_load %arg8[%get3A_723] {strides = array<i32>} : memref<640xi32, #tpu.memory_space<vmem>>, vector<16xi32>,
    %get3A_725 = vector.shape_cast %get3A_724 : vector<16xi32> to vector<16xi32>
    %get3A_726 = arith.constant 368 : index
    %get3A_727 = tpu.vector_load %arg9[%get3A_726] {strides = array<i32>} : memref<640xi32, #tpu.memory_space<vmem>>, vector<16xi32>,
    %get3A_728 = vector.shape_cast %get3A_727 : vector<16xi32> to vector<16xi32>
    %mul3A_729 = arith.constant 921600 : i32
    %mul3A_730 = vector.broadcast %mul3A_729 : i32 to vector<16xi32>
    %mul3A_731 = arith.muli %get3A_728, %mul3A_730 : vector<16xi32>
    %mul3A_732 = arith.constant 720 : i32
    %mul3A_733 = vector.broadcast %mul3A_732 : i32 to vector<16xi32>
    %mul3A_734 = arith.muli %get3A_722, %mul3A_733 : vector<16xi32>
    %add3A_735 = arith.addi %mul3A_731, %mul3A_734 : vector<16xi32>
    %add3A_736 = arith.addi %add3A_735, %get3A_725 : vector<16xi32>
    %swap3A_737 = arith.constant 368 : index
    %swap3A_738 = tpu.vector_load %arg13[%swap3A_737] {strides = array<i32>} : memref<640xi32, #tpu.memory_space<vmem>>, vector<16xi32>,
    %swap3A_739 = vector.shape_cast %swap3A_738 : vector<16xi32> to vector<16xi32>
    %swap3A_740 = vector.shape_cast %add3A_736 : vector<16xi32> to vector<16xi32>
    tpu.vector_store %arg13[%swap3A_737], %swap3A_740 {strides = array<i32>} : memref<640xi32, #tpu.memory_space<vmem>>, vector<16xi32>,
    %get3A_741 = arith.constant 384 : index
    %get3A_742 = tpu.vector_load %arg7[%get3A_741] {strides = array<i32>} : memref<640xi32, #tpu.memory_space<vmem>>, vector<16xi32>,
    %get3A_743 = vector.shape_cast %get3A_742 : vector<16xi32> to vector<16xi32>
    %get3A_744 = arith.constant 384 : index
    %get3A_745 = tpu.vector_load %arg8[%get3A_744] {strides = array<i32>} : memref<640xi32, #tpu.memory_space<vmem>>, vector<16xi32>,
    %get3A_746 = vector.shape_cast %get3A_745 : vector<16xi32> to vector<16xi32>
    %get3A_747 = arith.constant 384 : index
    %get3A_748 = tpu.vector_load %arg9[%get3A_747] {strides = array<i32>} : memref<640xi32, #tpu.memory_space<vmem>>, vector<16xi32>,
    %get3A_749 = vector.shape_cast %get3A_748 : vector<16xi32> to vector<16xi32>
    %mul3A_750 = arith.constant 921600 : i32
    %mul3A_751 = vector.broadcast %mul3A_750 : i32 to vector<16xi32>
    %mul3A_752 = arith.muli %get3A_749, %mul3A_751 : vector<16xi32>
    %mul3A_753 = arith.constant 720 : i32
    %mul3A_754 = vector.broadcast %mul3A_753 : i32 to vector<16xi32>
    %mul3A_755 = arith.muli %get3A_743, %mul3A_754 : vector<16xi32>
    %add3A_756 = arith.addi %mul3A_752, %mul3A_755 : vector<16xi32>
    %add3A_757 = arith.addi %add3A_756, %get3A_746 : vector<16xi32>
    %swap3A_758 = arith.constant 384 : index
    %swap3A_759 = tpu.vector_load %arg13[%swap3A_758] {strides = array<i32>} : memref<640xi32, #tpu.memory_space<vmem>>, vector<16xi32>,
    %swap3A_760 = vector.shape_cast %swap3A_759 : vector<16xi32> to vector<16xi32>
    %swap3A_761 = vector.shape_cast %add3A_757 : vector<16xi32> to vector<16xi32>
    tpu.vector_store %arg13[%swap3A_758], %swap3A_761 {strides = array<i32>} : memref<640xi32, #tpu.memory_space<vmem>>, vector<16xi32>,
    %get3A_762 = arith.constant 400 : index
    %get3A_763 = tpu.vector_load %arg7[%get3A_762] {strides = array<i32>} : memref<640xi32, #tpu.memory_space<vmem>>, vector<16xi32>,
    %get3A_764 = vector.shape_cast %get3A_763 : vector<16xi32> to vector<16xi32>
    %get3A_765 = arith.constant 400 : index
    %get3A_766 = tpu.vector_load %arg8[%get3A_765] {strides = array<i32>} : memref<640xi32, #tpu.memory_space<vmem>>, vector<16xi32>,
    %get3A_767 = vector.shape_cast %get3A_766 : vector<16xi32> to vector<16xi32>
    %get3A_768 = arith.constant 400 : index
    %get3A_769 = tpu.vector_load %arg9[%get3A_768] {strides = array<i32>} : memref<640xi32, #tpu.memory_space<vmem>>, vector<16xi32>,
    %get3A_770 = vector.shape_cast %get3A_769 : vector<16xi32> to vector<16xi32>
    %mul3A_771 = arith.constant 921600 : i32
    %mul3A_772 = vector.broadcast %mul3A_771 : i32 to vector<16xi32>
    %mul3A_773 = arith.muli %get3A_770, %mul3A_772 : vector<16xi32>
    %mul3A_774 = arith.constant 720 : i32
    %mul3A_775 = vector.broadcast %mul3A_774 : i32 to vector<16xi32>
    %mul3A_776 = arith.muli %get3A_764, %mul3A_775 : vector<16xi32>
    %add3A_777 = arith.addi %mul3A_773, %mul3A_776 : vector<16xi32>
    %add3A_778 = arith.addi %add3A_777, %get3A_767 : vector<16xi32>
    %swap3A_779 = arith.constant 400 : index
    %swap3A_780 = tpu.vector_load %arg13[%swap3A_779] {strides = array<i32>} : memref<640xi32, #tpu.memory_space<vmem>>, vector<16xi32>,
    %swap3A_781 = vector.shape_cast %swap3A_780 : vector<16xi32> to vector<16xi32>
    %swap3A_782 = vector.shape_cast %add3A_778 : vector<16xi32> to vector<16xi32>
    tpu.vector_store %arg13[%swap3A_779], %swap3A_782 {strides = array<i32>} : memref<640xi32, #tpu.memory_space<vmem>>, vector<16xi32>,
    %get3A_783 = arith.constant 416 : index
    %get3A_784 = tpu.vector_load %arg7[%get3A_783] {strides = array<i32>} : memref<640xi32, #tpu.memory_space<vmem>>, vector<16xi32>,
    %get3A_785 = vector.shape_cast %get3A_784 : vector<16xi32> to vector<16xi32>
    %get3A_786 = arith.constant 416 : index
    %get3A_787 = tpu.vector_load %arg8[%get3A_786] {strides = array<i32>} : memref<640xi32, #tpu.memory_space<vmem>>, vector<16xi32>,
    %get3A_788 = vector.shape_cast %get3A_787 : vector<16xi32> to vector<16xi32>
    %get3A_789 = arith.constant 416 : index
    %get3A_790 = tpu.vector_load %arg9[%get3A_789] {strides = array<i32>} : memref<640xi32, #tpu.memory_space<vmem>>, vector<16xi32>,
    %get3A_791 = vector.shape_cast %get3A_790 : vector<16xi32> to vector<16xi32>
    %mul3A_792 = arith.constant 921600 : i32
    %mul3A_793 = vector.broadcast %mul3A_792 : i32 to vector<16xi32>
    %mul3A_794 = arith.muli %get3A_791, %mul3A_793 : vector<16xi32>
    %mul3A_795 = arith.constant 720 : i32
    %mul3A_796 = vector.broadcast %mul3A_795 : i32 to vector<16xi32>
    %mul3A_797 = arith.muli %get3A_785, %mul3A_796 : vector<16xi32>
    %add3A_798 = arith.addi %mul3A_794, %mul3A_797 : vector<16xi32>
    %add3A_799 = arith.addi %add3A_798, %get3A_788 : vector<16xi32>
    %swap3A_800 = arith.constant 416 : index
    %swap3A_801 = tpu.vector_load %arg13[%swap3A_800] {strides = array<i32>} : memref<640xi32, #tpu.memory_space<vmem>>, vector<16xi32>,
    %swap3A_802 = vector.shape_cast %swap3A_801 : vector<16xi32> to vector<16xi32>
    %swap3A_803 = vector.shape_cast %add3A_799 : vector<16xi32> to vector<16xi32>
    tpu.vector_store %arg13[%swap3A_800], %swap3A_803 {strides = array<i32>} : memref<640xi32, #tpu.memory_space<vmem>>, vector<16xi32>,
    %get3A_804 = arith.constant 432 : index
    %get3A_805 = tpu.vector_load %arg7[%get3A_804] {strides = array<i32>} : memref<640xi32, #tpu.memory_space<vmem>>, vector<16xi32>,
    %get3A_806 = vector.shape_cast %get3A_805 : vector<16xi32> to vector<16xi32>
    %get3A_807 = arith.constant 432 : index
    %get3A_808 = tpu.vector_load %arg8[%get3A_807] {strides = array<i32>} : memref<640xi32, #tpu.memory_space<vmem>>, vector<16xi32>,
    %get3A_809 = vector.shape_cast %get3A_808 : vector<16xi32> to vector<16xi32>
    %get3A_810 = arith.constant 432 : index
    %get3A_811 = tpu.vector_load %arg9[%get3A_810] {strides = array<i32>} : memref<640xi32, #tpu.memory_space<vmem>>, vector<16xi32>,
    %get3A_812 = vector.shape_cast %get3A_811 : vector<16xi32> to vector<16xi32>
    %mul3A_813 = arith.constant 921600 : i32
    %mul3A_814 = vector.broadcast %mul3A_813 : i32 to vector<16xi32>
    %mul3A_815 = arith.muli %get3A_812, %mul3A_814 : vector<16xi32>
    %mul3A_816 = arith.constant 720 : i32
    %mul3A_817 = vector.broadcast %mul3A_816 : i32 to vector<16xi32>
    %mul3A_818 = arith.muli %get3A_806, %mul3A_817 : vector<16xi32>
    %add3A_819 = arith.addi %mul3A_815, %mul3A_818 : vector<16xi32>
    %add3A_820 = arith.addi %add3A_819, %get3A_809 : vector<16xi32>
    %swap3A_821 = arith.constant 432 : index
    %swap3A_822 = tpu.vector_load %arg13[%swap3A_821] {strides = array<i32>} : memref<640xi32, #tpu.memory_space<vmem>>, vector<16xi32>,
    %swap3A_823 = vector.shape_cast %swap3A_822 : vector<16xi32> to vector<16xi32>
    %swap3A_824 = vector.shape_cast %add3A_820 : vector<16xi32> to vector<16xi32>
    tpu.vector_store %arg13[%swap3A_821], %swap3A_824 {strides = array<i32>} : memref<640xi32, #tpu.memory_space<vmem>>, vector<16xi32>,
    %get3A_825 = arith.constant 448 : index
    %get3A_826 = tpu.vector_load %arg7[%get3A_825] {strides = array<i32>} : memref<640xi32, #tpu.memory_space<vmem>>, vector<16xi32>,
    %get3A_827 = vector.shape_cast %get3A_826 : vector<16xi32> to vector<16xi32>
    %get3A_828 = arith.constant 448 : index
    %get3A_829 = tpu.vector_load %arg8[%get3A_828] {strides = array<i32>} : memref<640xi32, #tpu.memory_space<vmem>>, vector<16xi32>,
    %get3A_830 = vector.shape_cast %get3A_829 : vector<16xi32> to vector<16xi32>
    %get3A_831 = arith.constant 448 : index
    %get3A_832 = tpu.vector_load %arg9[%get3A_831] {strides = array<i32>} : memref<640xi32, #tpu.memory_space<vmem>>, vector<16xi32>,
    %get3A_833 = vector.shape_cast %get3A_832 : vector<16xi32> to vector<16xi32>
    %mul3A_834 = arith.constant 921600 : i32
    %mul3A_835 = vector.broadcast %mul3A_834 : i32 to vector<16xi32>
    %mul3A_836 = arith.muli %get3A_833, %mul3A_835 : vector<16xi32>
    %mul3A_837 = arith.constant 720 : i32
    %mul3A_838 = vector.broadcast %mul3A_837 : i32 to vector<16xi32>
    %mul3A_839 = arith.muli %get3A_827, %mul3A_838 : vector<16xi32>
    %add3A_840 = arith.addi %mul3A_836, %mul3A_839 : vector<16xi32>
    %add3A_841 = arith.addi %add3A_840, %get3A_830 : vector<16xi32>
    %swap3A_842 = arith.constant 448 : index
    %swap3A_843 = tpu.vector_load %arg13[%swap3A_842] {strides = array<i32>} : memref<640xi32, #tpu.memory_space<vmem>>, vector<16xi32>,
    %swap3A_844 = vector.shape_cast %swap3A_843 : vector<16xi32> to vector<16xi32>
    %swap3A_845 = vector.shape_cast %add3A_841 : vector<16xi32> to vector<16xi32>
    tpu.vector_store %arg13[%swap3A_842], %swap3A_845 {strides = array<i32>} : memref<640xi32, #tpu.memory_space<vmem>>, vector<16xi32>,
    %get3A_846 = arith.constant 464 : index
    %get3A_847 = tpu.vector_load %arg7[%get3A_846] {strides = array<i32>} : memref<640xi32, #tpu.memory_space<vmem>>, vector<16xi32>,
    %get3A_848 = vector.shape_cast %get3A_847 : vector<16xi32> to vector<16xi32>
    %get3A_849 = arith.constant 464 : index
    %get3A_850 = tpu.vector_load %arg8[%get3A_849] {strides = array<i32>} : memref<640xi32, #tpu.memory_space<vmem>>, vector<16xi32>,
    %get3A_851 = vector.shape_cast %get3A_850 : vector<16xi32> to vector<16xi32>
    %get3A_852 = arith.constant 464 : index
    %get3A_853 = tpu.vector_load %arg9[%get3A_852] {strides = array<i32>} : memref<640xi32, #tpu.memory_space<vmem>>, vector<16xi32>,
    %get3A_854 = vector.shape_cast %get3A_853 : vector<16xi32> to vector<16xi32>
    %mul3A_855 = arith.constant 921600 : i32
    %mul3A_856 = vector.broadcast %mul3A_855 : i32 to vector<16xi32>
    %mul3A_857 = arith.muli %get3A_854, %mul3A_856 : vector<16xi32>
    %mul3A_858 = arith.constant 720 : i32
    %mul3A_859 = vector.broadcast %mul3A_858 : i32 to vector<16xi32>
    %mul3A_860 = arith.muli %get3A_848, %mul3A_859 : vector<16xi32>
    %add3A_861 = arith.addi %mul3A_857, %mul3A_860 : vector<16xi32>
    %add3A_862 = arith.addi %add3A_861, %get3A_851 : vector<16xi32>
    %swap3A_863 = arith.constant 464 : index
    %swap3A_864 = tpu.vector_load %arg13[%swap3A_863] {strides = array<i32>} : memref<640xi32, #tpu.memory_space<vmem>>, vector<16xi32>,
    %swap3A_865 = vector.shape_cast %swap3A_864 : vector<16xi32> to vector<16xi32>
    %swap3A_866 = vector.shape_cast %add3A_862 : vector<16xi32> to vector<16xi32>
    tpu.vector_store %arg13[%swap3A_863], %swap3A_866 {strides = array<i32>} : memref<640xi32, #tpu.memory_space<vmem>>, vector<16xi32>,
    %get3A_867 = arith.constant 480 : index
    %get3A_868 = tpu.vector_load %arg7[%get3A_867] {strides = array<i32>} : memref<640xi32, #tpu.memory_space<vmem>>, vector<16xi32>,
    %get3A_869 = vector.shape_cast %get3A_868 : vector<16xi32> to vector<16xi32>
    %get3A_870 = arith.constant 480 : index
    %get3A_871 = tpu.vector_load %arg8[%get3A_870] {strides = array<i32>} : memref<640xi32, #tpu.memory_space<vmem>>, vector<16xi32>,
    %get3A_872 = vector.shape_cast %get3A_871 : vector<16xi32> to vector<16xi32>
    %get3A_873 = arith.constant 480 : index
    %get3A_874 = tpu.vector_load %arg9[%get3A_873] {strides = array<i32>} : memref<640xi32, #tpu.memory_space<vmem>>, vector<16xi32>,
    %get3A_875 = vector.shape_cast %get3A_874 : vector<16xi32> to vector<16xi32>
    %mul3A_876 = arith.constant 921600 : i32
    %mul3A_877 = vector.broadcast %mul3A_876 : i32 to vector<16xi32>
    %mul3A_878 = arith.muli %get3A_875, %mul3A_877 : vector<16xi32>
    %mul3A_879 = arith.constant 720 : i32
    %mul3A_880 = vector.broadcast %mul3A_879 : i32 to vector<16xi32>
    %mul3A_881 = arith.muli %get3A_869, %mul3A_880 : vector<16xi32>
    %add3A_882 = arith.addi %mul3A_878, %mul3A_881 : vector<16xi32>
    %add3A_883 = arith.addi %add3A_882, %get3A_872 : vector<16xi32>
    %swap3A_884 = arith.constant 480 : index
    %swap3A_885 = tpu.vector_load %arg13[%swap3A_884] {strides = array<i32>} : memref<640xi32, #tpu.memory_space<vmem>>, vector<16xi32>,
    %swap3A_886 = vector.shape_cast %swap3A_885 : vector<16xi32> to vector<16xi32>
    %swap3A_887 = vector.shape_cast %add3A_883 : vector<16xi32> to vector<16xi32>
    tpu.vector_store %arg13[%swap3A_884], %swap3A_887 {strides = array<i32>} : memref<640xi32, #tpu.memory_space<vmem>>, vector<16xi32>,
    %get3A_888 = arith.constant 496 : index
    %get3A_889 = tpu.vector_load %arg7[%get3A_888] {strides = array<i32>} : memref<640xi32, #tpu.memory_space<vmem>>, vector<16xi32>,
    %get3A_890 = vector.shape_cast %get3A_889 : vector<16xi32> to vector<16xi32>
    %get3A_891 = arith.constant 496 : index
    %get3A_892 = tpu.vector_load %arg8[%get3A_891] {strides = array<i32>} : memref<640xi32, #tpu.memory_space<vmem>>, vector<16xi32>,
    %get3A_893 = vector.shape_cast %get3A_892 : vector<16xi32> to vector<16xi32>
    %get3A_894 = arith.constant 496 : index
    %get3A_895 = tpu.vector_load %arg9[%get3A_894] {strides = array<i32>} : memref<640xi32, #tpu.memory_space<vmem>>, vector<16xi32>,
    %get3A_896 = vector.shape_cast %get3A_895 : vector<16xi32> to vector<16xi32>
    %mul3A_897 = arith.constant 921600 : i32
    %mul3A_898 = vector.broadcast %mul3A_897 : i32 to vector<16xi32>
    %mul3A_899 = arith.muli %get3A_896, %mul3A_898 : vector<16xi32>
    %mul3A_900 = arith.constant 720 : i32
    %mul3A_901 = vector.broadcast %mul3A_900 : i32 to vector<16xi32>
    %mul3A_902 = arith.muli %get3A_890, %mul3A_901 : vector<16xi32>
    %add3A_903 = arith.addi %mul3A_899, %mul3A_902 : vector<16xi32>
    %add3A_904 = arith.addi %add3A_903, %get3A_893 : vector<16xi32>
    %swap3A_905 = arith.constant 496 : index
    %swap3A_906 = tpu.vector_load %arg13[%swap3A_905] {strides = array<i32>} : memref<640xi32, #tpu.memory_space<vmem>>, vector<16xi32>,
    %swap3A_907 = vector.shape_cast %swap3A_906 : vector<16xi32> to vector<16xi32>
    %swap3A_908 = vector.shape_cast %add3A_904 : vector<16xi32> to vector<16xi32>
    tpu.vector_store %arg13[%swap3A_905], %swap3A_908 {strides = array<i32>} : memref<640xi32, #tpu.memory_space<vmem>>, vector<16xi32>,
    %get3A_909 = arith.constant 512 : index
    %get3A_910 = tpu.vector_load %arg7[%get3A_909] {strides = array<i32>} : memref<640xi32, #tpu.memory_space<vmem>>, vector<16xi32>,
    %get3A_911 = vector.shape_cast %get3A_910 : vector<16xi32> to vector<16xi32>
    %get3A_912 = arith.constant 512 : index
    %get3A_913 = tpu.vector_load %arg8[%get3A_912] {strides = array<i32>} : memref<640xi32, #tpu.memory_space<vmem>>, vector<16xi32>,
    %get3A_914 = vector.shape_cast %get3A_913 : vector<16xi32> to vector<16xi32>
    %get3A_915 = arith.constant 512 : index
    %get3A_916 = tpu.vector_load %arg9[%get3A_915] {strides = array<i32>} : memref<640xi32, #tpu.memory_space<vmem>>, vector<16xi32>,
    %get3A_917 = vector.shape_cast %get3A_916 : vector<16xi32> to vector<16xi32>
    %mul3A_918 = arith.constant 921600 : i32
    %mul3A_919 = vector.broadcast %mul3A_918 : i32 to vector<16xi32>
    %mul3A_920 = arith.muli %get3A_917, %mul3A_919 : vector<16xi32>
    %mul3A_921 = arith.constant 720 : i32
    %mul3A_922 = vector.broadcast %mul3A_921 : i32 to vector<16xi32>
    %mul3A_923 = arith.muli %get3A_911, %mul3A_922 : vector<16xi32>
    %add3A_924 = arith.addi %mul3A_920, %mul3A_923 : vector<16xi32>
    %add3A_925 = arith.addi %add3A_924, %get3A_914 : vector<16xi32>
    %swap3A_926 = arith.constant 512 : index
    %swap3A_927 = tpu.vector_load %arg13[%swap3A_926] {strides = array<i32>} : memref<640xi32, #tpu.memory_space<vmem>>, vector<16xi32>,
    %swap3A_928 = vector.shape_cast %swap3A_927 : vector<16xi32> to vector<16xi32>
    %swap3A_929 = vector.shape_cast %add3A_925 : vector<16xi32> to vector<16xi32>
    tpu.vector_store %arg13[%swap3A_926], %swap3A_929 {strides = array<i32>} : memref<640xi32, #tpu.memory_space<vmem>>, vector<16xi32>,
    %get3A_930 = arith.constant 528 : index
    %get3A_931 = tpu.vector_load %arg7[%get3A_930] {strides = array<i32>} : memref<640xi32, #tpu.memory_space<vmem>>, vector<16xi32>,
    %get3A_932 = vector.shape_cast %get3A_931 : vector<16xi32> to vector<16xi32>
    %get3A_933 = arith.constant 528 : index
    %get3A_934 = tpu.vector_load %arg8[%get3A_933] {strides = array<i32>} : memref<640xi32, #tpu.memory_space<vmem>>, vector<16xi32>,
    %get3A_935 = vector.shape_cast %get3A_934 : vector<16xi32> to vector<16xi32>
    %get3A_936 = arith.constant 528 : index
    %get3A_937 = tpu.vector_load %arg9[%get3A_936] {strides = array<i32>} : memref<640xi32, #tpu.memory_space<vmem>>, vector<16xi32>,
    %get3A_938 = vector.shape_cast %get3A_937 : vector<16xi32> to vector<16xi32>
    %mul3A_939 = arith.constant 921600 : i32
    %mul3A_940 = vector.broadcast %mul3A_939 : i32 to vector<16xi32>
    %mul3A_941 = arith.muli %get3A_938, %mul3A_940 : vector<16xi32>
    %mul3A_942 = arith.constant 720 : i32
    %mul3A_943 = vector.broadcast %mul3A_942 : i32 to vector<16xi32>
    %mul3A_944 = arith.muli %get3A_932, %mul3A_943 : vector<16xi32>
    %add3A_945 = arith.addi %mul3A_941, %mul3A_944 : vector<16xi32>
    %add3A_946 = arith.addi %add3A_945, %get3A_935 : vector<16xi32>
    %swap3A_947 = arith.constant 528 : index
    %swap3A_948 = tpu.vector_load %arg13[%swap3A_947] {strides = array<i32>} : memref<640xi32, #tpu.memory_space<vmem>>, vector<16xi32>,
    %swap3A_949 = vector.shape_cast %swap3A_948 : vector<16xi32> to vector<16xi32>
    %swap3A_950 = vector.shape_cast %add3A_946 : vector<16xi32> to vector<16xi32>
    tpu.vector_store %arg13[%swap3A_947], %swap3A_950 {strides = array<i32>} : memref<640xi32, #tpu.memory_space<vmem>>, vector<16xi32>,
    %get3A_951 = arith.constant 544 : index
    %get3A_952 = tpu.vector_load %arg7[%get3A_951] {strides = array<i32>} : memref<640xi32, #tpu.memory_space<vmem>>, vector<16xi32>,
    %get3A_953 = vector.shape_cast %get3A_952 : vector<16xi32> to vector<16xi32>
    %get3A_954 = arith.constant 544 : index
    %get3A_955 = tpu.vector_load %arg8[%get3A_954] {strides = array<i32>} : memref<640xi32, #tpu.memory_space<vmem>>, vector<16xi32>,
    %get3A_956 = vector.shape_cast %get3A_955 : vector<16xi32> to vector<16xi32>
    %get3A_957 = arith.constant 544 : index
    %get3A_958 = tpu.vector_load %arg9[%get3A_957] {strides = array<i32>} : memref<640xi32, #tpu.memory_space<vmem>>, vector<16xi32>,
    %get3A_959 = vector.shape_cast %get3A_958 : vector<16xi32> to vector<16xi32>
    %mul3A_960 = arith.constant 921600 : i32
    %mul3A_961 = vector.broadcast %mul3A_960 : i32 to vector<16xi32>
    %mul3A_962 = arith.muli %get3A_959, %mul3A_961 : vector<16xi32>
    %mul3A_963 = arith.constant 720 : i32
    %mul3A_964 = vector.broadcast %mul3A_963 : i32 to vector<16xi32>
    %mul3A_965 = arith.muli %get3A_953, %mul3A_964 : vector<16xi32>
    %add3A_966 = arith.addi %mul3A_962, %mul3A_965 : vector<16xi32>
    %add3A_967 = arith.addi %add3A_966, %get3A_956 : vector<16xi32>
    %swap3A_968 = arith.constant 544 : index
    %swap3A_969 = tpu.vector_load %arg13[%swap3A_968] {strides = array<i32>} : memref<640xi32, #tpu.memory_space<vmem>>, vector<16xi32>,
    %swap3A_970 = vector.shape_cast %swap3A_969 : vector<16xi32> to vector<16xi32>
    %swap3A_971 = vector.shape_cast %add3A_967 : vector<16xi32> to vector<16xi32>
    tpu.vector_store %arg13[%swap3A_968], %swap3A_971 {strides = array<i32>} : memref<640xi32, #tpu.memory_space<vmem>>, vector<16xi32>,
    %get3A_972 = arith.constant 560 : index
    %get3A_973 = tpu.vector_load %arg7[%get3A_972] {strides = array<i32>} : memref<640xi32, #tpu.memory_space<vmem>>, vector<16xi32>,
    %get3A_974 = vector.shape_cast %get3A_973 : vector<16xi32> to vector<16xi32>
    %get3A_975 = arith.constant 560 : index
    %get3A_976 = tpu.vector_load %arg8[%get3A_975] {strides = array<i32>} : memref<640xi32, #tpu.memory_space<vmem>>, vector<16xi32>,
    %get3A_977 = vector.shape_cast %get3A_976 : vector<16xi32> to vector<16xi32>
    %get3A_978 = arith.constant 560 : index
    %get3A_979 = tpu.vector_load %arg9[%get3A_978] {strides = array<i32>} : memref<640xi32, #tpu.memory_space<vmem>>, vector<16xi32>,
    %get3A_980 = vector.shape_cast %get3A_979 : vector<16xi32> to vector<16xi32>
    %mul3A_981 = arith.constant 921600 : i32
    %mul3A_982 = vector.broadcast %mul3A_981 : i32 to vector<16xi32>
    %mul3A_983 = arith.muli %get3A_980, %mul3A_982 : vector<16xi32>
    %mul3A_984 = arith.constant 720 : i32
    %mul3A_985 = vector.broadcast %mul3A_984 : i32 to vector<16xi32>
    %mul3A_986 = arith.muli %get3A_974, %mul3A_985 : vector<16xi32>
    %add3A_987 = arith.addi %mul3A_983, %mul3A_986 : vector<16xi32>
    %add3A_988 = arith.addi %add3A_987, %get3A_977 : vector<16xi32>
    %swap3A_989 = arith.constant 560 : index
    %swap3A_990 = tpu.vector_load %arg13[%swap3A_989] {strides = array<i32>} : memref<640xi32, #tpu.memory_space<vmem>>, vector<16xi32>,
    %swap3A_991 = vector.shape_cast %swap3A_990 : vector<16xi32> to vector<16xi32>
    %swap3A_992 = vector.shape_cast %add3A_988 : vector<16xi32> to vector<16xi32>
    tpu.vector_store %arg13[%swap3A_989], %swap3A_992 {strides = array<i32>} : memref<640xi32, #tpu.memory_space<vmem>>, vector<16xi32>,
    %get3A_993 = arith.constant 576 : index
    %get3A_994 = tpu.vector_load %arg7[%get3A_993] {strides = array<i32>} : memref<640xi32, #tpu.memory_space<vmem>>, vector<16xi32>,
    %get3A_995 = vector.shape_cast %get3A_994 : vector<16xi32> to vector<16xi32>
    %get3A_996 = arith.constant 576 : index
    %get3A_997 = tpu.vector_load %arg8[%get3A_996] {strides = array<i32>} : memref<640xi32, #tpu.memory_space<vmem>>, vector<16xi32>,
    %get3A_998 = vector.shape_cast %get3A_997 : vector<16xi32> to vector<16xi32>
    %get3A_999 = arith.constant 576 : index
    %get3A_1000 = tpu.vector_load %arg9[%get3A_999] {strides = array<i32>} : memref<640xi32, #tpu.memory_space<vmem>>, vector<16xi32>,
    %get3A_1001 = vector.shape_cast %get3A_1000 : vector<16xi32> to vector<16xi32>
    %mul3A_1002 = arith.constant 921600 : i32
    %mul3A_1003 = vector.broadcast %mul3A_1002 : i32 to vector<16xi32>
    %mul3A_1004 = arith.muli %get3A_1001, %mul3A_1003 : vector<16xi32>
    %mul3A_1005 = arith.constant 720 : i32
    %mul3A_1006 = vector.broadcast %mul3A_1005 : i32 to vector<16xi32>
    %mul3A_1007 = arith.muli %get3A_995, %mul3A_1006 : vector<16xi32>
    %add3A_1008 = arith.addi %mul3A_1004, %mul3A_1007 : vector<16xi32>
    %add3A_1009 = arith.addi %add3A_1008, %get3A_998 : vector<16xi32>
    %swap3A_1010 = arith.constant 576 : index
    %swap3A_1011 = tpu.vector_load %arg13[%swap3A_1010] {strides = array<i32>} : memref<640xi32, #tpu.memory_space<vmem>>, vector<16xi32>,
    %swap3A_1012 = vector.shape_cast %swap3A_1011 : vector<16xi32> to vector<16xi32>
    %swap3A_1013 = vector.shape_cast %add3A_1009 : vector<16xi32> to vector<16xi32>
    tpu.vector_store %arg13[%swap3A_1010], %swap3A_1013 {strides = array<i32>} : memref<640xi32, #tpu.memory_space<vmem>>, vector<16xi32>,
    %get3A_1014 = arith.constant 592 : index
    %get3A_1015 = tpu.vector_load %arg7[%get3A_1014] {strides = array<i32>} : memref<640xi32, #tpu.memory_space<vmem>>, vector<16xi32>,
    %get3A_1016 = vector.shape_cast %get3A_1015 : vector<16xi32> to vector<16xi32>
    %get3A_1017 = arith.constant 592 : index
    %get3A_1018 = tpu.vector_load %arg8[%get3A_1017] {strides = array<i32>} : memref<640xi32, #tpu.memory_space<vmem>>, vector<16xi32>,
    %get3A_1019 = vector.shape_cast %get3A_1018 : vector<16xi32> to vector<16xi32>
    %get3A_1020 = arith.constant 592 : index
    %get3A_1021 = tpu.vector_load %arg9[%get3A_1020] {strides = array<i32>} : memref<640xi32, #tpu.memory_space<vmem>>, vector<16xi32>,
    %get3A_1022 = vector.shape_cast %get3A_1021 : vector<16xi32> to vector<16xi32>
    %mul3A_1023 = arith.constant 921600 : i32
    %mul3A_1024 = vector.broadcast %mul3A_1023 : i32 to vector<16xi32>
    %mul3A_1025 = arith.muli %get3A_1022, %mul3A_1024 : vector<16xi32>
    %mul3A_1026 = arith.constant 720 : i32
    %mul3A_1027 = vector.broadcast %mul3A_1026 : i32 to vector<16xi32>
    %mul3A_1028 = arith.muli %get3A_1016, %mul3A_1027 : vector<16xi32>
    %add3A_1029 = arith.addi %mul3A_1025, %mul3A_1028 : vector<16xi32>
    %add3A_1030 = arith.addi %add3A_1029, %get3A_1019 : vector<16xi32>
    %swap3A_1031 = arith.constant 592 : index
    %swap3A_1032 = tpu.vector_load %arg13[%swap3A_1031] {strides = array<i32>} : memref<640xi32, #tpu.memory_space<vmem>>, vector<16xi32>,
    %swap3A_1033 = vector.shape_cast %swap3A_1032 : vector<16xi32> to vector<16xi32>
    %swap3A_1034 = vector.shape_cast %add3A_1030 : vector<16xi32> to vector<16xi32>
    tpu.vector_store %arg13[%swap3A_1031], %swap3A_1034 {strides = array<i32>} : memref<640xi32, #tpu.memory_space<vmem>>, vector<16xi32>,
    %get3A_1035 = arith.constant 608 : index
    %get3A_1036 = tpu.vector_load %arg7[%get3A_1035] {strides = array<i32>} : memref<640xi32, #tpu.memory_space<vmem>>, vector<16xi32>,
    %get3A_1037 = vector.shape_cast %get3A_1036 : vector<16xi32> to vector<16xi32>
    %get3A_1038 = arith.constant 608 : index
    %get3A_1039 = tpu.vector_load %arg8[%get3A_1038] {strides = array<i32>} : memref<640xi32, #tpu.memory_space<vmem>>, vector<16xi32>,
    %get3A_1040 = vector.shape_cast %get3A_1039 : vector<16xi32> to vector<16xi32>
    %get3A_1041 = arith.constant 608 : index
    %get3A_1042 = tpu.vector_load %arg9[%get3A_1041] {strides = array<i32>} : memref<640xi32, #tpu.memory_space<vmem>>, vector<16xi32>,
    %get3A_1043 = vector.shape_cast %get3A_1042 : vector<16xi32> to vector<16xi32>
    %mul3A_1044 = arith.constant 921600 : i32
    %mul3A_1045 = vector.broadcast %mul3A_1044 : i32 to vector<16xi32>
    %mul3A_1046 = arith.muli %get3A_1043, %mul3A_1045 : vector<16xi32>
    %mul3A_1047 = arith.constant 720 : i32
    %mul3A_1048 = vector.broadcast %mul3A_1047 : i32 to vector<16xi32>
    %mul3A_1049 = arith.muli %get3A_1037, %mul3A_1048 : vector<16xi32>
    %add3A_1050 = arith.addi %mul3A_1046, %mul3A_1049 : vector<16xi32>
    %add3A_1051 = arith.addi %add3A_1050, %get3A_1040 : vector<16xi32>
    %swap3A_1052 = arith.constant 608 : index
    %swap3A_1053 = tpu.vector_load %arg13[%swap3A_1052] {strides = array<i32>} : memref<640xi32, #tpu.memory_space<vmem>>, vector<16xi32>,
    %swap3A_1054 = vector.shape_cast %swap3A_1053 : vector<16xi32> to vector<16xi32>
    %swap3A_1055 = vector.shape_cast %add3A_1051 : vector<16xi32> to vector<16xi32>
    tpu.vector_store %arg13[%swap3A_1052], %swap3A_1055 {strides = array<i32>} : memref<640xi32, #tpu.memory_space<vmem>>, vector<16xi32>,
    %get3A_1056 = arith.constant 624 : index
    %get3A_1057 = tpu.vector_load %arg7[%get3A_1056] {strides = array<i32>} : memref<640xi32, #tpu.memory_space<vmem>>, vector<16xi32>,
    %get3A_1058 = vector.shape_cast %get3A_1057 : vector<16xi32> to vector<16xi32>
    %get3A_1059 = arith.constant 624 : index
    %get3A_1060 = tpu.vector_load %arg8[%get3A_1059] {strides = array<i32>} : memref<640xi32, #tpu.memory_space<vmem>>, vector<16xi32>,
    %get3A_1061 = vector.shape_cast %get3A_1060 : vector<16xi32> to vector<16xi32>
    %get3A_1062 = arith.constant 624 : index
    %get3A_1063 = tpu.vector_load %arg9[%get3A_1062] {strides = array<i32>} : memref<640xi32, #tpu.memory_space<vmem>>, vector<16xi32>,
    %get3A_1064 = vector.shape_cast %get3A_1063 : vector<16xi32> to vector<16xi32>
    %mul3A_1065 = arith.constant 921600 : i32
    %mul3A_1066 = vector.broadcast %mul3A_1065 : i32 to vector<16xi32>
    %mul3A_1067 = arith.muli %get3A_1064, %mul3A_1066 : vector<16xi32>
    %mul3A_1068 = arith.constant 720 : i32
    %mul3A_1069 = vector.broadcast %mul3A_1068 : i32 to vector<16xi32>
    %mul3A_1070 = arith.muli %get3A_1058, %mul3A_1069 : vector<16xi32>
    %add3A_1071 = arith.addi %mul3A_1067, %mul3A_1070 : vector<16xi32>
    %add3A_1072 = arith.addi %add3A_1071, %get3A_1061 : vector<16xi32>
    %swap3A_1073 = arith.constant 624 : index
    %swap3A_1074 = tpu.vector_load %arg13[%swap3A_1073] {strides = array<i32>} : memref<640xi32, #tpu.memory_space<vmem>>, vector<16xi32>,
    %swap3A_1075 = vector.shape_cast %swap3A_1074 : vector<16xi32> to vector<16xi32>
    %swap3A_1076 = vector.shape_cast %add3A_1072 : vector<16xi32> to vector<16xi32>
    tpu.vector_store %arg13[%swap3A_1073], %swap3A_1076 {strides = array<i32>} : memref<640xi32, #tpu.memory_space<vmem>>, vector<16xi32>,
    %dma_start3A_1077 = arith.constant 0 : i32
    %dma_start3A_1078 = tpu.memref_slice %arg6[%dma_start3A_1077] : memref<1843200xi32, #tpu.memory_space<vmem_shared>> -> memref<1843200xi32, #tpu.memory_space<vmem_shared>>
    tpu.enqueue_indirect_dma source(%arg15 : memref<640xi32, #tpu.memory_space<vmem>>) target(%dma_start3A_1078 : memref<1843200xi32, #tpu.memory_space<vmem_shared>>) offsets(%arg13 : memref<640xi32, #tpu.memory_space<vmem>>) semaphore(%arg19 : memref<!tpu.dma_semaphore, #tpu.memory_space<semaphore_mem>>)
    %dma_wait3A_1079 = arith.constant 0 : i32
    %dma_wait3A_1080 = tpu.memref_slice %arg2[%dma_wait3A_1079] : memref<2000000xi32, #tpu.memory_space<hbm>> -> memref<640xi32, #tpu.memory_space<hbm>>
    %dma_wait3A_1081 = arith.constant 0 : i32
    %dma_wait3A_1082 = tpu.memref_slice %arg2[%dma_wait3A_1081] : memref<2000000xi32, #tpu.memory_space<hbm>> -> memref<640xi32, #tpu.memory_space<hbm>>
    tpu.wait_dma2 semaphore(%arg18 : memref<!tpu.dma_semaphore, #tpu.memory_space<semaphore_mem>>) src(%dma_wait3A_1082 : memref<640xi32, #tpu.memory_space<hbm>>) dst(%arg10 : memref<640xi32, #tpu.memory_space<vmem>>)
    %dma_wait3A_1083 = arith.constant 0 : i32
    %dma_wait3A_1084 = tpu.memref_slice %arg2[%dma_wait3A_1083] : memref<2000000xi32, #tpu.memory_space<hbm>> -> memref<640xi32, #tpu.memory_space<hbm>>
    %dma_wait3A_1085 = arith.constant 0 : i32
    %dma_wait3A_1086 = tpu.memref_slice %arg2[%dma_wait3A_1085] : memref<2000000xi32, #tpu.memory_space<hbm>> -> memref<640xi32, #tpu.memory_space<hbm>>
    tpu.wait_dma2 semaphore(%arg18 : memref<!tpu.dma_semaphore, #tpu.memory_space<semaphore_mem>>) src(%dma_wait3A_1086 : memref<640xi32, #tpu.memory_space<hbm>>) dst(%arg11 : memref<640xi32, #tpu.memory_space<vmem>>)
    %dma_wait3A_1087 = arith.constant 0 : i32
    %dma_wait3A_1088 = tpu.memref_slice %arg2[%dma_wait3A_1087] : memref<2000000xi32, #tpu.memory_space<hbm>> -> memref<640xi32, #tpu.memory_space<hbm>>
    %dma_wait3A_1089 = arith.constant 0 : i32
    %dma_wait3A_1090 = tpu.memref_slice %arg2[%dma_wait3A_1089] : memref<2000000xi32, #tpu.memory_space<hbm>> -> memref<640xi32, #tpu.memory_space<hbm>>
    tpu.wait_dma2 semaphore(%arg18 : memref<!tpu.dma_semaphore, #tpu.memory_space<semaphore_mem>>) src(%dma_wait3A_1090 : memref<640xi32, #tpu.memory_space<hbm>>) dst(%arg12 : memref<640xi32, #tpu.memory_space<vmem>>)
    %not3A_1091 = arith.constant false
    %not3A_1092 = arith.constant true
    %not3A_1093 = arith.xori %not3A_1091, %not3A_1092 : i1
    %convert_element_type3A_1094 = arith.extui %not3A_1093 : i1 to i32
    %cond3A_1095 = arith.constant 0 : i32
    %cond3A_1096 = arith.cmpi ne, %convert_element_type3A_1094, %cond3A_1095 : i32
    scf.if %cond3A_1096 {
      %dma_wait3A_1955 = arith.constant 0 : i32
      %dma_wait3A_1956 = tpu.memref_slice %arg2[%dma_wait3A_1955] : memref<2000000xi32, #tpu.memory_space<hbm>> -> memref<640xi32, #tpu.memory_space<hbm>>
      %dma_wait3A_1957 = arith.constant 0 : i32
      %dma_wait3A_1958 = tpu.memref_slice %arg2[%dma_wait3A_1957] : memref<2000000xi32, #tpu.memory_space<hbm>> -> memref<640xi32, #tpu.memory_space<hbm>>
      tpu.wait_dma2 semaphore(%arg20 : memref<!tpu.dma_semaphore, #tpu.memory_space<semaphore_mem>>) src(%dma_wait3A_1958 : memref<640xi32, #tpu.memory_space<hbm>>) dst(%arg10 : memref<640xi32, #tpu.memory_space<vmem>>)
    } else {
    }
    %get3A_1097 = arith.constant 0 : index
    %get3A_1098 = tpu.vector_load %arg10[%get3A_1097] {strides = array<i32>} : memref<640xi32, #tpu.memory_space<vmem>>, vector<16xi32>,
    %get3A_1099 = vector.shape_cast %get3A_1098 : vector<16xi32> to vector<16xi32>
    %get3A_1100 = arith.constant 0 : index
    %get3A_1101 = tpu.vector_load %arg11[%get3A_1100] {strides = array<i32>} : memref<640xi32, #tpu.memory_space<vmem>>, vector<16xi32>,
    %get3A_1102 = vector.shape_cast %get3A_1101 : vector<16xi32> to vector<16xi32>
    %get3A_1103 = arith.constant 0 : index
    %get3A_1104 = tpu.vector_load %arg12[%get3A_1103] {strides = array<i32>} : memref<640xi32, #tpu.memory_space<vmem>>, vector<16xi32>,
    %get3A_1105 = vector.shape_cast %get3A_1104 : vector<16xi32> to vector<16xi32>
    %mul3A_1106 = arith.constant 921600 : i32
    %mul3A_1107 = vector.broadcast %mul3A_1106 : i32 to vector<16xi32>
    %mul3A_1108 = arith.muli %get3A_1105, %mul3A_1107 : vector<16xi32>
    %mul3A_1109 = arith.constant 720 : i32
    %mul3A_1110 = vector.broadcast %mul3A_1109 : i32 to vector<16xi32>
    %mul3A_1111 = arith.muli %get3A_1099, %mul3A_1110 : vector<16xi32>
    %add3A_1112 = arith.addi %mul3A_1108, %mul3A_1111 : vector<16xi32>
    %add3A_1113 = arith.addi %add3A_1112, %get3A_1102 : vector<16xi32>
    %swap3A_1114 = arith.constant 0 : index
    %swap3A_1115 = tpu.vector_load %arg14[%swap3A_1114] {strides = array<i32>} : memref<640xi32, #tpu.memory_space<vmem>>, vector<16xi32>,
    %swap3A_1116 = vector.shape_cast %swap3A_1115 : vector<16xi32> to vector<16xi32>
    %swap3A_1117 = vector.shape_cast %add3A_1113 : vector<16xi32> to vector<16xi32>
    tpu.vector_store %arg14[%swap3A_1114], %swap3A_1117 {strides = array<i32>} : memref<640xi32, #tpu.memory_space<vmem>>, vector<16xi32>,
    %get3A_1118 = arith.constant 16 : index
    %get3A_1119 = tpu.vector_load %arg10[%get3A_1118] {strides = array<i32>} : memref<640xi32, #tpu.memory_space<vmem>>, vector<16xi32>,
    %get3A_1120 = vector.shape_cast %get3A_1119 : vector<16xi32> to vector<16xi32>
    %get3A_1121 = arith.constant 16 : index
    %get3A_1122 = tpu.vector_load %arg11[%get3A_1121] {strides = array<i32>} : memref<640xi32, #tpu.memory_space<vmem>>, vector<16xi32>,
    %get3A_1123 = vector.shape_cast %get3A_1122 : vector<16xi32> to vector<16xi32>
    %get3A_1124 = arith.constant 16 : index
    %get3A_1125 = tpu.vector_load %arg12[%get3A_1124] {strides = array<i32>} : memref<640xi32, #tpu.memory_space<vmem>>, vector<16xi32>,
    %get3A_1126 = vector.shape_cast %get3A_1125 : vector<16xi32> to vector<16xi32>
    %mul3A_1127 = arith.constant 921600 : i32
    %mul3A_1128 = vector.broadcast %mul3A_1127 : i32 to vector<16xi32>
    %mul3A_1129 = arith.muli %get3A_1126, %mul3A_1128 : vector<16xi32>
    %mul3A_1130 = arith.constant 720 : i32
    %mul3A_1131 = vector.broadcast %mul3A_1130 : i32 to vector<16xi32>
    %mul3A_1132 = arith.muli %get3A_1120, %mul3A_1131 : vector<16xi32>
    %add3A_1133 = arith.addi %mul3A_1129, %mul3A_1132 : vector<16xi32>
    %add3A_1134 = arith.addi %add3A_1133, %get3A_1123 : vector<16xi32>
    %swap3A_1135 = arith.constant 16 : index
    %swap3A_1136 = tpu.vector_load %arg14[%swap3A_1135] {strides = array<i32>} : memref<640xi32, #tpu.memory_space<vmem>>, vector<16xi32>,
    %swap3A_1137 = vector.shape_cast %swap3A_1136 : vector<16xi32> to vector<16xi32>
    %swap3A_1138 = vector.shape_cast %add3A_1134 : vector<16xi32> to vector<16xi32>
    tpu.vector_store %arg14[%swap3A_1135], %swap3A_1138 {strides = array<i32>} : memref<640xi32, #tpu.memory_space<vmem>>, vector<16xi32>,
    %get3A_1139 = arith.constant 32 : index
    %get3A_1140 = tpu.vector_load %arg10[%get3A_1139] {strides = array<i32>} : memref<640xi32, #tpu.memory_space<vmem>>, vector<16xi32>,
    %get3A_1141 = vector.shape_cast %get3A_1140 : vector<16xi32> to vector<16xi32>
    %get3A_1142 = arith.constant 32 : index
    %get3A_1143 = tpu.vector_load %arg11[%get3A_1142] {strides = array<i32>} : memref<640xi32, #tpu.memory_space<vmem>>, vector<16xi32>,
    %get3A_1144 = vector.shape_cast %get3A_1143 : vector<16xi32> to vector<16xi32>
    %get3A_1145 = arith.constant 32 : index
    %get3A_1146 = tpu.vector_load %arg12[%get3A_1145] {strides = array<i32>} : memref<640xi32, #tpu.memory_space<vmem>>, vector<16xi32>,
    %get3A_1147 = vector.shape_cast %get3A_1146 : vector<16xi32> to vector<16xi32>
    %mul3A_1148 = arith.constant 921600 : i32
    %mul3A_1149 = vector.broadcast %mul3A_1148 : i32 to vector<16xi32>
    %mul3A_1150 = arith.muli %get3A_1147, %mul3A_1149 : vector<16xi32>
    %mul3A_1151 = arith.constant 720 : i32
    %mul3A_1152 = vector.broadcast %mul3A_1151 : i32 to vector<16xi32>
    %mul3A_1153 = arith.muli %get3A_1141, %mul3A_1152 : vector<16xi32>
    %add3A_1154 = arith.addi %mul3A_1150, %mul3A_1153 : vector<16xi32>
    %add3A_1155 = arith.addi %add3A_1154, %get3A_1144 : vector<16xi32>
    %swap3A_1156 = arith.constant 32 : index
    %swap3A_1157 = tpu.vector_load %arg14[%swap3A_1156] {strides = array<i32>} : memref<640xi32, #tpu.memory_space<vmem>>, vector<16xi32>,
    %swap3A_1158 = vector.shape_cast %swap3A_1157 : vector<16xi32> to vector<16xi32>
    %swap3A_1159 = vector.shape_cast %add3A_1155 : vector<16xi32> to vector<16xi32>
    tpu.vector_store %arg14[%swap3A_1156], %swap3A_1159 {strides = array<i32>} : memref<640xi32, #tpu.memory_space<vmem>>, vector<16xi32>,
    %get3A_1160 = arith.constant 48 : index
    %get3A_1161 = tpu.vector_load %arg10[%get3A_1160] {strides = array<i32>} : memref<640xi32, #tpu.memory_space<vmem>>, vector<16xi32>,
    %get3A_1162 = vector.shape_cast %get3A_1161 : vector<16xi32> to vector<16xi32>
    %get3A_1163 = arith.constant 48 : index
    %get3A_1164 = tpu.vector_load %arg11[%get3A_1163] {strides = array<i32>} : memref<640xi32, #tpu.memory_space<vmem>>, vector<16xi32>,
    %get3A_1165 = vector.shape_cast %get3A_1164 : vector<16xi32> to vector<16xi32>
    %get3A_1166 = arith.constant 48 : index
    %get3A_1167 = tpu.vector_load %arg12[%get3A_1166] {strides = array<i32>} : memref<640xi32, #tpu.memory_space<vmem>>, vector<16xi32>,
    %get3A_1168 = vector.shape_cast %get3A_1167 : vector<16xi32> to vector<16xi32>
    %mul3A_1169 = arith.constant 921600 : i32
    %mul3A_1170 = vector.broadcast %mul3A_1169 : i32 to vector<16xi32>
    %mul3A_1171 = arith.muli %get3A_1168, %mul3A_1170 : vector<16xi32>
    %mul3A_1172 = arith.constant 720 : i32
    %mul3A_1173 = vector.broadcast %mul3A_1172 : i32 to vector<16xi32>
    %mul3A_1174 = arith.muli %get3A_1162, %mul3A_1173 : vector<16xi32>
    %add3A_1175 = arith.addi %mul3A_1171, %mul3A_1174 : vector<16xi32>
    %add3A_1176 = arith.addi %add3A_1175, %get3A_1165 : vector<16xi32>
    %swap3A_1177 = arith.constant 48 : index
    %swap3A_1178 = tpu.vector_load %arg14[%swap3A_1177] {strides = array<i32>} : memref<640xi32, #tpu.memory_space<vmem>>, vector<16xi32>,
    %swap3A_1179 = vector.shape_cast %swap3A_1178 : vector<16xi32> to vector<16xi32>
    %swap3A_1180 = vector.shape_cast %add3A_1176 : vector<16xi32> to vector<16xi32>
    tpu.vector_store %arg14[%swap3A_1177], %swap3A_1180 {strides = array<i32>} : memref<640xi32, #tpu.memory_space<vmem>>, vector<16xi32>,
    %get3A_1181 = arith.constant 64 : index
    %get3A_1182 = tpu.vector_load %arg10[%get3A_1181] {strides = array<i32>} : memref<640xi32, #tpu.memory_space<vmem>>, vector<16xi32>,
    %get3A_1183 = vector.shape_cast %get3A_1182 : vector<16xi32> to vector<16xi32>
    %get3A_1184 = arith.constant 64 : index
    %get3A_1185 = tpu.vector_load %arg11[%get3A_1184] {strides = array<i32>} : memref<640xi32, #tpu.memory_space<vmem>>, vector<16xi32>,
    %get3A_1186 = vector.shape_cast %get3A_1185 : vector<16xi32> to vector<16xi32>
    %get3A_1187 = arith.constant 64 : index
    %get3A_1188 = tpu.vector_load %arg12[%get3A_1187] {strides = array<i32>} : memref<640xi32, #tpu.memory_space<vmem>>, vector<16xi32>,
    %get3A_1189 = vector.shape_cast %get3A_1188 : vector<16xi32> to vector<16xi32>
    %mul3A_1190 = arith.constant 921600 : i32
    %mul3A_1191 = vector.broadcast %mul3A_1190 : i32 to vector<16xi32>
    %mul3A_1192 = arith.muli %get3A_1189, %mul3A_1191 : vector<16xi32>
    %mul3A_1193 = arith.constant 720 : i32
    %mul3A_1194 = vector.broadcast %mul3A_1193 : i32 to vector<16xi32>
    %mul3A_1195 = arith.muli %get3A_1183, %mul3A_1194 : vector<16xi32>
    %add3A_1196 = arith.addi %mul3A_1192, %mul3A_1195 : vector<16xi32>
    %add3A_1197 = arith.addi %add3A_1196, %get3A_1186 : vector<16xi32>
    %swap3A_1198 = arith.constant 64 : index
    %swap3A_1199 = tpu.vector_load %arg14[%swap3A_1198] {strides = array<i32>} : memref<640xi32, #tpu.memory_space<vmem>>, vector<16xi32>,
    %swap3A_1200 = vector.shape_cast %swap3A_1199 : vector<16xi32> to vector<16xi32>
    %swap3A_1201 = vector.shape_cast %add3A_1197 : vector<16xi32> to vector<16xi32>
    tpu.vector_store %arg14[%swap3A_1198], %swap3A_1201 {strides = array<i32>} : memref<640xi32, #tpu.memory_space<vmem>>, vector<16xi32>,
    %get3A_1202 = arith.constant 80 : index
    %get3A_1203 = tpu.vector_load %arg10[%get3A_1202] {strides = array<i32>} : memref<640xi32, #tpu.memory_space<vmem>>, vector<16xi32>,
    %get3A_1204 = vector.shape_cast %get3A_1203 : vector<16xi32> to vector<16xi32>
    %get3A_1205 = arith.constant 80 : index
    %get3A_1206 = tpu.vector_load %arg11[%get3A_1205] {strides = array<i32>} : memref<640xi32, #tpu.memory_space<vmem>>, vector<16xi32>,
    %get3A_1207 = vector.shape_cast %get3A_1206 : vector<16xi32> to vector<16xi32>
    %get3A_1208 = arith.constant 80 : index
    %get3A_1209 = tpu.vector_load %arg12[%get3A_1208] {strides = array<i32>} : memref<640xi32, #tpu.memory_space<vmem>>, vector<16xi32>,
    %get3A_1210 = vector.shape_cast %get3A_1209 : vector<16xi32> to vector<16xi32>
    %mul3A_1211 = arith.constant 921600 : i32
    %mul3A_1212 = vector.broadcast %mul3A_1211 : i32 to vector<16xi32>
    %mul3A_1213 = arith.muli %get3A_1210, %mul3A_1212 : vector<16xi32>
    %mul3A_1214 = arith.constant 720 : i32
    %mul3A_1215 = vector.broadcast %mul3A_1214 : i32 to vector<16xi32>
    %mul3A_1216 = arith.muli %get3A_1204, %mul3A_1215 : vector<16xi32>
    %add3A_1217 = arith.addi %mul3A_1213, %mul3A_1216 : vector<16xi32>
    %add3A_1218 = arith.addi %add3A_1217, %get3A_1207 : vector<16xi32>
    %swap3A_1219 = arith.constant 80 : index
    %swap3A_1220 = tpu.vector_load %arg14[%swap3A_1219] {strides = array<i32>} : memref<640xi32, #tpu.memory_space<vmem>>, vector<16xi32>,
    %swap3A_1221 = vector.shape_cast %swap3A_1220 : vector<16xi32> to vector<16xi32>
    %swap3A_1222 = vector.shape_cast %add3A_1218 : vector<16xi32> to vector<16xi32>
    tpu.vector_store %arg14[%swap3A_1219], %swap3A_1222 {strides = array<i32>} : memref<640xi32, #tpu.memory_space<vmem>>, vector<16xi32>,
    %get3A_1223 = arith.constant 96 : index
    %get3A_1224 = tpu.vector_load %arg10[%get3A_1223] {strides = array<i32>} : memref<640xi32, #tpu.memory_space<vmem>>, vector<16xi32>,
    %get3A_1225 = vector.shape_cast %get3A_1224 : vector<16xi32> to vector<16xi32>
    %get3A_1226 = arith.constant 96 : index
    %get3A_1227 = tpu.vector_load %arg11[%get3A_1226] {strides = array<i32>} : memref<640xi32, #tpu.memory_space<vmem>>, vector<16xi32>,
    %get3A_1228 = vector.shape_cast %get3A_1227 : vector<16xi32> to vector<16xi32>
    %get3A_1229 = arith.constant 96 : index
    %get3A_1230 = tpu.vector_load %arg12[%get3A_1229] {strides = array<i32>} : memref<640xi32, #tpu.memory_space<vmem>>, vector<16xi32>,
    %get3A_1231 = vector.shape_cast %get3A_1230 : vector<16xi32> to vector<16xi32>
    %mul3A_1232 = arith.constant 921600 : i32
    %mul3A_1233 = vector.broadcast %mul3A_1232 : i32 to vector<16xi32>
    %mul3A_1234 = arith.muli %get3A_1231, %mul3A_1233 : vector<16xi32>
    %mul3A_1235 = arith.constant 720 : i32
    %mul3A_1236 = vector.broadcast %mul3A_1235 : i32 to vector<16xi32>
    %mul3A_1237 = arith.muli %get3A_1225, %mul3A_1236 : vector<16xi32>
    %add3A_1238 = arith.addi %mul3A_1234, %mul3A_1237 : vector<16xi32>
    %add3A_1239 = arith.addi %add3A_1238, %get3A_1228 : vector<16xi32>
    %swap3A_1240 = arith.constant 96 : index
    %swap3A_1241 = tpu.vector_load %arg14[%swap3A_1240] {strides = array<i32>} : memref<640xi32, #tpu.memory_space<vmem>>, vector<16xi32>,
    %swap3A_1242 = vector.shape_cast %swap3A_1241 : vector<16xi32> to vector<16xi32>
    %swap3A_1243 = vector.shape_cast %add3A_1239 : vector<16xi32> to vector<16xi32>
    tpu.vector_store %arg14[%swap3A_1240], %swap3A_1243 {strides = array<i32>} : memref<640xi32, #tpu.memory_space<vmem>>, vector<16xi32>,
    %get3A_1244 = arith.constant 112 : index
    %get3A_1245 = tpu.vector_load %arg10[%get3A_1244] {strides = array<i32>} : memref<640xi32, #tpu.memory_space<vmem>>, vector<16xi32>,
    %get3A_1246 = vector.shape_cast %get3A_1245 : vector<16xi32> to vector<16xi32>
    %get3A_1247 = arith.constant 112 : index
    %get3A_1248 = tpu.vector_load %arg11[%get3A_1247] {strides = array<i32>} : memref<640xi32, #tpu.memory_space<vmem>>, vector<16xi32>,
    %get3A_1249 = vector.shape_cast %get3A_1248 : vector<16xi32> to vector<16xi32>
    %get3A_1250 = arith.constant 112 : index
    %get3A_1251 = tpu.vector_load %arg12[%get3A_1250] {strides = array<i32>} : memref<640xi32, #tpu.memory_space<vmem>>, vector<16xi32>,
    %get3A_1252 = vector.shape_cast %get3A_1251 : vector<16xi32> to vector<16xi32>
    %mul3A_1253 = arith.constant 921600 : i32
    %mul3A_1254 = vector.broadcast %mul3A_1253 : i32 to vector<16xi32>
    %mul3A_1255 = arith.muli %get3A_1252, %mul3A_1254 : vector<16xi32>
    %mul3A_1256 = arith.constant 720 : i32
    %mul3A_1257 = vector.broadcast %mul3A_1256 : i32 to vector<16xi32>
    %mul3A_1258 = arith.muli %get3A_1246, %mul3A_1257 : vector<16xi32>
    %add3A_1259 = arith.addi %mul3A_1255, %mul3A_1258 : vector<16xi32>
    %add3A_1260 = arith.addi %add3A_1259, %get3A_1249 : vector<16xi32>
    %swap3A_1261 = arith.constant 112 : index
    %swap3A_1262 = tpu.vector_load %arg14[%swap3A_1261] {strides = array<i32>} : memref<640xi32, #tpu.memory_space<vmem>>, vector<16xi32>,
    %swap3A_1263 = vector.shape_cast %swap3A_1262 : vector<16xi32> to vector<16xi32>
    %swap3A_1264 = vector.shape_cast %add3A_1260 : vector<16xi32> to vector<16xi32>
    tpu.vector_store %arg14[%swap3A_1261], %swap3A_1264 {strides = array<i32>} : memref<640xi32, #tpu.memory_space<vmem>>, vector<16xi32>,
    %get3A_1265 = arith.constant 128 : index
    %get3A_1266 = tpu.vector_load %arg10[%get3A_1265] {strides = array<i32>} : memref<640xi32, #tpu.memory_space<vmem>>, vector<16xi32>,
    %get3A_1267 = vector.shape_cast %get3A_1266 : vector<16xi32> to vector<16xi32>
    %get3A_1268 = arith.constant 128 : index
    %get3A_1269 = tpu.vector_load %arg11[%get3A_1268] {strides = array<i32>} : memref<640xi32, #tpu.memory_space<vmem>>, vector<16xi32>,
    %get3A_1270 = vector.shape_cast %get3A_1269 : vector<16xi32> to vector<16xi32>
    %get3A_1271 = arith.constant 128 : index
    %get3A_1272 = tpu.vector_load %arg12[%get3A_1271] {strides = array<i32>} : memref<640xi32, #tpu.memory_space<vmem>>, vector<16xi32>,
    %get3A_1273 = vector.shape_cast %get3A_1272 : vector<16xi32> to vector<16xi32>
    %mul3A_1274 = arith.constant 921600 : i32
    %mul3A_1275 = vector.broadcast %mul3A_1274 : i32 to vector<16xi32>
    %mul3A_1276 = arith.muli %get3A_1273, %mul3A_1275 : vector<16xi32>
    %mul3A_1277 = arith.constant 720 : i32
    %mul3A_1278 = vector.broadcast %mul3A_1277 : i32 to vector<16xi32>
    %mul3A_1279 = arith.muli %get3A_1267, %mul3A_1278 : vector<16xi32>
    %add3A_1280 = arith.addi %mul3A_1276, %mul3A_1279 : vector<16xi32>
    %add3A_1281 = arith.addi %add3A_1280, %get3A_1270 : vector<16xi32>
    %swap3A_1282 = arith.constant 128 : index
    %swap3A_1283 = tpu.vector_load %arg14[%swap3A_1282] {strides = array<i32>} : memref<640xi32, #tpu.memory_space<vmem>>, vector<16xi32>,
    %swap3A_1284 = vector.shape_cast %swap3A_1283 : vector<16xi32> to vector<16xi32>
    %swap3A_1285 = vector.shape_cast %add3A_1281 : vector<16xi32> to vector<16xi32>
    tpu.vector_store %arg14[%swap3A_1282], %swap3A_1285 {strides = array<i32>} : memref<640xi32, #tpu.memory_space<vmem>>, vector<16xi32>,
    %get3A_1286 = arith.constant 144 : index
    %get3A_1287 = tpu.vector_load %arg10[%get3A_1286] {strides = array<i32>} : memref<640xi32, #tpu.memory_space<vmem>>, vector<16xi32>,
    %get3A_1288 = vector.shape_cast %get3A_1287 : vector<16xi32> to vector<16xi32>
    %get3A_1289 = arith.constant 144 : index
    %get3A_1290 = tpu.vector_load %arg11[%get3A_1289] {strides = array<i32>} : memref<640xi32, #tpu.memory_space<vmem>>, vector<16xi32>,
    %get3A_1291 = vector.shape_cast %get3A_1290 : vector<16xi32> to vector<16xi32>
    %get3A_1292 = arith.constant 144 : index
    %get3A_1293 = tpu.vector_load %arg12[%get3A_1292] {strides = array<i32>} : memref<640xi32, #tpu.memory_space<vmem>>, vector<16xi32>,
    %get3A_1294 = vector.shape_cast %get3A_1293 : vector<16xi32> to vector<16xi32>
    %mul3A_1295 = arith.constant 921600 : i32
    %mul3A_1296 = vector.broadcast %mul3A_1295 : i32 to vector<16xi32>
    %mul3A_1297 = arith.muli %get3A_1294, %mul3A_1296 : vector<16xi32>
    %mul3A_1298 = arith.constant 720 : i32
    %mul3A_1299 = vector.broadcast %mul3A_1298 : i32 to vector<16xi32>
    %mul3A_1300 = arith.muli %get3A_1288, %mul3A_1299 : vector<16xi32>
    %add3A_1301 = arith.addi %mul3A_1297, %mul3A_1300 : vector<16xi32>
    %add3A_1302 = arith.addi %add3A_1301, %get3A_1291 : vector<16xi32>
    %swap3A_1303 = arith.constant 144 : index
    %swap3A_1304 = tpu.vector_load %arg14[%swap3A_1303] {strides = array<i32>} : memref<640xi32, #tpu.memory_space<vmem>>, vector<16xi32>,
    %swap3A_1305 = vector.shape_cast %swap3A_1304 : vector<16xi32> to vector<16xi32>
    %swap3A_1306 = vector.shape_cast %add3A_1302 : vector<16xi32> to vector<16xi32>
    tpu.vector_store %arg14[%swap3A_1303], %swap3A_1306 {strides = array<i32>} : memref<640xi32, #tpu.memory_space<vmem>>, vector<16xi32>,
    %get3A_1307 = arith.constant 160 : index
    %get3A_1308 = tpu.vector_load %arg10[%get3A_1307] {strides = array<i32>} : memref<640xi32, #tpu.memory_space<vmem>>, vector<16xi32>,
    %get3A_1309 = vector.shape_cast %get3A_1308 : vector<16xi32> to vector<16xi32>
    %get3A_1310 = arith.constant 160 : index
    %get3A_1311 = tpu.vector_load %arg11[%get3A_1310] {strides = array<i32>} : memref<640xi32, #tpu.memory_space<vmem>>, vector<16xi32>,
    %get3A_1312 = vector.shape_cast %get3A_1311 : vector<16xi32> to vector<16xi32>
    %get3A_1313 = arith.constant 160 : index
    %get3A_1314 = tpu.vector_load %arg12[%get3A_1313] {strides = array<i32>} : memref<640xi32, #tpu.memory_space<vmem>>, vector<16xi32>,
    %get3A_1315 = vector.shape_cast %get3A_1314 : vector<16xi32> to vector<16xi32>
    %mul3A_1316 = arith.constant 921600 : i32
    %mul3A_1317 = vector.broadcast %mul3A_1316 : i32 to vector<16xi32>
    %mul3A_1318 = arith.muli %get3A_1315, %mul3A_1317 : vector<16xi32>
    %mul3A_1319 = arith.constant 720 : i32
    %mul3A_1320 = vector.broadcast %mul3A_1319 : i32 to vector<16xi32>
    %mul3A_1321 = arith.muli %get3A_1309, %mul3A_1320 : vector<16xi32>
    %add3A_1322 = arith.addi %mul3A_1318, %mul3A_1321 : vector<16xi32>
    %add3A_1323 = arith.addi %add3A_1322, %get3A_1312 : vector<16xi32>
    %swap3A_1324 = arith.constant 160 : index
    %swap3A_1325 = tpu.vector_load %arg14[%swap3A_1324] {strides = array<i32>} : memref<640xi32, #tpu.memory_space<vmem>>, vector<16xi32>,
    %swap3A_1326 = vector.shape_cast %swap3A_1325 : vector<16xi32> to vector<16xi32>
    %swap3A_1327 = vector.shape_cast %add3A_1323 : vector<16xi32> to vector<16xi32>
    tpu.vector_store %arg14[%swap3A_1324], %swap3A_1327 {strides = array<i32>} : memref<640xi32, #tpu.memory_space<vmem>>, vector<16xi32>,
    %get3A_1328 = arith.constant 176 : index
    %get3A_1329 = tpu.vector_load %arg10[%get3A_1328] {strides = array<i32>} : memref<640xi32, #tpu.memory_space<vmem>>, vector<16xi32>,
    %get3A_1330 = vector.shape_cast %get3A_1329 : vector<16xi32> to vector<16xi32>
    %get3A_1331 = arith.constant 176 : index
    %get3A_1332 = tpu.vector_load %arg11[%get3A_1331] {strides = array<i32>} : memref<640xi32, #tpu.memory_space<vmem>>, vector<16xi32>,
    %get3A_1333 = vector.shape_cast %get3A_1332 : vector<16xi32> to vector<16xi32>
    %get3A_1334 = arith.constant 176 : index
    %get3A_1335 = tpu.vector_load %arg12[%get3A_1334] {strides = array<i32>} : memref<640xi32, #tpu.memory_space<vmem>>, vector<16xi32>,
    %get3A_1336 = vector.shape_cast %get3A_1335 : vector<16xi32> to vector<16xi32>
    %mul3A_1337 = arith.constant 921600 : i32
    %mul3A_1338 = vector.broadcast %mul3A_1337 : i32 to vector<16xi32>
    %mul3A_1339 = arith.muli %get3A_1336, %mul3A_1338 : vector<16xi32>
    %mul3A_1340 = arith.constant 720 : i32
    %mul3A_1341 = vector.broadcast %mul3A_1340 : i32 to vector<16xi32>
    %mul3A_1342 = arith.muli %get3A_1330, %mul3A_1341 : vector<16xi32>
    %add3A_1343 = arith.addi %mul3A_1339, %mul3A_1342 : vector<16xi32>
    %add3A_1344 = arith.addi %add3A_1343, %get3A_1333 : vector<16xi32>
    %swap3A_1345 = arith.constant 176 : index
    %swap3A_1346 = tpu.vector_load %arg14[%swap3A_1345] {strides = array<i32>} : memref<640xi32, #tpu.memory_space<vmem>>, vector<16xi32>,
    %swap3A_1347 = vector.shape_cast %swap3A_1346 : vector<16xi32> to vector<16xi32>
    %swap3A_1348 = vector.shape_cast %add3A_1344 : vector<16xi32> to vector<16xi32>
    tpu.vector_store %arg14[%swap3A_1345], %swap3A_1348 {strides = array<i32>} : memref<640xi32, #tpu.memory_space<vmem>>, vector<16xi32>,
    %get3A_1349 = arith.constant 192 : index
    %get3A_1350 = tpu.vector_load %arg10[%get3A_1349] {strides = array<i32>} : memref<640xi32, #tpu.memory_space<vmem>>, vector<16xi32>,
    %get3A_1351 = vector.shape_cast %get3A_1350 : vector<16xi32> to vector<16xi32>
    %get3A_1352 = arith.constant 192 : index
    %get3A_1353 = tpu.vector_load %arg11[%get3A_1352] {strides = array<i32>} : memref<640xi32, #tpu.memory_space<vmem>>, vector<16xi32>,
    %get3A_1354 = vector.shape_cast %get3A_1353 : vector<16xi32> to vector<16xi32>
    %get3A_1355 = arith.constant 192 : index
    %get3A_1356 = tpu.vector_load %arg12[%get3A_1355] {strides = array<i32>} : memref<640xi32, #tpu.memory_space<vmem>>, vector<16xi32>,
    %get3A_1357 = vector.shape_cast %get3A_1356 : vector<16xi32> to vector<16xi32>
    %mul3A_1358 = arith.constant 921600 : i32
    %mul3A_1359 = vector.broadcast %mul3A_1358 : i32 to vector<16xi32>
    %mul3A_1360 = arith.muli %get3A_1357, %mul3A_1359 : vector<16xi32>
    %mul3A_1361 = arith.constant 720 : i32
    %mul3A_1362 = vector.broadcast %mul3A_1361 : i32 to vector<16xi32>
    %mul3A_1363 = arith.muli %get3A_1351, %mul3A_1362 : vector<16xi32>
    %add3A_1364 = arith.addi %mul3A_1360, %mul3A_1363 : vector<16xi32>
    %add3A_1365 = arith.addi %add3A_1364, %get3A_1354 : vector<16xi32>
    %swap3A_1366 = arith.constant 192 : index
    %swap3A_1367 = tpu.vector_load %arg14[%swap3A_1366] {strides = array<i32>} : memref<640xi32, #tpu.memory_space<vmem>>, vector<16xi32>,
    %swap3A_1368 = vector.shape_cast %swap3A_1367 : vector<16xi32> to vector<16xi32>
    %swap3A_1369 = vector.shape_cast %add3A_1365 : vector<16xi32> to vector<16xi32>
    tpu.vector_store %arg14[%swap3A_1366], %swap3A_1369 {strides = array<i32>} : memref<640xi32, #tpu.memory_space<vmem>>, vector<16xi32>,
    %get3A_1370 = arith.constant 208 : index
    %get3A_1371 = tpu.vector_load %arg10[%get3A_1370] {strides = array<i32>} : memref<640xi32, #tpu.memory_space<vmem>>, vector<16xi32>,
    %get3A_1372 = vector.shape_cast %get3A_1371 : vector<16xi32> to vector<16xi32>
    %get3A_1373 = arith.constant 208 : index
    %get3A_1374 = tpu.vector_load %arg11[%get3A_1373] {strides = array<i32>} : memref<640xi32, #tpu.memory_space<vmem>>, vector<16xi32>,
    %get3A_1375 = vector.shape_cast %get3A_1374 : vector<16xi32> to vector<16xi32>
    %get3A_1376 = arith.constant 208 : index
    %get3A_1377 = tpu.vector_load %arg12[%get3A_1376] {strides = array<i32>} : memref<640xi32, #tpu.memory_space<vmem>>, vector<16xi32>,
    %get3A_1378 = vector.shape_cast %get3A_1377 : vector<16xi32> to vector<16xi32>
    %mul3A_1379 = arith.constant 921600 : i32
    %mul3A_1380 = vector.broadcast %mul3A_1379 : i32 to vector<16xi32>
    %mul3A_1381 = arith.muli %get3A_1378, %mul3A_1380 : vector<16xi32>
    %mul3A_1382 = arith.constant 720 : i32
    %mul3A_1383 = vector.broadcast %mul3A_1382 : i32 to vector<16xi32>
    %mul3A_1384 = arith.muli %get3A_1372, %mul3A_1383 : vector<16xi32>
    %add3A_1385 = arith.addi %mul3A_1381, %mul3A_1384 : vector<16xi32>
    %add3A_1386 = arith.addi %add3A_1385, %get3A_1375 : vector<16xi32>
    %swap3A_1387 = arith.constant 208 : index
    %swap3A_1388 = tpu.vector_load %arg14[%swap3A_1387] {strides = array<i32>} : memref<640xi32, #tpu.memory_space<vmem>>, vector<16xi32>,
    %swap3A_1389 = vector.shape_cast %swap3A_1388 : vector<16xi32> to vector<16xi32>
    %swap3A_1390 = vector.shape_cast %add3A_1386 : vector<16xi32> to vector<16xi32>
    tpu.vector_store %arg14[%swap3A_1387], %swap3A_1390 {strides = array<i32>} : memref<640xi32, #tpu.memory_space<vmem>>, vector<16xi32>,
    %get3A_1391 = arith.constant 224 : index
    %get3A_1392 = tpu.vector_load %arg10[%get3A_1391] {strides = array<i32>} : memref<640xi32, #tpu.memory_space<vmem>>, vector<16xi32>,
    %get3A_1393 = vector.shape_cast %get3A_1392 : vector<16xi32> to vector<16xi32>
    %get3A_1394 = arith.constant 224 : index
    %get3A_1395 = tpu.vector_load %arg11[%get3A_1394] {strides = array<i32>} : memref<640xi32, #tpu.memory_space<vmem>>, vector<16xi32>,
    %get3A_1396 = vector.shape_cast %get3A_1395 : vector<16xi32> to vector<16xi32>
    %get3A_1397 = arith.constant 224 : index
    %get3A_1398 = tpu.vector_load %arg12[%get3A_1397] {strides = array<i32>} : memref<640xi32, #tpu.memory_space<vmem>>, vector<16xi32>,
    %get3A_1399 = vector.shape_cast %get3A_1398 : vector<16xi32> to vector<16xi32>
    %mul3A_1400 = arith.constant 921600 : i32
    %mul3A_1401 = vector.broadcast %mul3A_1400 : i32 to vector<16xi32>
    %mul3A_1402 = arith.muli %get3A_1399, %mul3A_1401 : vector<16xi32>
    %mul3A_1403 = arith.constant 720 : i32
    %mul3A_1404 = vector.broadcast %mul3A_1403 : i32 to vector<16xi32>
    %mul3A_1405 = arith.muli %get3A_1393, %mul3A_1404 : vector<16xi32>
    %add3A_1406 = arith.addi %mul3A_1402, %mul3A_1405 : vector<16xi32>
    %add3A_1407 = arith.addi %add3A_1406, %get3A_1396 : vector<16xi32>
    %swap3A_1408 = arith.constant 224 : index
    %swap3A_1409 = tpu.vector_load %arg14[%swap3A_1408] {strides = array<i32>} : memref<640xi32, #tpu.memory_space<vmem>>, vector<16xi32>,
    %swap3A_1410 = vector.shape_cast %swap3A_1409 : vector<16xi32> to vector<16xi32>
    %swap3A_1411 = vector.shape_cast %add3A_1407 : vector<16xi32> to vector<16xi32>
    tpu.vector_store %arg14[%swap3A_1408], %swap3A_1411 {strides = array<i32>} : memref<640xi32, #tpu.memory_space<vmem>>, vector<16xi32>,
    %get3A_1412 = arith.constant 240 : index
    %get3A_1413 = tpu.vector_load %arg10[%get3A_1412] {strides = array<i32>} : memref<640xi32, #tpu.memory_space<vmem>>, vector<16xi32>,
    %get3A_1414 = vector.shape_cast %get3A_1413 : vector<16xi32> to vector<16xi32>
    %get3A_1415 = arith.constant 240 : index
    %get3A_1416 = tpu.vector_load %arg11[%get3A_1415] {strides = array<i32>} : memref<640xi32, #tpu.memory_space<vmem>>, vector<16xi32>,
    %get3A_1417 = vector.shape_cast %get3A_1416 : vector<16xi32> to vector<16xi32>
    %get3A_1418 = arith.constant 240 : index
    %get3A_1419 = tpu.vector_load %arg12[%get3A_1418] {strides = array<i32>} : memref<640xi32, #tpu.memory_space<vmem>>, vector<16xi32>,
    %get3A_1420 = vector.shape_cast %get3A_1419 : vector<16xi32> to vector<16xi32>
    %mul3A_1421 = arith.constant 921600 : i32
    %mul3A_1422 = vector.broadcast %mul3A_1421 : i32 to vector<16xi32>
    %mul3A_1423 = arith.muli %get3A_1420, %mul3A_1422 : vector<16xi32>
    %mul3A_1424 = arith.constant 720 : i32
    %mul3A_1425 = vector.broadcast %mul3A_1424 : i32 to vector<16xi32>
    %mul3A_1426 = arith.muli %get3A_1414, %mul3A_1425 : vector<16xi32>
    %add3A_1427 = arith.addi %mul3A_1423, %mul3A_1426 : vector<16xi32>
    %add3A_1428 = arith.addi %add3A_1427, %get3A_1417 : vector<16xi32>
    %swap3A_1429 = arith.constant 240 : index
    %swap3A_1430 = tpu.vector_load %arg14[%swap3A_1429] {strides = array<i32>} : memref<640xi32, #tpu.memory_space<vmem>>, vector<16xi32>,
    %swap3A_1431 = vector.shape_cast %swap3A_1430 : vector<16xi32> to vector<16xi32>
    %swap3A_1432 = vector.shape_cast %add3A_1428 : vector<16xi32> to vector<16xi32>
    tpu.vector_store %arg14[%swap3A_1429], %swap3A_1432 {strides = array<i32>} : memref<640xi32, #tpu.memory_space<vmem>>, vector<16xi32>,
    %get3A_1433 = arith.constant 256 : index
    %get3A_1434 = tpu.vector_load %arg10[%get3A_1433] {strides = array<i32>} : memref<640xi32, #tpu.memory_space<vmem>>, vector<16xi32>,
    %get3A_1435 = vector.shape_cast %get3A_1434 : vector<16xi32> to vector<16xi32>
    %get3A_1436 = arith.constant 256 : index
    %get3A_1437 = tpu.vector_load %arg11[%get3A_1436] {strides = array<i32>} : memref<640xi32, #tpu.memory_space<vmem>>, vector<16xi32>,
    %get3A_1438 = vector.shape_cast %get3A_1437 : vector<16xi32> to vector<16xi32>
    %get3A_1439 = arith.constant 256 : index
    %get3A_1440 = tpu.vector_load %arg12[%get3A_1439] {strides = array<i32>} : memref<640xi32, #tpu.memory_space<vmem>>, vector<16xi32>,
    %get3A_1441 = vector.shape_cast %get3A_1440 : vector<16xi32> to vector<16xi32>
    %mul3A_1442 = arith.constant 921600 : i32
    %mul3A_1443 = vector.broadcast %mul3A_1442 : i32 to vector<16xi32>
    %mul3A_1444 = arith.muli %get3A_1441, %mul3A_1443 : vector<16xi32>
    %mul3A_1445 = arith.constant 720 : i32
    %mul3A_1446 = vector.broadcast %mul3A_1445 : i32 to vector<16xi32>
    %mul3A_1447 = arith.muli %get3A_1435, %mul3A_1446 : vector<16xi32>
    %add3A_1448 = arith.addi %mul3A_1444, %mul3A_1447 : vector<16xi32>
    %add3A_1449 = arith.addi %add3A_1448, %get3A_1438 : vector<16xi32>
    %swap3A_1450 = arith.constant 256 : index
    %swap3A_1451 = tpu.vector_load %arg14[%swap3A_1450] {strides = array<i32>} : memref<640xi32, #tpu.memory_space<vmem>>, vector<16xi32>,
    %swap3A_1452 = vector.shape_cast %swap3A_1451 : vector<16xi32> to vector<16xi32>
    %swap3A_1453 = vector.shape_cast %add3A_1449 : vector<16xi32> to vector<16xi32>
    tpu.vector_store %arg14[%swap3A_1450], %swap3A_1453 {strides = array<i32>} : memref<640xi32, #tpu.memory_space<vmem>>, vector<16xi32>,
    %get3A_1454 = arith.constant 272 : index
    %get3A_1455 = tpu.vector_load %arg10[%get3A_1454] {strides = array<i32>} : memref<640xi32, #tpu.memory_space<vmem>>, vector<16xi32>,
    %get3A_1456 = vector.shape_cast %get3A_1455 : vector<16xi32> to vector<16xi32>
    %get3A_1457 = arith.constant 272 : index
    %get3A_1458 = tpu.vector_load %arg11[%get3A_1457] {strides = array<i32>} : memref<640xi32, #tpu.memory_space<vmem>>, vector<16xi32>,
    %get3A_1459 = vector.shape_cast %get3A_1458 : vector<16xi32> to vector<16xi32>
    %get3A_1460 = arith.constant 272 : index
    %get3A_1461 = tpu.vector_load %arg12[%get3A_1460] {strides = array<i32>} : memref<640xi32, #tpu.memory_space<vmem>>, vector<16xi32>,
    %get3A_1462 = vector.shape_cast %get3A_1461 : vector<16xi32> to vector<16xi32>
    %mul3A_1463 = arith.constant 921600 : i32
    %mul3A_1464 = vector.broadcast %mul3A_1463 : i32 to vector<16xi32>
    %mul3A_1465 = arith.muli %get3A_1462, %mul3A_1464 : vector<16xi32>
    %mul3A_1466 = arith.constant 720 : i32
    %mul3A_1467 = vector.broadcast %mul3A_1466 : i32 to vector<16xi32>
    %mul3A_1468 = arith.muli %get3A_1456, %mul3A_1467 : vector<16xi32>
    %add3A_1469 = arith.addi %mul3A_1465, %mul3A_1468 : vector<16xi32>
    %add3A_1470 = arith.addi %add3A_1469, %get3A_1459 : vector<16xi32>
    %swap3A_1471 = arith.constant 272 : index
    %swap3A_1472 = tpu.vector_load %arg14[%swap3A_1471] {strides = array<i32>} : memref<640xi32, #tpu.memory_space<vmem>>, vector<16xi32>,
    %swap3A_1473 = vector.shape_cast %swap3A_1472 : vector<16xi32> to vector<16xi32>
    %swap3A_1474 = vector.shape_cast %add3A_1470 : vector<16xi32> to vector<16xi32>
    tpu.vector_store %arg14[%swap3A_1471], %swap3A_1474 {strides = array<i32>} : memref<640xi32, #tpu.memory_space<vmem>>, vector<16xi32>,
    %get3A_1475 = arith.constant 288 : index
    %get3A_1476 = tpu.vector_load %arg10[%get3A_1475] {strides = array<i32>} : memref<640xi32, #tpu.memory_space<vmem>>, vector<16xi32>,
    %get3A_1477 = vector.shape_cast %get3A_1476 : vector<16xi32> to vector<16xi32>
    %get3A_1478 = arith.constant 288 : index
    %get3A_1479 = tpu.vector_load %arg11[%get3A_1478] {strides = array<i32>} : memref<640xi32, #tpu.memory_space<vmem>>, vector<16xi32>,
    %get3A_1480 = vector.shape_cast %get3A_1479 : vector<16xi32> to vector<16xi32>
    %get3A_1481 = arith.constant 288 : index
    %get3A_1482 = tpu.vector_load %arg12[%get3A_1481] {strides = array<i32>} : memref<640xi32, #tpu.memory_space<vmem>>, vector<16xi32>,
    %get3A_1483 = vector.shape_cast %get3A_1482 : vector<16xi32> to vector<16xi32>
    %mul3A_1484 = arith.constant 921600 : i32
    %mul3A_1485 = vector.broadcast %mul3A_1484 : i32 to vector<16xi32>
    %mul3A_1486 = arith.muli %get3A_1483, %mul3A_1485 : vector<16xi32>
    %mul3A_1487 = arith.constant 720 : i32
    %mul3A_1488 = vector.broadcast %mul3A_1487 : i32 to vector<16xi32>
    %mul3A_1489 = arith.muli %get3A_1477, %mul3A_1488 : vector<16xi32>
    %add3A_1490 = arith.addi %mul3A_1486, %mul3A_1489 : vector<16xi32>
    %add3A_1491 = arith.addi %add3A_1490, %get3A_1480 : vector<16xi32>
    %swap3A_1492 = arith.constant 288 : index
    %swap3A_1493 = tpu.vector_load %arg14[%swap3A_1492] {strides = array<i32>} : memref<640xi32, #tpu.memory_space<vmem>>, vector<16xi32>,
    %swap3A_1494 = vector.shape_cast %swap3A_1493 : vector<16xi32> to vector<16xi32>
    %swap3A_1495 = vector.shape_cast %add3A_1491 : vector<16xi32> to vector<16xi32>
    tpu.vector_store %arg14[%swap3A_1492], %swap3A_1495 {strides = array<i32>} : memref<640xi32, #tpu.memory_space<vmem>>, vector<16xi32>,
    %get3A_1496 = arith.constant 304 : index
    %get3A_1497 = tpu.vector_load %arg10[%get3A_1496] {strides = array<i32>} : memref<640xi32, #tpu.memory_space<vmem>>, vector<16xi32>,
    %get3A_1498 = vector.shape_cast %get3A_1497 : vector<16xi32> to vector<16xi32>
    %get3A_1499 = arith.constant 304 : index
    %get3A_1500 = tpu.vector_load %arg11[%get3A_1499] {strides = array<i32>} : memref<640xi32, #tpu.memory_space<vmem>>, vector<16xi32>,
    %get3A_1501 = vector.shape_cast %get3A_1500 : vector<16xi32> to vector<16xi32>
    %get3A_1502 = arith.constant 304 : index
    %get3A_1503 = tpu.vector_load %arg12[%get3A_1502] {strides = array<i32>} : memref<640xi32, #tpu.memory_space<vmem>>, vector<16xi32>,
    %get3A_1504 = vector.shape_cast %get3A_1503 : vector<16xi32> to vector<16xi32>
    %mul3A_1505 = arith.constant 921600 : i32
    %mul3A_1506 = vector.broadcast %mul3A_1505 : i32 to vector<16xi32>
    %mul3A_1507 = arith.muli %get3A_1504, %mul3A_1506 : vector<16xi32>
    %mul3A_1508 = arith.constant 720 : i32
    %mul3A_1509 = vector.broadcast %mul3A_1508 : i32 to vector<16xi32>
    %mul3A_1510 = arith.muli %get3A_1498, %mul3A_1509 : vector<16xi32>
    %add3A_1511 = arith.addi %mul3A_1507, %mul3A_1510 : vector<16xi32>
    %add3A_1512 = arith.addi %add3A_1511, %get3A_1501 : vector<16xi32>
    %swap3A_1513 = arith.constant 304 : index
    %swap3A_1514 = tpu.vector_load %arg14[%swap3A_1513] {strides = array<i32>} : memref<640xi32, #tpu.memory_space<vmem>>, vector<16xi32>,
    %swap3A_1515 = vector.shape_cast %swap3A_1514 : vector<16xi32> to vector<16xi32>
    %swap3A_1516 = vector.shape_cast %add3A_1512 : vector<16xi32> to vector<16xi32>
    tpu.vector_store %arg14[%swap3A_1513], %swap3A_1516 {strides = array<i32>} : memref<640xi32, #tpu.memory_space<vmem>>, vector<16xi32>,
    %get3A_1517 = arith.constant 320 : index
    %get3A_1518 = tpu.vector_load %arg10[%get3A_1517] {strides = array<i32>} : memref<640xi32, #tpu.memory_space<vmem>>, vector<16xi32>,
    %get3A_1519 = vector.shape_cast %get3A_1518 : vector<16xi32> to vector<16xi32>
    %get3A_1520 = arith.constant 320 : index
    %get3A_1521 = tpu.vector_load %arg11[%get3A_1520] {strides = array<i32>} : memref<640xi32, #tpu.memory_space<vmem>>, vector<16xi32>,
    %get3A_1522 = vector.shape_cast %get3A_1521 : vector<16xi32> to vector<16xi32>
    %get3A_1523 = arith.constant 320 : index
    %get3A_1524 = tpu.vector_load %arg12[%get3A_1523] {strides = array<i32>} : memref<640xi32, #tpu.memory_space<vmem>>, vector<16xi32>,
    %get3A_1525 = vector.shape_cast %get3A_1524 : vector<16xi32> to vector<16xi32>
    %mul3A_1526 = arith.constant 921600 : i32
    %mul3A_1527 = vector.broadcast %mul3A_1526 : i32 to vector<16xi32>
    %mul3A_1528 = arith.muli %get3A_1525, %mul3A_1527 : vector<16xi32>
    %mul3A_1529 = arith.constant 720 : i32
    %mul3A_1530 = vector.broadcast %mul3A_1529 : i32 to vector<16xi32>
    %mul3A_1531 = arith.muli %get3A_1519, %mul3A_1530 : vector<16xi32>
    %add3A_1532 = arith.addi %mul3A_1528, %mul3A_1531 : vector<16xi32>
    %add3A_1533 = arith.addi %add3A_1532, %get3A_1522 : vector<16xi32>
    %swap3A_1534 = arith.constant 320 : index
    %swap3A_1535 = tpu.vector_load %arg14[%swap3A_1534] {strides = array<i32>} : memref<640xi32, #tpu.memory_space<vmem>>, vector<16xi32>,
    %swap3A_1536 = vector.shape_cast %swap3A_1535 : vector<16xi32> to vector<16xi32>
    %swap3A_1537 = vector.shape_cast %add3A_1533 : vector<16xi32> to vector<16xi32>
    tpu.vector_store %arg14[%swap3A_1534], %swap3A_1537 {strides = array<i32>} : memref<640xi32, #tpu.memory_space<vmem>>, vector<16xi32>,
    %get3A_1538 = arith.constant 336 : index
    %get3A_1539 = tpu.vector_load %arg10[%get3A_1538] {strides = array<i32>} : memref<640xi32, #tpu.memory_space<vmem>>, vector<16xi32>,
    %get3A_1540 = vector.shape_cast %get3A_1539 : vector<16xi32> to vector<16xi32>
    %get3A_1541 = arith.constant 336 : index
    %get3A_1542 = tpu.vector_load %arg11[%get3A_1541] {strides = array<i32>} : memref<640xi32, #tpu.memory_space<vmem>>, vector<16xi32>,
    %get3A_1543 = vector.shape_cast %get3A_1542 : vector<16xi32> to vector<16xi32>
    %get3A_1544 = arith.constant 336 : index
    %get3A_1545 = tpu.vector_load %arg12[%get3A_1544] {strides = array<i32>} : memref<640xi32, #tpu.memory_space<vmem>>, vector<16xi32>,
    %get3A_1546 = vector.shape_cast %get3A_1545 : vector<16xi32> to vector<16xi32>
    %mul3A_1547 = arith.constant 921600 : i32
    %mul3A_1548 = vector.broadcast %mul3A_1547 : i32 to vector<16xi32>
    %mul3A_1549 = arith.muli %get3A_1546, %mul3A_1548 : vector<16xi32>
    %mul3A_1550 = arith.constant 720 : i32
    %mul3A_1551 = vector.broadcast %mul3A_1550 : i32 to vector<16xi32>
    %mul3A_1552 = arith.muli %get3A_1540, %mul3A_1551 : vector<16xi32>
    %add3A_1553 = arith.addi %mul3A_1549, %mul3A_1552 : vector<16xi32>
    %add3A_1554 = arith.addi %add3A_1553, %get3A_1543 : vector<16xi32>
    %swap3A_1555 = arith.constant 336 : index
    %swap3A_1556 = tpu.vector_load %arg14[%swap3A_1555] {strides = array<i32>} : memref<640xi32, #tpu.memory_space<vmem>>, vector<16xi32>,
    %swap3A_1557 = vector.shape_cast %swap3A_1556 : vector<16xi32> to vector<16xi32>
    %swap3A_1558 = vector.shape_cast %add3A_1554 : vector<16xi32> to vector<16xi32>
    tpu.vector_store %arg14[%swap3A_1555], %swap3A_1558 {strides = array<i32>} : memref<640xi32, #tpu.memory_space<vmem>>, vector<16xi32>,
    %get3A_1559 = arith.constant 352 : index
    %get3A_1560 = tpu.vector_load %arg10[%get3A_1559] {strides = array<i32>} : memref<640xi32, #tpu.memory_space<vmem>>, vector<16xi32>,
    %get3A_1561 = vector.shape_cast %get3A_1560 : vector<16xi32> to vector<16xi32>
    %get3A_1562 = arith.constant 352 : index
    %get3A_1563 = tpu.vector_load %arg11[%get3A_1562] {strides = array<i32>} : memref<640xi32, #tpu.memory_space<vmem>>, vector<16xi32>,
    %get3A_1564 = vector.shape_cast %get3A_1563 : vector<16xi32> to vector<16xi32>
    %get3A_1565 = arith.constant 352 : index
    %get3A_1566 = tpu.vector_load %arg12[%get3A_1565] {strides = array<i32>} : memref<640xi32, #tpu.memory_space<vmem>>, vector<16xi32>,
    %get3A_1567 = vector.shape_cast %get3A_1566 : vector<16xi32> to vector<16xi32>
    %mul3A_1568 = arith.constant 921600 : i32
    %mul3A_1569 = vector.broadcast %mul3A_1568 : i32 to vector<16xi32>
    %mul3A_1570 = arith.muli %get3A_1567, %mul3A_1569 : vector<16xi32>
    %mul3A_1571 = arith.constant 720 : i32
    %mul3A_1572 = vector.broadcast %mul3A_1571 : i32 to vector<16xi32>
    %mul3A_1573 = arith.muli %get3A_1561, %mul3A_1572 : vector<16xi32>
    %add3A_1574 = arith.addi %mul3A_1570, %mul3A_1573 : vector<16xi32>
    %add3A_1575 = arith.addi %add3A_1574, %get3A_1564 : vector<16xi32>
    %swap3A_1576 = arith.constant 352 : index
    %swap3A_1577 = tpu.vector_load %arg14[%swap3A_1576] {strides = array<i32>} : memref<640xi32, #tpu.memory_space<vmem>>, vector<16xi32>,
    %swap3A_1578 = vector.shape_cast %swap3A_1577 : vector<16xi32> to vector<16xi32>
    %swap3A_1579 = vector.shape_cast %add3A_1575 : vector<16xi32> to vector<16xi32>
    tpu.vector_store %arg14[%swap3A_1576], %swap3A_1579 {strides = array<i32>} : memref<640xi32, #tpu.memory_space<vmem>>, vector<16xi32>,
    %get3A_1580 = arith.constant 368 : index
    %get3A_1581 = tpu.vector_load %arg10[%get3A_1580] {strides = array<i32>} : memref<640xi32, #tpu.memory_space<vmem>>, vector<16xi32>,
    %get3A_1582 = vector.shape_cast %get3A_1581 : vector<16xi32> to vector<16xi32>
    %get3A_1583 = arith.constant 368 : index
    %get3A_1584 = tpu.vector_load %arg11[%get3A_1583] {strides = array<i32>} : memref<640xi32, #tpu.memory_space<vmem>>, vector<16xi32>,
    %get3A_1585 = vector.shape_cast %get3A_1584 : vector<16xi32> to vector<16xi32>
    %get3A_1586 = arith.constant 368 : index
    %get3A_1587 = tpu.vector_load %arg12[%get3A_1586] {strides = array<i32>} : memref<640xi32, #tpu.memory_space<vmem>>, vector<16xi32>,
    %get3A_1588 = vector.shape_cast %get3A_1587 : vector<16xi32> to vector<16xi32>
    %mul3A_1589 = arith.constant 921600 : i32
    %mul3A_1590 = vector.broadcast %mul3A_1589 : i32 to vector<16xi32>
    %mul3A_1591 = arith.muli %get3A_1588, %mul3A_1590 : vector<16xi32>
    %mul3A_1592 = arith.constant 720 : i32
    %mul3A_1593 = vector.broadcast %mul3A_1592 : i32 to vector<16xi32>
    %mul3A_1594 = arith.muli %get3A_1582, %mul3A_1593 : vector<16xi32>
    %add3A_1595 = arith.addi %mul3A_1591, %mul3A_1594 : vector<16xi32>
    %add3A_1596 = arith.addi %add3A_1595, %get3A_1585 : vector<16xi32>
    %swap3A_1597 = arith.constant 368 : index
    %swap3A_1598 = tpu.vector_load %arg14[%swap3A_1597] {strides = array<i32>} : memref<640xi32, #tpu.memory_space<vmem>>, vector<16xi32>,
    %swap3A_1599 = vector.shape_cast %swap3A_1598 : vector<16xi32> to vector<16xi32>
    %swap3A_1600 = vector.shape_cast %add3A_1596 : vector<16xi32> to vector<16xi32>
    tpu.vector_store %arg14[%swap3A_1597], %swap3A_1600 {strides = array<i32>} : memref<640xi32, #tpu.memory_space<vmem>>, vector<16xi32>,
    %get3A_1601 = arith.constant 384 : index
    %get3A_1602 = tpu.vector_load %arg10[%get3A_1601] {strides = array<i32>} : memref<640xi32, #tpu.memory_space<vmem>>, vector<16xi32>,
    %get3A_1603 = vector.shape_cast %get3A_1602 : vector<16xi32> to vector<16xi32>
    %get3A_1604 = arith.constant 384 : index
    %get3A_1605 = tpu.vector_load %arg11[%get3A_1604] {strides = array<i32>} : memref<640xi32, #tpu.memory_space<vmem>>, vector<16xi32>,
    %get3A_1606 = vector.shape_cast %get3A_1605 : vector<16xi32> to vector<16xi32>
    %get3A_1607 = arith.constant 384 : index
    %get3A_1608 = tpu.vector_load %arg12[%get3A_1607] {strides = array<i32>} : memref<640xi32, #tpu.memory_space<vmem>>, vector<16xi32>,
    %get3A_1609 = vector.shape_cast %get3A_1608 : vector<16xi32> to vector<16xi32>
    %mul3A_1610 = arith.constant 921600 : i32
    %mul3A_1611 = vector.broadcast %mul3A_1610 : i32 to vector<16xi32>
    %mul3A_1612 = arith.muli %get3A_1609, %mul3A_1611 : vector<16xi32>
    %mul3A_1613 = arith.constant 720 : i32
    %mul3A_1614 = vector.broadcast %mul3A_1613 : i32 to vector<16xi32>
    %mul3A_1615 = arith.muli %get3A_1603, %mul3A_1614 : vector<16xi32>
    %add3A_1616 = arith.addi %mul3A_1612, %mul3A_1615 : vector<16xi32>
    %add3A_1617 = arith.addi %add3A_1616, %get3A_1606 : vector<16xi32>
    %swap3A_1618 = arith.constant 384 : index
    %swap3A_1619 = tpu.vector_load %arg14[%swap3A_1618] {strides = array<i32>} : memref<640xi32, #tpu.memory_space<vmem>>, vector<16xi32>,
    %swap3A_1620 = vector.shape_cast %swap3A_1619 : vector<16xi32> to vector<16xi32>
    %swap3A_1621 = vector.shape_cast %add3A_1617 : vector<16xi32> to vector<16xi32>
    tpu.vector_store %arg14[%swap3A_1618], %swap3A_1621 {strides = array<i32>} : memref<640xi32, #tpu.memory_space<vmem>>, vector<16xi32>,
    %get3A_1622 = arith.constant 400 : index
    %get3A_1623 = tpu.vector_load %arg10[%get3A_1622] {strides = array<i32>} : memref<640xi32, #tpu.memory_space<vmem>>, vector<16xi32>,
    %get3A_1624 = vector.shape_cast %get3A_1623 : vector<16xi32> to vector<16xi32>
    %get3A_1625 = arith.constant 400 : index
    %get3A_1626 = tpu.vector_load %arg11[%get3A_1625] {strides = array<i32>} : memref<640xi32, #tpu.memory_space<vmem>>, vector<16xi32>,
    %get3A_1627 = vector.shape_cast %get3A_1626 : vector<16xi32> to vector<16xi32>
    %get3A_1628 = arith.constant 400 : index
    %get3A_1629 = tpu.vector_load %arg12[%get3A_1628] {strides = array<i32>} : memref<640xi32, #tpu.memory_space<vmem>>, vector<16xi32>,
    %get3A_1630 = vector.shape_cast %get3A_1629 : vector<16xi32> to vector<16xi32>
    %mul3A_1631 = arith.constant 921600 : i32
    %mul3A_1632 = vector.broadcast %mul3A_1631 : i32 to vector<16xi32>
    %mul3A_1633 = arith.muli %get3A_1630, %mul3A_1632 : vector<16xi32>
    %mul3A_1634 = arith.constant 720 : i32
    %mul3A_1635 = vector.broadcast %mul3A_1634 : i32 to vector<16xi32>
    %mul3A_1636 = arith.muli %get3A_1624, %mul3A_1635 : vector<16xi32>
    %add3A_1637 = arith.addi %mul3A_1633, %mul3A_1636 : vector<16xi32>
    %add3A_1638 = arith.addi %add3A_1637, %get3A_1627 : vector<16xi32>
    %swap3A_1639 = arith.constant 400 : index
    %swap3A_1640 = tpu.vector_load %arg14[%swap3A_1639] {strides = array<i32>} : memref<640xi32, #tpu.memory_space<vmem>>, vector<16xi32>,
    %swap3A_1641 = vector.shape_cast %swap3A_1640 : vector<16xi32> to vector<16xi32>
    %swap3A_1642 = vector.shape_cast %add3A_1638 : vector<16xi32> to vector<16xi32>
    tpu.vector_store %arg14[%swap3A_1639], %swap3A_1642 {strides = array<i32>} : memref<640xi32, #tpu.memory_space<vmem>>, vector<16xi32>,
    %get3A_1643 = arith.constant 416 : index
    %get3A_1644 = tpu.vector_load %arg10[%get3A_1643] {strides = array<i32>} : memref<640xi32, #tpu.memory_space<vmem>>, vector<16xi32>,
    %get3A_1645 = vector.shape_cast %get3A_1644 : vector<16xi32> to vector<16xi32>
    %get3A_1646 = arith.constant 416 : index
    %get3A_1647 = tpu.vector_load %arg11[%get3A_1646] {strides = array<i32>} : memref<640xi32, #tpu.memory_space<vmem>>, vector<16xi32>,
    %get3A_1648 = vector.shape_cast %get3A_1647 : vector<16xi32> to vector<16xi32>
    %get3A_1649 = arith.constant 416 : index
    %get3A_1650 = tpu.vector_load %arg12[%get3A_1649] {strides = array<i32>} : memref<640xi32, #tpu.memory_space<vmem>>, vector<16xi32>,
    %get3A_1651 = vector.shape_cast %get3A_1650 : vector<16xi32> to vector<16xi32>
    %mul3A_1652 = arith.constant 921600 : i32
    %mul3A_1653 = vector.broadcast %mul3A_1652 : i32 to vector<16xi32>
    %mul3A_1654 = arith.muli %get3A_1651, %mul3A_1653 : vector<16xi32>
    %mul3A_1655 = arith.constant 720 : i32
    %mul3A_1656 = vector.broadcast %mul3A_1655 : i32 to vector<16xi32>
    %mul3A_1657 = arith.muli %get3A_1645, %mul3A_1656 : vector<16xi32>
    %add3A_1658 = arith.addi %mul3A_1654, %mul3A_1657 : vector<16xi32>
    %add3A_1659 = arith.addi %add3A_1658, %get3A_1648 : vector<16xi32>
    %swap3A_1660 = arith.constant 416 : index
    %swap3A_1661 = tpu.vector_load %arg14[%swap3A_1660] {strides = array<i32>} : memref<640xi32, #tpu.memory_space<vmem>>, vector<16xi32>,
    %swap3A_1662 = vector.shape_cast %swap3A_1661 : vector<16xi32> to vector<16xi32>
    %swap3A_1663 = vector.shape_cast %add3A_1659 : vector<16xi32> to vector<16xi32>
    tpu.vector_store %arg14[%swap3A_1660], %swap3A_1663 {strides = array<i32>} : memref<640xi32, #tpu.memory_space<vmem>>, vector<16xi32>,
    %get3A_1664 = arith.constant 432 : index
    %get3A_1665 = tpu.vector_load %arg10[%get3A_1664] {strides = array<i32>} : memref<640xi32, #tpu.memory_space<vmem>>, vector<16xi32>,
    %get3A_1666 = vector.shape_cast %get3A_1665 : vector<16xi32> to vector<16xi32>
    %get3A_1667 = arith.constant 432 : index
    %get3A_1668 = tpu.vector_load %arg11[%get3A_1667] {strides = array<i32>} : memref<640xi32, #tpu.memory_space<vmem>>, vector<16xi32>,
    %get3A_1669 = vector.shape_cast %get3A_1668 : vector<16xi32> to vector<16xi32>
    %get3A_1670 = arith.constant 432 : index
    %get3A_1671 = tpu.vector_load %arg12[%get3A_1670] {strides = array<i32>} : memref<640xi32, #tpu.memory_space<vmem>>, vector<16xi32>,
    %get3A_1672 = vector.shape_cast %get3A_1671 : vector<16xi32> to vector<16xi32>
    %mul3A_1673 = arith.constant 921600 : i32
    %mul3A_1674 = vector.broadcast %mul3A_1673 : i32 to vector<16xi32>
    %mul3A_1675 = arith.muli %get3A_1672, %mul3A_1674 : vector<16xi32>
    %mul3A_1676 = arith.constant 720 : i32
    %mul3A_1677 = vector.broadcast %mul3A_1676 : i32 to vector<16xi32>
    %mul3A_1678 = arith.muli %get3A_1666, %mul3A_1677 : vector<16xi32>
    %add3A_1679 = arith.addi %mul3A_1675, %mul3A_1678 : vector<16xi32>
    %add3A_1680 = arith.addi %add3A_1679, %get3A_1669 : vector<16xi32>
    %swap3A_1681 = arith.constant 432 : index
    %swap3A_1682 = tpu.vector_load %arg14[%swap3A_1681] {strides = array<i32>} : memref<640xi32, #tpu.memory_space<vmem>>, vector<16xi32>,
    %swap3A_1683 = vector.shape_cast %swap3A_1682 : vector<16xi32> to vector<16xi32>
    %swap3A_1684 = vector.shape_cast %add3A_1680 : vector<16xi32> to vector<16xi32>
    tpu.vector_store %arg14[%swap3A_1681], %swap3A_1684 {strides = array<i32>} : memref<640xi32, #tpu.memory_space<vmem>>, vector<16xi32>,
    %get3A_1685 = arith.constant 448 : index
    %get3A_1686 = tpu.vector_load %arg10[%get3A_1685] {strides = array<i32>} : memref<640xi32, #tpu.memory_space<vmem>>, vector<16xi32>,
    %get3A_1687 = vector.shape_cast %get3A_1686 : vector<16xi32> to vector<16xi32>
    %get3A_1688 = arith.constant 448 : index
    %get3A_1689 = tpu.vector_load %arg11[%get3A_1688] {strides = array<i32>} : memref<640xi32, #tpu.memory_space<vmem>>, vector<16xi32>,
    %get3A_1690 = vector.shape_cast %get3A_1689 : vector<16xi32> to vector<16xi32>
    %get3A_1691 = arith.constant 448 : index
    %get3A_1692 = tpu.vector_load %arg12[%get3A_1691] {strides = array<i32>} : memref<640xi32, #tpu.memory_space<vmem>>, vector<16xi32>,
    %get3A_1693 = vector.shape_cast %get3A_1692 : vector<16xi32> to vector<16xi32>
    %mul3A_1694 = arith.constant 921600 : i32
    %mul3A_1695 = vector.broadcast %mul3A_1694 : i32 to vector<16xi32>
    %mul3A_1696 = arith.muli %get3A_1693, %mul3A_1695 : vector<16xi32>
    %mul3A_1697 = arith.constant 720 : i32
    %mul3A_1698 = vector.broadcast %mul3A_1697 : i32 to vector<16xi32>
    %mul3A_1699 = arith.muli %get3A_1687, %mul3A_1698 : vector<16xi32>
    %add3A_1700 = arith.addi %mul3A_1696, %mul3A_1699 : vector<16xi32>
    %add3A_1701 = arith.addi %add3A_1700, %get3A_1690 : vector<16xi32>
    %swap3A_1702 = arith.constant 448 : index
    %swap3A_1703 = tpu.vector_load %arg14[%swap3A_1702] {strides = array<i32>} : memref<640xi32, #tpu.memory_space<vmem>>, vector<16xi32>,
    %swap3A_1704 = vector.shape_cast %swap3A_1703 : vector<16xi32> to vector<16xi32>
    %swap3A_1705 = vector.shape_cast %add3A_1701 : vector<16xi32> to vector<16xi32>
    tpu.vector_store %arg14[%swap3A_1702], %swap3A_1705 {strides = array<i32>} : memref<640xi32, #tpu.memory_space<vmem>>, vector<16xi32>,
    %get3A_1706 = arith.constant 464 : index
    %get3A_1707 = tpu.vector_load %arg10[%get3A_1706] {strides = array<i32>} : memref<640xi32, #tpu.memory_space<vmem>>, vector<16xi32>,
    %get3A_1708 = vector.shape_cast %get3A_1707 : vector<16xi32> to vector<16xi32>
    %get3A_1709 = arith.constant 464 : index
    %get3A_1710 = tpu.vector_load %arg11[%get3A_1709] {strides = array<i32>} : memref<640xi32, #tpu.memory_space<vmem>>, vector<16xi32>,
    %get3A_1711 = vector.shape_cast %get3A_1710 : vector<16xi32> to vector<16xi32>
    %get3A_1712 = arith.constant 464 : index
    %get3A_1713 = tpu.vector_load %arg12[%get3A_1712] {strides = array<i32>} : memref<640xi32, #tpu.memory_space<vmem>>, vector<16xi32>,
    %get3A_1714 = vector.shape_cast %get3A_1713 : vector<16xi32> to vector<16xi32>
    %mul3A_1715 = arith.constant 921600 : i32
    %mul3A_1716 = vector.broadcast %mul3A_1715 : i32 to vector<16xi32>
    %mul3A_1717 = arith.muli %get3A_1714, %mul3A_1716 : vector<16xi32>
    %mul3A_1718 = arith.constant 720 : i32
    %mul3A_1719 = vector.broadcast %mul3A_1718 : i32 to vector<16xi32>
    %mul3A_1720 = arith.muli %get3A_1708, %mul3A_1719 : vector<16xi32>
    %add3A_1721 = arith.addi %mul3A_1717, %mul3A_1720 : vector<16xi32>
    %add3A_1722 = arith.addi %add3A_1721, %get3A_1711 : vector<16xi32>
    %swap3A_1723 = arith.constant 464 : index
    %swap3A_1724 = tpu.vector_load %arg14[%swap3A_1723] {strides = array<i32>} : memref<640xi32, #tpu.memory_space<vmem>>, vector<16xi32>,
    %swap3A_1725 = vector.shape_cast %swap3A_1724 : vector<16xi32> to vector<16xi32>
    %swap3A_1726 = vector.shape_cast %add3A_1722 : vector<16xi32> to vector<16xi32>
    tpu.vector_store %arg14[%swap3A_1723], %swap3A_1726 {strides = array<i32>} : memref<640xi32, #tpu.memory_space<vmem>>, vector<16xi32>,
    %get3A_1727 = arith.constant 480 : index
    %get3A_1728 = tpu.vector_load %arg10[%get3A_1727] {strides = array<i32>} : memref<640xi32, #tpu.memory_space<vmem>>, vector<16xi32>,
    %get3A_1729 = vector.shape_cast %get3A_1728 : vector<16xi32> to vector<16xi32>
    %get3A_1730 = arith.constant 480 : index
    %get3A_1731 = tpu.vector_load %arg11[%get3A_1730] {strides = array<i32>} : memref<640xi32, #tpu.memory_space<vmem>>, vector<16xi32>,
    %get3A_1732 = vector.shape_cast %get3A_1731 : vector<16xi32> to vector<16xi32>
    %get3A_1733 = arith.constant 480 : index
    %get3A_1734 = tpu.vector_load %arg12[%get3A_1733] {strides = array<i32>} : memref<640xi32, #tpu.memory_space<vmem>>, vector<16xi32>,
    %get3A_1735 = vector.shape_cast %get3A_1734 : vector<16xi32> to vector<16xi32>
    %mul3A_1736 = arith.constant 921600 : i32
    %mul3A_1737 = vector.broadcast %mul3A_1736 : i32 to vector<16xi32>
    %mul3A_1738 = arith.muli %get3A_1735, %mul3A_1737 : vector<16xi32>
    %mul3A_1739 = arith.constant 720 : i32
    %mul3A_1740 = vector.broadcast %mul3A_1739 : i32 to vector<16xi32>
    %mul3A_1741 = arith.muli %get3A_1729, %mul3A_1740 : vector<16xi32>
    %add3A_1742 = arith.addi %mul3A_1738, %mul3A_1741 : vector<16xi32>
    %add3A_1743 = arith.addi %add3A_1742, %get3A_1732 : vector<16xi32>
    %swap3A_1744 = arith.constant 480 : index
    %swap3A_1745 = tpu.vector_load %arg14[%swap3A_1744] {strides = array<i32>} : memref<640xi32, #tpu.memory_space<vmem>>, vector<16xi32>,
    %swap3A_1746 = vector.shape_cast %swap3A_1745 : vector<16xi32> to vector<16xi32>
    %swap3A_1747 = vector.shape_cast %add3A_1743 : vector<16xi32> to vector<16xi32>
    tpu.vector_store %arg14[%swap3A_1744], %swap3A_1747 {strides = array<i32>} : memref<640xi32, #tpu.memory_space<vmem>>, vector<16xi32>,
    %get3A_1748 = arith.constant 496 : index
    %get3A_1749 = tpu.vector_load %arg10[%get3A_1748] {strides = array<i32>} : memref<640xi32, #tpu.memory_space<vmem>>, vector<16xi32>,
    %get3A_1750 = vector.shape_cast %get3A_1749 : vector<16xi32> to vector<16xi32>
    %get3A_1751 = arith.constant 496 : index
    %get3A_1752 = tpu.vector_load %arg11[%get3A_1751] {strides = array<i32>} : memref<640xi32, #tpu.memory_space<vmem>>, vector<16xi32>,
    %get3A_1753 = vector.shape_cast %get3A_1752 : vector<16xi32> to vector<16xi32>
    %get3A_1754 = arith.constant 496 : index
    %get3A_1755 = tpu.vector_load %arg12[%get3A_1754] {strides = array<i32>} : memref<640xi32, #tpu.memory_space<vmem>>, vector<16xi32>,
    %get3A_1756 = vector.shape_cast %get3A_1755 : vector<16xi32> to vector<16xi32>
    %mul3A_1757 = arith.constant 921600 : i32
    %mul3A_1758 = vector.broadcast %mul3A_1757 : i32 to vector<16xi32>
    %mul3A_1759 = arith.muli %get3A_1756, %mul3A_1758 : vector<16xi32>
    %mul3A_1760 = arith.constant 720 : i32
    %mul3A_1761 = vector.broadcast %mul3A_1760 : i32 to vector<16xi32>
    %mul3A_1762 = arith.muli %get3A_1750, %mul3A_1761 : vector<16xi32>
    %add3A_1763 = arith.addi %mul3A_1759, %mul3A_1762 : vector<16xi32>
    %add3A_1764 = arith.addi %add3A_1763, %get3A_1753 : vector<16xi32>
    %swap3A_1765 = arith.constant 496 : index
    %swap3A_1766 = tpu.vector_load %arg14[%swap3A_1765] {strides = array<i32>} : memref<640xi32, #tpu.memory_space<vmem>>, vector<16xi32>,
    %swap3A_1767 = vector.shape_cast %swap3A_1766 : vector<16xi32> to vector<16xi32>
    %swap3A_1768 = vector.shape_cast %add3A_1764 : vector<16xi32> to vector<16xi32>
    tpu.vector_store %arg14[%swap3A_1765], %swap3A_1768 {strides = array<i32>} : memref<640xi32, #tpu.memory_space<vmem>>, vector<16xi32>,
    %get3A_1769 = arith.constant 512 : index
    %get3A_1770 = tpu.vector_load %arg10[%get3A_1769] {strides = array<i32>} : memref<640xi32, #tpu.memory_space<vmem>>, vector<16xi32>,
    %get3A_1771 = vector.shape_cast %get3A_1770 : vector<16xi32> to vector<16xi32>
    %get3A_1772 = arith.constant 512 : index
    %get3A_1773 = tpu.vector_load %arg11[%get3A_1772] {strides = array<i32>} : memref<640xi32, #tpu.memory_space<vmem>>, vector<16xi32>,
    %get3A_1774 = vector.shape_cast %get3A_1773 : vector<16xi32> to vector<16xi32>
    %get3A_1775 = arith.constant 512 : index
    %get3A_1776 = tpu.vector_load %arg12[%get3A_1775] {strides = array<i32>} : memref<640xi32, #tpu.memory_space<vmem>>, vector<16xi32>,
    %get3A_1777 = vector.shape_cast %get3A_1776 : vector<16xi32> to vector<16xi32>
    %mul3A_1778 = arith.constant 921600 : i32
    %mul3A_1779 = vector.broadcast %mul3A_1778 : i32 to vector<16xi32>
    %mul3A_1780 = arith.muli %get3A_1777, %mul3A_1779 : vector<16xi32>
    %mul3A_1781 = arith.constant 720 : i32
    %mul3A_1782 = vector.broadcast %mul3A_1781 : i32 to vector<16xi32>
    %mul3A_1783 = arith.muli %get3A_1771, %mul3A_1782 : vector<16xi32>
    %add3A_1784 = arith.addi %mul3A_1780, %mul3A_1783 : vector<16xi32>
    %add3A_1785 = arith.addi %add3A_1784, %get3A_1774 : vector<16xi32>
    %swap3A_1786 = arith.constant 512 : index
    %swap3A_1787 = tpu.vector_load %arg14[%swap3A_1786] {strides = array<i32>} : memref<640xi32, #tpu.memory_space<vmem>>, vector<16xi32>,
    %swap3A_1788 = vector.shape_cast %swap3A_1787 : vector<16xi32> to vector<16xi32>
    %swap3A_1789 = vector.shape_cast %add3A_1785 : vector<16xi32> to vector<16xi32>
    tpu.vector_store %arg14[%swap3A_1786], %swap3A_1789 {strides = array<i32>} : memref<640xi32, #tpu.memory_space<vmem>>, vector<16xi32>,
    %get3A_1790 = arith.constant 528 : index
    %get3A_1791 = tpu.vector_load %arg10[%get3A_1790] {strides = array<i32>} : memref<640xi32, #tpu.memory_space<vmem>>, vector<16xi32>,
    %get3A_1792 = vector.shape_cast %get3A_1791 : vector<16xi32> to vector<16xi32>
    %get3A_1793 = arith.constant 528 : index
    %get3A_1794 = tpu.vector_load %arg11[%get3A_1793] {strides = array<i32>} : memref<640xi32, #tpu.memory_space<vmem>>, vector<16xi32>,
    %get3A_1795 = vector.shape_cast %get3A_1794 : vector<16xi32> to vector<16xi32>
    %get3A_1796 = arith.constant 528 : index
    %get3A_1797 = tpu.vector_load %arg12[%get3A_1796] {strides = array<i32>} : memref<640xi32, #tpu.memory_space<vmem>>, vector<16xi32>,
    %get3A_1798 = vector.shape_cast %get3A_1797 : vector<16xi32> to vector<16xi32>
    %mul3A_1799 = arith.constant 921600 : i32
    %mul3A_1800 = vector.broadcast %mul3A_1799 : i32 to vector<16xi32>
    %mul3A_1801 = arith.muli %get3A_1798, %mul3A_1800 : vector<16xi32>
    %mul3A_1802 = arith.constant 720 : i32
    %mul3A_1803 = vector.broadcast %mul3A_1802 : i32 to vector<16xi32>
    %mul3A_1804 = arith.muli %get3A_1792, %mul3A_1803 : vector<16xi32>
    %add3A_1805 = arith.addi %mul3A_1801, %mul3A_1804 : vector<16xi32>
    %add3A_1806 = arith.addi %add3A_1805, %get3A_1795 : vector<16xi32>
    %swap3A_1807 = arith.constant 528 : index
    %swap3A_1808 = tpu.vector_load %arg14[%swap3A_1807] {strides = array<i32>} : memref<640xi32, #tpu.memory_space<vmem>>, vector<16xi32>,
    %swap3A_1809 = vector.shape_cast %swap3A_1808 : vector<16xi32> to vector<16xi32>
    %swap3A_1810 = vector.shape_cast %add3A_1806 : vector<16xi32> to vector<16xi32>
    tpu.vector_store %arg14[%swap3A_1807], %swap3A_1810 {strides = array<i32>} : memref<640xi32, #tpu.memory_space<vmem>>, vector<16xi32>,
    %get3A_1811 = arith.constant 544 : index
    %get3A_1812 = tpu.vector_load %arg10[%get3A_1811] {strides = array<i32>} : memref<640xi32, #tpu.memory_space<vmem>>, vector<16xi32>,
    %get3A_1813 = vector.shape_cast %get3A_1812 : vector<16xi32> to vector<16xi32>
    %get3A_1814 = arith.constant 544 : index
    %get3A_1815 = tpu.vector_load %arg11[%get3A_1814] {strides = array<i32>} : memref<640xi32, #tpu.memory_space<vmem>>, vector<16xi32>,
    %get3A_1816 = vector.shape_cast %get3A_1815 : vector<16xi32> to vector<16xi32>
    %get3A_1817 = arith.constant 544 : index
    %get3A_1818 = tpu.vector_load %arg12[%get3A_1817] {strides = array<i32>} : memref<640xi32, #tpu.memory_space<vmem>>, vector<16xi32>,
    %get3A_1819 = vector.shape_cast %get3A_1818 : vector<16xi32> to vector<16xi32>
    %mul3A_1820 = arith.constant 921600 : i32
    %mul3A_1821 = vector.broadcast %mul3A_1820 : i32 to vector<16xi32>
    %mul3A_1822 = arith.muli %get3A_1819, %mul3A_1821 : vector<16xi32>
    %mul3A_1823 = arith.constant 720 : i32
    %mul3A_1824 = vector.broadcast %mul3A_1823 : i32 to vector<16xi32>
    %mul3A_1825 = arith.muli %get3A_1813, %mul3A_1824 : vector<16xi32>
    %add3A_1826 = arith.addi %mul3A_1822, %mul3A_1825 : vector<16xi32>
    %add3A_1827 = arith.addi %add3A_1826, %get3A_1816 : vector<16xi32>
    %swap3A_1828 = arith.constant 544 : index
    %swap3A_1829 = tpu.vector_load %arg14[%swap3A_1828] {strides = array<i32>} : memref<640xi32, #tpu.memory_space<vmem>>, vector<16xi32>,
    %swap3A_1830 = vector.shape_cast %swap3A_1829 : vector<16xi32> to vector<16xi32>
    %swap3A_1831 = vector.shape_cast %add3A_1827 : vector<16xi32> to vector<16xi32>
    tpu.vector_store %arg14[%swap3A_1828], %swap3A_1831 {strides = array<i32>} : memref<640xi32, #tpu.memory_space<vmem>>, vector<16xi32>,
    %get3A_1832 = arith.constant 560 : index
    %get3A_1833 = tpu.vector_load %arg10[%get3A_1832] {strides = array<i32>} : memref<640xi32, #tpu.memory_space<vmem>>, vector<16xi32>,
    %get3A_1834 = vector.shape_cast %get3A_1833 : vector<16xi32> to vector<16xi32>
    %get3A_1835 = arith.constant 560 : index
    %get3A_1836 = tpu.vector_load %arg11[%get3A_1835] {strides = array<i32>} : memref<640xi32, #tpu.memory_space<vmem>>, vector<16xi32>,
    %get3A_1837 = vector.shape_cast %get3A_1836 : vector<16xi32> to vector<16xi32>
    %get3A_1838 = arith.constant 560 : index
    %get3A_1839 = tpu.vector_load %arg12[%get3A_1838] {strides = array<i32>} : memref<640xi32, #tpu.memory_space<vmem>>, vector<16xi32>,
    %get3A_1840 = vector.shape_cast %get3A_1839 : vector<16xi32> to vector<16xi32>
    %mul3A_1841 = arith.constant 921600 : i32
    %mul3A_1842 = vector.broadcast %mul3A_1841 : i32 to vector<16xi32>
    %mul3A_1843 = arith.muli %get3A_1840, %mul3A_1842 : vector<16xi32>
    %mul3A_1844 = arith.constant 720 : i32
    %mul3A_1845 = vector.broadcast %mul3A_1844 : i32 to vector<16xi32>
    %mul3A_1846 = arith.muli %get3A_1834, %mul3A_1845 : vector<16xi32>
    %add3A_1847 = arith.addi %mul3A_1843, %mul3A_1846 : vector<16xi32>
    %add3A_1848 = arith.addi %add3A_1847, %get3A_1837 : vector<16xi32>
    %swap3A_1849 = arith.constant 560 : index
    %swap3A_1850 = tpu.vector_load %arg14[%swap3A_1849] {strides = array<i32>} : memref<640xi32, #tpu.memory_space<vmem>>, vector<16xi32>,
    %swap3A_1851 = vector.shape_cast %swap3A_1850 : vector<16xi32> to vector<16xi32>
    %swap3A_1852 = vector.shape_cast %add3A_1848 : vector<16xi32> to vector<16xi32>
    tpu.vector_store %arg14[%swap3A_1849], %swap3A_1852 {strides = array<i32>} : memref<640xi32, #tpu.memory_space<vmem>>, vector<16xi32>,
    %get3A_1853 = arith.constant 576 : index
    %get3A_1854 = tpu.vector_load %arg10[%get3A_1853] {strides = array<i32>} : memref<640xi32, #tpu.memory_space<vmem>>, vector<16xi32>,
    %get3A_1855 = vector.shape_cast %get3A_1854 : vector<16xi32> to vector<16xi32>
    %get3A_1856 = arith.constant 576 : index
    %get3A_1857 = tpu.vector_load %arg11[%get3A_1856] {strides = array<i32>} : memref<640xi32, #tpu.memory_space<vmem>>, vector<16xi32>,
    %get3A_1858 = vector.shape_cast %get3A_1857 : vector<16xi32> to vector<16xi32>
    %get3A_1859 = arith.constant 576 : index
    %get3A_1860 = tpu.vector_load %arg12[%get3A_1859] {strides = array<i32>} : memref<640xi32, #tpu.memory_space<vmem>>, vector<16xi32>,
    %get3A_1861 = vector.shape_cast %get3A_1860 : vector<16xi32> to vector<16xi32>
    %mul3A_1862 = arith.constant 921600 : i32
    %mul3A_1863 = vector.broadcast %mul3A_1862 : i32 to vector<16xi32>
    %mul3A_1864 = arith.muli %get3A_1861, %mul3A_1863 : vector<16xi32>
    %mul3A_1865 = arith.constant 720 : i32
    %mul3A_1866 = vector.broadcast %mul3A_1865 : i32 to vector<16xi32>
    %mul3A_1867 = arith.muli %get3A_1855, %mul3A_1866 : vector<16xi32>
    %add3A_1868 = arith.addi %mul3A_1864, %mul3A_1867 : vector<16xi32>
    %add3A_1869 = arith.addi %add3A_1868, %get3A_1858 : vector<16xi32>
    %swap3A_1870 = arith.constant 576 : index
    %swap3A_1871 = tpu.vector_load %arg14[%swap3A_1870] {strides = array<i32>} : memref<640xi32, #tpu.memory_space<vmem>>, vector<16xi32>,
    %swap3A_1872 = vector.shape_cast %swap3A_1871 : vector<16xi32> to vector<16xi32>
    %swap3A_1873 = vector.shape_cast %add3A_1869 : vector<16xi32> to vector<16xi32>
    tpu.vector_store %arg14[%swap3A_1870], %swap3A_1873 {strides = array<i32>} : memref<640xi32, #tpu.memory_space<vmem>>, vector<16xi32>,
    %get3A_1874 = arith.constant 592 : index
    %get3A_1875 = tpu.vector_load %arg10[%get3A_1874] {strides = array<i32>} : memref<640xi32, #tpu.memory_space<vmem>>, vector<16xi32>,
    %get3A_1876 = vector.shape_cast %get3A_1875 : vector<16xi32> to vector<16xi32>
    %get3A_1877 = arith.constant 592 : index
    %get3A_1878 = tpu.vector_load %arg11[%get3A_1877] {strides = array<i32>} : memref<640xi32, #tpu.memory_space<vmem>>, vector<16xi32>,
    %get3A_1879 = vector.shape_cast %get3A_1878 : vector<16xi32> to vector<16xi32>
    %get3A_1880 = arith.constant 592 : index
    %get3A_1881 = tpu.vector_load %arg12[%get3A_1880] {strides = array<i32>} : memref<640xi32, #tpu.memory_space<vmem>>, vector<16xi32>,
    %get3A_1882 = vector.shape_cast %get3A_1881 : vector<16xi32> to vector<16xi32>
    %mul3A_1883 = arith.constant 921600 : i32
    %mul3A_1884 = vector.broadcast %mul3A_1883 : i32 to vector<16xi32>
    %mul3A_1885 = arith.muli %get3A_1882, %mul3A_1884 : vector<16xi32>
    %mul3A_1886 = arith.constant 720 : i32
    %mul3A_1887 = vector.broadcast %mul3A_1886 : i32 to vector<16xi32>
    %mul3A_1888 = arith.muli %get3A_1876, %mul3A_1887 : vector<16xi32>
    %add3A_1889 = arith.addi %mul3A_1885, %mul3A_1888 : vector<16xi32>
    %add3A_1890 = arith.addi %add3A_1889, %get3A_1879 : vector<16xi32>
    %swap3A_1891 = arith.constant 592 : index
    %swap3A_1892 = tpu.vector_load %arg14[%swap3A_1891] {strides = array<i32>} : memref<640xi32, #tpu.memory_space<vmem>>, vector<16xi32>,
    %swap3A_1893 = vector.shape_cast %swap3A_1892 : vector<16xi32> to vector<16xi32>
    %swap3A_1894 = vector.shape_cast %add3A_1890 : vector<16xi32> to vector<16xi32>
    tpu.vector_store %arg14[%swap3A_1891], %swap3A_1894 {strides = array<i32>} : memref<640xi32, #tpu.memory_space<vmem>>, vector<16xi32>,
    %get3A_1895 = arith.constant 608 : index
    %get3A_1896 = tpu.vector_load %arg10[%get3A_1895] {strides = array<i32>} : memref<640xi32, #tpu.memory_space<vmem>>, vector<16xi32>,
    %get3A_1897 = vector.shape_cast %get3A_1896 : vector<16xi32> to vector<16xi32>
    %get3A_1898 = arith.constant 608 : index
    %get3A_1899 = tpu.vector_load %arg11[%get3A_1898] {strides = array<i32>} : memref<640xi32, #tpu.memory_space<vmem>>, vector<16xi32>,
    %get3A_1900 = vector.shape_cast %get3A_1899 : vector<16xi32> to vector<16xi32>
    %get3A_1901 = arith.constant 608 : index
    %get3A_1902 = tpu.vector_load %arg12[%get3A_1901] {strides = array<i32>} : memref<640xi32, #tpu.memory_space<vmem>>, vector<16xi32>,
    %get3A_1903 = vector.shape_cast %get3A_1902 : vector<16xi32> to vector<16xi32>
    %mul3A_1904 = arith.constant 921600 : i32
    %mul3A_1905 = vector.broadcast %mul3A_1904 : i32 to vector<16xi32>
    %mul3A_1906 = arith.muli %get3A_1903, %mul3A_1905 : vector<16xi32>
    %mul3A_1907 = arith.constant 720 : i32
    %mul3A_1908 = vector.broadcast %mul3A_1907 : i32 to vector<16xi32>
    %mul3A_1909 = arith.muli %get3A_1897, %mul3A_1908 : vector<16xi32>
    %add3A_1910 = arith.addi %mul3A_1906, %mul3A_1909 : vector<16xi32>
    %add3A_1911 = arith.addi %add3A_1910, %get3A_1900 : vector<16xi32>
    %swap3A_1912 = arith.constant 608 : index
    %swap3A_1913 = tpu.vector_load %arg14[%swap3A_1912] {strides = array<i32>} : memref<640xi32, #tpu.memory_space<vmem>>, vector<16xi32>,
    %swap3A_1914 = vector.shape_cast %swap3A_1913 : vector<16xi32> to vector<16xi32>
    %swap3A_1915 = vector.shape_cast %add3A_1911 : vector<16xi32> to vector<16xi32>
    tpu.vector_store %arg14[%swap3A_1912], %swap3A_1915 {strides = array<i32>} : memref<640xi32, #tpu.memory_space<vmem>>, vector<16xi32>,
    %get3A_1916 = arith.constant 624 : index
    %get3A_1917 = tpu.vector_load %arg10[%get3A_1916] {strides = array<i32>} : memref<640xi32, #tpu.memory_space<vmem>>, vector<16xi32>,
    %get3A_1918 = vector.shape_cast %get3A_1917 : vector<16xi32> to vector<16xi32>
    %get3A_1919 = arith.constant 624 : index
    %get3A_1920 = tpu.vector_load %arg11[%get3A_1919] {strides = array<i32>} : memref<640xi32, #tpu.memory_space<vmem>>, vector<16xi32>,
    %get3A_1921 = vector.shape_cast %get3A_1920 : vector<16xi32> to vector<16xi32>
    %get3A_1922 = arith.constant 624 : index
    %get3A_1923 = tpu.vector_load %arg12[%get3A_1922] {strides = array<i32>} : memref<640xi32, #tpu.memory_space<vmem>>, vector<16xi32>,
    %get3A_1924 = vector.shape_cast %get3A_1923 : vector<16xi32> to vector<16xi32>
    %mul3A_1925 = arith.constant 921600 : i32
    %mul3A_1926 = vector.broadcast %mul3A_1925 : i32 to vector<16xi32>
    %mul3A_1927 = arith.muli %get3A_1924, %mul3A_1926 : vector<16xi32>
    %mul3A_1928 = arith.constant 720 : i32
    %mul3A_1929 = vector.broadcast %mul3A_1928 : i32 to vector<16xi32>
    %mul3A_1930 = arith.muli %get3A_1918, %mul3A_1929 : vector<16xi32>
    %add3A_1931 = arith.addi %mul3A_1927, %mul3A_1930 : vector<16xi32>
    %add3A_1932 = arith.addi %add3A_1931, %get3A_1921 : vector<16xi32>
    %swap3A_1933 = arith.constant 624 : index
    %swap3A_1934 = tpu.vector_load %arg14[%swap3A_1933] {strides = array<i32>} : memref<640xi32, #tpu.memory_space<vmem>>, vector<16xi32>,
    %swap3A_1935 = vector.shape_cast %swap3A_1934 : vector<16xi32> to vector<16xi32>
    %swap3A_1936 = vector.shape_cast %add3A_1932 : vector<16xi32> to vector<16xi32>
    tpu.vector_store %arg14[%swap3A_1933], %swap3A_1936 {strides = array<i32>} : memref<640xi32, #tpu.memory_space<vmem>>, vector<16xi32>,
    %dma_start3A_1937 = arith.constant 0 : i32
    %dma_start3A_1938 = tpu.memref_slice %arg6[%dma_start3A_1937] : memref<1843200xi32, #tpu.memory_space<vmem_shared>> -> memref<1843200xi32, #tpu.memory_space<vmem_shared>>
    tpu.enqueue_indirect_dma source(%arg15 : memref<640xi32, #tpu.memory_space<vmem>>) target(%dma_start3A_1938 : memref<1843200xi32, #tpu.memory_space<vmem_shared>>) offsets(%arg14 : memref<640xi32, #tpu.memory_space<vmem>>) semaphore(%arg20 : memref<!tpu.dma_semaphore, #tpu.memory_space<semaphore_mem>>)
    %dma_wait3A_1939 = arith.constant 0 : i32
    %dma_wait3A_1940 = tpu.memref_slice %arg2[%dma_wait3A_1939] : memref<2000000xi32, #tpu.memory_space<hbm>> -> memref<640xi32, #tpu.memory_space<hbm>>
    %dma_wait3A_1941 = arith.constant 0 : i32
    %dma_wait3A_1942 = tpu.memref_slice %arg2[%dma_wait3A_1941] : memref<2000000xi32, #tpu.memory_space<hbm>> -> memref<640xi32, #tpu.memory_space<hbm>>
    tpu.wait_dma2 semaphore(%arg19 : memref<!tpu.dma_semaphore, #tpu.memory_space<semaphore_mem>>) src(%dma_wait3A_1942 : memref<640xi32, #tpu.memory_space<hbm>>) dst(%arg7 : memref<640xi32, #tpu.memory_space<vmem>>)
    %dma_wait3A_1943 = arith.constant 0 : i32
    %dma_wait3A_1944 = tpu.memref_slice %arg2[%dma_wait3A_1943] : memref<2000000xi32, #tpu.memory_space<hbm>> -> memref<640xi32, #tpu.memory_space<hbm>>
    %dma_wait3A_1945 = arith.constant 0 : i32
    %dma_wait3A_1946 = tpu.memref_slice %arg2[%dma_wait3A_1945] : memref<2000000xi32, #tpu.memory_space<hbm>> -> memref<640xi32, #tpu.memory_space<hbm>>
    tpu.wait_dma2 semaphore(%arg20 : memref<!tpu.dma_semaphore, #tpu.memory_space<semaphore_mem>>) src(%dma_wait3A_1946 : memref<640xi32, #tpu.memory_space<hbm>>) dst(%arg10 : memref<640xi32, #tpu.memory_space<vmem>>)
    %barrier3A_1947 = arith.constant 0 : index
    tpu.barrier barrier_id(%barrier3A_1947)
    %mul3A_1948 = arith.constant 115200 : i32
    %mul3A_1949 = arith.muli %arg1, %mul3A_1948 : i32
    %mul3A_1950 = arith.constant 1843200 : i32
    %mul3A_1951 = arith.muli %arg0, %mul3A_1950 : i32
    %mul3A_1952 = arith.constant 115200 : i32
    %mul3A_1953 = arith.muli %arg1, %mul3A_1952 : i32
    %add3A_1954 = arith.addi %mul3A_1951, %mul3A_1953 : i32
    "tpu.region"() ({
      %run_scoped3A = tpu.sem_alloc : memref<!tpu.dma_semaphore, #tpu.memory_space<semaphore_mem>>
      %dma_start3A_1955 = tpu.memref_slice %arg5[%add3A_1954] : memref<3686400xi32, #tpu.memory_space<hbm>> -> memref<115200xi32, #tpu.memory_space<hbm>>
      %dma_start3A_1956 = tpu.memref_slice %arg6[%mul3A_1949] : memref<1843200xi32, #tpu.memory_space<vmem_shared>> -> memref<115200xi32, #tpu.memory_space<vmem_shared>>
      tpu.enqueue_dma source(%dma_start3A_1956 : memref<115200xi32, #tpu.memory_space<vmem_shared>>) target(%dma_start3A_1955 : memref<115200xi32, #tpu.memory_space<hbm>>) target_semaphore(%run_scoped3A : memref<!tpu.dma_semaphore, #tpu.memory_space<semaphore_mem>>)
      %dma_wait3A_1957 = tpu.memref_slice %arg5[%add3A_1954] : memref<3686400xi32, #tpu.memory_space<hbm>> -> memref<115200xi32, #tpu.memory_space<hbm>>
      %dma_wait3A_1958 = tpu.memref_slice %arg6[%mul3A_1949] : memref<1843200xi32, #tpu.memory_space<vmem_shared>> -> memref<115200xi32, #tpu.memory_space<vmem_shared>>
      tpu.wait_dma2 semaphore(%run_scoped3A : memref<!tpu.dma_semaphore, #tpu.memory_space<semaphore_mem>>) src(%dma_wait3A_1958 : memref<115200xi32, #tpu.memory_space<vmem_shared>>) dst(%dma_wait3A_1957 : memref<115200xi32, #tpu.memory_space<hbm>>)
      tpu.yield
    }) : () -> ()
    return
  }
}

module attributes {stable_mosaic.version = 14 : i64} {
  func.func @_combine_body(%arg0: i32, %arg1: memref<184320xi32, #tpu.memory_space<vmem>>, %arg2: memref<184320xi32, #tpu.memory_space<vmem>>, %arg3: memref<184320xi32, #tpu.memory_space<vmem>>, %arg4: memref<184320xi32, #tpu.memory_space<vmem>>, %arg5: memref<184320xf32, #tpu.memory_space<vmem>>, %arg6: memref<184320xf32, #tpu.memory_space<vmem>>) attributes {dimension_semantics = [#tpu.dimension_semantics<arbitrary>], iteration_bounds = array<i64: 5>, scalar_prefetch = 0 : i64, scratch_operands = 0 : i64, tpu.core_type = #tpu.core_type<tc>, window_params = [{transform_indices = @transform_0, window_bounds = array<i64: 184320>}, {transform_indices = @transform_1, window_bounds = array<i64: 184320>}, {transform_indices = @transform_2, window_bounds = array<i64: 184320>}, {transform_indices = @transform_3, window_bounds = array<i64: 184320>}, {transform_indices = @transform_4, window_bounds = array<i64: 184320>}, {transform_indices = @transform_5, window_bounds = array<i64: 184320>}]} {
    %get3A = arith.constant 0 : index
    %get3A_0 = vector.load %arg1[%get3A] : memref<184320xi32, #tpu.memory_space<vmem>>, vector<184320xi32>
    %get3A_1 = arith.constant 0 : index
    %get3A_2 = vector.load %arg3[%get3A_1] : memref<184320xi32, #tpu.memory_space<vmem>>, vector<184320xi32>
    %max3A = arith.maxsi %get3A_0, %get3A_2 : vector<184320xi32>
    %convert_element_type3A = arith.sitofp %max3A : vector<184320xi32> to vector<184320xf32>
    %get3A_3 = arith.constant 0 : index
    %get3A_4 = vector.load %arg2[%get3A_3] : memref<184320xi32, #tpu.memory_space<vmem>>, vector<184320xi32>
    %get3A_5 = arith.constant 0 : index
    %get3A_6 = vector.load %arg4[%get3A_5] : memref<184320xi32, #tpu.memory_space<vmem>>, vector<184320xi32>
    %max3A_7 = arith.maxsi %get3A_4, %get3A_6 : vector<184320xi32>
    %convert_element_type3A_8 = arith.sitofp %max3A_7 : vector<184320xi32> to vector<184320xf32>
    %get3A_9 = arith.constant 0 : index
    %get3A_10 = vector.load %arg5[%get3A_9] : memref<184320xf32, #tpu.memory_space<vmem>>, vector<184320xf32>
    %mul3A = arith.constant 1.500000e+01 : f32
    %mul3A_11 = vector.broadcast %mul3A : f32 to vector<184320xf32>
    %mul3A_12 = arith.mulf %mul3A_11, %convert_element_type3A_8 : vector<184320xf32>
    %add3A = arith.addf %get3A_10, %mul3A_12 : vector<184320xf32>
    %mul3A_13 = arith.constant 1.500000e+01 : f32
    %mul3A_14 = vector.broadcast %mul3A_13 : f32 to vector<184320xf32>
    %mul3A_15 = arith.mulf %mul3A_14, %convert_element_type3A : vector<184320xf32>
    %sub3A = arith.subf %add3A, %mul3A_15 : vector<184320xf32>
    %swap3A = arith.constant 0 : index
    %swap3A_16 = vector.load %arg6[%swap3A] : memref<184320xf32, #tpu.memory_space<vmem>>, vector<184320xf32>
    tpu.vector_store %arg6[%swap3A], %sub3A {strides = array<i32>} : memref<184320xf32, #tpu.memory_space<vmem>>, vector<184320xf32>,
    return
  }
  func.func @transform_0(%arg0: i32) -> i32 {
    %add3A = arith.constant 0 : i32
    %add3A_0 = arith.addi %add3A, %arg0 : i32
    %c0_i32 = arith.constant 0 : i32
    return %add3A_0 : i32
  }
  func.func @transform_1(%arg0: i32) -> i32 {
    %add3A = arith.constant 5 : i32
    %add3A_0 = arith.addi %add3A, %arg0 : i32
    %c0_i32 = arith.constant 0 : i32
    return %add3A_0 : i32
  }
  func.func @transform_2(%arg0: i32) -> i32 {
    %add3A = arith.constant 10 : i32
    %add3A_0 = arith.addi %add3A, %arg0 : i32
    %c0_i32 = arith.constant 0 : i32
    return %add3A_0 : i32
  }
  func.func @transform_3(%arg0: i32) -> i32 {
    %add3A = arith.constant 15 : i32
    %add3A_0 = arith.addi %add3A, %arg0 : i32
    %c0_i32 = arith.constant 0 : i32
    return %add3A_0 : i32
  }
  func.func @transform_4(%arg0: i32) -> i32 {
    %c0_i32 = arith.constant 0 : i32
    return %arg0 : i32
  }
  func.func @transform_5(%arg0: i32) -> i32 {
    %c0_i32 = arith.constant 0 : i32
    return %arg0 : i32
  }
}

</mosaic_0001>

<sc_bundles>
// kernel: kernel.4.cloned.1.call-start
scs
__scs_entry_jumppad:
0x0: {  	(pc) =	sbr.rel $0x88, $3  }
0x1: {  	(tag) =	ssettag $0x0;
	lr =	simm.s32 $0x1  }
0x2: {  	[smem:$0x3F9D] =	sst lr;
	_ =	strace $0xD0000000  }
0x3: {  	_ = 	snop  }
0x4: {  	_ = 	snop  }
0x5: {  	_ = 	snop  }
0x6: {  	_ = 	snop  }
0x7: {  	_ = 	snop  }
__scs_overlays_trampoline_lowered:
0x8: {  	[smem:$0x3FAC] =	sst s0  }
0x9: {  	[smem:$0x3FAD] =	sst s1  }
0xa: {  	[smem:$0x3FAE] =	sst s2  }
0xb: {  	[smem:$0x3FAF] =	sst s3  }
0xc: {  	[smem:$0x3FB0] =	sst s4  }
0xd: {  	[smem:$0x3FB1] =	sst s5  }
0xe: {  	[smem:$0x3FB2] =	sst s6  }
0xf: {  	[smem:$0x3FB3] =	sst s7  }
0x10: {  	[smem:$0x3FB4] =	sst s8  }
0x11: {  	[smem:$0x3FB5] =	sst s9;
	s0 =	simm.s32 @!p0 $0x0  }
0x12: {  	s1 =	sld [smem:$0x3F9B];
	s0 =	simm.s32 @p0 $0x1  }
0x13: {  	[smem:$0x3FB6] =	sst s0;
	s0 =	simm.s32 @!p1 $0x0  }
0x14: {  	s2 =	sld [smem:$0x3F9A];
	s0 =	simm.s32 @p1 $0x1  }
0x15: {  	[smem:$0x3FB7] =	sst s0;
	s0 =	simm.s32 @!p2 $0x0  }
0x16: {  	s3 =	sld [smem:$0x3FDB];
	s0 =	simm.s32 @p2 $0x1  }
0x17: {  	s4 =	simm.s32 $0x1BF5;
	[smem:$0x3FB9] =	sst s0  }
0x18: {  	s0 =	sld [smem:$0x3F9C];
	_ =	swait.ge [sflag:s4], $0x0  }
0x19: {  	s7 =	sld [smem:$0x3F9D]  }
0x1a: {  	s8 =	sadd.s32 $0xFFFFE003, lr  }
0x1b: {  	s9 =	sadd.s32 $0xFFFFFEF7, lr;
	s5 =	simm.s32 $0xFFFFFFFF;
	p2 =	slt.u32 s8, $0xFFFFF086  }
0x1c: {  	p1 =	slt.u32 s9, $0xF7A;
	s5 =	simm.s32 @!p2 $0x0  }
0x1d: {  	s5 =	simm.s32 @p1 $0x1;
	p0 =	seq.s32 s7, s2  }
0x1e: {  	s7 =	smul.u32 @!p0 $0xF7A, s2;
	p2 =	seq.s32 @!p0 s5, $0x0  }
0x1f: {  	s9 =	smul.u32 $0xF7A, s1;
	s8 =	simm.s32 @!p0 $0x1BF5;
	p2 =	por !p2, p0  }
0x20: {  	[sflag:s8] =	ssyncset.s32 @!p0 $0xFFFFF086;
	s6 =	sadd.s32 @!p0 s3, s7;
	s7 =	simm.s32 @!p0 $0x108  }
0x21: {  	s3 =	sadd.s32 s3, s9;
	s6 =	sadd.s32 @!p0 $0x88, s6;
	s7 =	simm.s32 @p2 $0x1082  }
0x22: {  	[simem:s7], [sflag:s8] =	dma.local @!p0 [hbm:s6], $0xF7A  }
0x23: {  	s9 =	sor.u32 $0xD0000000, s2;
	s6 =	simm.s32 $0x108;
	_ =	swait.ge @!p0 [sflag:s8], $0x0  }
0x24: {  	s3 =	sadd.s32 $0x88, s3;
	s6 =	simm.s32 @!p1 $0x1082;
	[sflag:s4] =	ssyncset.s32 $0xFFFFF086  }
0x25: {  	[simem:s6], [sflag:s4] =	dma.local [hbm:s3], $0xF7A  }
0x26: {  	[smem:$0x3F9D] =	sst s1;
	(tag) =	ssettag s2;
	_ =	strace s9  }
0x27: {  	s1 =	sld [smem:$0x3FAD]  }
0x28: {  	s2 =	sld [smem:$0x3FAE]  }
0x29: {  	s4 =	sld [smem:$0x3FB0]  }
0x2a: {  	p0 =	seq.s32 s5, $0x0;
	s5 =	sld [smem:$0x3FB1]  }
0x2b: {  	s6 =	sld [smem:$0x3FB2]  }
0x2c: {  	s7 =	sld [smem:$0x3FB3]  }
0x2d: {  	s3 =	simm.s32 $0x108;
	s8 =	sld [smem:$0x3FB4]  }
0x2e: {  	s3 =	simm.s32 @!p0 $0x1082;
	s9 =	sld [smem:$0x3FB5]  }
0x2f: {  	lr =	sadd.s32 s0, s3;
	s0 =	sld [smem:$0x3FAC]  }
0x30: {  	s3 =	sld [smem:$0x3FAF]  }
0x31: {  	[smem:$0x3FB8] =	sst s10  }
0x32: {  	s10 =	sld [smem:$0x3FB6];
	_ =	sdelay $0x3  }
0x33: {  	p0 =	seq.s32 s10, $0x1;
	s10 =	sld [smem:$0x3FB8];
	_ =	sdelay $0x3  }
0x34: {  	[smem:$0x3FB8] =	sst s10  }
0x35: {  	s10 =	sld [smem:$0x3FB7];
	_ =	sdelay $0x3  }
0x36: {  	p1 =	seq.s32 s10, $0x1;
	s10 =	sld [smem:$0x3FB8];
	_ =	sdelay $0x3  }
0x37: {  	[smem:$0x3FB8] =	sst s10  }
0x38: {  	s10 =	sld [smem:$0x3FB9]  }
0x39: {  	_ = 	snop;
	(pc) =	sbr.ind lr, $3  }
0x3a: {  	_ = 	snop  }
0x3b: {  	_ = 	snop  }
0x3c: {  	p2 =	seq.s32 s10, $0x1;
	s10 =	sld [smem:$0x3FB8]  }
0x3d: {  	_ =	shalt  }
0x3e: {  	_ =	shalt  }
0x3f: {  	_ =	shalt  }
0x40: {  	_ =	shalt  }
0x41: {  	_ =	shalt  }
0x42: {  	_ =	shalt  }
0x43: {  	_ =	shalt  }
0x44: {  	_ =	shalt  }
0x45: {  	_ =	shalt  }
0x46: {  	_ =	shalt  }
0x47: {  	_ =	shalt  }
0x48: {  	_ =	shalt  }
0x49: {  	_ =	shalt  }
0x4a: {  	_ =	shalt  }
0x4b: {  	_ =	shalt  }
0x4c: {  	_ =	shalt  }
0x4d: {  	_ =	shalt  }
0x4e: {  	_ =	shalt  }
0x4f: {  	_ =	shalt  }
0x50: {  	_ =	shalt  }
0x51: {  	_ =	shalt  }
0x52: {  	_ =	shalt  }
0x53: {  	_ =	shalt  }
0x54: {  	_ =	shalt  }
0x55: {  	_ =	shalt  }
0x56: {  	_ =	shalt  }
0x57: {  	_ =	shalt  }
0x58: {  	_ =	shalt  }
0x59: {  	_ =	shalt  }
0x5a: {  	_ =	shalt  }
0x5b: {  	_ =	shalt  }
0x5c: {  	_ =	shalt  }
0x5d: {  	_ =	shalt  }
0x5e: {  	_ =	shalt  }
0x5f: {  	_ =	shalt  }
0x60: {  	_ =	shalt  }
0x61: {  	_ =	shalt  }
0x62: {  	_ =	shalt  }
0x63: {  	_ =	shalt  }
0x64: {  	_ =	shalt  }
0x65: {  	_ =	shalt  }
0x66: {  	_ =	shalt  }
0x67: {  	_ =	shalt  }
0x68: {  	_ =	shalt  }
0x69: {  	_ =	shalt  }
0x6a: {  	_ =	shalt  }
0x6b: {  	_ =	shalt  }
0x6c: {  	_ =	shalt  }
0x6d: {  	_ =	shalt  }
0x6e: {  	_ =	shalt  }
0x6f: {  	_ =	shalt  }
0x70: {  	_ =	shalt  }
0x71: {  	_ =	shalt  }
0x72: {  	_ =	shalt  }
0x73: {  	_ =	shalt  }
0x74: {  	_ =	shalt  }
0x75: {  	_ =	shalt  }
0x76: {  	_ =	shalt  }
0x77: {  	_ =	shalt  }
0x78: {  	_ =	shalt  }
0x79: {  	_ =	shalt  }
0x7a: {  	_ =	shalt  }
0x7b: {  	_ =	shalt  }
0x7c: {  	_ =	shalt  }
0x7d: {  	_ =	shalt  }
0x7e: {  	_ =	shalt  }
0x7f: {  	_ =	shalt  }
0x80: {  	_ =	shalt  }
0x81: {  	_ =	shalt  }
0x82: {  	_ =	shalt  }
0x83: {  	_ =	shalt  }
0x84: {  	_ =	shalt  }
0x85: {  	_ =	shalt  }
0x86: {  	_ =	shalt  }
0x87: {  	_ =	shalt  }
.Lfunc_end0:
.L_simem_size_0:
called_computation_lowered:
.L_overlay_start_0:
0x88: {  	s2 =	sld [smem:$0x3FD9]  }
0x89: {  	s3 =	sld [smem:$0x3FFE];
	_ =	sdelay $0x1  }
0x8a: {  	s1 =	srdreg.scid  }
0x8b: {  	s0 =	sand.u32 $0x1, s1  }
0x8c: {  	s17 =	sshll.u32 s0, $0xA;
	s2 =	sadd.s32 s3, s2  }
0x8d: {  	s2 =	sadd.s32 s2, s17  }
0x8e: {  	[smem:$0x3FC4] =	sst s2  }
0x8f: {  	_ = 	snop  }
0x90: {  	s2 =	sld [smem:$0x3FC9]  }
0x91: {  	s18 =	sld [smem:$0x3FC8]  }
0x92: {  	s4 =	sld [smem:$0x3FC7];
	(tm) =	ssettm $0x1  }
0x93: {  	s5 =	sld [smem:$0x3FFB];
	_ =	sdelay $0x3  }
0x94: {  	_ =	strace s5  }
0x95: {  	s5 =	sld [smem:$0x3FFC];
	_ =	sdelay $0x3  }
0x96: {  	_ =	strace s5  }
0x97: {  	s5 =	sld [smem:$0x3FFD];
	_ =	sdelay $0x3  }
0x98: {  	_ =	strace s5  }
0x99: {  	_ =	strace $0x8FFFFFFF  }
0x9a: {  	s19 =	sld [smem:$0x3FDB];
	_ =	sdelay $0x1  }
0x9b: {  	s6 =	simm.s32 $_scs_section_size  }
0x9c: {  	s7 =	simm.s32 $_size__tile_overlayer_lowered;
	s8 =	simm.s32 $_tile_overlayer_lowered  }
0x9d: {  	s22 =	simm.s32 $0x1BFF;
	s21 =	sshll.u32 s8, $0x1;
	s5 =	sadd.s32 s6, s19  }
0x9e: {  	s9 =	simm.s32 $0x0;
	s20 =	sshll.u32 s7, $0x1;
	s7 =	sadd.s32 s21, s5  }
0x9f: {  	[timem:s9], [sflag:s22] =	dma.local [hbm:s7], s20  }
0xa0: {  	_ =	swait.ge [sflag:s22], s20  }
0xa1: {  	s6 =	ssub.s32 $0x0, s20;
	[sflag:s22] =	ssyncset.done $0x0  }
0xa2: {  	[sflag:s22] =	ssyncadd.s32 s6;
	_ =	sdelay $0x1  }
0xa3: {  	s23 =	simm.s32 $0x1B8B  }
0xa4: {  	_ =	swait.ge [sflag:s23], $0x1  }
0xa5: {  	[sflag:s23] =	ssyncset.done $0x0  }
0xa6: {  	s25 =	simm.s32 $0x1B8E;
	s24 =	sld [smem:$0x3FFE];
	[sflag:s23] =	ssyncadd.s32 $0xFFFFFFFF  }
0xa7: {  	s26 =	simm.s32 $execute0_lowered;
	[smem:$0x3FD2] =	sst s25  }
0xa8: {  	s7 =	sshll.u32 s26, $0x1;
	_ =	strace $0x80000046;
	[dreg:$0x1] =	wrdreg $0xFFFFFFFF  }
0xa9: {  	s28 =	simm.s32 $_size_execute0_lowered;
	s5 =	sadd.s32 s5, s7;
	[dreg:$0x0] =	wrdreg $0x0  }
0xaa: {  	s7 =	sshll.u32 s28, $0x1;
	[dreg:$0x2] =	wrdreg s5  }
0xab: {  	[dreg:$0x3] =	wrdreg s7  }
0xac: {  	[dreg:$0x4] =	wrdreg $0xC0  }
0xad: {  	_ =	task [dreg:s9], $0x5FFFF  }
0xae: {  	[dreg:$0x1] =	wrdreg $0xFFFFFFFF  }
0xaf: {  	[dreg:$0x0] =	wrdreg $0x60  }
0xb0: {  	[dreg:$0x2] =	wrdreg s2  }
0xb1: {  	[dreg:$0x3] =	wrdreg s18  }
0xb2: {  	[dreg:$0x4] =	wrdreg s4  }
0xb3: {  	[dreg:$0x5] =	wrdreg s24  }
0xb4: {  	[dreg:$0x6] =	wrdreg $0x0  }
0xb5: {  	[dreg:$0x7] =	wrdreg $0x9  }
0xb6: {  	_ =	task.clear_ibuf [dreg:s9], $0x8FFFF;
	_ =	strace $0x90000046  }
0xb7: {  	s29 =	simm.s32 $0x9;
	_ =	strace $0x80000048  }
0xb8: {  	_ =	swait.ge [sflag:s29], $0x1  }
0xb9: {  	[sflag:s29] =	ssyncadd.s32 $0xFFFFFFFF  }
0xba: {  	_ =	strace $0x90000048  }
0xbb: {  	_ =	sfence  }
0xbc: {  	s30 =	sld [smem:$0x0];
	_ =	sdelay $0x2  }
0xbd: {  	s31 =	sshll.u32 s1, $0xD;
	s1 =	sshrl.u32 s1, $0x2  }
0xbe: {  	s3 =	sand.u32 $0x4000, s31;
	s1 =	sadd.s32 s1, s30  }
0xbf: {  	s0 =	sor.u32 s3, s0;
	s1 =	sshll.u32 s1, $0x11  }
0xc0: {  	s0 =	sor.u32 s1, s0  }
0xc1: {  	s0 =	sadd.s32 $0x8F2B, s0  }
0xc2: {  	[sflag:s0] =	ssyncadd.remote.s32 $0x1  }
0xc3: {  	_ =	sfence.sel $0xFFFF  }
0xc4: {  	[dreg:$0x0] =	wrdreg $0xFFFFFFFF;
	(pc) =	sbr.abs _section_cstart, $3  }
0xc5: {  	[dreg:$0x1] =	wrdreg $0xFFFFFFFF  }
0xc6: {  	_ =	task.clear_ibuf [dreg:s9], $0x2FFFF;
	_ =	strace $0x9FFFFFFF  }
0xc7: {  	(tm) =	ssettm $0x7FFFFFFF  }
tec
execute0_lowered:
.L_overlay_start_1:
0x0: {  	(tag) =	ssettag $0x1  }
0x1: {  	s0 =	rddreg [dreg:$0x0]  }
0x2: {  	s1 =	rddreg [dreg:$0x1]  }
0x3: {  	s3 =	rddreg [dreg:$0x2];
	s2 =	srdreg.scid  }
0x4: {  	s4 =	rddreg [dreg:$0x3];
	s12 =	stileid.u32  }
0x5: {  	s5 =	rddreg [dreg:$0x4];
	s6 =	simm.s32 $0x0;
	s8 =	smul.u32 $0x1C200, s12  }
0x6: {  	s28 =	simm.s32 $0x4;
	s29 =	simm.s32 $0x5;
	s21 =	smul.u32 $0x70800, s12  }
0x7: {  	s2 =	sand.u32 $0x1, s2;
	s9 =	sshll.u32 s12, $0x1;
	s25 =	smul.u32 $0x1E848, s12  }
0x8: {  	[smem:$0x7FF] =	sst s6;
	s7 =	smul.u32 $0x1C2000, s2;
	s9 =	sor.u32 s2, s9  }
0x9: {  	_ =	strace $0x80000047;
	s10 =	ssub.s32 $0x2, s2;
	s9 =	smul.u32 $0xF424, s9  }
0xa: {  	s18 =	sshrl.u32 s10, $0x1;
	s7 =	sadd.s32 s8, s7;
	s8 =	sadd.s32 s8, s5  }
0xb: {  	s11 =	sand.u32 $0x1FFFF8, s9;
	s9 =	sshrl.u32 s9, $0x3;
	s17 =	sshrl.u32 s8, $0x3  }
0xc: {  	s7 =	sshrl.u32 s7, $0x3;
	s20 =	sadd.s32 s0, s9;
	[dreg:$0x15] =	wrdreg s17  }
0xd: {  	s4 =	sadd.s32 s7, s4;
	s13 =	sadd.s32 s1, s9;
	[dreg:$0x7] =	wrdreg s20  }
0xe: {  	s7 =	ssub.s32 s10, s18;
	s9 =	sadd.s32 s3, s9;
	[dreg:$0x8] =	wrdreg s13  }
0xf: {  	s19 =	sshrl.u32 s11, $0x3;
	[dreg:$0x9] =	wrdreg s9;
	s4 =	sadd.s32 $0x800, s4  }
0x10: {  	s10 =	sadd.s32 $0x50, s19;
	s26 =	smax.u32 s7, $0x1;
	[dreg:$0xd] =	wrdreg s4  }
0x11: {  	s2 =	smul.u32 $0xF424, s2;
	s22 =	sadd.s32 s0, s10;
	[dreg:$0xe] =	wrdreg s26  }
0x12: {  	s24 =	sshrl.u32 s21, $0x2;
	s23 =	sadd.s32 s1, s10;
	[dreg:$0xa] =	wrdreg s22  }
0x13: {  	s13 =	sadd.s32 s24, s5;
	s10 =	sadd.s32 s3, s10;
	[dreg:$0xb] =	wrdreg s23  }
0x14: {  	s30 =	simm.s32 $0x0;
	s31 =	sadd.s32 $0x1C20, s13;
	[dreg:$0xc] =	wrdreg s10  }
0x15: {  	s2 =	sadd.s32 s2, s25;
	s7 =	sadd.s32 $0x3840, s13;
	[dreg:$0xf] =	wrdreg s31  }
0x16: {  	s11 =	sshrl.u32 s2, $0x3;
	s9 =	sadd.s32 $0x5460, s13;
	[dreg:$0x10] =	wrdreg s7  }
0x17: {  	s2 =	sand.u32 $0x3FFFF8, s2;
	s12 =	sadd.s32 $0x8CA0, s13;
	[dreg:$0x11] =	wrdreg s9  }
0x18: {  	s14 =	sadd.s32 $0xA0, s11;
	s15 =	sadd.s32 $0xA8C0, s13;
	[dreg:$0x13] =	wrdreg s12  }
0x19: {  	s17 =	simm.s32 $0x3;
	s16 =	sadd.s32 s14, s3;
	[dreg:$0x14] =	wrdreg s15  }
0x1a: {  	s11 =	simm.s32 $0x1C700;
	s18 =	sadd.s32 $0xC4E0, s13;
	[dreg:$0x6] =	wrdreg s16  }
0x1b: {  	s4 =	sadd.s32 $0x780, s2;
	s19 =	sadd.s32 $0xE100, s13;
	[dreg:$0x16] =	wrdreg s18  }
0x1c: {  	s24 =	sadd.s32 s14, s0;
	s20 =	sadd.s32 $0xFD20, s13;
	[dreg:$0x17] =	wrdreg s19  }
0x1d: {  	s21 =	sadd.s32 $0x11940, s13;
	s25 =	sadd.s32 $0x15180, s13;
	[dreg:$0x18] =	wrdreg s20  }
0x1e: {  	s26 =	sadd.s32 $0x16DA0, s13;
	s8 =	sadd.s32 $0x1A5E0, s13;
	[dreg:$0x19] =	wrdreg s21  }
0x1f: {  	s10 =	sadd.s32 $0x7080, s13;
	s23 =	sadd.s32 s14, s1;
	[dreg:$0x1b] =	wrdreg s25  }
0x20: {  	s22 =	sadd.s32 $0x13560, s13;
	[dreg:$0x1c] =	wrdreg s26;
	s31 =	sadd.s32 $0x189C0, s13  }
0x21: {  	s9 =	simm.s32 $0x1C200;
	s12 =	simm.s32 $0x1C980;
	s14 =	simm.s32 $0x1CC00  }
0x22: {  	s15 =	simm.s32 $0x1CE80;
	s16 =	simm.s32 $0x1D880;
	s18 =	simm.s32 $0x1  }
0x23: {  	s19 =	simm.s32 $0x280;
	s20 =	simm.s32 $0x1D100;
	[dreg:$0x12] =	wrdreg s10  }
0x24: {  	s21 =	simm.s32 $0x1D600;
	s25 =	simm.s32 $0x2;
	[dreg:$0x1a] =	wrdreg s22  }
0x25: {  	v1 =	vimm.s32 $0x0;
	s26 =	simm.s32 $0x1D380;
	[dreg:$0x1d] =	wrdreg s31;
	s10 =	simm.s32 $0x1C480  }
.LBB2_1:
0x26: {  	s2 =	rddreg [dreg:$0x7]  }
0x27: {  	[tilespmem:s9], [sflag:$0x1] =	stream.linear.gather [hbm4b:s2+s6], $0x280, $0x38;
	[tilespmem:$0x1F500] =	vst v63  }
0x28: {  	s22 =	rddreg [dreg:$0x8]  }
0x29: {  	[tilespmem:s10], [sflag:$0x1] =	stream.linear.gather [hbm4b:s22+s6], $0x280, $0x38;
	[tilespmem:$0x1F500] =	vst v63  }
0x2a: {  	s7 =	rddreg [dreg:$0x9]  }
0x2b: {  	[tilespmem:s11], [sflag:$0x1] =	stream.linear.gather [hbm4b:s7+s6], $0x280, $0x38;
	[tilespmem:$0x1F500] =	vst v63  }
0x2c: {  	s22 =	rddreg [dreg:$0xa]  }
0x2d: {  	[tilespmem:s12], [sflag:$0x2] =	stream.linear.gather [hbm4b:s22+s6], $0x280, $0x38;
	[tilespmem:$0x1F500] =	vst v63  }
0x2e: {  	s7 =	rddreg [dreg:$0xb]  }
0x2f: {  	[tilespmem:s14], [sflag:$0x2] =	stream.linear.gather [hbm4b:s7+s6], $0x280, $0x38;
	[tilespmem:$0x1F500] =	vst v63  }
0x30: {  	s22 =	rddreg [dreg:$0xc]  }
0x31: {  	v0 =	vimm.s32 $0x1;
	[tilespmem:s15], [sflag:$0x2] =	stream.linear.gather [hbm4b:s22+s6], $0x280, $0x38;
	[tilespmem:$0x1F500] =	vst v63  }
0x32: {  	[tilespmem:$0x1D600] =	vst v0  }
0x33: {  	[tilespmem:$0x1D610] =	vst v0  }
0x34: {  	[tilespmem:$0x1D620] =	vst v0  }
0x35: {  	[tilespmem:$0x1D630] =	vst v0  }
0x36: {  	[tilespmem:$0x1D640] =	vst v0  }
0x37: {  	[tilespmem:$0x1D650] =	vst v0  }
0x38: {  	[tilespmem:$0x1D660] =	vst v0  }
0x39: {  	[tilespmem:$0x1D670] =	vst v0  }
0x3a: {  	[tilespmem:$0x1D680] =	vst v0  }
0x3b: {  	[tilespmem:$0x1D690] =	vst v0  }
0x3c: {  	[tilespmem:$0x1D6A0] =	vst v0  }
0x3d: {  	[tilespmem:$0x1D6B0] =	vst v0  }
0x3e: {  	[tilespmem:$0x1D6C0] =	vst v0  }
0x3f: {  	[tilespmem:$0x1D6D0] =	vst v0  }
0x40: {  	[tilespmem:$0x1D6E0] =	vst v0  }
0x41: {  	[tilespmem:$0x1D6F0] =	vst v0  }
0x42: {  	[tilespmem:$0x1D700] =	vst v0  }
0x43: {  	[tilespmem:$0x1D710] =	vst v0  }
0x44: {  	[tilespmem:$0x1D720] =	vst v0  }
0x45: {  	[tilespmem:$0x1D730] =	vst v0  }
0x46: {  	[tilespmem:$0x1D740] =	vst v0  }
0x47: {  	[tilespmem:$0x1D750] =	vst v0  }
0x48: {  	[tilespmem:$0x1D760] =	vst v0  }
0x49: {  	[tilespmem:$0x1D770] =	vst v0  }
0x4a: {  	[tilespmem:$0x1D780] =	vst v0  }
0x4b: {  	[tilespmem:$0x1D790] =	vst v0  }
0x4c: {  	[tilespmem:$0x1D7A0] =	vst v0  }
0x4d: {  	[tilespmem:$0x1D7B0] =	vst v0  }
0x4e: {  	[tilespmem:$0x1D7C0] =	vst v0  }
0x4f: {  	[tilespmem:$0x1D7D0] =	vst v0  }
0x50: {  	[tilespmem:$0x1D7E0] =	vst v0  }
0x51: {  	[tilespmem:$0x1D7F0] =	vst v0  }
0x52: {  	[tilespmem:$0x1D800] =	vst v0  }
0x53: {  	[tilespmem:$0x1D810] =	vst v0  }
0x54: {  	[tilespmem:$0x1D820] =	vst v0  }
0x55: {  	[tilespmem:$0x1D830] =	vst v0  }
0x56: {  	[tilespmem:$0x1D840] =	vst v0  }
0x57: {  	[tilespmem:$0x1D850] =	vst v0  }
0x58: {  	[tilespmem:$0x1D860] =	vst v0  }
0x59: {  	s31 =	simm.s32 $0x0;
	s22 =	simm.s32 $0x40;
	[tilespmem:$0x1D870] =	vst v0  }
.LBB2_2:
0x5a: {  	p0 =	sne.s32 s22, $0x7040;
	[tilespmem:s31+$0x1D880] =	vst v1;
	s31 =	smov.u32 s22;
	s22 =	sadd.s32 $0x40, s22  }
.Ltmp0:
0x5b: {  	(pc) =	sbr.rel @p0 .LBB2_2-.Ltmp0, $2  }
0x5c: {  	_ =	sdelay $0x2  }
0x5d: {  	s31 =	sshra.s32 s31, $0x2  }
0x5e: {  	[tilespmem:s31+$0x1D880] =	vst v1  }
0x5f: {  	[spmem:s13] =	stream.linear.scatter [tilespmem:s16], [sflag:$0x3], $0x1C20, $0x38;
	[tilespmem:$0x1F500] =	vst v63  }
0x60: {  	s2 =	rddreg [dreg:$0xf]  }
0x61: {  	[spmem:s2] =	stream.linear.scatter [tilespmem:s16], [sflag:$0x3], $0x1C20, $0x38;
	[tilespmem:$0x1F500] =	vst v63  }
0x62: {  	s22 =	rddreg [dreg:$0x10]  }
0x63: {  	[spmem:s22] =	stream.linear.scatter [tilespmem:s16], [sflag:$0x3], $0x1C20, $0x38;
	[tilespmem:$0x1F500] =	vst v63  }
0x64: {  	s7 =	rddreg [dreg:$0x11]  }
0x65: {  	[spmem:s7] =	stream.linear.scatter [tilespmem:s16], [sflag:$0x3], $0x1C20, $0x38;
	[tilespmem:$0x1F500] =	vst v63  }
0x66: {  	s22 =	rddreg [dreg:$0x12]  }
0x67: {  	[spmem:s22] =	stream.linear.scatter [tilespmem:s16], [sflag:$0x3], $0x1C20, $0x38;
	[tilespmem:$0x1F500] =	vst v63  }
0x68: {  	s7 =	rddreg [dreg:$0x13]  }
0x69: {  	[spmem:s7] =	stream.linear.scatter [tilespmem:s16], [sflag:$0x3], $0x1C20, $0x38;
	[tilespmem:$0x1F500] =	vst v63  }
0x6a: {  	s22 =	rddreg [dreg:$0x14]  }
0x6b: {  	[spmem:s22] =	stream.linear.scatter [tilespmem:s16], [sflag:$0x3], $0x1C20, $0x38;
	[tilespmem:$0x1F500] =	vst v63  }
0x6c: {  	s7 =	rddreg [dreg:$0x16]  }
0x6d: {  	[spmem:s7] =	stream.linear.scatter [tilespmem:s16], [sflag:$0x3], $0x1C20, $0x38;
	[tilespmem:$0x1F500] =	vst v63  }
0x6e: {  	s22 =	rddreg [dreg:$0x17]  }
0x6f: {  	[spmem:s22] =	stream.linear.scatter [tilespmem:s16], [sflag:$0x3], $0x1C20, $0x38;
	[tilespmem:$0x1F500] =	vst v63  }
0x70: {  	s7 =	rddreg [dreg:$0x18]  }
0x71: {  	[spmem:s7] =	stream.linear.scatter [tilespmem:s16], [sflag:$0x3], $0x1C20, $0x38;
	[tilespmem:$0x1F500] =	vst v63  }
0x72: {  	s22 =	rddreg [dreg:$0x19]  }
0x73: {  	[spmem:s22] =	stream.linear.scatter [tilespmem:s16], [sflag:$0x3], $0x1C20, $0x38;
	[tilespmem:$0x1F500] =	vst v63  }
0x74: {  	s7 =	rddreg [dreg:$0x1a]  }
0x75: {  	[spmem:s7] =	stream.linear.scatter [tilespmem:s16], [sflag:$0x3], $0x1C20, $0x38;
	[tilespmem:$0x1F500] =	vst v63  }
0x76: {  	s22 =	rddreg [dreg:$0x1b]  }
0x77: {  	[spmem:s22] =	stream.linear.scatter [tilespmem:s16], [sflag:$0x3], $0x1C20, $0x38;
	[tilespmem:$0x1F500] =	vst v63  }
0x78: {  	s7 =	rddreg [dreg:$0x1c]  }
0x79: {  	[spmem:s7] =	stream.linear.scatter [tilespmem:s16], [sflag:$0x3], $0x1C20, $0x38;
	[tilespmem:$0x1F500] =	vst v63  }
0x7a: {  	s22 =	rddreg [dreg:$0x1d]  }
0x7b: {  	[spmem:s22] =	stream.linear.scatter [tilespmem:s16], [sflag:$0x3], $0x1C20, $0x38;
	[tilespmem:$0x1F500] =	vst v63  }
0x7c: {  	_ = 	snop  }
0x7d: {  	[spmem:s8] =	stream.linear.scatter [tilespmem:s16], [sflag:$0x3], $0x1C20, $0x38;
	[tilespmem:$0x1F500] =	vst v63  }
0x7e: {  	_ =	swait.ge [sflag:s17], $0x1C20  }
0x7f: {  	[sflag:s17] =	ssyncset.done $0x0  }
0x80: {  	[sflag:s17] =	ssyncadd.s32 $0xFFFFE3E0  }
0x81: {  	_ =	swait.ge [sflag:s17], $0x1C20  }
0x82: {  	[sflag:s17] =	ssyncset.done $0x0  }
0x83: {  	[sflag:s17] =	ssyncadd.s32 $0xFFFFE3E0  }
0x84: {  	_ =	swait.ge [sflag:s17], $0x1C20  }
0x85: {  	[sflag:s17] =	ssyncset.done $0x0  }
0x86: {  	[sflag:s17] =	ssyncadd.s32 $0xFFFFE3E0  }
0x87: {  	_ =	swait.ge [sflag:s17], $0x1C20  }
0x88: {  	[sflag:s17] =	ssyncset.done $0x0  }
0x89: {  	[sflag:s17] =	ssyncadd.s32 $0xFFFFE3E0  }
0x8a: {  	_ =	swait.ge [sflag:s17], $0x1C20  }
0x8b: {  	[sflag:s17] =	ssyncset.done $0x0  }
0x8c: {  	[sflag:s17] =	ssyncadd.s32 $0xFFFFE3E0  }
0x8d: {  	_ =	swait.ge [sflag:s17], $0x1C20  }
0x8e: {  	[sflag:s17] =	ssyncset.done $0x0  }
0x8f: {  	[sflag:s17] =	ssyncadd.s32 $0xFFFFE3E0  }
0x90: {  	_ =	swait.ge [sflag:s17], $0x1C20  }
0x91: {  	[sflag:s17] =	ssyncset.done $0x0  }
0x92: {  	[sflag:s17] =	ssyncadd.s32 $0xFFFFE3E0  }
0x93: {  	_ =	swait.ge [sflag:s17], $0x1C20  }
0x94: {  	[sflag:s17] =	ssyncset.done $0x0  }
0x95: {  	[sflag:s17] =	ssyncadd.s32 $0xFFFFE3E0  }
0x96: {  	_ =	swait.ge [sflag:s17], $0x1C20  }
0x97: {  	[sflag:s17] =	ssyncset.done $0x0  }
0x98: {  	[sflag:s17] =	ssyncadd.s32 $0xFFFFE3E0  }
0x99: {  	_ =	swait.ge [sflag:s17], $0x1C20  }
0x9a: {  	[sflag:s17] =	ssyncset.done $0x0  }
0x9b: {  	[sflag:s17] =	ssyncadd.s32 $0xFFFFE3E0  }
0x9c: {  	_ =	swait.ge [sflag:s17], $0x1C20  }
0x9d: {  	[sflag:s17] =	ssyncset.done $0x0  }
0x9e: {  	[sflag:s17] =	ssyncadd.s32 $0xFFFFE3E0  }
0x9f: {  	_ =	swait.ge [sflag:s17], $0x1C20  }
0xa0: {  	[sflag:s17] =	ssyncset.done $0x0  }
0xa1: {  	[sflag:s17] =	ssyncadd.s32 $0xFFFFE3E0  }
0xa2: {  	_ =	swait.ge [sflag:s17], $0x1C20  }
0xa3: {  	[sflag:s17] =	ssyncset.done $0x0  }
0xa4: {  	[sflag:s17] =	ssyncadd.s32 $0xFFFFE3E0  }
0xa5: {  	_ =	swait.ge [sflag:s17], $0x1C20  }
0xa6: {  	[sflag:s17] =	ssyncset.done $0x0  }
0xa7: {  	[sflag:s17] =	ssyncadd.s32 $0xFFFFE3E0  }
0xa8: {  	_ =	swait.ge [sflag:s17], $0x1C20  }
0xa9: {  	[sflag:s17] =	ssyncset.done $0x0  }
0xaa: {  	[sflag:s17] =	ssyncadd.s32 $0xFFFFE3E0  }
0xab: {  	_ =	swait.ge [sflag:s17], $0x1C20  }
0xac: {  	[sflag:s17] =	ssyncset.done $0x0  }
0xad: {  	[sflag:s17] =	ssyncadd.s32 $0xFFFFE3E0  }
0xae: {  	s31 =	simm.s32 $0x0;
	s22 =	smov.u32 s4;
	[bflag:$0x0] =	sbarrier.arrive $0xFFFF  }
.LBB2_4:
0xaf: {  	_ =	swait.ge [sflag:s18], $0x280  }
0xb0: {  	[sflag:s18] =	ssyncset.done $0x0  }
0xb1: {  	[sflag:s18] =	ssyncadd.s32 $0xFFFFFD80  }
0xb2: {  	_ =	swait.ge [sflag:s18], $0x280  }
0xb3: {  	[sflag:s18] =	ssyncset.done $0x0  }
0xb4: {  	[sflag:s18] =	ssyncadd.s32 $0xFFFFFD80  }
0xb5: {  	_ =	swait.ge [sflag:s18], $0x280  }
0xb6: {  	p0 =	seq.s32 s31, $0x0;
	[sflag:s18] =	ssyncset.done $0x0  }
0xb7: {  	s2 =	simm.s32 @!p0 $0x3;
	[sflag:s18] =	ssyncadd.s32 $0xFFFFFD80  }
0xb8: {  	_ =	swait.ge @!p0 [sflag:s2], $0x280  }
0xb9: {  	[sflag:s2] =	ssyncset.done @!p0 $0x0  }
0xba: {  	[sflag:s2] =	ssyncadd.s32 @!p0 $0xFFFFFD80  }
0xbb: {  	v2 =	vld [tilespmem:$0x1C200]  }
0xbc: {  	v4 =	vld [tilespmem:$0x1C480]  }
0xbd: {  	v7 =	vld [tilespmem:$0x1C700]  }
0xbe: {  	v8 =	vld [tilespmem:$0x1C210]  }
0xbf: {  	v13 =	vld [tilespmem:$0x1C490]  }
0xc0: {  	v14 =	vld [tilespmem:$0x1C710]  }
0xc1: {  	v17 =	vld [tilespmem:$0x1C220]  }
0xc2: {  	v18 =	vld [tilespmem:$0x1C4A0]  }
0xc3: {  	v19 =	vld [tilespmem:$0x1C720]  }
0xc4: {  	v20 =	vld [tilespmem:$0x1C230]  }
0xc5: {  	v21 =	vld [tilespmem:$0x1C4B0]  }
0xc6: {  	v22 =	vld [tilespmem:$0x1C730]  }
0xc7: {  	v23 =	vld [tilespmem:$0x1C240]  }
0xc8: {  	v24 =	vld [tilespmem:$0x1C4C0]  }
0xc9: {  	v25 =	vld [tilespmem:$0x1C740]  }
0xca: {  	v26 =	vld [tilespmem:$0x1C250]  }
0xcb: {  	v27 =	vld [tilespmem:$0x1C4D0]  }
0xcc: {  	v28 =	vld [tilespmem:$0x1C750]  }
0xcd: {  	v29 =	vld [tilespmem:$0x1C260]  }
0xce: {  	v30 =	vld [tilespmem:$0x1C4E0]  }
0xcf: {  	v31 =	vld [tilespmem:$0x1C760]  }
0xd0: {  	v32 =	vld [tilespmem:$0x1C270]  }
0xd1: {  	v33 =	vld [tilespmem:$0x1C4F0]  }
0xd2: {  	v34 =	vld [tilespmem:$0x1C770]  }
0xd3: {  	v35 =	vld [tilespmem:$0x1C280]  }
0xd4: {  	v36 =	vld [tilespmem:$0x1C500]  }
0xd5: {  	v37 =	vld [tilespmem:$0x1C780]  }
0xd6: {  	v38 =	vld [tilespmem:$0x1C290]  }
0xd7: {  	v39 =	vld [tilespmem:$0x1C510]  }
0xd8: {  	v40 =	vld [tilespmem:$0x1C790]  }
0xd9: {  	v41 =	vld [tilespmem:$0x1C2A0]  }
0xda: {  	v42 =	vld [tilespmem:$0x1C520]  }
0xdb: {  	v43 =	vld [tilespmem:$0x1C7A0]  }
0xdc: {  	v44 =	vld [tilespmem:$0x1C2B0]  }
0xdd: {  	v45 =	vld [tilespmem:$0x1C530]  }
0xde: {  	v46 =	vld [tilespmem:$0x1C7B0]  }
0xdf: {  	v47 =	vld [tilespmem:$0x1C2C0]  }
0xe0: {  	v48 =	vld [tilespmem:$0x1C540]  }
0xe1: {  	v49 =	vld [tilespmem:$0x1C7C0]  }
0xe2: {  	v50 =	vld [tilespmem:$0x1C2D0]  }
0xe3: {  	v51 =	vld [tilespmem:$0x1C550]  }
0xe4: {  	v52 =	vld [tilespmem:$0x1C7D0]  }
0xe5: {  	v53 =	vld [tilespmem:$0x1C2E0]  }
0xe6: {  	v54 =	vld [tilespmem:$0x1C560]  }
0xe7: {  	v55 =	vld [tilespmem:$0x1C7E0]  }
0xe8: {  	v56 =	vld [tilespmem:$0x1C2F0]  }
0xe9: {  	v57 =	vld [tilespmem:$0x1C570]  }
0xea: {  	v58 =	vld [tilespmem:$0x1C7F0]  }
0xeb: {  	v59 =	vld [tilespmem:$0x1C300]  }
0xec: {  	v60 =	vld [tilespmem:$0x1C580]  }
0xed: {  	v61 =	vld [tilespmem:$0x1C800]  }
0xee: {  	v62 =	vld [tilespmem:$0x1C310]  }
0xef: {  	v63 =	vld [tilespmem:$0x1C590]  }
0xf0: {  	v3 =	vld [tilespmem:$0x1C810]  }
0xf1: {  	v1 =	vld [tilespmem:$0x1C320]  }
0xf2: {  	v9 =	vld [tilespmem:$0x1C5A0]  }
0xf3: {  	v5 =	vld [tilespmem:$0x1C820]  }
0xf4: {  	v6 =	vld [tilespmem:$0x1C330]  }
0xf5: {  	v0 =	vld [tilespmem:$0x1C5B0]  }
0xf6: {  	v15 =	vld [tilespmem:$0x1C5C0]  }
0xf7: {  	v16 =	vld [tilespmem:$0x1C5D0]  }
0xf8: {  	v11 =	vld [tilespmem:$0x1C830]  }
0xf9: {  	v10 =	vld [tilespmem:$0x1C340]  }
0xfa: {  	v12 =	vld [tilespmem:$0x1C350]  }
0xfb: {  	[tilespmem:$0x1FF00] =	vst v15;
	v15 =	vld [tilespmem:$0x1C840]  }
0xfc: {  	[tilespmem:$0x1FF10] =	vst v16;
	v16 =	vld [tilespmem:$0x1C850];
	v2 =	vmul.u32 $0x2D0, v2  }
0xfd: {  	[tilespmem:$0x1FEF0] =	vst v0;
	v0 =	vld [tilespmem:$0x1C360];
	v8 =	vmul.u32 $0x2D0, v8  }
0xfe: {  	v14 =	vmul.u32 $0xE1000, v14;
	v1 =	vmul.u32 $0x2D0, v1;
	v4 =	vadd.s32 v2, v4;
	v2 =	vld [tilespmem:$0x1C380]  }
0xff: {  	v17 =	vmul.u32 $0x2D0, v17;
	v8 =	vadd.s32 v8, v13;
	v13 =	vmul.u32 $0xE1000, v19;
	v19 =	vld [tilespmem:$0x1C880]  }
0x100: {  	v1 =	vadd.s32 v1, v9;
	v9 =	vld [tilespmem:$0x1C400]  }
0x101: {  	v20 =	vmul.u32 $0x2D0, v20;
	v17 =	vadd.s32 v17, v18;
	v8 =	vadd.s32 v14, v8;
	v14 =	vld [tilespmem:$0x1C390]  }
0x102: {  	v18 =	vmul.u32 $0xE1000, v22;
	v22 =	vadd.s32 v13, v17;
	v13 =	vld [tilespmem:$0x1C610]  }
0x103: {  	v17 =	vadd.s32 v20, v21;
	v20 =	vmul.u32 $0x2D0, v23;
	v23 =	vmul.u32 $0x2D0, v26;
	v26 =	vld [tilespmem:$0x1C3A0]  }
0x104: {  	[tilespmem:$0x1FF20] =	vst v0;
	v0 =	vld [tilespmem:$0x1C5E0]  }
0x105: {  	v21 =	vadd.s32 v18, v17;
	v17 =	vmul.u32 $0xE1000, v25;
	v18 =	vld [tilespmem:$0x1C890]  }
0x106: {  	v25 =	vmul.u32 $0x2D0, v29;
	v29 =	vmul.u32 $0x2D0, v35;
	v35 =	vld [tilespmem:$0x1C3C0];
	v20 =	vadd.s32 v20, v24  }
0x107: {  	v24 =	vmul.u32 $0xE1000, v28;
	v23 =	vadd.s32 v23, v27;
	v27 =	vmul.u32 $0xE1000, v31;
	v28 =	vld [tilespmem:$0x1C8A0]  }
0x108: {  	v31 =	vmul.u32 $0xE1000, v37;
	v20 =	vadd.s32 v17, v20;
	v17 =	vld [tilespmem:$0x1C620];
	v37 =	vadd.s32 v29, v36  }
0x109: {  	v36 =	vmul.u32 $0x2D0, v44;
	v23 =	vadd.s32 v24, v23;
	v24 =	vadd.s32 v25, v30;
	v30 =	vld [tilespmem:$0x1C3B0]  }
0x10a: {  	v44 =	vmul.u32 $0x2D0, v47;
	v24 =	vadd.s32 v27, v24;
	v27 =	vmul.u32 $0xE1000, v34;
	v34 =	vld [tilespmem:$0x1C8B0]  }
0x10b: {  	v45 =	vadd.s32 v36, v45;
	v36 =	vld [tilespmem:$0x1C3D0]  }
0x10c: {  	v25 =	vmul.u32 $0x2D0, v32;
	v47 =	vadd.s32 v44, v48;
	v44 =	vld [tilespmem:$0x1C3F0]  }
0x10d: {  	v32 =	vmul.u32 $0x2D0, v38;
	[tilespmem:$0x1FF50] =	vst v0;
	v0 =	vld [tilespmem:$0x1C860]  }
0x10e: {  	v41 =	vmul.u32 $0x2D0, v41;
	v25 =	vadd.s32 v25, v33;
	v33 =	vld [tilespmem:$0x1C630]  }
0x10f: {  	v38 =	vmul.u32 $0xE1000, v40;
	v40 =	vadd.s32 v32, v39;
	v39 =	vld [tilespmem:$0x1C650]  }
0x110: {  	v32 =	vadd.s32 v41, v42;
	v41 =	vld [tilespmem:$0x1C8D0]  }
0x111: {  	v59 =	vmul.u32 $0x2D0, v59;
	v42 =	vld [tilespmem:$0x1C8E0]  }
0x112: {  	v48 =	vmul.u32 $0x2D0, v50;
	v25 =	vadd.s32 v27, v25;
	v27 =	vadd.s32 v31, v37;
	v37 =	vld [tilespmem:$0x1C640]  }
0x113: {  	v50 =	vmul.u32 $0x2D0, v53;
	v53 =	vmul.u32 $0x2D0, v56;
	v29 =	vadd.s32 v38, v40;
	v40 =	vld [tilespmem:$0x1C8C0]  }
0x114: {  	v56 =	vmul.u32 $0xE1000, v58;
	v31 =	vmul.u32 $0xE1000, v43;
	v38 =	vmul.u32 $0xE1000, v46;
	v43 =	vld [tilespmem:$0x1C3E0]  }
0x115: {  	v46 =	vmul.u32 $0xE1000, v49;
	v49 =	vmul.u32 $0xE1000, v52;
	v58 =	vadd.s32 v53, v57;
	v53 =	vld [tilespmem:$0x1FEF0]  }
0x116: {  	v52 =	vmul.u32 $0xE1000, v55;
	v55 =	vadd.s32 v50, v54;
	v54 =	vmul.u32 $0xE1000, v15;
	v15 =	vld [tilespmem:$0x1C410]  }
0x117: {  	[tilespmem:$0x1D110] =	vst v8;
	v51 =	vadd.s32 v48, v51;
	v48 =	vadd.s32 v59, v60;
	v59 =	vld [tilespmem:$0x1FF20]  }
0x118: {  	[tilespmem:$0x1D120] =	vst v22;
	v57 =	vmul.u32 $0xE1000, v16;
	v16 =	vld [tilespmem:$0x1C690]  }
0x119: {  	[tilespmem:$0x1D180] =	vst v27;
	v27 =	vld [tilespmem:$0x1C8F0]  }
0x11a: {  	v5 =	vmul.u32 $0xE1000, v5;
	[tilespmem:$0x1D150] =	vst v23;
	v23 =	vadd.s32 v56, v58;
	v56 =	vld [tilespmem:$0x1FF00]  }
0x11b: {  	[tilespmem:$0x1D130] =	vst v21;
	v58 =	vld [tilespmem:$0x1FF10]  }
0x11c: {  	v50 =	vadd.s32 v5, v1;
	[tilespmem:$0x1D190] =	vst v29;
	v29 =	vmul.u32 $0xE1000, v18;
	v18 =	vld [tilespmem:$0x1C6B0]  }
0x11d: {  	[tilespmem:$0x1D220] =	vst v50;
	v50 =	vld [tilespmem:$0x1C930]  }
0x11e: {  	v61 =	vmul.u32 $0xE1000, v61;
	[tilespmem:$0x1D140] =	vst v20;
	v8 =	vadd.s32 v38, v45;
	v38 =	vld [tilespmem:$0x1C670]  }
0x11f: {  	v62 =	vmul.u32 $0x2D0, v62;
	[tilespmem:$0x1D160] =	vst v24;
	v21 =	vadd.s32 v52, v55;
	v52 =	vmul.u32 $0x2D0, v10;
	v10 =	vld [tilespmem:$0x1C680]  }
0x120: {  	[tilespmem:$0x1D170] =	vst v25;
	v55 =	vmul.u32 $0x2D0, v12;
	v12 =	vld [tilespmem:$0x1C900]  }
0x121: {  	v24 =	vadd.s32 v61, v48;
	v20 =	vadd.s32 v49, v51;
	v49 =	vadd.s32 v62, v63;
	[tilespmem:$0x1D1F0] =	vst v23;
	v62 =	vld [tilespmem:$0x1FF50]  }
0x122: {  	[tilespmem:$0x1D200] =	vst v24;
	v24 =	vmul.u32 $0x2D0, v14;
	v14 =	vld [tilespmem:$0x1C430]  }
0x123: {  	v22 =	vadd.s32 v46, v47;
	v46 =	vmul.u32 $0xE1000, v28;
	v28 =	vld [tilespmem:$0x1C6D0];
	[tilespmem:$0x1D1B0] =	vst v8  }
0x124: {  	v3 =	vmul.u32 $0xE1000, v3;
	[tilespmem:$0x1FF30] =	vst v0;
	v0 =	vld [tilespmem:$0x1C370]  }
0x125: {  	v6 =	vmul.u32 $0x2D0, v6;
	v2 =	vmul.u32 $0x2D0, v2;
	v19 =	vmul.u32 $0xE1000, v19;
	[tilespmem:$0x1D1E0] =	vst v21;
	v21 =	vld [tilespmem:$0x1C910]  }
0x126: {  	v51 =	vmul.u32 $0xE1000, v11;
	v47 =	vmul.u32 $0x2D0, v30;
	v3 =	vadd.s32 v3, v49;
	[tilespmem:$0x1D1C0] =	vst v22;
	v22 =	vld [tilespmem:$0x1C420]  }
0x127: {  	[tilespmem:$0x1D1D0] =	vst v20;
	v49 =	vmul.u32 $0xE1000, v34;
	v45 =	vadd.s32 v24, v13;
	v6 =	vadd.s32 v6, v53;
	v60 =	vld [tilespmem:$0x1FF30]  }
0x128: {  	[tilespmem:$0x1D210] =	vst v3;
	v11 =	vmul.u32 $0x2D0, v59;
	v53 =	vld [tilespmem:$0x1C440];
	v1 =	vadd.s32 v51, v6;
	v5 =	vadd.s32 v52, v56  }
0x129: {  	v8 =	vadd.s32 v55, v58;
	v51 =	vadd.s32 v47, v33;
	v52 =	vmul.u32 $0x2D0, v35;
	[tilespmem:$0x1FF40] =	vst v0;
	v0 =	vld [tilespmem:$0x1C5F0]  }
0x12a: {  	v55 =	vmul.u32 $0x2D0, v36;
	v58 =	vmul.u32 $0x2D0, v43;
	v5 =	vadd.s32 v54, v5;
	[tilespmem:$0x1D230] =	vst v1;
	v61 =	vld [tilespmem:$0x1FF40]  }
0x12b: {  	v59 =	vld [tilespmem:$0x1C940];
	v35 =	vmul.u32 $0x2D0, v15;
	v6 =	vadd.s32 v57, v8;
	v11 =	vadd.s32 v11, v62;
	[tilespmem:$0x1D240] =	vst v5  }
0x12c: {  	v36 =	vld [tilespmem:$0x1C460];
	v1 =	vadd.s32 v29, v45;
	v54 =	vmul.u32 $0xE1000, v40;
	v57 =	vmul.u32 $0xE1000, v41;
	[tilespmem:$0x1D250] =	vst v6  }
0x12d: {  	v62 =	vmul.u32 $0xE1000, v42;
	v40 =	vld [tilespmem:$0x1C6E0];
	v56 =	vadd.s32 v52, v37;
	[tilespmem:$0x1D290] =	vst v1;
	v8 =	vmul.u32 $0xE1000, v60  }
0x12e: {  	v42 =	vadd.s32 v35, v16;
	v60 =	vadd.s32 v54, v56;
	[tilespmem:$0x1FF60] =	vst v0;
	v0 =	vmul.u32 $0xE1000, v7;
	v7 =	vld [tilespmem:$0x1C870]  }
0x12f: {  	[tilespmem:$0x1D2C0] =	vst v60;
	v8 =	vadd.s32 v8, v11;
	v20 =	vmul.u32 $0x2D0, v61;
	v63 =	vld [tilespmem:$0x1FF60];
	v61 =	vadd.s32 v55, v39  }
0x130: {  	[tilespmem:$0x1D260] =	vst v8;
	v39 =	vmul.u32 $0xE1000, v21;
	v0 =	vadd.s32 v0, v4;
	v4 =	vld [tilespmem:$0x1C600];
	v24 =	vadd.s32 v57, v61  }
0x131: {  	[tilespmem:$0x1D100] =	vst v0;
	v0 =	vadd.s32 v31, v32;
	v32 =	vld [tilespmem:$0x1C660];
	v31 =	vmul.u32 $0x2D0, v26;
	v26 =	vmul.u32 $0x2D0, v44  }
0x132: {  	v30 =	vmul.u32 $0xE1000, v27;
	v50 =	vmul.u32 $0xE1000, v50;
	[tilespmem:$0x1D2D0] =	vst v24;
	v44 =	vld [tilespmem:$0x1C960];
	v45 =	vadd.s32 v39, v42  }
0x133: {  	[tilespmem:$0x1D1A0] =	vst v0;
	v7 =	vmul.u32 $0xE1000, v7;
	v48 =	vadd.s32 v31, v17;
	v17 =	vld [tilespmem:$0x1C6C0];
	v33 =	vadd.s32 v26, v38  }
0x134: {  	v34 =	vmul.u32 $0xE1000, v12;
	[tilespmem:$0x1D310] =	vst v45;
	v11 =	vadd.s32 v20, v63;
	v20 =	vld [tilespmem:$0x1C6A0];
	v37 =	vadd.s32 v30, v33  }
0x135: {  	v47 =	vmul.u32 $0x2D0, v14;
	v43 =	vmul.u32 $0x2D0, v22;
	v63 =	vld [tilespmem:$0x1C450];
	v23 =	vadd.s32 v7, v11;
	[tilespmem:$0x1D2F0] =	vst v37  }
0x136: {  	v31 =	vmul.u32 $0x2D0, v9;
	v2 =	vadd.s32 v2, v4;
	v7 =	vld [tilespmem:$0x1C920];
	v4 =	vadd.s32 v49, v51;
	[tilespmem:$0x1D270] =	vst v23  }
0x137: {  	v54 =	vmul.u32 $0xE1000, v59;
	v25 =	vadd.s32 v19, v2;
	v2 =	vadd.s32 v46, v48;
	[tilespmem:$0x1D2B0] =	vst v4;
	v48 =	vld [tilespmem:$0x1C470]  }
0x138: {  	v60 =	vmul.u32 $0x2D0, v36;
	v38 =	vadd.s32 v31, v10;
	[tilespmem:$0x1D280] =	vst v25;
	v25 =	vadd.s32 v58, v32;
	v32 =	vld [tilespmem:$0x1C950]  }
0x139: {  	v52 =	vld [tilespmem:$0x1C970];
	v51 =	vmul.u32 $0x2D0, v53;
	v53 =	vadd.s32 v47, v18;
	v41 =	vadd.s32 v34, v38;
	[tilespmem:$0x1D2A0] =	vst v2  }
0x13a: {  	v5 =	vadd.s32 v60, v40;
	v55 =	vld [tilespmem:$0x1C6F0];
	v1 =	vadd.s32 v50, v53;
	[tilespmem:$0x1D300] =	vst v41;
	v29 =	vadd.s32 v62, v25  }
0x13b: {  	[tilespmem:$0x1D330] =	vst v1;
	v56 =	vadd.s32 v51, v17;
	v62 =	vmul.u32 $0xE1000, v44;
	v49 =	vadd.s32 v43, v20  }
0x13c: {  	[tilespmem:$0x1D2E0] =	vst v29;
	v57 =	vmul.u32 $0x2D0, v63;
	v58 =	vadd.s32 v54, v56;
	v46 =	vmul.u32 $0xE1000, v7  }
0x13d: {  	[tilespmem:$0x1D340] =	vst v58;
	v9 =	vadd.s32 v62, v5;
	v7 =	vmul.u32 $0x2D0, v48;
	v59 =	vmul.u32 $0xE1000, v32  }
0x13e: {  	v8 =	vmul.u32 $0xE1000, v52;
	v61 =	vadd.s32 v57, v28;
	[tilespmem:$0x1D360] =	vst v9;
	v0 =	vadd.s32 v46, v49  }
0x13f: {  	[tilespmem:$0x1D320] =	vst v0;
	v10 =	vadd.s32 v7, v55;
	v63 =	vadd.s32 v59, v61  }
0x140: {  	v11 =	vadd.s32 v8, v10;
	[tilespmem:$0x1D350] =	vst v63  }
0x141: {  	[tilespmem:$0x1D370] =	vst v11  }
0x142: {  	[spmem:s5] =	stream.indirect.scatter [tilespmem:s21], [sflag:$0x3], $0x1, s20, s19, $0xb8;
	[tilespmem:$0x1F500] =	vst v63  }
0x143: {  	s7 =	sadd.s32 s31, s24  }
0x144: {  	[tilespmem:s9], [sflag:$0x1] =	stream.linear.gather [hbm4b:s7+s6], $0x280, $0x38;
	[tilespmem:$0x1F500] =	vst v63  }
0x145: {  	s2 =	rddreg [dreg:$0x6];
	s7 =	sadd.s32 s31, s23  }
0x146: {  	[tilespmem:s10], [sflag:$0x1] =	stream.linear.gather [hbm4b:s7+s6], $0x280, $0x38;
	[tilespmem:$0x1F500] =	vst v63  }
0x147: {  	s2 =	sadd.s32 s31, s2  }
0x148: {  	[tilespmem:s11], [sflag:$0x1] =	stream.linear.gather [hbm4b:s2+s6], $0x280, $0x38;
	[tilespmem:$0x1F500] =	vst v63  }
0x149: {  	_ =	swait.ge [sflag:s25], $0x280  }
0x14a: {  	[sflag:s25] =	ssyncset.done $0x0  }
0x14b: {  	[sflag:s25] =	ssyncadd.s32 $0xFFFFFD80  }
0x14c: {  	_ =	swait.ge [sflag:s25], $0x280  }
0x14d: {  	[sflag:s25] =	ssyncset.done $0x0  }
0x14e: {  	[sflag:s25] =	ssyncadd.s32 $0xFFFFFD80  }
0x14f: {  	_ =	swait.ge [sflag:s25], $0x280  }
0x150: {  	[sflag:s25] =	ssyncset.done $0x0  }
0x151: {  	s2 =	simm.s32 @!p0 $0x4;
	[sflag:s25] =	ssyncadd.s32 $0xFFFFFD80  }
0x152: {  	_ =	swait.ge @!p0 [sflag:s2], $0x280  }
0x153: {  	[sflag:s2] =	ssyncset.done @!p0 $0x0  }
0x154: {  	[sflag:s2] =	ssyncadd.s32 @!p0 $0xFFFFFD80  }
0x155: {  	v0 =	vld [tilespmem:$0x1C980]  }
0x156: {  	v2 =	vld [tilespmem:$0x1CC00]  }
0x157: {  	v4 =	vld [tilespmem:$0x1CE80]  }
0x158: {  	v8 =	vld [tilespmem:$0x1C990]  }
0x159: {  	v13 =	vld [tilespmem:$0x1CC10]  }
0x15a: {  	v14 =	vld [tilespmem:$0x1CE90]  }
0x15b: {  	v17 =	vld [tilespmem:$0x1C9A0]  }
0x15c: {  	v18 =	vld [tilespmem:$0x1CC20]  }
0x15d: {  	v19 =	vld [tilespmem:$0x1CEA0]  }
0x15e: {  	v20 =	vld [tilespmem:$0x1C9B0]  }
0x15f: {  	v21 =	vld [tilespmem:$0x1CC30]  }
0x160: {  	v22 =	vld [tilespmem:$0x1CEB0]  }
0x161: {  	v23 =	vld [tilespmem:$0x1C9C0]  }
0x162: {  	v24 =	vld [tilespmem:$0x1CC40]  }
0x163: {  	v25 =	vld [tilespmem:$0x1CEC0]  }
0x164: {  	v26 =	vld [tilespmem:$0x1C9D0]  }
0x165: {  	v27 =	vld [tilespmem:$0x1CC50]  }
0x166: {  	v28 =	vld [tilespmem:$0x1CED0]  }
0x167: {  	v29 =	vld [tilespmem:$0x1C9E0]  }
0x168: {  	v30 =	vld [tilespmem:$0x1CC60]  }
0x169: {  	v31 =	vld [tilespmem:$0x1CEE0]  }
0x16a: {  	v32 =	vld [tilespmem:$0x1C9F0]  }
0x16b: {  	v33 =	vld [tilespmem:$0x1CC70]  }
0x16c: {  	v34 =	vld [tilespmem:$0x1CEF0]  }
0x16d: {  	v35 =	vld [tilespmem:$0x1CA00]  }
0x16e: {  	v36 =	vld [tilespmem:$0x1CC80]  }
0x16f: {  	v37 =	vld [tilespmem:$0x1CF00]  }
0x170: {  	v38 =	vld [tilespmem:$0x1CA10]  }
0x171: {  	v39 =	vld [tilespmem:$0x1CC90]  }
0x172: {  	v40 =	vld [tilespmem:$0x1CF10]  }
0x173: {  	v41 =	vld [tilespmem:$0x1CA20]  }
0x174: {  	v42 =	vld [tilespmem:$0x1CCA0]  }
0x175: {  	v43 =	vld [tilespmem:$0x1CF20]  }
0x176: {  	v44 =	vld [tilespmem:$0x1CA30]  }
0x177: {  	v45 =	vld [tilespmem:$0x1CCB0]  }
0x178: {  	v46 =	vld [tilespmem:$0x1CF30]  }
0x179: {  	v47 =	vld [tilespmem:$0x1CA40]  }
0x17a: {  	v48 =	vld [tilespmem:$0x1CCC0]  }
0x17b: {  	v49 =	vld [tilespmem:$0x1CF40]  }
0x17c: {  	v50 =	vld [tilespmem:$0x1CA50]  }
0x17d: {  	v51 =	vld [tilespmem:$0x1CCD0]  }
0x17e: {  	v52 =	vld [tilespmem:$0x1CF50]  }
0x17f: {  	v53 =	vld [tilespmem:$0x1CA60]  }
0x180: {  	v54 =	vld [tilespmem:$0x1CCE0]  }
0x181: {  	v55 =	vld [tilespmem:$0x1CF60]  }
0x182: {  	v56 =	vld [tilespmem:$0x1CA70]  }
0x183: {  	v57 =	vld [tilespmem:$0x1CCF0]  }
0x184: {  	v58 =	vld [tilespmem:$0x1CF70]  }
0x185: {  	v59 =	vld [tilespmem:$0x1CA80]  }
0x186: {  	v60 =	vld [tilespmem:$0x1CD00]  }
0x187: {  	v61 =	vld [tilespmem:$0x1CF80]  }
0x188: {  	v62 =	vld [tilespmem:$0x1CA90]  }
0x189: {  	v63 =	vld [tilespmem:$0x1CD10]  }
0x18a: {  	v5 =	vld [tilespmem:$0x1CF90]  }
0x18b: {  	v3 =	vld [tilespmem:$0x1CAA0]  }
0x18c: {  	v7 =	vld [tilespmem:$0x1CD20]  }
0x18d: {  	v11 =	vld [tilespmem:$0x1CFA0]  }
0x18e: {  	v6 =	vld [tilespmem:$0x1CAB0]  }
0x18f: {  	v12 =	vld [tilespmem:$0x1CD30]  }
0x190: {  	v15 =	vld [tilespmem:$0x1CD40]  }
0x191: {  	v10 =	vld [tilespmem:$0x1CFB0]  }
0x192: {  	v16 =	vld [tilespmem:$0x1CD50]  }
0x193: {  	v1 =	vld [tilespmem:$0x1CAE0]  }
0x194: {  	v9 =	vld [tilespmem:$0x1CAC0]  }
0x195: {  	[tilespmem:$0x1FF80] =	vst v15;
	v15 =	vld [tilespmem:$0x1CFC0]  }
0x196: {  	[tilespmem:$0x1FF70] =	vst v12;
	v12 =	vld [tilespmem:$0x1CAD0]  }
0x197: {  	[tilespmem:$0x1FF90] =	vst v16;
	v16 =	vld [tilespmem:$0x1CFD0];
	v0 =	vmul.u32 $0x2D0, v0;
	v8 =	vmul.u32 $0x2D0, v8  }
0x198: {  	[tilespmem:$0x1FFA0] =	vst v1;
	v1 =	vld [tilespmem:$0x1CD60];
	v17 =	vmul.u32 $0x2D0, v17;
	v19 =	vmul.u32 $0xE1000, v19;
	v3 =	vmul.u32 $0x2D0, v3  }
0x199: {  	v20 =	vmul.u32 $0x2D0, v20;
	v2 =	vadd.s32 v0, v2;
	v0 =	vmul.u32 $0xE1000, v14;
	v14 =	vld [tilespmem:$0x1D000]  }
0x19a: {  	v29 =	vmul.u32 $0x2D0, v29;
	v8 =	vadd.s32 v8, v13;
	v13 =	vld [tilespmem:$0x1CB10];
	v3 =	vadd.s32 v3, v7  }
0x19b: {  	v7 =	vld [tilespmem:$0x1CB80];
	v0 =	vadd.s32 v0, v8;
	v8 =	vadd.s32 v17, v18;
	v17 =	vmul.u32 $0xE1000, v22  }
0x19c: {  	v22 =	vmul.u32 $0x2D0, v26;
	v26 =	vmul.u32 $0xE1000, v31;
	v31 =	vadd.s32 v29, v30;
	v29 =	vld [tilespmem:$0x1CB30]  }
0x19d: {  	[tilespmem:$0x1FFD0] =	vst v1;
	v1 =	vld [tilespmem:$0x1CFE0]  }
0x19e: {  	v18 =	vadd.s32 v20, v21;
	v19 =	vadd.s32 v19, v8;
	v8 =	vld [tilespmem:$0x1CD90]  }
0x19f: {  	v21 =	vadd.s32 v17, v18;
	v18 =	vld [tilespmem:$0x1D010]  }
0x1a0: {  	v32 =	vmul.u32 $0x2D0, v32;
	v20 =	vmul.u32 $0x2D0, v23;
	v17 =	vmul.u32 $0xE1000, v25;
	v25 =	vld [tilespmem:$0x1CB20]  }
0x1a1: {  	v22 =	vadd.s32 v22, v27;
	v27 =	vld [tilespmem:$0x1D020]  }
0x1a2: {  	v20 =	vadd.s32 v20, v24;
	v24 =	vadd.s32 v32, v33;
	v32 =	vld [tilespmem:$0x1CDB0]  }
0x1a3: {  	v33 =	vld [tilespmem:$0x1D030]  }
0x1a4: {  	v23 =	vadd.s32 v26, v31;
	v26 =	vmul.u32 $0xE1000, v34;
	v31 =	vmul.u32 $0x2D0, v38;
	v34 =	vld [tilespmem:$0x1CB40]  }
0x1a5: {  	v28 =	vmul.u32 $0xE1000, v28;
	v41 =	vmul.u32 $0x2D0, v41;
	v20 =	vadd.s32 v17, v20;
	v17 =	vld [tilespmem:$0x1CDA0]  }
0x1a6: {  	v38 =	vmul.u32 $0xE1000, v40;
	v40 =	vadd.s32 v31, v39;
	v39 =	vld [tilespmem:$0x1D040]  }
0x1a7: {  	v22 =	vadd.s32 v28, v22;
	v28 =	vmul.u32 $0x2D0, v35;
	v31 =	vadd.s32 v41, v42;
	v42 =	vld [tilespmem:$0x1CB60]  }
0x1a8: {  	v35 =	vmul.u32 $0x2D0, v44;
	v41 =	vld [tilespmem:$0x1D060]  }
0x1a9: {  	v30 =	vmul.u32 $0xE1000, v37;
	v37 =	vadd.s32 v28, v36;
	v36 =	vld [tilespmem:$0x1CDC0]  }
0x1aa: {  	v45 =	vadd.s32 v35, v45;
	v35 =	vld [tilespmem:$0x1CB50]  }
0x1ab: {  	v44 =	vmul.u32 $0x2D0, v47;
	v28 =	vadd.s32 v38, v40;
	v38 =	vld [tilespmem:$0x1CDD0]  }
0x1ac: {  	v40 =	vld [tilespmem:$0x1D050]  }
0x1ad: {  	v47 =	vadd.s32 v44, v48;
	v44 =	vld [tilespmem:$0x1D0B0]  }
0x1ae: {  	v24 =	vadd.s32 v26, v24;
	v48 =	vmul.u32 $0x2D0, v50;
	v50 =	vmul.u32 $0x2D0, v53;
	[tilespmem:$0x1FFB0] =	vst v1;
	v1 =	vld [tilespmem:$0x1CAF0]  }
0x1af: {  	v53 =	vmul.u32 $0x2D0, v56;
	v26 =	vadd.s32 v30, v37;
	v30 =	vmul.u32 $0xE1000, v43;
	v37 =	vld [tilespmem:$0x1CDF0]  }
0x1b0: {  	v43 =	vmul.u32 $0xE1000, v46;
	v46 =	vmul.u32 $0xE1000, v49;
	v49 =	vmul.u32 $0xE1000, v52;
	[tilespmem:$0x1D400] =	vst v26;
	v26 =	vld [tilespmem:$0x1D070]  }
0x1b1: {  	v52 =	vmul.u32 $0xE1000, v55;
	v55 =	vadd.s32 v50, v54;
	v50 =	vmul.u32 $0xE1000, v10;
	v10 =	vld [tilespmem:$0x1CE00]  }
0x1b2: {  	v56 =	vmul.u32 $0xE1000, v58;
	v58 =	vadd.s32 v53, v57;
	v53 =	vmul.u32 $0x2D0, v12;
	v12 =	vld [tilespmem:$0x1D080]  }
0x1b3: {  	[tilespmem:$0x1D390] =	vst v0;
	v54 =	vld [tilespmem:$0x1FF80]  }
0x1b4: {  	[tilespmem:$0x1D3A0] =	vst v19;
	v57 =	vld [tilespmem:$0x1FFA0]  }
0x1b5: {  	[tilespmem:$0x1D3B0] =	vst v21;
	v51 =	vadd.s32 v48, v51;
	v0 =	vadd.s32 v43, v45;
	v43 =	vld [tilespmem:$0x1CB70]  }
0x1b6: {  	[tilespmem:$0x1D3C0] =	vst v20;
	v20 =	vadd.s32 v49, v51;
	v51 =	vld [tilespmem:$0x1FF70]  }
0x1b7: {  	[tilespmem:$0x1D3E0] =	vst v23;
	v21 =	vadd.s32 v52, v55;
	v52 =	vmul.u32 $0xE1000, v15;
	v15 =	vld [tilespmem:$0x1CB90]  }
0x1b8: {  	[tilespmem:$0x1D3D0] =	vst v22;
	v22 =	vadd.s32 v56, v58;
	v56 =	vld [tilespmem:$0x1FF90]  }
0x1b9: {  	v59 =	vmul.u32 $0x2D0, v59;
	[tilespmem:$0x1D3F0] =	vst v24;
	v55 =	vmul.u32 $0xE1000, v16;
	v16 =	vld [tilespmem:$0x1CE10]  }
0x1ba: {  	[tilespmem:$0x1D410] =	vst v28;
	v58 =	vld [tilespmem:$0x1FFB0]  }
0x1bb: {  	v19 =	vadd.s32 v46, v47;
	v47 =	vadd.s32 v59, v60;
	v60 =	vld [tilespmem:$0x1FFD0];
	[tilespmem:$0x1D430] =	vst v0  }
0x1bc: {  	v5 =	vmul.u32 $0xE1000, v5;
	[tilespmem:$0x1D450] =	vst v20;
	v20 =	vld [tilespmem:$0x1D090]  }
0x1bd: {  	v11 =	vmul.u32 $0xE1000, v11;
	v6 =	vmul.u32 $0x2D0, v6;
	v46 =	vmul.u32 $0x2D0, v62;
	[tilespmem:$0x1FFC0] =	vst v1;
	v1 =	vld [tilespmem:$0x1CD70]  }
0x1be: {  	v9 =	vmul.u32 $0x2D0, v9;
	v14 =	vmul.u32 $0xE1000, v14;
	v29 =	vmul.u32 $0x2D0, v29;
	[tilespmem:$0x1D470] =	vst v22;
	v22 =	vld [tilespmem:$0x1CBA0]  }
0x1bf: {  	v45 =	vmul.u32 $0xE1000, v61;
	[tilespmem:$0x1D440] =	vst v19;
	v48 =	vadd.s32 v46, v63;
	v46 =	vmul.u32 $0x2D0, v34;
	v34 =	vld [tilespmem:$0x1CE60]  }
0x1c0: {  	v24 =	vmul.u32 $0x2D0, v25;
	v28 =	vmul.u32 $0xE1000, v27;
	v49 =	vadd.s32 v11, v3;
	[tilespmem:$0x1D460] =	vst v21;
	v59 =	vld [tilespmem:$0x1FFC0]  }
0x1c1: {  	v33 =	vmul.u32 $0xE1000, v33;
	[tilespmem:$0x1D4A0] =	vst v49;
	v23 =	vadd.s32 v45, v47;
	v3 =	vadd.s32 v9, v54;
	v54 =	vld [tilespmem:$0x1D0C0]  }
0x1c2: {  	v45 =	vadd.s32 v29, v32;
	v9 =	vmul.u32 $0xE1000, v58;
	v58 =	vld [tilespmem:$0x1CBD0];
	[tilespmem:$0x1FFF0] =	vst v1;
	v1 =	vmul.u32 $0xE1000, v4  }
0x1c3: {  	v49 =	vmul.u32 $0x2D0, v35;
	v5 =	vadd.s32 v5, v48;
	[tilespmem:$0x1D480] =	vst v23;
	v23 =	vmul.u32 $0xE1000, v18;
	v4 =	vld [tilespmem:$0x1CFF0]  }
0x1c4: {  	v48 =	vmul.u32 $0xE1000, v39;
	v11 =	vmul.u32 $0x2D0, v57;
	[tilespmem:$0x1D490] =	vst v5;
	v62 =	vld [tilespmem:$0x1FFF0];
	v2 =	vadd.s32 v1, v2  }
0x1c5: {  	v0 =	vadd.s32 v6, v51;
	v3 =	vadd.s32 v52, v3;
	[tilespmem:$0x1D380] =	vst v2;
	v2 =	vadd.s32 v30, v31;
	v31 =	vld [tilespmem:$0x1CDE0]  }
0x1c6: {  	v6 =	vadd.s32 v53, v56;
	[tilespmem:$0x1D4C0] =	vst v3;
	v30 =	vadd.s32 v24, v17;
	v24 =	vmul.u32 $0xE1000, v26;
	v26 =	vld [tilespmem:$0x1D0D0]  }
0x1c7: {  	v51 =	vadd.s32 v46, v36;
	v52 =	vmul.u32 $0xE1000, v40;
	[tilespmem:$0x1D420] =	vst v2;
	v2 =	vadd.s32 v28, v30;
	v30 =	vld [tilespmem:$0x1CBE0]  }
0x1c8: {  	v29 =	vmul.u32 $0x2D0, v15;
	v0 =	vadd.s32 v50, v0;
	v19 =	vmul.u32 $0x2D0, v59;
	[tilespmem:$0x1FFE0] =	vst v4;
	v4 =	vld [tilespmem:$0x1CB00]  }
0x1c9: {  	v6 =	vadd.s32 v55, v6;
	v11 =	vadd.s32 v11, v60;
	v3 =	vadd.s32 v33, v45;
	[tilespmem:$0x1D4B0] =	vst v0;
	v61 =	vld [tilespmem:$0x1FFE0]  }
0x1ca: {  	v33 =	vmul.u32 $0xE1000, v20;
	v9 =	vadd.s32 v9, v11;
	[tilespmem:$0x1D4D0] =	vst v6;
	v11 =	vadd.s32 v19, v62;
	v62 =	vld [tilespmem:$0x1CE50]  }
0x1cb: {  	v56 =	vadd.s32 v49, v38;
	v38 =	vld [tilespmem:$0x1D0E0];
	v55 =	vadd.s32 v48, v51;
	[tilespmem:$0x1D530] =	vst v3;
	v36 =	vadd.s32 v29, v16  }
0x1cc: {  	v57 =	vmul.u32 $0xE1000, v41;
	v53 =	vmul.u32 $0x2D0, v42;
	[tilespmem:$0x1D540] =	vst v55;
	v39 =	vadd.s32 v33, v36;
	v1 =	vld [tilespmem:$0x1CD80]  }
0x1cd: {  	v47 =	vld [tilespmem:$0x1CBC0];
	[tilespmem:$0x1D4E0] =	vst v9;
	v59 =	vadd.s32 v52, v56;
	v48 =	vmul.u32 $0xE1000, v54;
	v51 =	vmul.u32 $0x2D0, v58  }
0x1ce: {  	v42 =	vld [tilespmem:$0x1CBF0];
	[tilespmem:$0x1D590] =	vst v39;
	v60 =	vadd.s32 v53, v31;
	v53 =	vmul.u32 $0xE1000, v26;
	v54 =	vmul.u32 $0x2D0, v30  }
0x1cf: {  	v45 =	vld [tilespmem:$0x1D0F0];
	[tilespmem:$0x1D550] =	vst v59;
	v4 =	vmul.u32 $0x2D0, v4;
	v21 =	vmul.u32 $0xE1000, v61;
	v55 =	vadd.s32 v51, v62  }
0x1d0: {  	v49 =	vld [tilespmem:$0x1CE70];
	v56 =	vmul.u32 $0xE1000, v38;
	[tilespmem:$0x1D520] =	vst v2;
	v61 =	vmul.u32 $0x2D0, v43;
	v58 =	vadd.s32 v53, v55  }
0x1d1: {  	v50 =	vld [tilespmem:$0x1CE40];
	v59 =	vadd.s32 v54, v34;
	v1 =	vadd.s32 v4, v1;
	v63 =	vadd.s32 v21, v11;
	[tilespmem:$0x1D5D0] =	vst v58  }
0x1d2: {  	v21 =	vmul.u32 $0x2D0, v13;
	v11 =	vld [tilespmem:$0x1D0A0];
	v1 =	vadd.s32 v14, v1;
	v27 =	vadd.s32 v61, v37;
	[tilespmem:$0x1D4F0] =	vst v63  }
0x1d3: {  	v14 =	vld [tilespmem:$0x1CBB0];
	v61 =	vadd.s32 v56, v59;
	[tilespmem:$0x1D500] =	vst v1;
	v63 =	vadd.s32 v57, v60;
	v31 =	vadd.s32 v24, v27  }
0x1d4: {  	v19 =	vld [tilespmem:$0x1CE20];
	v57 =	vmul.u32 $0x2D0, v42;
	v60 =	vmul.u32 $0xE1000, v45;
	[tilespmem:$0x1D5E0] =	vst v61;
	v25 =	vadd.s32 v21, v8  }
0x1d5: {  	v18 =	vld [tilespmem:$0x1CE30];
	[tilespmem:$0x1D560] =	vst v63;
	v8 =	vmul.u32 $0x2D0, v47;
	v0 =	vadd.s32 v23, v25;
	v25 =	vmul.u32 $0x2D0, v7  }
0x1d6: {  	v28 =	vmul.u32 $0xE1000, v12;
	v37 =	vmul.u32 $0x2D0, v22;
	[tilespmem:$0x1D570] =	vst v31;
	v62 =	vadd.s32 v57, v49  }
0x1d7: {  	[tilespmem:$0x1D510] =	vst v0;
	v50 =	vadd.s32 v8, v50;
	v63 =	vadd.s32 v60, v62;
	v32 =	vadd.s32 v25, v10  }
0x1d8: {  	v40 =	vmul.u32 $0xE1000, v11;
	v41 =	vmul.u32 $0x2D0, v14;
	v52 =	vadd.s32 v48, v50;
	[tilespmem:$0x1D5F0] =	vst v63  }
0x1d9: {  	v44 =	vmul.u32 $0xE1000, v44;
	v43 =	vadd.s32 v37, v19;
	v35 =	vadd.s32 v28, v32;
	[tilespmem:$0x1D5C0] =	vst v52  }
0x1da: {  	p0 =	slt.s32 s22, $0x1E8200;
	[tilespmem:$0x1D580] =	vst v35;
	v46 =	vadd.s32 v40, v43;
	v47 =	vadd.s32 v41, v18  }
0x1db: {  	s2 =	sadd.s32 $0x500, s22;
	s22 =	simm.s32 @!p0 $0x1E8200;
	v1 =	vadd.s32 v44, v47;
	[tilespmem:$0x1D5A0] =	vst v46  }
0x1dc: {  	s31 =	sadd.s32 $0xA0, s31;
	s7 =	sshrl.u32 s22, $0x3;
	[tilespmem:$0x1D5B0] =	vst v1  }
0x1dd: {  	[spmem:s5] =	stream.indirect.scatter [tilespmem:s21], [sflag:$0x4], $0x1, s26, s19, $0xb8;
	[tilespmem:$0x1F500] =	vst v63  }
0x1de: {  	p0 =	sne.s32 s31, $0x1E00;
	s22 =	sadd.s32 s0, s7  }
0x1df: {  	[tilespmem:s12], [sflag:$0x2] =	stream.linear.gather [hbm4b:s22+s6], $0x280, $0x38;
	[tilespmem:$0x1F500] =	vst v63  }
.Ltmp1:
0x1e0: {  	_ = 	snop;
	(pc) =	sbr.rel @p0 .LBB2_4-.Ltmp1, $4  }
0x1e1: {  	s22 =	sadd.s32 s1, s7  }
0x1e2: {  	[tilespmem:s14], [sflag:$0x2] =	stream.linear.gather [hbm4b:s22+s6], $0x280, $0x38;
	[tilespmem:$0x1F500] =	vst v63  }
0x1e3: {  	s7 =	sadd.s32 s3, s7;
	s22 =	smov.u32 s2  }
0x1e4: {  	[tilespmem:s15], [sflag:$0x2] =	stream.linear.gather [hbm4b:s7+s6], $0x280, $0x38;
	[tilespmem:$0x1F500] =	vst v63  }
0x1e5: {  	_ =	swait.ge [sflag:s18], $0x280  }
0x1e6: {  	[sflag:s18] =	ssyncset.done $0x0  }
0x1e7: {  	[sflag:s18] =	ssyncadd.s32 $0xFFFFFD80  }
0x1e8: {  	_ =	swait.ge [sflag:s18], $0x280  }
0x1e9: {  	[sflag:s18] =	ssyncset.done $0x0  }
0x1ea: {  	[sflag:s18] =	ssyncadd.s32 $0xFFFFFD80  }
0x1eb: {  	_ =	swait.ge [sflag:s18], $0x280  }
0x1ec: {  	[sflag:s18] =	ssyncset.done $0x0  }
0x1ed: {  	[sflag:s18] =	ssyncadd.s32 $0xFFFFFD80  }
0x1ee: {  	_ =	swait.ge [sflag:s17], $0x280  }
0x1ef: {  	[sflag:s17] =	ssyncset.done $0x0  }
0x1f0: {  	[sflag:s17] =	ssyncadd.s32 $0xFFFFFD80  }
0x1f1: {  	v0 =	vld [tilespmem:$0x1C200]  }
0x1f2: {  	v2 =	vld [tilespmem:$0x1C480]  }
0x1f3: {  	v4 =	vld [tilespmem:$0x1C700]  }
0x1f4: {  	v8 =	vld [tilespmem:$0x1C210]  }
0x1f5: {  	v13 =	vld [tilespmem:$0x1C490]  }
0x1f6: {  	v14 =	vld [tilespmem:$0x1C710]  }
0x1f7: {  	v17 =	vld [tilespmem:$0x1C220]  }
0x1f8: {  	v18 =	vld [tilespmem:$0x1C4A0]  }
0x1f9: {  	v19 =	vld [tilespmem:$0x1C720]  }
0x1fa: {  	v20 =	vld [tilespmem:$0x1C230]  }
0x1fb: {  	v21 =	vld [tilespmem:$0x1C4B0]  }
0x1fc: {  	v22 =	vld [tilespmem:$0x1C730]  }
0x1fd: {  	v23 =	vld [tilespmem:$0x1C240]  }
0x1fe: {  	v24 =	vld [tilespmem:$0x1C4C0]  }
0x1ff: {  	v25 =	vld [tilespmem:$0x1C740]  }
0x200: {  	v26 =	vld [tilespmem:$0x1C250]  }
0x201: {  	v27 =	vld [tilespmem:$0x1C4D0]  }
0x202: {  	v28 =	vld [tilespmem:$0x1C750]  }
0x203: {  	v29 =	vld [tilespmem:$0x1C260]  }
0x204: {  	v30 =	vld [tilespmem:$0x1C4E0]  }
0x205: {  	v31 =	vld [tilespmem:$0x1C760]  }
0x206: {  	v32 =	vld [tilespmem:$0x1C270]  }
0x207: {  	v33 =	vld [tilespmem:$0x1C4F0]  }
0x208: {  	v34 =	vld [tilespmem:$0x1C770]  }
0x209: {  	v35 =	vld [tilespmem:$0x1C280]  }
0x20a: {  	v36 =	vld [tilespmem:$0x1C500]  }
0x20b: {  	v37 =	vld [tilespmem:$0x1C780]  }
0x20c: {  	v38 =	vld [tilespmem:$0x1C290]  }
0x20d: {  	v39 =	vld [tilespmem:$0x1C510]  }
0x20e: {  	v40 =	vld [tilespmem:$0x1C790]  }
0x20f: {  	v41 =	vld [tilespmem:$0x1C2A0]  }
0x210: {  	v42 =	vld [tilespmem:$0x1C520]  }
0x211: {  	v43 =	vld [tilespmem:$0x1C7A0]  }
0x212: {  	v44 =	vld [tilespmem:$0x1C2B0]  }
0x213: {  	v45 =	vld [tilespmem:$0x1C530]  }
0x214: {  	v46 =	vld [tilespmem:$0x1C7B0]  }
0x215: {  	v47 =	vld [tilespmem:$0x1C2C0]  }
0x216: {  	v48 =	vld [tilespmem:$0x1C540]  }
0x217: {  	v49 =	vld [tilespmem:$0x1C7C0]  }
0x218: {  	v50 =	vld [tilespmem:$0x1C2D0]  }
0x219: {  	v51 =	vld [tilespmem:$0x1C550]  }
0x21a: {  	v52 =	vld [tilespmem:$0x1C7D0]  }
0x21b: {  	v53 =	vld [tilespmem:$0x1C2E0]  }
0x21c: {  	v54 =	vld [tilespmem:$0x1C560]  }
0x21d: {  	v55 =	vld [tilespmem:$0x1C7E0]  }
0x21e: {  	v56 =	vld [tilespmem:$0x1C2F0]  }
0x21f: {  	v57 =	vld [tilespmem:$0x1C570]  }
0x220: {  	v58 =	vld [tilespmem:$0x1C7F0]  }
0x221: {  	v59 =	vld [tilespmem:$0x1C300]  }
0x222: {  	v60 =	vld [tilespmem:$0x1C580]  }
0x223: {  	v61 =	vld [tilespmem:$0x1C800]  }
0x224: {  	v62 =	vld [tilespmem:$0x1C310]  }
0x225: {  	v63 =	vld [tilespmem:$0x1C590]  }
0x226: {  	v5 =	vld [tilespmem:$0x1C810]  }
0x227: {  	v3 =	vld [tilespmem:$0x1C320]  }
0x228: {  	v7 =	vld [tilespmem:$0x1C5A0]  }
0x229: {  	v11 =	vld [tilespmem:$0x1C820]  }
0x22a: {  	v6 =	vld [tilespmem:$0x1C330]  }
0x22b: {  	v1 =	vld [tilespmem:$0x1C5B0]  }
0x22c: {  	v10 =	vld [tilespmem:$0x1C830]  }
0x22d: {  	v9 =	vld [tilespmem:$0x1C340]  }
0x22e: {  	v15 =	vld [tilespmem:$0x1C840]  }
0x22f: {  	v12 =	vld [tilespmem:$0x1C350]  }
0x230: {  	v16 =	vld [tilespmem:$0x1C850];
	v0 =	vmul.u32 $0x2D0, v0;
	v8 =	vmul.u32 $0x2D0, v8  }
0x231: {  	[tilespmem:$0x1FDD0] =	vst v1;
	v1 =	vld [tilespmem:$0x1C5C0];
	v17 =	vmul.u32 $0x2D0, v17;
	v19 =	vmul.u32 $0xE1000, v19;
	v3 =	vmul.u32 $0x2D0, v3  }
0x232: {  	v20 =	vmul.u32 $0x2D0, v20;
	v2 =	vadd.s32 v0, v2;
	v0 =	vmul.u32 $0xE1000, v14;
	v14 =	vld [tilespmem:$0x1C880]  }
0x233: {  	v29 =	vmul.u32 $0x2D0, v29;
	v8 =	vadd.s32 v8, v13;
	v13 =	vld [tilespmem:$0x1C390];
	v3 =	vadd.s32 v3, v7  }
0x234: {  	v7 =	vld [tilespmem:$0x1C400];
	v0 =	vadd.s32 v0, v8;
	v8 =	vadd.s32 v17, v18;
	v17 =	vmul.u32 $0xE1000, v22  }
0x235: {  	v22 =	vmul.u32 $0x2D0, v26;
	v26 =	vmul.u32 $0xE1000, v31;
	v31 =	vadd.s32 v29, v30;
	v29 =	vld [tilespmem:$0x1C3B0]  }
0x236: {  	[tilespmem:$0x1FDE0] =	vst v1;
	v1 =	vld [tilespmem:$0x1C5D0]  }
0x237: {  	v18 =	vadd.s32 v20, v21;
	v19 =	vadd.s32 v19, v8;
	v8 =	vld [tilespmem:$0x1C610]  }
0x238: {  	v21 =	vadd.s32 v17, v18;
	v18 =	vld [tilespmem:$0x1C890]  }
0x239: {  	v32 =	vmul.u32 $0x2D0, v32;
	v20 =	vmul.u32 $0x2D0, v23;
	v17 =	vmul.u32 $0xE1000, v25;
	v25 =	vld [tilespmem:$0x1C3A0]  }
0x23a: {  	v22 =	vadd.s32 v22, v27;
	v27 =	vld [tilespmem:$0x1C8A0]  }
0x23b: {  	v20 =	vadd.s32 v20, v24;
	v24 =	vadd.s32 v32, v33;
	v32 =	vld [tilespmem:$0x1C630]  }
0x23c: {  	v33 =	vld [tilespmem:$0x1C8B0]  }
0x23d: {  	v23 =	vadd.s32 v26, v31;
	v26 =	vmul.u32 $0xE1000, v34;
	v31 =	vmul.u32 $0x2D0, v38;
	v34 =	vld [tilespmem:$0x1C3C0]  }
0x23e: {  	v28 =	vmul.u32 $0xE1000, v28;
	v41 =	vmul.u32 $0x2D0, v41;
	v20 =	vadd.s32 v17, v20;
	v17 =	vld [tilespmem:$0x1C620]  }
0x23f: {  	v38 =	vmul.u32 $0xE1000, v40;
	v40 =	vadd.s32 v31, v39;
	v39 =	vld [tilespmem:$0x1C8C0]  }
0x240: {  	v22 =	vadd.s32 v28, v22;
	v28 =	vmul.u32 $0x2D0, v35;
	v31 =	vadd.s32 v41, v42;
	v42 =	vld [tilespmem:$0x1C3E0]  }
0x241: {  	v41 =	vld [tilespmem:$0x1C8E0]  }
0x242: {  	v30 =	vmul.u32 $0xE1000, v37;
	v35 =	vmul.u32 $0x2D0, v44;
	v37 =	vadd.s32 v28, v36;
	v36 =	vld [tilespmem:$0x1C640]  }
0x243: {  	[tilespmem:$0x1FDF0] =	vst v1;
	v1 =	vld [tilespmem:$0x1C360]  }
0x244: {  	v45 =	vadd.s32 v35, v45;
	v35 =	vld [tilespmem:$0x1C3D0]  }
0x245: {  	v28 =	vadd.s32 v38, v40;
	v38 =	vld [tilespmem:$0x1C650]  }
0x246: {  	v40 =	vld [tilespmem:$0x1C8D0]  }
0x247: {  	[tilespmem:$0x1D140] =	vst v20;
	v20 =	vld [tilespmem:$0x1C910]  }
0x248: {  	v44 =	vmul.u32 $0x2D0, v47;
	[tilespmem:$0x1FE00] =	vst v1;
	v1 =	vld [tilespmem:$0x1C5E0]  }
0x249: {  	v24 =	vadd.s32 v26, v24;
	v26 =	vadd.s32 v30, v37;
	v37 =	vld [tilespmem:$0x1C670]  }
0x24a: {  	v47 =	vadd.s32 v44, v48;
	v48 =	vmul.u32 $0x2D0, v50;
	v50 =	vmul.u32 $0x2D0, v53;
	[tilespmem:$0x1D190] =	vst v28;
	v28 =	vld [tilespmem:$0x1C930]  }
0x24b: {  	[tilespmem:$0x1D180] =	vst v26;
	v26 =	vld [tilespmem:$0x1C8F0]  }
0x24c: {  	v53 =	vmul.u32 $0x2D0, v56;
	v56 =	vadd.s32 v50, v54;
	v50 =	vmul.u32 $0xE1000, v15;
	v15 =	vld [tilespmem:$0x1C410]  }
0x24d: {  	[tilespmem:$0x1FE30] =	vst v1;
	v1 =	vld [tilespmem:$0x1C860]  }
0x24e: {  	[tilespmem:$0x1D110] =	vst v0;
	v30 =	vmul.u32 $0xE1000, v43;
	v43 =	vmul.u32 $0xE1000, v46;
	v44 =	vadd.s32 v53, v57;
	v53 =	vld [tilespmem:$0x1FDF0]  }
0x24f: {  	[tilespmem:$0x1D170] =	vst v24;
	v46 =	vmul.u32 $0xE1000, v49;
	v49 =	vmul.u32 $0xE1000, v52;
	v24 =	vmul.u32 $0xE1000, v27;
	v27 =	vld [tilespmem:$0x1C6B0]  }
0x250: {  	[tilespmem:$0x1D120] =	vst v19;
	v51 =	vadd.s32 v48, v51;
	v0 =	vadd.s32 v43, v45;
	v43 =	vld [tilespmem:$0x1C3F0]  }
0x251: {  	[tilespmem:$0x1D130] =	vst v21;
	v52 =	vmul.u32 $0xE1000, v55;
	v55 =	vadd.s32 v49, v51;
	v51 =	vmul.u32 $0x2D0, v12;
	v12 =	vld [tilespmem:$0x1C900]  }
0x252: {  	v58 =	vmul.u32 $0xE1000, v58;
	[tilespmem:$0x1FE10] =	vst v1;
	v1 =	vld [tilespmem:$0x1C370]  }
0x253: {  	[tilespmem:$0x1D150] =	vst v22;
	v21 =	vadd.s32 v52, v56;
	v52 =	vmul.u32 $0xE1000, v16;
	v16 =	vld [tilespmem:$0x1C690]  }
0x254: {  	v19 =	vadd.s32 v46, v47;
	v22 =	vadd.s32 v58, v44;
	v47 =	vmul.u32 $0x2D0, v62;
	[tilespmem:$0x1D1B0] =	vst v0;
	v0 =	vld [tilespmem:$0x1FDD0]  }
0x255: {  	v45 =	vmul.u32 $0x2D0, v59;
	[tilespmem:$0x1D1F0] =	vst v22;
	v22 =	vld [tilespmem:$0x1C420]  }
0x256: {  	v62 =	vmul.u32 $0x2D0, v25;
	v25 =	vmul.u32 $0x2D0, v29;
	v49 =	vadd.s32 v47, v63;
	v63 =	vld [tilespmem:$0x1C430]  }
0x257: {  	v46 =	vmul.u32 $0xE1000, v61;
	[tilespmem:$0x1FE20] =	vst v1;
	v1 =	vld [tilespmem:$0x1C5F0]  }
0x258: {  	v5 =	vmul.u32 $0xE1000, v5;
	v48 =	vadd.s32 v45, v60;
	v29 =	vadd.s32 v25, v32;
	v32 =	vld [tilespmem:$0x1C440]  }
0x259: {  	[tilespmem:$0x1D160] =	vst v23;
	v23 =	vadd.s32 v46, v48;
	v46 =	vld [tilespmem:$0x1C940]  }
0x25a: {  	[tilespmem:$0x1D1C0] =	vst v19;
	v5 =	vadd.s32 v5, v49;
	v49 =	vld [tilespmem:$0x1C450]  }
0x25b: {  	v11 =	vmul.u32 $0xE1000, v11;
	v6 =	vmul.u32 $0x2D0, v6;
	[tilespmem:$0x1D1D0] =	vst v55;
	v56 =	vld [tilespmem:$0x1FE20]  }
0x25c: {  	v9 =	vmul.u32 $0x2D0, v9;
	v14 =	vmul.u32 $0xE1000, v14;
	[tilespmem:$0x1FE50] =	vst v1;
	v1 =	vmul.u32 $0xE1000, v4;
	v4 =	vld [tilespmem:$0x1C870]  }
0x25d: {  	v61 =	vmul.u32 $0x2D0, v13;
	[tilespmem:$0x1D1E0] =	vst v21;
	v44 =	vmul.u32 $0xE1000, v40;
	v45 =	vmul.u32 $0x2D0, v42;
	v54 =	vld [tilespmem:$0x1FE00]  }
0x25e: {  	v48 =	vmul.u32 $0xE1000, v41;
	[tilespmem:$0x1D200] =	vst v23;
	v0 =	vadd.s32 v6, v0;
	v57 =	vld [tilespmem:$0x1FE30];
	v2 =	vadd.s32 v1, v2  }
0x25f: {  	v6 =	vadd.s32 v51, v53;
	v51 =	vmul.u32 $0x2D0, v43;
	v55 =	vld [tilespmem:$0x1FE10];
	[tilespmem:$0x1D100] =	vst v2;
	v2 =	vadd.s32 v30, v31  }
0x260: {  	v53 =	vmul.u32 $0xE1000, v26;
	v1 =	vld [tilespmem:$0x1C600];
	[tilespmem:$0x1D1A0] =	vst v2;
	v2 =	vadd.s32 v11, v3;
	v3 =	vmul.u32 $0xE1000, v10  }
0x261: {  	v6 =	vadd.s32 v52, v6;
	v19 =	vmul.u32 $0x2D0, v56;
	v30 =	vmul.u32 $0x2D0, v34;
	[tilespmem:$0x1FE40] =	vst v4;
	v4 =	vld [tilespmem:$0x1C380]  }
0x262: {  	[tilespmem:$0x1D210] =	vst v5;
	v34 =	vmul.u32 $0x2D0, v35;
	v11 =	vmul.u32 $0x2D0, v54;
	v0 =	vadd.s32 v3, v0;
	v3 =	vld [tilespmem:$0x1FDE0]  }
0x263: {  	v56 =	vmul.u32 $0xE1000, v12;
	v54 =	vmul.u32 $0x2D0, v7;
	[tilespmem:$0x1D220] =	vst v2;
	v2 =	vmul.u32 $0xE1000, v18;
	v58 =	vld [tilespmem:$0x1FE40]  }
0x264: {  	v59 =	vld [tilespmem:$0x1FE50];
	v47 =	vadd.s32 v34, v38;
	v11 =	vadd.s32 v11, v57;
	[tilespmem:$0x1D230] =	vst v0;
	v0 =	vadd.s32 v61, v8  }
0x265: {  	v52 =	vld [tilespmem:$0x1C6D0];
	[tilespmem:$0x1D250] =	vst v6;
	v57 =	vmul.u32 $0x2D0, v15;
	v0 =	vadd.s32 v2, v0;
	v2 =	vadd.s32 v62, v17  }
0x266: {  	v31 =	vld [tilespmem:$0x1C660];
	v61 =	vmul.u32 $0x2D0, v22;
	v2 =	vadd.s32 v24, v2;
	[tilespmem:$0x1D290] =	vst v0;
	v4 =	vmul.u32 $0x2D0, v4  }
0x267: {  	v35 =	vld [tilespmem:$0x1C6C0];
	v0 =	vadd.s32 v44, v47;
	[tilespmem:$0x1D2A0] =	vst v2;
	v3 =	vadd.s32 v9, v3;
	v9 =	vmul.u32 $0xE1000, v55  }
0x268: {  	v10 =	vld [tilespmem:$0x1C680];
	[tilespmem:$0x1D2D0] =	vst v0;
	v21 =	vmul.u32 $0xE1000, v58;
	v3 =	vadd.s32 v50, v3;
	v1 =	vadd.s32 v4, v1  }
0x269: {  	v22 =	vld [tilespmem:$0x1C970];
	v9 =	vadd.s32 v9, v11;
	v11 =	vadd.s32 v19, v59;
	[tilespmem:$0x1D240] =	vst v3;
	v3 =	vmul.u32 $0xE1000, v33  }
0x26a: {  	v1 =	vadd.s32 v14, v1;
	v33 =	vmul.u32 $0xE1000, v39;
	v60 =	vadd.s32 v21, v11;
	v11 =	vld [tilespmem:$0x1C920];
	[tilespmem:$0x1D260] =	vst v9  }
0x26b: {  	v50 =	vadd.s32 v45, v31;
	v19 =	vld [tilespmem:$0x1C6A0];
	v39 =	vadd.s32 v30, v36;
	[tilespmem:$0x1D280] =	vst v1;
	v3 =	vadd.s32 v3, v29  }
0x26c: {  	v62 =	vld [tilespmem:$0x1C960];
	v2 =	vadd.s32 v48, v50;
	v1 =	vadd.s32 v33, v39;
	[tilespmem:$0x1D2B0] =	vst v3;
	v3 =	vadd.s32 v51, v37  }
0x26d: {  	v55 =	vld [tilespmem:$0x1C950];
	v59 =	vmul.u32 $0xE1000, v20;
	[tilespmem:$0x1D2C0] =	vst v1;
	v1 =	vadd.s32 v53, v3;
	v3 =	vadd.s32 v54, v10  }
0x26e: {  	v58 =	vld [tilespmem:$0x1C460];
	[tilespmem:$0x1D2E0] =	vst v2;
	v0 =	vadd.s32 v56, v3;
	v3 =	vadd.s32 v57, v16  }
0x26f: {  	v63 =	vmul.u32 $0x2D0, v63;
	[tilespmem:$0x1D270] =	vst v60;
	v16 =	vld [tilespmem:$0x1C470];
	v2 =	vadd.s32 v59, v3;
	v3 =	vmul.u32 $0xE1000, v11  }
0x270: {  	v8 =	vmul.u32 $0x2D0, v32;
	v20 =	vmul.u32 $0xE1000, v28;
	v60 =	vld [tilespmem:$0x1C6E0];
	[tilespmem:$0x1D2F0] =	vst v1;
	v1 =	vadd.s32 v61, v19  }
0x271: {  	v24 =	vld [tilespmem:$0x1C6F0];
	[tilespmem:$0x1D300] =	vst v0;
	v0 =	vadd.s32 v3, v1;
	v1 =	vadd.s32 v63, v27;
	v3 =	vmul.u32 $0xE1000, v46  }
0x272: {  	v25 =	vmul.u32 $0x2D0, v49;
	[tilespmem:$0x1D310] =	vst v2;
	v2 =	vadd.s32 v8, v35;
	v1 =	vadd.s32 v20, v1  }
0x273: {  	[tilespmem:$0x1D320] =	vst v0;
	v0 =	vadd.s32 v3, v2;
	v2 =	vmul.u32 $0xE1000, v55;
	v3 =	vmul.u32 $0x2D0, v58  }
0x274: {  	v26 =	vmul.u32 $0xE1000, v62;
	[tilespmem:$0x1D330] =	vst v1;
	v1 =	vadd.s32 v25, v52;
	v27 =	vmul.u32 $0x2D0, v16  }
0x275: {  	[tilespmem:$0x1D340] =	vst v0;
	v0 =	vadd.s32 v2, v1;
	v1 =	vadd.s32 v3, v60;
	v2 =	vmul.u32 $0xE1000, v22  }
0x276: {  	[tilespmem:$0x1D350] =	vst v0;
	v0 =	vadd.s32 v26, v1;
	v1 =	vadd.s32 v27, v24  }
0x277: {  	[tilespmem:$0x1D360] =	vst v0;
	v0 =	vadd.s32 v2, v1  }
0x278: {  	[tilespmem:$0x1D370] =	vst v0  }
0x279: {  	[spmem:s5] =	stream.indirect.scatter [tilespmem:s21], [sflag:$0x3], $0x1, s20, s19, $0xb8;
	[tilespmem:$0x1F500] =	vst v63  }
0x27a: {  	_ =	swait.ge [sflag:s25], $0x280  }
0x27b: {  	[sflag:s25] =	ssyncset.done $0x0  }
0x27c: {  	[sflag:s25] =	ssyncadd.s32 $0xFFFFFD80  }
0x27d: {  	_ =	swait.ge [sflag:s25], $0x280  }
0x27e: {  	[sflag:s25] =	ssyncset.done $0x0  }
0x27f: {  	[sflag:s25] =	ssyncadd.s32 $0xFFFFFD80  }
0x280: {  	_ =	swait.ge [sflag:s25], $0x280  }
0x281: {  	[sflag:s25] =	ssyncset.done $0x0  }
0x282: {  	[sflag:s25] =	ssyncadd.s32 $0xFFFFFD80  }
0x283: {  	_ =	swait.ge [sflag:s28], $0x280  }
0x284: {  	[sflag:s28] =	ssyncset.done $0x0  }
0x285: {  	[sflag:s28] =	ssyncadd.s32 $0xFFFFFD80  }
0x286: {  	v0 =	vld [tilespmem:$0x1C980]  }
0x287: {  	v2 =	vld [tilespmem:$0x1CC00]  }
0x288: {  	v4 =	vld [tilespmem:$0x1CE80]  }
0x289: {  	v8 =	vld [tilespmem:$0x1C990]  }
0x28a: {  	v13 =	vld [tilespmem:$0x1CC10]  }
0x28b: {  	v14 =	vld [tilespmem:$0x1CE90]  }
0x28c: {  	v17 =	vld [tilespmem:$0x1C9A0]  }
0x28d: {  	v18 =	vld [tilespmem:$0x1CC20]  }
0x28e: {  	v19 =	vld [tilespmem:$0x1CEA0]  }
0x28f: {  	v20 =	vld [tilespmem:$0x1C9B0]  }
0x290: {  	v21 =	vld [tilespmem:$0x1CC30]  }
0x291: {  	v22 =	vld [tilespmem:$0x1CEB0]  }
0x292: {  	v23 =	vld [tilespmem:$0x1C9C0]  }
0x293: {  	v24 =	vld [tilespmem:$0x1CC40]  }
0x294: {  	v25 =	vld [tilespmem:$0x1CEC0]  }
0x295: {  	v26 =	vld [tilespmem:$0x1C9D0]  }
0x296: {  	v27 =	vld [tilespmem:$0x1CC50]  }
0x297: {  	v28 =	vld [tilespmem:$0x1CED0]  }
0x298: {  	v29 =	vld [tilespmem:$0x1C9E0]  }
0x299: {  	v30 =	vld [tilespmem:$0x1CC60]  }
0x29a: {  	v31 =	vld [tilespmem:$0x1CEE0]  }
0x29b: {  	v32 =	vld [tilespmem:$0x1C9F0]  }
0x29c: {  	v33 =	vld [tilespmem:$0x1CC70]  }
0x29d: {  	v34 =	vld [tilespmem:$0x1CEF0]  }
0x29e: {  	v35 =	vld [tilespmem:$0x1CA00]  }
0x29f: {  	v36 =	vld [tilespmem:$0x1CC80]  }
0x2a0: {  	v37 =	vld [tilespmem:$0x1CF00]  }
0x2a1: {  	v38 =	vld [tilespmem:$0x1CA10]  }
0x2a2: {  	v39 =	vld [tilespmem:$0x1CC90]  }
0x2a3: {  	v40 =	vld [tilespmem:$0x1CF10]  }
0x2a4: {  	v41 =	vld [tilespmem:$0x1CA20]  }
0x2a5: {  	v42 =	vld [tilespmem:$0x1CCA0]  }
0x2a6: {  	v43 =	vld [tilespmem:$0x1CF20]  }
0x2a7: {  	v44 =	vld [tilespmem:$0x1CA30]  }
0x2a8: {  	v45 =	vld [tilespmem:$0x1CCB0]  }
0x2a9: {  	v46 =	vld [tilespmem:$0x1CF30]  }
0x2aa: {  	v47 =	vld [tilespmem:$0x1CA40]  }
0x2ab: {  	v48 =	vld [tilespmem:$0x1CCC0]  }
0x2ac: {  	v49 =	vld [tilespmem:$0x1CF40]  }
0x2ad: {  	v50 =	vld [tilespmem:$0x1CA50]  }
0x2ae: {  	v51 =	vld [tilespmem:$0x1CCD0]  }
0x2af: {  	v52 =	vld [tilespmem:$0x1CF50]  }
0x2b0: {  	v53 =	vld [tilespmem:$0x1CA60]  }
0x2b1: {  	v54 =	vld [tilespmem:$0x1CCE0]  }
0x2b2: {  	v55 =	vld [tilespmem:$0x1CF60]  }
0x2b3: {  	v56 =	vld [tilespmem:$0x1CA70]  }
0x2b4: {  	v57 =	vld [tilespmem:$0x1CCF0]  }
0x2b5: {  	v58 =	vld [tilespmem:$0x1CF70]  }
0x2b6: {  	v59 =	vld [tilespmem:$0x1CA80]  }
0x2b7: {  	v60 =	vld [tilespmem:$0x1CD00]  }
0x2b8: {  	v61 =	vld [tilespmem:$0x1CF80]  }
0x2b9: {  	v62 =	vld [tilespmem:$0x1CA90]  }
0x2ba: {  	v63 =	vld [tilespmem:$0x1CD10]  }
0x2bb: {  	v1 =	vld [tilespmem:$0x1CD30]  }
0x2bc: {  	v5 =	vld [tilespmem:$0x1CF90]  }
0x2bd: {  	v3 =	vld [tilespmem:$0x1CAA0]  }
0x2be: {  	v7 =	vld [tilespmem:$0x1CD20]  }
0x2bf: {  	v11 =	vld [tilespmem:$0x1CFA0]  }
0x2c0: {  	[tilespmem:$0x1FE60] =	vst v1;
	v1 =	vld [tilespmem:$0x1CD40]  }
0x2c1: {  	v6 =	vld [tilespmem:$0x1CAB0]  }
0x2c2: {  	v10 =	vld [tilespmem:$0x1CFB0]  }
0x2c3: {  	v9 =	vld [tilespmem:$0x1CAC0]  }
0x2c4: {  	v15 =	vld [tilespmem:$0x1CFC0]  }
0x2c5: {  	[tilespmem:$0x1FE70] =	vst v1;
	v1 =	vld [tilespmem:$0x1CD50]  }
0x2c6: {  	v12 =	vld [tilespmem:$0x1CAD0];
	v0 =	vmul.u32 $0x2D0, v0  }
0x2c7: {  	v16 =	vld [tilespmem:$0x1CFD0];
	v8 =	vmul.u32 $0x2D0, v8  }
0x2c8: {  	v3 =	vmul.u32 $0x2D0, v3;
	v2 =	vadd.s32 v0, v2;
	v0 =	vmul.u32 $0xE1000, v14;
	v14 =	vld [tilespmem:$0x1D000]  }
0x2c9: {  	v17 =	vmul.u32 $0x2D0, v17;
	v19 =	vmul.u32 $0xE1000, v19;
	v8 =	vadd.s32 v8, v13;
	v13 =	vld [tilespmem:$0x1CB10]  }
0x2ca: {  	v20 =	vmul.u32 $0x2D0, v20;
	v29 =	vmul.u32 $0x2D0, v29;
	v3 =	vadd.s32 v3, v7;
	[tilespmem:$0x1FE80] =	vst v1;
	v1 =	vld [tilespmem:$0x1CAE0]  }
0x2cb: {  	v7 =	vld [tilespmem:$0x1CB80];
	v0 =	vadd.s32 v0, v8;
	v8 =	vadd.s32 v17, v18;
	v17 =	vmul.u32 $0xE1000, v22  }
0x2cc: {  	v22 =	vmul.u32 $0x2D0, v26;
	v26 =	vmul.u32 $0xE1000, v31;
	v31 =	vadd.s32 v29, v30;
	v29 =	vld [tilespmem:$0x1CB30]  }
0x2cd: {  	v18 =	vadd.s32 v20, v21;
	v19 =	vadd.s32 v19, v8;
	v8 =	vld [tilespmem:$0x1CD90]  }
0x2ce: {  	v21 =	vadd.s32 v17, v18;
	v18 =	vld [tilespmem:$0x1D010]  }
0x2cf: {  	[tilespmem:$0x1FE90] =	vst v1;
	v1 =	vld [tilespmem:$0x1CD60]  }
0x2d0: {  	v32 =	vmul.u32 $0x2D0, v32;
	v20 =	vmul.u32 $0x2D0, v23;
	v17 =	vmul.u32 $0xE1000, v25;
	v25 =	vld [tilespmem:$0x1CB20]  }
0x2d1: {  	v22 =	vadd.s32 v22, v27;
	v27 =	vld [tilespmem:$0x1D020]  }
0x2d2: {  	v20 =	vadd.s32 v20, v24;
	v24 =	vadd.s32 v32, v33;
	v32 =	vld [tilespmem:$0x1CDB0]  }
0x2d3: {  	v33 =	vld [tilespmem:$0x1D030]  }
0x2d4: {  	v28 =	vmul.u32 $0xE1000, v28;
	[tilespmem:$0x1FEC0] =	vst v1;
	v1 =	vld [tilespmem:$0x1CFE0]  }
0x2d5: {  	v23 =	vadd.s32 v26, v31;
	v26 =	vmul.u32 $0xE1000, v34;
	v34 =	vld [tilespmem:$0x1CB40]  }
0x2d6: {  	v31 =	vmul.u32 $0x2D0, v38;
	v22 =	vadd.s32 v28, v22;
	v28 =	vmul.u32 $0x2D0, v35;
	v35 =	vld [tilespmem:$0x1CB50]  }
0x2d7: {  	v20 =	vadd.s32 v17, v20;
	v17 =	vld [tilespmem:$0x1CDA0]  }
0x2d8: {  	v41 =	vmul.u32 $0x2D0, v41;
	v38 =	vmul.u32 $0xE1000, v40;
	v40 =	vadd.s32 v31, v39;
	v39 =	vld [tilespmem:$0x1D040]  }
0x2d9: {  	[tilespmem:$0x1FEA0] =	vst v1;
	v1 =	vld [tilespmem:$0x1CAF0]  }
0x2da: {  	v31 =	vadd.s32 v41, v42;
	v41 =	vld [tilespmem:$0x1D060]  }
0x2db: {  	v30 =	vmul.u32 $0xE1000, v37;
	v37 =	vadd.s32 v28, v36;
	v36 =	vld [tilespmem:$0x1CDC0]  }
0x2dc: {  	v28 =	vadd.s32 v38, v40;
	v38 =	vld [tilespmem:$0x1CDD0]  }
0x2dd: {  	v40 =	vld [tilespmem:$0x1D050]  }
0x2de: {  	[tilespmem:$0x1FEB0] =	vst v1;
	v1 =	vld [tilespmem:$0x1CD70]  }
0x2df: {  	v24 =	vadd.s32 v26, v24;
	[tilespmem:$0x1D3C0] =	vst v20;
	v20 =	vld [tilespmem:$0x1D090]  }
0x2e0: {  	[tilespmem:$0x1D3F0] =	vst v24;
	v24 =	vld [tilespmem:$0x1D0B0]  }
0x2e1: {  	v26 =	vadd.s32 v30, v37;
	v37 =	vld [tilespmem:$0x1CDF0];
	[tilespmem:$0x1D410] =	vst v28  }
0x2e2: {  	v28 =	vld [tilespmem:$0x1CBC0];
	[tilespmem:$0x1D400] =	vst v26  }
0x2e3: {  	v26 =	vld [tilespmem:$0x1D070];
	[tilespmem:$0x1FEE0] =	vst v1;
	v1 =	vmul.u32 $0xE1000, v4  }
0x2e4: {  	v43 =	vmul.u32 $0xE1000, v43;
	v44 =	vmul.u32 $0x2D0, v44;
	v42 =	vmul.u32 $0x2D0, v47;
	v4 =	vld [tilespmem:$0x1CFF0]  }
0x2e5: {  	v46 =	vmul.u32 $0xE1000, v46;
	v2 =	vadd.s32 v1, v2;
	v1 =	vld [tilespmem:$0x1CD80]  }
0x2e6: {  	[tilespmem:$0x1D380] =	vst v2;
	v2 =	vadd.s32 v43, v31;
	v43 =	vadd.s32 v44, v45;
	v45 =	vadd.s32 v42, v48;
	v42 =	vld [tilespmem:$0x1CB60]  }
0x2e7: {  	v11 =	vmul.u32 $0xE1000, v11;
	v31 =	vld [tilespmem:$0x1CDE0]  }
0x2e8: {  	v5 =	vmul.u32 $0xE1000, v5;
	v6 =	vmul.u32 $0x2D0, v6;
	[tilespmem:$0x1D390] =	vst v0;
	v0 =	vadd.s32 v46, v43;
	v43 =	vld [tilespmem:$0x1CB70]  }
0x2e9: {  	v9 =	vmul.u32 $0x2D0, v9;
	[tilespmem:$0x1D420] =	vst v2;
	v2 =	vadd.s32 v11, v3;
	v3 =	vmul.u32 $0xE1000, v10;
	v10 =	vld [tilespmem:$0x1CE00]  }
0x2ea: {  	v14 =	vmul.u32 $0xE1000, v14;
	v30 =	vmul.u32 $0x2D0, v35;
	v44 =	vmul.u32 $0xE1000, v49;
	[tilespmem:$0x1FED0] =	vst v4;
	v4 =	vld [tilespmem:$0x1CB00]  }
0x2eb: {  	v48 =	vmul.u32 $0xE1000, v52;
	v52 =	vmul.u32 $0x2D0, v56;
	v56 =	vmul.u32 $0xE1000, v58;
	[tilespmem:$0x1D430] =	vst v0;
	v0 =	vld [tilespmem:$0x1FE60]  }
0x2ec: {  	v58 =	vmul.u32 $0x2D0, v59;
	v47 =	vadd.s32 v44, v45;
	v45 =	vmul.u32 $0xE1000, v15;
	v15 =	vld [tilespmem:$0x1CB90]  }
0x2ed: {  	v59 =	vmul.u32 $0xE1000, v61;
	v61 =	vmul.u32 $0x2D0, v62;
	v57 =	vadd.s32 v52, v57;
	v52 =	vld [tilespmem:$0x1FEC0]  }
0x2ee: {  	[tilespmem:$0x1D3A0] =	vst v19;
	v49 =	vmul.u32 $0x2D0, v53;
	v46 =	vmul.u32 $0x2D0, v50;
	v62 =	vadd.s32 v58, v60;
	v58 =	vld [tilespmem:$0x1D0A0]  }
0x2ef: {  	v44 =	vadd.s32 v61, v63;
	[tilespmem:$0x1D4A0] =	vst v2;
	v2 =	vmul.u32 $0xE1000, v18;
	v60 =	vld [tilespmem:$0x1CBB0];
	v61 =	vmul.u32 $0xE1000, v27  }
0x2f0: {  	[tilespmem:$0x1D3B0] =	vst v21;
	v63 =	vld [tilespmem:$0x1CE30];
	v27 =	vmul.u32 $0x2D0, v34;
	v34 =	vmul.u32 $0xE1000, v40;
	v40 =	vmul.u32 $0xE1000, v41  }
0x2f1: {  	[tilespmem:$0x1D3E0] =	vst v23;
	v41 =	vld [tilespmem:$0x1CBD0];
	v50 =	vadd.s32 v46, v51;
	v51 =	vmul.u32 $0xE1000, v55;
	v55 =	vadd.s32 v49, v54  }
0x2f2: {  	[tilespmem:$0x1D3D0] =	vst v22;
	v22 =	vadd.s32 v56, v57;
	v23 =	vadd.s32 v59, v62;
	v5 =	vadd.s32 v5, v44;
	v49 =	vld [tilespmem:$0x1FE90]  }
0x2f3: {  	v46 =	vmul.u32 $0x2D0, v12;
	[tilespmem:$0x1D440] =	vst v47;
	v47 =	vmul.u32 $0xE1000, v16;
	v53 =	vadd.s32 v48, v50;
	v48 =	vld [tilespmem:$0x1FE80]  }
0x2f4: {  	v12 =	vld [tilespmem:$0x1D080];
	v57 =	vmul.u32 $0x2D0, v13;
	v59 =	vmul.u32 $0x2D0, v25;
	v62 =	vmul.u32 $0x2D0, v29;
	[tilespmem:$0x1D470] =	vst v22  }
0x2f5: {  	v54 =	vld [tilespmem:$0x1CBA0];
	v29 =	vmul.u32 $0xE1000, v39;
	v39 =	vadd.s32 v30, v38;
	[tilespmem:$0x1D480] =	vst v23;
	v21 =	vadd.s32 v51, v55  }
0x2f6: {  	[tilespmem:$0x1D490] =	vst v5;
	v51 =	vld [tilespmem:$0x1FEB0];
	v25 =	vadd.s32 v62, v32;
	v35 =	vmul.u32 $0x2D0, v42;
	v0 =	vadd.s32 v6, v0  }
0x2f7: {  	[tilespmem:$0x1D450] =	vst v53;
	v44 =	vmul.u32 $0x2D0, v43;
	v4 =	vmul.u32 $0x2D0, v4;
	v0 =	vadd.s32 v3, v0;
	v3 =	vld [tilespmem:$0x1FE70]  }
0x2f8: {  	v50 =	vld [tilespmem:$0x1FEA0];
	[tilespmem:$0x1D460] =	vst v21;
	v42 =	vadd.s32 v35, v31;
	v11 =	vmul.u32 $0x2D0, v49;
	v6 =	vadd.s32 v46, v48  }
0x2f9: {  	v53 =	vld [tilespmem:$0x1FED0];
	v49 =	vmul.u32 $0xE1000, v12;
	v1 =	vadd.s32 v4, v1;
	[tilespmem:$0x1D4B0] =	vst v0;
	v6 =	vadd.s32 v47, v6  }
0x2fa: {  	v16 =	vld [tilespmem:$0x1CE10];
	v54 =	vmul.u32 $0x2D0, v54;
	v0 =	vadd.s32 v57, v8;
	v1 =	vadd.s32 v14, v1;
	[tilespmem:$0x1D4D0] =	vst v6  }
0x2fb: {  	v55 =	vld [tilespmem:$0x1FEE0];
	v46 =	vmul.u32 $0xE1000, v26;
	v0 =	vadd.s32 v2, v0;
	v2 =	vadd.s32 v59, v17;
	[tilespmem:$0x1D500] =	vst v1  }
0x2fc: {  	v32 =	vld [tilespmem:$0x1CE40];
	v19 =	vmul.u32 $0x2D0, v51;
	v2 =	vadd.s32 v61, v2;
	[tilespmem:$0x1D510] =	vst v0;
	v3 =	vadd.s32 v9, v3  }
0x2fd: {  	v48 =	vld [tilespmem:$0x1D0D0];
	v11 =	vadd.s32 v11, v52;
	[tilespmem:$0x1D520] =	vst v2;
	v9 =	vmul.u32 $0xE1000, v50;
	v3 =	vadd.s32 v45, v3  }
0x2fe: {  	v57 =	vld [tilespmem:$0x1CBF0];
	v21 =	vmul.u32 $0xE1000, v53;
	v0 =	vadd.s32 v34, v39;
	[tilespmem:$0x1D4C0] =	vst v3;
	v3 =	vmul.u32 $0xE1000, v33  }
0x2ff: {  	v47 =	vmul.u32 $0x2D0, v7;
	v51 =	vld [tilespmem:$0x1CBE0];
	v2 =	vadd.s32 v40, v42;
	[tilespmem:$0x1D550] =	vst v0;
	v9 =	vadd.s32 v9, v11  }
0x300: {  	[tilespmem:$0x1D560] =	vst v2;
	v11 =	vadd.s32 v19, v55;
	v19 =	vld [tilespmem:$0x1CE20];
	v33 =	vadd.s32 v27, v36;
	v3 =	vadd.s32 v3, v25  }
0x301: {  	v50 =	vmul.u32 $0x2D0, v15;
	v36 =	vld [tilespmem:$0x1D0C0];
	v1 =	vadd.s32 v29, v33;
	[tilespmem:$0x1D530] =	vst v3;
	v3 =	vadd.s32 v44, v37  }
0x302: {  	v52 =	vmul.u32 $0xE1000, v20;
	v53 =	vld [tilespmem:$0x1CE60];
	[tilespmem:$0x1D540] =	vst v1;
	v1 =	vadd.s32 v46, v3;
	v3 =	vadd.s32 v47, v10  }
0x303: {  	v45 =	vld [tilespmem:$0x1CE50];
	v56 =	vadd.s32 v21, v11;
	[tilespmem:$0x1D4E0] =	vst v9;
	v0 =	vadd.s32 v49, v3;
	v3 =	vadd.s32 v50, v16  }
0x304: {  	v55 =	vld [tilespmem:$0x1D0E0];
	[tilespmem:$0x1D4F0] =	vst v56;
	v56 =	vmul.u32 $0x2D0, v60;
	v2 =	vadd.s32 v52, v3;
	v3 =	vmul.u32 $0xE1000, v58  }
0x305: {  	v8 =	vmul.u32 $0x2D0, v28;
	v59 =	vld [tilespmem:$0x1D0F0];
	[tilespmem:$0x1D570] =	vst v1;
	v1 =	vadd.s32 v54, v19;
	v58 =	vmul.u32 $0xE1000, v24  }
0x306: {  	v60 =	vld [tilespmem:$0x1CE70];
	[tilespmem:$0x1D580] =	vst v0;
	v0 =	vadd.s32 v3, v1;
	v1 =	vadd.s32 v56, v63;
	v3 =	vmul.u32 $0xE1000, v36  }
0x307: {  	v61 =	vmul.u32 $0x2D0, v41;
	[tilespmem:$0x1D590] =	vst v2;
	v2 =	vadd.s32 v8, v32;
	v1 =	vadd.s32 v58, v1  }
0x308: {  	[tilespmem:$0x1D5A0] =	vst v0;
	v0 =	vadd.s32 v3, v2;
	v2 =	vmul.u32 $0xE1000, v48;
	v3 =	vmul.u32 $0x2D0, v51  }
0x309: {  	v62 =	vmul.u32 $0xE1000, v55;
	v63 =	vmul.u32 $0x2D0, v57;
	[tilespmem:$0x1D5B0] =	vst v1;
	v1 =	vadd.s32 v61, v45  }
0x30a: {  	[tilespmem:$0x1D5C0] =	vst v0;
	v0 =	vadd.s32 v2, v1;
	v1 =	vadd.s32 v3, v53;
	v2 =	vmul.u32 $0xE1000, v59  }
0x30b: {  	[tilespmem:$0x1D5D0] =	vst v0;
	v0 =	vadd.s32 v62, v1;
	v1 =	vadd.s32 v63, v60  }
0x30c: {  	[tilespmem:$0x1D5E0] =	vst v0;
	v0 =	vadd.s32 v2, v1  }
0x30d: {  	[tilespmem:$0x1D5F0] =	vst v0  }
0x30e: {  	[spmem:s5] =	stream.indirect.scatter [tilespmem:s21], [sflag:$0x4], $0x1, s26, s19, $0xb8;
	[tilespmem:$0x1F500] =	vst v63  }
0x30f: {  	_ =	swait.ge [sflag:s17], $0x280  }
0x310: {  	[sflag:s17] =	ssyncset.done $0x0  }
0x311: {  	[sflag:s17] =	ssyncadd.s32 $0xFFFFFD80  }
0x312: {  	_ =	swait.ge [sflag:s28], $0x280  }
0x313: {  	[sflag:s28] =	ssyncset.done $0x0  }
0x314: {  	[sflag:s28] =	ssyncadd.s32 $0xFFFFFD80  }
0x315: {  	s2 =	stileid.u32;
	[bflag:$0x0] =	sbarrier.arrive $0xFFFF  }
0x316: {  	s2 =	sshll.u32 s2, $0x6;
	s7 =	rddreg [dreg:$0xd]  }
0x317: {  	s2 =	sor.u32 $0x1C05, s2;
	s22 =	rddreg [dreg:$0x15]  }
0x318: {  	[hbm:s7], [sflag:s2] =	dma.local [spmem:s22], $0x3840  }
0x319: {  	_ =	swait.ge [sflag:s29], $0x3840  }
0x31a: {  	s30 =	sadd.s32 $0x1, s30;
	s31 =	rddreg [dreg:$0xe]  }
0x31b: {  	p0 =	sne.s32 s30, s31  }
.Ltmp2:
0x31c: {  	_ = 	snop;
	(pc) =	sbr.rel @p0 .LBB2_1-.Ltmp2, $3  }
0x31d: {  	_ =	sdelay $0x1  }
0x31e: {  	[sflag:s29] =	ssyncset.done $0x0  }
0x31f: {  	v1 =	vimm.s32 $0x0;
	[sflag:s29] =	ssyncadd.s32 $0xFFFFC7C0  }
0x320: {  	_ =	sfence.sel $0x180000  }
0x321: {  	[bflag:$0x0] =	sbarrier.arrive $0xFFFF  }
0x322: {  	_ =	strace $0x90000047  }
0x323: {  	s0 =	stileid.u32;
	[bflag:$0x2] =	sbarrier.arrive $0xFFFF  }
0x324: {  	p0 =	sne.s32 s0, $0x0;
	s0 =	rddreg [dreg:$0x5]  }
0x325: {  	s0 =	sadd.s32 @!p0 $0x100000, s0  }
0x326: {  	[sflag:s0] =	ssyncadd.tile.s32 @!p0 $0x1;
	_ =	shalt  }
.Lfunc_end2:
_tile_overlayer_lowered:
.L_overlay_start_2:
0x327: {  	(tag) =	ssettag $0x2  }
0x328: {  	s0 =	rddreg [dreg:$0x0];
	s2 =	stileid.u32  }
0x329: {  	s1 =	rddreg [dreg:$0x1];
	p0 =	sne.s32 s2, $0x0  }
0x32a: {  	s3 =	rddreg [dreg:$0x2];
	[bflag:$0x3] =	sbarrier.arrive $0xFFFF;
	s2 =	simm.s32 @!p0 $0x1C05  }
0x32b: {  	[timem:s3], [sflag:s2] =	dma.local @!p0 [hbm:s0], s1  }
0x32c: {  	s0 =	simm.s32 @!p0 $0x5  }
0x32d: {  	_ =	swait.ge @!p0 [sflag:s0], s1  }
0x32e: {  	s1 =	ssub.s32 @!p0 $0x0, s1;
	[sflag:s0] =	ssyncset.done @!p0 $0x0  }
0x32f: {  	[sflag:s0] =	ssyncadd.s32 @!p0 s1  }
0x330: {  	[bflag:$0x3] =	sbarrier.arrive $0xFFFF  }
0x331: {  	_ =	shalt  }

</sc_bundles>
